<compile_context>
chip_gen: v7x
topology: tpu7x:2x2x1
jax: 0.10.2.dev20260603
libtpu: 0.0.44.dev20260713+nightly
codegen_flags: <defaults>
</compile_context>

<pallas_src>
import jax
import jax.numpy as jnp
from jax import lax
from jax.experimental import pallas as pl
from jax.experimental.pallas import tpu as pltpu
from jax.experimental.pallas import tpu_sc as plsc
import functools

_NODE_NF = 1000000
_HIDDEN = 32
_BATCH = 16384
_FIELDS = 26

_NC = 2
_NS = 16
_NW = _NC * _NS
_RPW = _BATCH // _NW
_NROW = 32
_CHUNK = _NROW * _FIELDS
_NCHUNK = _RPW // _NROW

_mesh = plsc.VectorSubcoreMesh(core_axis_name="c", subcore_axis_name="s")


@functools.partial(
    pl.kernel,
    mesh=_mesh,
    out_type=jax.ShapeDtypeStruct((_FIELDS, 4, 128, 8, 128), jnp.float32),
    scratch_types=[
        pltpu.VMEM((2 * _CHUNK,), jnp.int32),
        pltpu.VMEM((2 * _CHUNK, _HIDDEN), jnp.float32),
        pltpu.VMEM((2 * _NROW, 4, 8, _NROW), jnp.float32),
        pltpu.SemaphoreType.DMA,
        pltpu.SemaphoreType.DMA,
        pltpu.SemaphoreType.DMA,
    ],
    compiler_params=pltpu.CompilerParams(use_tc_tiling_on_sc=False,
                                         needs_layout_passes=False),
)
def _gather_kernel(zt_hbm, table_hbm, out_hbm, idx_v, gbuf_v, wbuf_v,
                   sem_i, sem_g, sem_w):
    wid = lax.axis_index("s") * _NC + lax.axis_index("c")
    row0 = wid * _RPW
    riota = lax.iota(jnp.int32, 16)

    def issue_idx(g):
        b = (g & 1) * _CHUNK
        n0 = row0 + g * _NROW
        for f in range(_FIELDS):
            pltpu.async_copy(
                zt_hbm.at[f, pl.ds(n0, _NROW)],
                idx_v.at[pl.ds(b + f * _NROW, _NROW)], sem_i)

    def drain_idx():
        pltpu.make_async_copy(
            table_hbm.at[pl.ds(0, _FIELDS)], gbuf_v.at[pl.ds(0, _FIELDS)],
            sem_i).wait()

    def fire_gather(g):
        b = (g & 1) * _CHUNK
        pltpu.async_copy(
            table_hbm.at[idx_v.at[pl.ds(b, _CHUNK)]],
            gbuf_v.at[pl.ds(b, _CHUNK)], sem_g)

    def wait_gather():
        pltpu.make_async_copy(
            table_hbm.at[pl.ds(0, _CHUNK)], gbuf_v.at[pl.ds(0, _CHUNK)],
            sem_g).wait()

    def repack(g):
        goff = (g & 1) * _CHUNK
        woff = (g & 1) * _NROW

        def body(f, carry):
            base = goff + f * _NROW
            for half in range(2):
                rows = riota + (base + half * 16)
                nl = riota + half * 16
                for k in range(_HIDDEN):
                    hh = (riota + k) & (_HIDDEN - 1)
                    vals = plsc.load_gather(gbuf_v, [rows, hh])
                    plsc.store_scatter(
                        wbuf_v,
                        [jnp.full((16,), woff + f, jnp.int32),
                         lax.shift_right_logical(hh, 3),
                         lax.bitwise_and(hh, 7), nl],
                        vals)
            return carry

        lax.fori_loop(0, _FIELDS, body, 0)

    def fire_wb(g):
        b = (g & 1) * _NROW
        nb = wid * 4 + lax.shift_right_logical(g, 2)
        nl0 = lax.bitwise_and(g, 3) * _NROW
        pltpu.async_copy(
            wbuf_v.at[pl.ds(b, _FIELDS)],
            out_hbm.at[:, :, nb, :, pl.ds(nl0, _NROW)], sem_w)

    def drain_wb():
        pltpu.make_async_copy(
            out_hbm.at[:, :, 0, :, pl.ds(0, _NROW)],
            wbuf_v.at[pl.ds(0, _FIELDS)], sem_w).wait()

    issue_idx(0)
    issue_idx(1)
    drain_idx()
    fire_gather(0)

    def chunk_body(g, carry):
        @pl.when(g + 1 < _NCHUNK)
        def _():
            drain_idx()
            fire_gather(g + 1)

        wait_gather()

        @pl.when(g >= 2)
        def _():
            drain_wb()

        repack(g)
        fire_wb(g)

        @pl.when(g + 2 < _NCHUNK)
        def _():
            issue_idx(g + 2)

        return carry

    lax.fori_loop(0, _NCHUNK, chunk_body, 0)
    drain_wb()
    drain_wb()


def kernel(z, table):
    out5 = _gather_kernel(z.T, table)
    emb = out5.transpose(2, 4, 0, 1, 3).reshape(_BATCH, _FIELDS, _HIDDEN)
    return (emb, 0)

# --- scband reference (transcript-rebuilt; emitter-appended) ---
"""Pipeline reference for scband-default-16217796509991 (READ-ONLY COPY).

The authoritative reference and input builder live on the scoring server;
editing this copy changes nothing except your own understanding.
"""

import jax, jax.numpy as jnp
import numpy as np

NODE_NF = 1000000
HIDDEN = 32
BATCH = 16384
FIELDS = 26


def setup_inputs(seed: int = 0) -> dict:
    key = jax.random.key(seed)
    k1, k2 = jax.random.split(key)
    z = jax.random.randint(k1, (BATCH, FIELDS), 0, NODE_NF, dtype=jnp.int32)
    # learned parameter: embedding table sized per init_kwargs (node_nf x hidden_channels)
    table = jax.random.normal(k2, (NODE_NF, HIDDEN), dtype=jnp.float32)
    return {"z": z, "table": table}


def reference(z, table):
    # torch.nn.Embedding lookup: network(z) -> table[z]
    emb = jnp.take(table, z, axis=0)
    # original forward returns (embedding, 0)
    return (emb, 0)

if __name__ == "__main__":
    import jax
    _d = setup_inputs()
    print(jax.jit(kernel)(*tuple(_d.values())))

</pallas_src>

<mosaic_0001>
#map = affine_map<(d0, d1) -> (0, 0)>
#map1 = affine_map<(d0, d1) -> (0, 0, 0, 0, 0)>
module attributes {stable_mosaic.version = 14 : i64} {
  func.func @_gather_kernel(%arg0: i32, %arg1: i32, %arg2: memref<26x16384xi32, #tpu.memory_space<hbm>>, %arg3: memref<1000000x32xf32, #tpu.memory_space<hbm>>, %arg4: memref<26x4x128x8x128xf32, #tpu.memory_space<hbm>>, %arg5: memref<1664xi32, #tpu.memory_space<vmem>>, %arg6: memref<1664x32xf32, #tpu.memory_space<vmem>>, %arg7: memref<64x4x8x32xf32, #tpu.memory_space<vmem>>, %arg8: memref<!tpu.dma_semaphore, #tpu.memory_space<semaphore_mem>>, %arg9: memref<!tpu.dma_semaphore, #tpu.memory_space<semaphore_mem>>, %arg10: memref<!tpu.dma_semaphore, #tpu.memory_space<semaphore_mem>>) attributes {dimension_semantics = [#tpu.dimension_semantics<core_parallel>, #tpu.dimension_semantics<subcore_parallel>], iteration_bounds = array<i64: 2, 16>, scalar_prefetch = 0 : i64, scratch_operands = 6 : i64, tpu.core_type = #tpu.core_type<sc_vector_subcore>, window_params = [{transform_indices = #map}, {transform_indices = #map}, {transform_indices = #map1}]} {
    %mul3A = arith.constant 2 : i32
    %mul3A_0 = arith.muli %arg1, %mul3A : i32
    %add3A = arith.addi %mul3A_0, %arg0 : i32
    %mul3A_1 = arith.constant 512 : i32
    %mul3A_2 = arith.muli %add3A, %mul3A_1 : i32
    %iota3A = tpu.iota {dimensions = array<i32: 0>} : vector<16xi32>
    %add3A_3 = arith.constant 0 : i32
    %add3A_4 = arith.addi %mul3A_2, %add3A_3 : i32
    %dma_start3A = arith.constant 0 : i32
    %dma_start3A_5 = arith.constant 0 : i32
    %dma_start3A_6 = tpu.memref_slice %arg5[%dma_start3A_5] : memref<1664xi32, #tpu.memory_space<vmem>> -> memref<32xi32, #tpu.memory_space<vmem>>
    %dma_start3A_7 = tpu.memref_slice %arg2[%dma_start3A, %add3A_4] : memref<26x16384xi32, #tpu.memory_space<hbm>> -> memref<1x32xi32, #tpu.memory_space<hbm>>
    %dma_start3A_8 = tpu.memref_squeeze %dma_start3A_7 : memref<1x32xi32, #tpu.memory_space<hbm>> -> memref<32xi32, #tpu.memory_space<hbm>>
    %dma_start3A_9 = arith.constant 0 : i32
    %dma_start3A_10 = tpu.memref_slice %arg5[%dma_start3A_9] : memref<1664xi32, #tpu.memory_space<vmem>> -> memref<32xi32, #tpu.memory_space<vmem>>
    %dma_start3A_11 = tpu.memref_slice %arg2[%dma_start3A, %add3A_4] : memref<26x16384xi32, #tpu.memory_space<hbm>> -> memref<1x32xi32, #tpu.memory_space<hbm>>
    %dma_start3A_12 = tpu.memref_squeeze %dma_start3A_11 : memref<1x32xi32, #tpu.memory_space<hbm>> -> memref<32xi32, #tpu.memory_space<hbm>>
    tpu.enqueue_dma source(%dma_start3A_12 : memref<32xi32, #tpu.memory_space<hbm>>) target(%dma_start3A_10 : memref<32xi32, #tpu.memory_space<vmem>>) target_semaphore(%arg8 : memref<!tpu.dma_semaphore, #tpu.memory_space<semaphore_mem>>)
    %dma_start3A_13 = arith.constant 1 : i32
    %dma_start3A_14 = arith.constant 32 : i32
    %dma_start3A_15 = tpu.memref_slice %arg5[%dma_start3A_14] : memref<1664xi32, #tpu.memory_space<vmem>> -> memref<32xi32, #tpu.memory_space<vmem>>
    %dma_start3A_16 = tpu.memref_slice %arg2[%dma_start3A_13, %add3A_4] : memref<26x16384xi32, #tpu.memory_space<hbm>> -> memref<1x32xi32, #tpu.memory_space<hbm>>
    %dma_start3A_17 = tpu.memref_squeeze %dma_start3A_16 : memref<1x32xi32, #tpu.memory_space<hbm>> -> memref<32xi32, #tpu.memory_space<hbm>>
    %dma_start3A_18 = arith.constant 32 : i32
    %dma_start3A_19 = tpu.memref_slice %arg5[%dma_start3A_18] : memref<1664xi32, #tpu.memory_space<vmem>> -> memref<32xi32, #tpu.memory_space<vmem>>
    %dma_start3A_20 = tpu.memref_slice %arg2[%dma_start3A_13, %add3A_4] : memref<26x16384xi32, #tpu.memory_space<hbm>> -> memref<1x32xi32, #tpu.memory_space<hbm>>
    %dma_start3A_21 = tpu.memref_squeeze %dma_start3A_20 : memref<1x32xi32, #tpu.memory_space<hbm>> -> memref<32xi32, #tpu.memory_space<hbm>>
    tpu.enqueue_dma source(%dma_start3A_21 : memref<32xi32, #tpu.memory_space<hbm>>) target(%dma_start3A_19 : memref<32xi32, #tpu.memory_space<vmem>>) target_semaphore(%arg8 : memref<!tpu.dma_semaphore, #tpu.memory_space<semaphore_mem>>)
    %dma_start3A_22 = arith.constant 2 : i32
    %dma_start3A_23 = arith.constant 64 : i32
    %dma_start3A_24 = tpu.memref_slice %arg5[%dma_start3A_23] : memref<1664xi32, #tpu.memory_space<vmem>> -> memref<32xi32, #tpu.memory_space<vmem>>
    %dma_start3A_25 = tpu.memref_slice %arg2[%dma_start3A_22, %add3A_4] : memref<26x16384xi32, #tpu.memory_space<hbm>> -> memref<1x32xi32, #tpu.memory_space<hbm>>
    %dma_start3A_26 = tpu.memref_squeeze %dma_start3A_25 : memref<1x32xi32, #tpu.memory_space<hbm>> -> memref<32xi32, #tpu.memory_space<hbm>>
    %dma_start3A_27 = arith.constant 64 : i32
    %dma_start3A_28 = tpu.memref_slice %arg5[%dma_start3A_27] : memref<1664xi32, #tpu.memory_space<vmem>> -> memref<32xi32, #tpu.memory_space<vmem>>
    %dma_start3A_29 = tpu.memref_slice %arg2[%dma_start3A_22, %add3A_4] : memref<26x16384xi32, #tpu.memory_space<hbm>> -> memref<1x32xi32, #tpu.memory_space<hbm>>
    %dma_start3A_30 = tpu.memref_squeeze %dma_start3A_29 : memref<1x32xi32, #tpu.memory_space<hbm>> -> memref<32xi32, #tpu.memory_space<hbm>>
    tpu.enqueue_dma source(%dma_start3A_30 : memref<32xi32, #tpu.memory_space<hbm>>) target(%dma_start3A_28 : memref<32xi32, #tpu.memory_space<vmem>>) target_semaphore(%arg8 : memref<!tpu.dma_semaphore, #tpu.memory_space<semaphore_mem>>)
    %dma_start3A_31 = arith.constant 3 : i32
    %dma_start3A_32 = arith.constant 96 : i32
    %dma_start3A_33 = tpu.memref_slice %arg5[%dma_start3A_32] : memref<1664xi32, #tpu.memory_space<vmem>> -> memref<32xi32, #tpu.memory_space<vmem>>
    %dma_start3A_34 = tpu.memref_slice %arg2[%dma_start3A_31, %add3A_4] : memref<26x16384xi32, #tpu.memory_space<hbm>> -> memref<1x32xi32, #tpu.memory_space<hbm>>
    %dma_start3A_35 = tpu.memref_squeeze %dma_start3A_34 : memref<1x32xi32, #tpu.memory_space<hbm>> -> memref<32xi32, #tpu.memory_space<hbm>>
    %dma_start3A_36 = arith.constant 96 : i32
    %dma_start3A_37 = tpu.memref_slice %arg5[%dma_start3A_36] : memref<1664xi32, #tpu.memory_space<vmem>> -> memref<32xi32, #tpu.memory_space<vmem>>
    %dma_start3A_38 = tpu.memref_slice %arg2[%dma_start3A_31, %add3A_4] : memref<26x16384xi32, #tpu.memory_space<hbm>> -> memref<1x32xi32, #tpu.memory_space<hbm>>
    %dma_start3A_39 = tpu.memref_squeeze %dma_start3A_38 : memref<1x32xi32, #tpu.memory_space<hbm>> -> memref<32xi32, #tpu.memory_space<hbm>>
    tpu.enqueue_dma source(%dma_start3A_39 : memref<32xi32, #tpu.memory_space<hbm>>) target(%dma_start3A_37 : memref<32xi32, #tpu.memory_space<vmem>>) target_semaphore(%arg8 : memref<!tpu.dma_semaphore, #tpu.memory_space<semaphore_mem>>)
    %dma_start3A_40 = arith.constant 4 : i32
    %dma_start3A_41 = arith.constant 128 : i32
    %dma_start3A_42 = tpu.memref_slice %arg5[%dma_start3A_41] : memref<1664xi32, #tpu.memory_space<vmem>> -> memref<32xi32, #tpu.memory_space<vmem>>
    %dma_start3A_43 = tpu.memref_slice %arg2[%dma_start3A_40, %add3A_4] : memref<26x16384xi32, #tpu.memory_space<hbm>> -> memref<1x32xi32, #tpu.memory_space<hbm>>
    %dma_start3A_44 = tpu.memref_squeeze %dma_start3A_43 : memref<1x32xi32, #tpu.memory_space<hbm>> -> memref<32xi32, #tpu.memory_space<hbm>>
    %dma_start3A_45 = arith.constant 128 : i32
    %dma_start3A_46 = tpu.memref_slice %arg5[%dma_start3A_45] : memref<1664xi32, #tpu.memory_space<vmem>> -> memref<32xi32, #tpu.memory_space<vmem>>
    %dma_start3A_47 = tpu.memref_slice %arg2[%dma_start3A_40, %add3A_4] : memref<26x16384xi32, #tpu.memory_space<hbm>> -> memref<1x32xi32, #tpu.memory_space<hbm>>
    %dma_start3A_48 = tpu.memref_squeeze %dma_start3A_47 : memref<1x32xi32, #tpu.memory_space<hbm>> -> memref<32xi32, #tpu.memory_space<hbm>>
    tpu.enqueue_dma source(%dma_start3A_48 : memref<32xi32, #tpu.memory_space<hbm>>) target(%dma_start3A_46 : memref<32xi32, #tpu.memory_space<vmem>>) target_semaphore(%arg8 : memref<!tpu.dma_semaphore, #tpu.memory_space<semaphore_mem>>)
    %dma_start3A_49 = arith.constant 5 : i32
    %dma_start3A_50 = arith.constant 160 : i32
    %dma_start3A_51 = tpu.memref_slice %arg5[%dma_start3A_50] : memref<1664xi32, #tpu.memory_space<vmem>> -> memref<32xi32, #tpu.memory_space<vmem>>
    %dma_start3A_52 = tpu.memref_slice %arg2[%dma_start3A_49, %add3A_4] : memref<26x16384xi32, #tpu.memory_space<hbm>> -> memref<1x32xi32, #tpu.memory_space<hbm>>
    %dma_start3A_53 = tpu.memref_squeeze %dma_start3A_52 : memref<1x32xi32, #tpu.memory_space<hbm>> -> memref<32xi32, #tpu.memory_space<hbm>>
    %dma_start3A_54 = arith.constant 160 : i32
    %dma_start3A_55 = tpu.memref_slice %arg5[%dma_start3A_54] : memref<1664xi32, #tpu.memory_space<vmem>> -> memref<32xi32, #tpu.memory_space<vmem>>
    %dma_start3A_56 = tpu.memref_slice %arg2[%dma_start3A_49, %add3A_4] : memref<26x16384xi32, #tpu.memory_space<hbm>> -> memref<1x32xi32, #tpu.memory_space<hbm>>
    %dma_start3A_57 = tpu.memref_squeeze %dma_start3A_56 : memref<1x32xi32, #tpu.memory_space<hbm>> -> memref<32xi32, #tpu.memory_space<hbm>>
    tpu.enqueue_dma source(%dma_start3A_57 : memref<32xi32, #tpu.memory_space<hbm>>) target(%dma_start3A_55 : memref<32xi32, #tpu.memory_space<vmem>>) target_semaphore(%arg8 : memref<!tpu.dma_semaphore, #tpu.memory_space<semaphore_mem>>)
    %dma_start3A_58 = arith.constant 6 : i32
    %dma_start3A_59 = arith.constant 192 : i32
    %dma_start3A_60 = tpu.memref_slice %arg5[%dma_start3A_59] : memref<1664xi32, #tpu.memory_space<vmem>> -> memref<32xi32, #tpu.memory_space<vmem>>
    %dma_start3A_61 = tpu.memref_slice %arg2[%dma_start3A_58, %add3A_4] : memref<26x16384xi32, #tpu.memory_space<hbm>> -> memref<1x32xi32, #tpu.memory_space<hbm>>
    %dma_start3A_62 = tpu.memref_squeeze %dma_start3A_61 : memref<1x32xi32, #tpu.memory_space<hbm>> -> memref<32xi32, #tpu.memory_space<hbm>>
    %dma_start3A_63 = arith.constant 192 : i32
    %dma_start3A_64 = tpu.memref_slice %arg5[%dma_start3A_63] : memref<1664xi32, #tpu.memory_space<vmem>> -> memref<32xi32, #tpu.memory_space<vmem>>
    %dma_start3A_65 = tpu.memref_slice %arg2[%dma_start3A_58, %add3A_4] : memref<26x16384xi32, #tpu.memory_space<hbm>> -> memref<1x32xi32, #tpu.memory_space<hbm>>
    %dma_start3A_66 = tpu.memref_squeeze %dma_start3A_65 : memref<1x32xi32, #tpu.memory_space<hbm>> -> memref<32xi32, #tpu.memory_space<hbm>>
    tpu.enqueue_dma source(%dma_start3A_66 : memref<32xi32, #tpu.memory_space<hbm>>) target(%dma_start3A_64 : memref<32xi32, #tpu.memory_space<vmem>>) target_semaphore(%arg8 : memref<!tpu.dma_semaphore, #tpu.memory_space<semaphore_mem>>)
    %dma_start3A_67 = arith.constant 7 : i32
    %dma_start3A_68 = arith.constant 224 : i32
    %dma_start3A_69 = tpu.memref_slice %arg5[%dma_start3A_68] : memref<1664xi32, #tpu.memory_space<vmem>> -> memref<32xi32, #tpu.memory_space<vmem>>
    %dma_start3A_70 = tpu.memref_slice %arg2[%dma_start3A_67, %add3A_4] : memref<26x16384xi32, #tpu.memory_space<hbm>> -> memref<1x32xi32, #tpu.memory_space<hbm>>
    %dma_start3A_71 = tpu.memref_squeeze %dma_start3A_70 : memref<1x32xi32, #tpu.memory_space<hbm>> -> memref<32xi32, #tpu.memory_space<hbm>>
    %dma_start3A_72 = arith.constant 224 : i32
    %dma_start3A_73 = tpu.memref_slice %arg5[%dma_start3A_72] : memref<1664xi32, #tpu.memory_space<vmem>> -> memref<32xi32, #tpu.memory_space<vmem>>
    %dma_start3A_74 = tpu.memref_slice %arg2[%dma_start3A_67, %add3A_4] : memref<26x16384xi32, #tpu.memory_space<hbm>> -> memref<1x32xi32, #tpu.memory_space<hbm>>
    %dma_start3A_75 = tpu.memref_squeeze %dma_start3A_74 : memref<1x32xi32, #tpu.memory_space<hbm>> -> memref<32xi32, #tpu.memory_space<hbm>>
    tpu.enqueue_dma source(%dma_start3A_75 : memref<32xi32, #tpu.memory_space<hbm>>) target(%dma_start3A_73 : memref<32xi32, #tpu.memory_space<vmem>>) target_semaphore(%arg8 : memref<!tpu.dma_semaphore, #tpu.memory_space<semaphore_mem>>)
    %dma_start3A_76 = arith.constant 8 : i32
    %dma_start3A_77 = arith.constant 256 : i32
    %dma_start3A_78 = tpu.memref_slice %arg5[%dma_start3A_77] : memref<1664xi32, #tpu.memory_space<vmem>> -> memref<32xi32, #tpu.memory_space<vmem>>
    %dma_start3A_79 = tpu.memref_slice %arg2[%dma_start3A_76, %add3A_4] : memref<26x16384xi32, #tpu.memory_space<hbm>> -> memref<1x32xi32, #tpu.memory_space<hbm>>
    %dma_start3A_80 = tpu.memref_squeeze %dma_start3A_79 : memref<1x32xi32, #tpu.memory_space<hbm>> -> memref<32xi32, #tpu.memory_space<hbm>>
    %dma_start3A_81 = arith.constant 256 : i32
    %dma_start3A_82 = tpu.memref_slice %arg5[%dma_start3A_81] : memref<1664xi32, #tpu.memory_space<vmem>> -> memref<32xi32, #tpu.memory_space<vmem>>
    %dma_start3A_83 = tpu.memref_slice %arg2[%dma_start3A_76, %add3A_4] : memref<26x16384xi32, #tpu.memory_space<hbm>> -> memref<1x32xi32, #tpu.memory_space<hbm>>
    %dma_start3A_84 = tpu.memref_squeeze %dma_start3A_83 : memref<1x32xi32, #tpu.memory_space<hbm>> -> memref<32xi32, #tpu.memory_space<hbm>>
    tpu.enqueue_dma source(%dma_start3A_84 : memref<32xi32, #tpu.memory_space<hbm>>) target(%dma_start3A_82 : memref<32xi32, #tpu.memory_space<vmem>>) target_semaphore(%arg8 : memref<!tpu.dma_semaphore, #tpu.memory_space<semaphore_mem>>)
    %dma_start3A_85 = arith.constant 9 : i32
    %dma_start3A_86 = arith.constant 288 : i32
    %dma_start3A_87 = tpu.memref_slice %arg5[%dma_start3A_86] : memref<1664xi32, #tpu.memory_space<vmem>> -> memref<32xi32, #tpu.memory_space<vmem>>
    %dma_start3A_88 = tpu.memref_slice %arg2[%dma_start3A_85, %add3A_4] : memref<26x16384xi32, #tpu.memory_space<hbm>> -> memref<1x32xi32, #tpu.memory_space<hbm>>
    %dma_start3A_89 = tpu.memref_squeeze %dma_start3A_88 : memref<1x32xi32, #tpu.memory_space<hbm>> -> memref<32xi32, #tpu.memory_space<hbm>>
    %dma_start3A_90 = arith.constant 288 : i32
    %dma_start3A_91 = tpu.memref_slice %arg5[%dma_start3A_90] : memref<1664xi32, #tpu.memory_space<vmem>> -> memref<32xi32, #tpu.memory_space<vmem>>
    %dma_start3A_92 = tpu.memref_slice %arg2[%dma_start3A_85, %add3A_4] : memref<26x16384xi32, #tpu.memory_space<hbm>> -> memref<1x32xi32, #tpu.memory_space<hbm>>
    %dma_start3A_93 = tpu.memref_squeeze %dma_start3A_92 : memref<1x32xi32, #tpu.memory_space<hbm>> -> memref<32xi32, #tpu.memory_space<hbm>>
    tpu.enqueue_dma source(%dma_start3A_93 : memref<32xi32, #tpu.memory_space<hbm>>) target(%dma_start3A_91 : memref<32xi32, #tpu.memory_space<vmem>>) target_semaphore(%arg8 : memref<!tpu.dma_semaphore, #tpu.memory_space<semaphore_mem>>)
    %dma_start3A_94 = arith.constant 10 : i32
    %dma_start3A_95 = arith.constant 320 : i32
    %dma_start3A_96 = tpu.memref_slice %arg5[%dma_start3A_95] : memref<1664xi32, #tpu.memory_space<vmem>> -> memref<32xi32, #tpu.memory_space<vmem>>
    %dma_start3A_97 = tpu.memref_slice %arg2[%dma_start3A_94, %add3A_4] : memref<26x16384xi32, #tpu.memory_space<hbm>> -> memref<1x32xi32, #tpu.memory_space<hbm>>
    %dma_start3A_98 = tpu.memref_squeeze %dma_start3A_97 : memref<1x32xi32, #tpu.memory_space<hbm>> -> memref<32xi32, #tpu.memory_space<hbm>>
    %dma_start3A_99 = arith.constant 320 : i32
    %dma_start3A_100 = tpu.memref_slice %arg5[%dma_start3A_99] : memref<1664xi32, #tpu.memory_space<vmem>> -> memref<32xi32, #tpu.memory_space<vmem>>
    %dma_start3A_101 = tpu.memref_slice %arg2[%dma_start3A_94, %add3A_4] : memref<26x16384xi32, #tpu.memory_space<hbm>> -> memref<1x32xi32, #tpu.memory_space<hbm>>
    %dma_start3A_102 = tpu.memref_squeeze %dma_start3A_101 : memref<1x32xi32, #tpu.memory_space<hbm>> -> memref<32xi32, #tpu.memory_space<hbm>>
    tpu.enqueue_dma source(%dma_start3A_102 : memref<32xi32, #tpu.memory_space<hbm>>) target(%dma_start3A_100 : memref<32xi32, #tpu.memory_space<vmem>>) target_semaphore(%arg8 : memref<!tpu.dma_semaphore, #tpu.memory_space<semaphore_mem>>)
    %dma_start3A_103 = arith.constant 11 : i32
    %dma_start3A_104 = arith.constant 352 : i32
    %dma_start3A_105 = tpu.memref_slice %arg5[%dma_start3A_104] : memref<1664xi32, #tpu.memory_space<vmem>> -> memref<32xi32, #tpu.memory_space<vmem>>
    %dma_start3A_106 = tpu.memref_slice %arg2[%dma_start3A_103, %add3A_4] : memref<26x16384xi32, #tpu.memory_space<hbm>> -> memref<1x32xi32, #tpu.memory_space<hbm>>
    %dma_start3A_107 = tpu.memref_squeeze %dma_start3A_106 : memref<1x32xi32, #tpu.memory_space<hbm>> -> memref<32xi32, #tpu.memory_space<hbm>>
    %dma_start3A_108 = arith.constant 352 : i32
    %dma_start3A_109 = tpu.memref_slice %arg5[%dma_start3A_108] : memref<1664xi32, #tpu.memory_space<vmem>> -> memref<32xi32, #tpu.memory_space<vmem>>
    %dma_start3A_110 = tpu.memref_slice %arg2[%dma_start3A_103, %add3A_4] : memref<26x16384xi32, #tpu.memory_space<hbm>> -> memref<1x32xi32, #tpu.memory_space<hbm>>
    %dma_start3A_111 = tpu.memref_squeeze %dma_start3A_110 : memref<1x32xi32, #tpu.memory_space<hbm>> -> memref<32xi32, #tpu.memory_space<hbm>>
    tpu.enqueue_dma source(%dma_start3A_111 : memref<32xi32, #tpu.memory_space<hbm>>) target(%dma_start3A_109 : memref<32xi32, #tpu.memory_space<vmem>>) target_semaphore(%arg8 : memref<!tpu.dma_semaphore, #tpu.memory_space<semaphore_mem>>)
    %dma_start3A_112 = arith.constant 12 : i32
    %dma_start3A_113 = arith.constant 384 : i32
    %dma_start3A_114 = tpu.memref_slice %arg5[%dma_start3A_113] : memref<1664xi32, #tpu.memory_space<vmem>> -> memref<32xi32, #tpu.memory_space<vmem>>
    %dma_start3A_115 = tpu.memref_slice %arg2[%dma_start3A_112, %add3A_4] : memref<26x16384xi32, #tpu.memory_space<hbm>> -> memref<1x32xi32, #tpu.memory_space<hbm>>
    %dma_start3A_116 = tpu.memref_squeeze %dma_start3A_115 : memref<1x32xi32, #tpu.memory_space<hbm>> -> memref<32xi32, #tpu.memory_space<hbm>>
    %dma_start3A_117 = arith.constant 384 : i32
    %dma_start3A_118 = tpu.memref_slice %arg5[%dma_start3A_117] : memref<1664xi32, #tpu.memory_space<vmem>> -> memref<32xi32, #tpu.memory_space<vmem>>
    %dma_start3A_119 = tpu.memref_slice %arg2[%dma_start3A_112, %add3A_4] : memref<26x16384xi32, #tpu.memory_space<hbm>> -> memref<1x32xi32, #tpu.memory_space<hbm>>
    %dma_start3A_120 = tpu.memref_squeeze %dma_start3A_119 : memref<1x32xi32, #tpu.memory_space<hbm>> -> memref<32xi32, #tpu.memory_space<hbm>>
    tpu.enqueue_dma source(%dma_start3A_120 : memref<32xi32, #tpu.memory_space<hbm>>) target(%dma_start3A_118 : memref<32xi32, #tpu.memory_space<vmem>>) target_semaphore(%arg8 : memref<!tpu.dma_semaphore, #tpu.memory_space<semaphore_mem>>)
    %dma_start3A_121 = arith.constant 13 : i32
    %dma_start3A_122 = arith.constant 416 : i32
    %dma_start3A_123 = tpu.memref_slice %arg5[%dma_start3A_122] : memref<1664xi32, #tpu.memory_space<vmem>> -> memref<32xi32, #tpu.memory_space<vmem>>
    %dma_start3A_124 = tpu.memref_slice %arg2[%dma_start3A_121, %add3A_4] : memref<26x16384xi32, #tpu.memory_space<hbm>> -> memref<1x32xi32, #tpu.memory_space<hbm>>
    %dma_start3A_125 = tpu.memref_squeeze %dma_start3A_124 : memref<1x32xi32, #tpu.memory_space<hbm>> -> memref<32xi32, #tpu.memory_space<hbm>>
    %dma_start3A_126 = arith.constant 416 : i32
    %dma_start3A_127 = tpu.memref_slice %arg5[%dma_start3A_126] : memref<1664xi32, #tpu.memory_space<vmem>> -> memref<32xi32, #tpu.memory_space<vmem>>
    %dma_start3A_128 = tpu.memref_slice %arg2[%dma_start3A_121, %add3A_4] : memref<26x16384xi32, #tpu.memory_space<hbm>> -> memref<1x32xi32, #tpu.memory_space<hbm>>
    %dma_start3A_129 = tpu.memref_squeeze %dma_start3A_128 : memref<1x32xi32, #tpu.memory_space<hbm>> -> memref<32xi32, #tpu.memory_space<hbm>>
    tpu.enqueue_dma source(%dma_start3A_129 : memref<32xi32, #tpu.memory_space<hbm>>) target(%dma_start3A_127 : memref<32xi32, #tpu.memory_space<vmem>>) target_semaphore(%arg8 : memref<!tpu.dma_semaphore, #tpu.memory_space<semaphore_mem>>)
    %dma_start3A_130 = arith.constant 14 : i32
    %dma_start3A_131 = arith.constant 448 : i32
    %dma_start3A_132 = tpu.memref_slice %arg5[%dma_start3A_131] : memref<1664xi32, #tpu.memory_space<vmem>> -> memref<32xi32, #tpu.memory_space<vmem>>
    %dma_start3A_133 = tpu.memref_slice %arg2[%dma_start3A_130, %add3A_4] : memref<26x16384xi32, #tpu.memory_space<hbm>> -> memref<1x32xi32, #tpu.memory_space<hbm>>
    %dma_start3A_134 = tpu.memref_squeeze %dma_start3A_133 : memref<1x32xi32, #tpu.memory_space<hbm>> -> memref<32xi32, #tpu.memory_space<hbm>>
    %dma_start3A_135 = arith.constant 448 : i32
    %dma_start3A_136 = tpu.memref_slice %arg5[%dma_start3A_135] : memref<1664xi32, #tpu.memory_space<vmem>> -> memref<32xi32, #tpu.memory_space<vmem>>
    %dma_start3A_137 = tpu.memref_slice %arg2[%dma_start3A_130, %add3A_4] : memref<26x16384xi32, #tpu.memory_space<hbm>> -> memref<1x32xi32, #tpu.memory_space<hbm>>
    %dma_start3A_138 = tpu.memref_squeeze %dma_start3A_137 : memref<1x32xi32, #tpu.memory_space<hbm>> -> memref<32xi32, #tpu.memory_space<hbm>>
    tpu.enqueue_dma source(%dma_start3A_138 : memref<32xi32, #tpu.memory_space<hbm>>) target(%dma_start3A_136 : memref<32xi32, #tpu.memory_space<vmem>>) target_semaphore(%arg8 : memref<!tpu.dma_semaphore, #tpu.memory_space<semaphore_mem>>)
    %dma_start3A_139 = arith.constant 15 : i32
    %dma_start3A_140 = arith.constant 480 : i32
    %dma_start3A_141 = tpu.memref_slice %arg5[%dma_start3A_140] : memref<1664xi32, #tpu.memory_space<vmem>> -> memref<32xi32, #tpu.memory_space<vmem>>
    %dma_start3A_142 = tpu.memref_slice %arg2[%dma_start3A_139, %add3A_4] : memref<26x16384xi32, #tpu.memory_space<hbm>> -> memref<1x32xi32, #tpu.memory_space<hbm>>
    %dma_start3A_143 = tpu.memref_squeeze %dma_start3A_142 : memref<1x32xi32, #tpu.memory_space<hbm>> -> memref<32xi32, #tpu.memory_space<hbm>>
    %dma_start3A_144 = arith.constant 480 : i32
    %dma_start3A_145 = tpu.memref_slice %arg5[%dma_start3A_144] : memref<1664xi32, #tpu.memory_space<vmem>> -> memref<32xi32, #tpu.memory_space<vmem>>
    %dma_start3A_146 = tpu.memref_slice %arg2[%dma_start3A_139, %add3A_4] : memref<26x16384xi32, #tpu.memory_space<hbm>> -> memref<1x32xi32, #tpu.memory_space<hbm>>
    %dma_start3A_147 = tpu.memref_squeeze %dma_start3A_146 : memref<1x32xi32, #tpu.memory_space<hbm>> -> memref<32xi32, #tpu.memory_space<hbm>>
    tpu.enqueue_dma source(%dma_start3A_147 : memref<32xi32, #tpu.memory_space<hbm>>) target(%dma_start3A_145 : memref<32xi32, #tpu.memory_space<vmem>>) target_semaphore(%arg8 : memref<!tpu.dma_semaphore, #tpu.memory_space<semaphore_mem>>)
    %dma_start3A_148 = arith.constant 16 : i32
    %dma_start3A_149 = arith.constant 512 : i32
    %dma_start3A_150 = tpu.memref_slice %arg5[%dma_start3A_149] : memref<1664xi32, #tpu.memory_space<vmem>> -> memref<32xi32, #tpu.memory_space<vmem>>
    %dma_start3A_151 = tpu.memref_slice %arg2[%dma_start3A_148, %add3A_4] : memref<26x16384xi32, #tpu.memory_space<hbm>> -> memref<1x32xi32, #tpu.memory_space<hbm>>
    %dma_start3A_152 = tpu.memref_squeeze %dma_start3A_151 : memref<1x32xi32, #tpu.memory_space<hbm>> -> memref<32xi32, #tpu.memory_space<hbm>>
    %dma_start3A_153 = arith.constant 512 : i32
    %dma_start3A_154 = tpu.memref_slice %arg5[%dma_start3A_153] : memref<1664xi32, #tpu.memory_space<vmem>> -> memref<32xi32, #tpu.memory_space<vmem>>
    %dma_start3A_155 = tpu.memref_slice %arg2[%dma_start3A_148, %add3A_4] : memref<26x16384xi32, #tpu.memory_space<hbm>> -> memref<1x32xi32, #tpu.memory_space<hbm>>
    %dma_start3A_156 = tpu.memref_squeeze %dma_start3A_155 : memref<1x32xi32, #tpu.memory_space<hbm>> -> memref<32xi32, #tpu.memory_space<hbm>>
    tpu.enqueue_dma source(%dma_start3A_156 : memref<32xi32, #tpu.memory_space<hbm>>) target(%dma_start3A_154 : memref<32xi32, #tpu.memory_space<vmem>>) target_semaphore(%arg8 : memref<!tpu.dma_semaphore, #tpu.memory_space<semaphore_mem>>)
    %dma_start3A_157 = arith.constant 17 : i32
    %dma_start3A_158 = arith.constant 544 : i32
    %dma_start3A_159 = tpu.memref_slice %arg5[%dma_start3A_158] : memref<1664xi32, #tpu.memory_space<vmem>> -> memref<32xi32, #tpu.memory_space<vmem>>
    %dma_start3A_160 = tpu.memref_slice %arg2[%dma_start3A_157, %add3A_4] : memref<26x16384xi32, #tpu.memory_space<hbm>> -> memref<1x32xi32, #tpu.memory_space<hbm>>
    %dma_start3A_161 = tpu.memref_squeeze %dma_start3A_160 : memref<1x32xi32, #tpu.memory_space<hbm>> -> memref<32xi32, #tpu.memory_space<hbm>>
    %dma_start3A_162 = arith.constant 544 : i32
    %dma_start3A_163 = tpu.memref_slice %arg5[%dma_start3A_162] : memref<1664xi32, #tpu.memory_space<vmem>> -> memref<32xi32, #tpu.memory_space<vmem>>
    %dma_start3A_164 = tpu.memref_slice %arg2[%dma_start3A_157, %add3A_4] : memref<26x16384xi32, #tpu.memory_space<hbm>> -> memref<1x32xi32, #tpu.memory_space<hbm>>
    %dma_start3A_165 = tpu.memref_squeeze %dma_start3A_164 : memref<1x32xi32, #tpu.memory_space<hbm>> -> memref<32xi32, #tpu.memory_space<hbm>>
    tpu.enqueue_dma source(%dma_start3A_165 : memref<32xi32, #tpu.memory_space<hbm>>) target(%dma_start3A_163 : memref<32xi32, #tpu.memory_space<vmem>>) target_semaphore(%arg8 : memref<!tpu.dma_semaphore, #tpu.memory_space<semaphore_mem>>)
    %dma_start3A_166 = arith.constant 18 : i32
    %dma_start3A_167 = arith.constant 576 : i32
    %dma_start3A_168 = tpu.memref_slice %arg5[%dma_start3A_167] : memref<1664xi32, #tpu.memory_space<vmem>> -> memref<32xi32, #tpu.memory_space<vmem>>
    %dma_start3A_169 = tpu.memref_slice %arg2[%dma_start3A_166, %add3A_4] : memref<26x16384xi32, #tpu.memory_space<hbm>> -> memref<1x32xi32, #tpu.memory_space<hbm>>
    %dma_start3A_170 = tpu.memref_squeeze %dma_start3A_169 : memref<1x32xi32, #tpu.memory_space<hbm>> -> memref<32xi32, #tpu.memory_space<hbm>>
    %dma_start3A_171 = arith.constant 576 : i32
    %dma_start3A_172 = tpu.memref_slice %arg5[%dma_start3A_171] : memref<1664xi32, #tpu.memory_space<vmem>> -> memref<32xi32, #tpu.memory_space<vmem>>
    %dma_start3A_173 = tpu.memref_slice %arg2[%dma_start3A_166, %add3A_4] : memref<26x16384xi32, #tpu.memory_space<hbm>> -> memref<1x32xi32, #tpu.memory_space<hbm>>
    %dma_start3A_174 = tpu.memref_squeeze %dma_start3A_173 : memref<1x32xi32, #tpu.memory_space<hbm>> -> memref<32xi32, #tpu.memory_space<hbm>>
    tpu.enqueue_dma source(%dma_start3A_174 : memref<32xi32, #tpu.memory_space<hbm>>) target(%dma_start3A_172 : memref<32xi32, #tpu.memory_space<vmem>>) target_semaphore(%arg8 : memref<!tpu.dma_semaphore, #tpu.memory_space<semaphore_mem>>)
    %dma_start3A_175 = arith.constant 19 : i32
    %dma_start3A_176 = arith.constant 608 : i32
    %dma_start3A_177 = tpu.memref_slice %arg5[%dma_start3A_176] : memref<1664xi32, #tpu.memory_space<vmem>> -> memref<32xi32, #tpu.memory_space<vmem>>
    %dma_start3A_178 = tpu.memref_slice %arg2[%dma_start3A_175, %add3A_4] : memref<26x16384xi32, #tpu.memory_space<hbm>> -> memref<1x32xi32, #tpu.memory_space<hbm>>
    %dma_start3A_179 = tpu.memref_squeeze %dma_start3A_178 : memref<1x32xi32, #tpu.memory_space<hbm>> -> memref<32xi32, #tpu.memory_space<hbm>>
    %dma_start3A_180 = arith.constant 608 : i32
    %dma_start3A_181 = tpu.memref_slice %arg5[%dma_start3A_180] : memref<1664xi32, #tpu.memory_space<vmem>> -> memref<32xi32, #tpu.memory_space<vmem>>
    %dma_start3A_182 = tpu.memref_slice %arg2[%dma_start3A_175, %add3A_4] : memref<26x16384xi32, #tpu.memory_space<hbm>> -> memref<1x32xi32, #tpu.memory_space<hbm>>
    %dma_start3A_183 = tpu.memref_squeeze %dma_start3A_182 : memref<1x32xi32, #tpu.memory_space<hbm>> -> memref<32xi32, #tpu.memory_space<hbm>>
    tpu.enqueue_dma source(%dma_start3A_183 : memref<32xi32, #tpu.memory_space<hbm>>) target(%dma_start3A_181 : memref<32xi32, #tpu.memory_space<vmem>>) target_semaphore(%arg8 : memref<!tpu.dma_semaphore, #tpu.memory_space<semaphore_mem>>)
    %dma_start3A_184 = arith.constant 20 : i32
    %dma_start3A_185 = arith.constant 640 : i32
    %dma_start3A_186 = tpu.memref_slice %arg5[%dma_start3A_185] : memref<1664xi32, #tpu.memory_space<vmem>> -> memref<32xi32, #tpu.memory_space<vmem>>
    %dma_start3A_187 = tpu.memref_slice %arg2[%dma_start3A_184, %add3A_4] : memref<26x16384xi32, #tpu.memory_space<hbm>> -> memref<1x32xi32, #tpu.memory_space<hbm>>
    %dma_start3A_188 = tpu.memref_squeeze %dma_start3A_187 : memref<1x32xi32, #tpu.memory_space<hbm>> -> memref<32xi32, #tpu.memory_space<hbm>>
    %dma_start3A_189 = arith.constant 640 : i32
    %dma_start3A_190 = tpu.memref_slice %arg5[%dma_start3A_189] : memref<1664xi32, #tpu.memory_space<vmem>> -> memref<32xi32, #tpu.memory_space<vmem>>
    %dma_start3A_191 = tpu.memref_slice %arg2[%dma_start3A_184, %add3A_4] : memref<26x16384xi32, #tpu.memory_space<hbm>> -> memref<1x32xi32, #tpu.memory_space<hbm>>
    %dma_start3A_192 = tpu.memref_squeeze %dma_start3A_191 : memref<1x32xi32, #tpu.memory_space<hbm>> -> memref<32xi32, #tpu.memory_space<hbm>>
    tpu.enqueue_dma source(%dma_start3A_192 : memref<32xi32, #tpu.memory_space<hbm>>) target(%dma_start3A_190 : memref<32xi32, #tpu.memory_space<vmem>>) target_semaphore(%arg8 : memref<!tpu.dma_semaphore, #tpu.memory_space<semaphore_mem>>)
    %dma_start3A_193 = arith.constant 21 : i32
    %dma_start3A_194 = arith.constant 672 : i32
    %dma_start3A_195 = tpu.memref_slice %arg5[%dma_start3A_194] : memref<1664xi32, #tpu.memory_space<vmem>> -> memref<32xi32, #tpu.memory_space<vmem>>
    %dma_start3A_196 = tpu.memref_slice %arg2[%dma_start3A_193, %add3A_4] : memref<26x16384xi32, #tpu.memory_space<hbm>> -> memref<1x32xi32, #tpu.memory_space<hbm>>
    %dma_start3A_197 = tpu.memref_squeeze %dma_start3A_196 : memref<1x32xi32, #tpu.memory_space<hbm>> -> memref<32xi32, #tpu.memory_space<hbm>>
    %dma_start3A_198 = arith.constant 672 : i32
    %dma_start3A_199 = tpu.memref_slice %arg5[%dma_start3A_198] : memref<1664xi32, #tpu.memory_space<vmem>> -> memref<32xi32, #tpu.memory_space<vmem>>
    %dma_start3A_200 = tpu.memref_slice %arg2[%dma_start3A_193, %add3A_4] : memref<26x16384xi32, #tpu.memory_space<hbm>> -> memref<1x32xi32, #tpu.memory_space<hbm>>
    %dma_start3A_201 = tpu.memref_squeeze %dma_start3A_200 : memref<1x32xi32, #tpu.memory_space<hbm>> -> memref<32xi32, #tpu.memory_space<hbm>>
    tpu.enqueue_dma source(%dma_start3A_201 : memref<32xi32, #tpu.memory_space<hbm>>) target(%dma_start3A_199 : memref<32xi32, #tpu.memory_space<vmem>>) target_semaphore(%arg8 : memref<!tpu.dma_semaphore, #tpu.memory_space<semaphore_mem>>)
    %dma_start3A_202 = arith.constant 22 : i32
    %dma_start3A_203 = arith.constant 704 : i32
    %dma_start3A_204 = tpu.memref_slice %arg5[%dma_start3A_203] : memref<1664xi32, #tpu.memory_space<vmem>> -> memref<32xi32, #tpu.memory_space<vmem>>
    %dma_start3A_205 = tpu.memref_slice %arg2[%dma_start3A_202, %add3A_4] : memref<26x16384xi32, #tpu.memory_space<hbm>> -> memref<1x32xi32, #tpu.memory_space<hbm>>
    %dma_start3A_206 = tpu.memref_squeeze %dma_start3A_205 : memref<1x32xi32, #tpu.memory_space<hbm>> -> memref<32xi32, #tpu.memory_space<hbm>>
    %dma_start3A_207 = arith.constant 704 : i32
    %dma_start3A_208 = tpu.memref_slice %arg5[%dma_start3A_207] : memref<1664xi32, #tpu.memory_space<vmem>> -> memref<32xi32, #tpu.memory_space<vmem>>
    %dma_start3A_209 = tpu.memref_slice %arg2[%dma_start3A_202, %add3A_4] : memref<26x16384xi32, #tpu.memory_space<hbm>> -> memref<1x32xi32, #tpu.memory_space<hbm>>
    %dma_start3A_210 = tpu.memref_squeeze %dma_start3A_209 : memref<1x32xi32, #tpu.memory_space<hbm>> -> memref<32xi32, #tpu.memory_space<hbm>>
    tpu.enqueue_dma source(%dma_start3A_210 : memref<32xi32, #tpu.memory_space<hbm>>) target(%dma_start3A_208 : memref<32xi32, #tpu.memory_space<vmem>>) target_semaphore(%arg8 : memref<!tpu.dma_semaphore, #tpu.memory_space<semaphore_mem>>)
    %dma_start3A_211 = arith.constant 23 : i32
    %dma_start3A_212 = arith.constant 736 : i32
    %dma_start3A_213 = tpu.memref_slice %arg5[%dma_start3A_212] : memref<1664xi32, #tpu.memory_space<vmem>> -> memref<32xi32, #tpu.memory_space<vmem>>
    %dma_start3A_214 = tpu.memref_slice %arg2[%dma_start3A_211, %add3A_4] : memref<26x16384xi32, #tpu.memory_space<hbm>> -> memref<1x32xi32, #tpu.memory_space<hbm>>
    %dma_start3A_215 = tpu.memref_squeeze %dma_start3A_214 : memref<1x32xi32, #tpu.memory_space<hbm>> -> memref<32xi32, #tpu.memory_space<hbm>>
    %dma_start3A_216 = arith.constant 736 : i32
    %dma_start3A_217 = tpu.memref_slice %arg5[%dma_start3A_216] : memref<1664xi32, #tpu.memory_space<vmem>> -> memref<32xi32, #tpu.memory_space<vmem>>
    %dma_start3A_218 = tpu.memref_slice %arg2[%dma_start3A_211, %add3A_4] : memref<26x16384xi32, #tpu.memory_space<hbm>> -> memref<1x32xi32, #tpu.memory_space<hbm>>
    %dma_start3A_219 = tpu.memref_squeeze %dma_start3A_218 : memref<1x32xi32, #tpu.memory_space<hbm>> -> memref<32xi32, #tpu.memory_space<hbm>>
    tpu.enqueue_dma source(%dma_start3A_219 : memref<32xi32, #tpu.memory_space<hbm>>) target(%dma_start3A_217 : memref<32xi32, #tpu.memory_space<vmem>>) target_semaphore(%arg8 : memref<!tpu.dma_semaphore, #tpu.memory_space<semaphore_mem>>)
    %dma_start3A_220 = arith.constant 24 : i32
    %dma_start3A_221 = arith.constant 768 : i32
    %dma_start3A_222 = tpu.memref_slice %arg5[%dma_start3A_221] : memref<1664xi32, #tpu.memory_space<vmem>> -> memref<32xi32, #tpu.memory_space<vmem>>
    %dma_start3A_223 = tpu.memref_slice %arg2[%dma_start3A_220, %add3A_4] : memref<26x16384xi32, #tpu.memory_space<hbm>> -> memref<1x32xi32, #tpu.memory_space<hbm>>
    %dma_start3A_224 = tpu.memref_squeeze %dma_start3A_223 : memref<1x32xi32, #tpu.memory_space<hbm>> -> memref<32xi32, #tpu.memory_space<hbm>>
    %dma_start3A_225 = arith.constant 768 : i32
    %dma_start3A_226 = tpu.memref_slice %arg5[%dma_start3A_225] : memref<1664xi32, #tpu.memory_space<vmem>> -> memref<32xi32, #tpu.memory_space<vmem>>
    %dma_start3A_227 = tpu.memref_slice %arg2[%dma_start3A_220, %add3A_4] : memref<26x16384xi32, #tpu.memory_space<hbm>> -> memref<1x32xi32, #tpu.memory_space<hbm>>
    %dma_start3A_228 = tpu.memref_squeeze %dma_start3A_227 : memref<1x32xi32, #tpu.memory_space<hbm>> -> memref<32xi32, #tpu.memory_space<hbm>>
    tpu.enqueue_dma source(%dma_start3A_228 : memref<32xi32, #tpu.memory_space<hbm>>) target(%dma_start3A_226 : memref<32xi32, #tpu.memory_space<vmem>>) target_semaphore(%arg8 : memref<!tpu.dma_semaphore, #tpu.memory_space<semaphore_mem>>)
    %dma_start3A_229 = arith.constant 25 : i32
    %dma_start3A_230 = arith.constant 800 : i32
    %dma_start3A_231 = tpu.memref_slice %arg5[%dma_start3A_230] : memref<1664xi32, #tpu.memory_space<vmem>> -> memref<32xi32, #tpu.memory_space<vmem>>
    %dma_start3A_232 = tpu.memref_slice %arg2[%dma_start3A_229, %add3A_4] : memref<26x16384xi32, #tpu.memory_space<hbm>> -> memref<1x32xi32, #tpu.memory_space<hbm>>
    %dma_start3A_233 = tpu.memref_squeeze %dma_start3A_232 : memref<1x32xi32, #tpu.memory_space<hbm>> -> memref<32xi32, #tpu.memory_space<hbm>>
    %dma_start3A_234 = arith.constant 800 : i32
    %dma_start3A_235 = tpu.memref_slice %arg5[%dma_start3A_234] : memref<1664xi32, #tpu.memory_space<vmem>> -> memref<32xi32, #tpu.memory_space<vmem>>
    %dma_start3A_236 = tpu.memref_slice %arg2[%dma_start3A_229, %add3A_4] : memref<26x16384xi32, #tpu.memory_space<hbm>> -> memref<1x32xi32, #tpu.memory_space<hbm>>
    %dma_start3A_237 = tpu.memref_squeeze %dma_start3A_236 : memref<1x32xi32, #tpu.memory_space<hbm>> -> memref<32xi32, #tpu.memory_space<hbm>>
    tpu.enqueue_dma source(%dma_start3A_237 : memref<32xi32, #tpu.memory_space<hbm>>) target(%dma_start3A_235 : memref<32xi32, #tpu.memory_space<vmem>>) target_semaphore(%arg8 : memref<!tpu.dma_semaphore, #tpu.memory_space<semaphore_mem>>)
    %add3A_238 = arith.constant 32 : i32
    %add3A_239 = arith.addi %mul3A_2, %add3A_238 : i32
    %dma_start3A_240 = arith.constant 0 : i32
    %dma_start3A_241 = arith.constant 832 : i32
    %dma_start3A_242 = tpu.memref_slice %arg5[%dma_start3A_241] : memref<1664xi32, #tpu.memory_space<vmem>> -> memref<32xi32, #tpu.memory_space<vmem>>
    %dma_start3A_243 = tpu.memref_slice %arg2[%dma_start3A_240, %add3A_239] : memref<26x16384xi32, #tpu.memory_space<hbm>> -> memref<1x32xi32, #tpu.memory_space<hbm>>
    %dma_start3A_244 = tpu.memref_squeeze %dma_start3A_243 : memref<1x32xi32, #tpu.memory_space<hbm>> -> memref<32xi32, #tpu.memory_space<hbm>>
    %dma_start3A_245 = arith.constant 832 : i32
    %dma_start3A_246 = tpu.memref_slice %arg5[%dma_start3A_245] : memref<1664xi32, #tpu.memory_space<vmem>> -> memref<32xi32, #tpu.memory_space<vmem>>
    %dma_start3A_247 = tpu.memref_slice %arg2[%dma_start3A_240, %add3A_239] : memref<26x16384xi32, #tpu.memory_space<hbm>> -> memref<1x32xi32, #tpu.memory_space<hbm>>
    %dma_start3A_248 = tpu.memref_squeeze %dma_start3A_247 : memref<1x32xi32, #tpu.memory_space<hbm>> -> memref<32xi32, #tpu.memory_space<hbm>>
    tpu.enqueue_dma source(%dma_start3A_248 : memref<32xi32, #tpu.memory_space<hbm>>) target(%dma_start3A_246 : memref<32xi32, #tpu.memory_space<vmem>>) target_semaphore(%arg8 : memref<!tpu.dma_semaphore, #tpu.memory_space<semaphore_mem>>)
    %dma_start3A_249 = arith.constant 1 : i32
    %dma_start3A_250 = arith.constant 864 : i32
    %dma_start3A_251 = tpu.memref_slice %arg5[%dma_start3A_250] : memref<1664xi32, #tpu.memory_space<vmem>> -> memref<32xi32, #tpu.memory_space<vmem>>
    %dma_start3A_252 = tpu.memref_slice %arg2[%dma_start3A_249, %add3A_239] : memref<26x16384xi32, #tpu.memory_space<hbm>> -> memref<1x32xi32, #tpu.memory_space<hbm>>
    %dma_start3A_253 = tpu.memref_squeeze %dma_start3A_252 : memref<1x32xi32, #tpu.memory_space<hbm>> -> memref<32xi32, #tpu.memory_space<hbm>>
    %dma_start3A_254 = arith.constant 864 : i32
    %dma_start3A_255 = tpu.memref_slice %arg5[%dma_start3A_254] : memref<1664xi32, #tpu.memory_space<vmem>> -> memref<32xi32, #tpu.memory_space<vmem>>
    %dma_start3A_256 = tpu.memref_slice %arg2[%dma_start3A_249, %add3A_239] : memref<26x16384xi32, #tpu.memory_space<hbm>> -> memref<1x32xi32, #tpu.memory_space<hbm>>
    %dma_start3A_257 = tpu.memref_squeeze %dma_start3A_256 : memref<1x32xi32, #tpu.memory_space<hbm>> -> memref<32xi32, #tpu.memory_space<hbm>>
    tpu.enqueue_dma source(%dma_start3A_257 : memref<32xi32, #tpu.memory_space<hbm>>) target(%dma_start3A_255 : memref<32xi32, #tpu.memory_space<vmem>>) target_semaphore(%arg8 : memref<!tpu.dma_semaphore, #tpu.memory_space<semaphore_mem>>)
    %dma_start3A_258 = arith.constant 2 : i32
    %dma_start3A_259 = arith.constant 896 : i32
    %dma_start3A_260 = tpu.memref_slice %arg5[%dma_start3A_259] : memref<1664xi32, #tpu.memory_space<vmem>> -> memref<32xi32, #tpu.memory_space<vmem>>
    %dma_start3A_261 = tpu.memref_slice %arg2[%dma_start3A_258, %add3A_239] : memref<26x16384xi32, #tpu.memory_space<hbm>> -> memref<1x32xi32, #tpu.memory_space<hbm>>
    %dma_start3A_262 = tpu.memref_squeeze %dma_start3A_261 : memref<1x32xi32, #tpu.memory_space<hbm>> -> memref<32xi32, #tpu.memory_space<hbm>>
    %dma_start3A_263 = arith.constant 896 : i32
    %dma_start3A_264 = tpu.memref_slice %arg5[%dma_start3A_263] : memref<1664xi32, #tpu.memory_space<vmem>> -> memref<32xi32, #tpu.memory_space<vmem>>
    %dma_start3A_265 = tpu.memref_slice %arg2[%dma_start3A_258, %add3A_239] : memref<26x16384xi32, #tpu.memory_space<hbm>> -> memref<1x32xi32, #tpu.memory_space<hbm>>
    %dma_start3A_266 = tpu.memref_squeeze %dma_start3A_265 : memref<1x32xi32, #tpu.memory_space<hbm>> -> memref<32xi32, #tpu.memory_space<hbm>>
    tpu.enqueue_dma source(%dma_start3A_266 : memref<32xi32, #tpu.memory_space<hbm>>) target(%dma_start3A_264 : memref<32xi32, #tpu.memory_space<vmem>>) target_semaphore(%arg8 : memref<!tpu.dma_semaphore, #tpu.memory_space<semaphore_mem>>)
    %dma_start3A_267 = arith.constant 3 : i32
    %dma_start3A_268 = arith.constant 928 : i32
    %dma_start3A_269 = tpu.memref_slice %arg5[%dma_start3A_268] : memref<1664xi32, #tpu.memory_space<vmem>> -> memref<32xi32, #tpu.memory_space<vmem>>
    %dma_start3A_270 = tpu.memref_slice %arg2[%dma_start3A_267, %add3A_239] : memref<26x16384xi32, #tpu.memory_space<hbm>> -> memref<1x32xi32, #tpu.memory_space<hbm>>
    %dma_start3A_271 = tpu.memref_squeeze %dma_start3A_270 : memref<1x32xi32, #tpu.memory_space<hbm>> -> memref<32xi32, #tpu.memory_space<hbm>>
    %dma_start3A_272 = arith.constant 928 : i32
    %dma_start3A_273 = tpu.memref_slice %arg5[%dma_start3A_272] : memref<1664xi32, #tpu.memory_space<vmem>> -> memref<32xi32, #tpu.memory_space<vmem>>
    %dma_start3A_274 = tpu.memref_slice %arg2[%dma_start3A_267, %add3A_239] : memref<26x16384xi32, #tpu.memory_space<hbm>> -> memref<1x32xi32, #tpu.memory_space<hbm>>
    %dma_start3A_275 = tpu.memref_squeeze %dma_start3A_274 : memref<1x32xi32, #tpu.memory_space<hbm>> -> memref<32xi32, #tpu.memory_space<hbm>>
    tpu.enqueue_dma source(%dma_start3A_275 : memref<32xi32, #tpu.memory_space<hbm>>) target(%dma_start3A_273 : memref<32xi32, #tpu.memory_space<vmem>>) target_semaphore(%arg8 : memref<!tpu.dma_semaphore, #tpu.memory_space<semaphore_mem>>)
    %dma_start3A_276 = arith.constant 4 : i32
    %dma_start3A_277 = arith.constant 960 : i32
    %dma_start3A_278 = tpu.memref_slice %arg5[%dma_start3A_277] : memref<1664xi32, #tpu.memory_space<vmem>> -> memref<32xi32, #tpu.memory_space<vmem>>
    %dma_start3A_279 = tpu.memref_slice %arg2[%dma_start3A_276, %add3A_239] : memref<26x16384xi32, #tpu.memory_space<hbm>> -> memref<1x32xi32, #tpu.memory_space<hbm>>
    %dma_start3A_280 = tpu.memref_squeeze %dma_start3A_279 : memref<1x32xi32, #tpu.memory_space<hbm>> -> memref<32xi32, #tpu.memory_space<hbm>>
    %dma_start3A_281 = arith.constant 960 : i32
    %dma_start3A_282 = tpu.memref_slice %arg5[%dma_start3A_281] : memref<1664xi32, #tpu.memory_space<vmem>> -> memref<32xi32, #tpu.memory_space<vmem>>
    %dma_start3A_283 = tpu.memref_slice %arg2[%dma_start3A_276, %add3A_239] : memref<26x16384xi32, #tpu.memory_space<hbm>> -> memref<1x32xi32, #tpu.memory_space<hbm>>
    %dma_start3A_284 = tpu.memref_squeeze %dma_start3A_283 : memref<1x32xi32, #tpu.memory_space<hbm>> -> memref<32xi32, #tpu.memory_space<hbm>>
    tpu.enqueue_dma source(%dma_start3A_284 : memref<32xi32, #tpu.memory_space<hbm>>) target(%dma_start3A_282 : memref<32xi32, #tpu.memory_space<vmem>>) target_semaphore(%arg8 : memref<!tpu.dma_semaphore, #tpu.memory_space<semaphore_mem>>)
    %dma_start3A_285 = arith.constant 5 : i32
    %dma_start3A_286 = arith.constant 992 : i32
    %dma_start3A_287 = tpu.memref_slice %arg5[%dma_start3A_286] : memref<1664xi32, #tpu.memory_space<vmem>> -> memref<32xi32, #tpu.memory_space<vmem>>
    %dma_start3A_288 = tpu.memref_slice %arg2[%dma_start3A_285, %add3A_239] : memref<26x16384xi32, #tpu.memory_space<hbm>> -> memref<1x32xi32, #tpu.memory_space<hbm>>
    %dma_start3A_289 = tpu.memref_squeeze %dma_start3A_288 : memref<1x32xi32, #tpu.memory_space<hbm>> -> memref<32xi32, #tpu.memory_space<hbm>>
    %dma_start3A_290 = arith.constant 992 : i32
    %dma_start3A_291 = tpu.memref_slice %arg5[%dma_start3A_290] : memref<1664xi32, #tpu.memory_space<vmem>> -> memref<32xi32, #tpu.memory_space<vmem>>
    %dma_start3A_292 = tpu.memref_slice %arg2[%dma_start3A_285, %add3A_239] : memref<26x16384xi32, #tpu.memory_space<hbm>> -> memref<1x32xi32, #tpu.memory_space<hbm>>
    %dma_start3A_293 = tpu.memref_squeeze %dma_start3A_292 : memref<1x32xi32, #tpu.memory_space<hbm>> -> memref<32xi32, #tpu.memory_space<hbm>>
    tpu.enqueue_dma source(%dma_start3A_293 : memref<32xi32, #tpu.memory_space<hbm>>) target(%dma_start3A_291 : memref<32xi32, #tpu.memory_space<vmem>>) target_semaphore(%arg8 : memref<!tpu.dma_semaphore, #tpu.memory_space<semaphore_mem>>)
    %dma_start3A_294 = arith.constant 6 : i32
    %dma_start3A_295 = arith.constant 1024 : i32
    %dma_start3A_296 = tpu.memref_slice %arg5[%dma_start3A_295] : memref<1664xi32, #tpu.memory_space<vmem>> -> memref<32xi32, #tpu.memory_space<vmem>>
    %dma_start3A_297 = tpu.memref_slice %arg2[%dma_start3A_294, %add3A_239] : memref<26x16384xi32, #tpu.memory_space<hbm>> -> memref<1x32xi32, #tpu.memory_space<hbm>>
    %dma_start3A_298 = tpu.memref_squeeze %dma_start3A_297 : memref<1x32xi32, #tpu.memory_space<hbm>> -> memref<32xi32, #tpu.memory_space<hbm>>
    %dma_start3A_299 = arith.constant 1024 : i32
    %dma_start3A_300 = tpu.memref_slice %arg5[%dma_start3A_299] : memref<1664xi32, #tpu.memory_space<vmem>> -> memref<32xi32, #tpu.memory_space<vmem>>
    %dma_start3A_301 = tpu.memref_slice %arg2[%dma_start3A_294, %add3A_239] : memref<26x16384xi32, #tpu.memory_space<hbm>> -> memref<1x32xi32, #tpu.memory_space<hbm>>
    %dma_start3A_302 = tpu.memref_squeeze %dma_start3A_301 : memref<1x32xi32, #tpu.memory_space<hbm>> -> memref<32xi32, #tpu.memory_space<hbm>>
    tpu.enqueue_dma source(%dma_start3A_302 : memref<32xi32, #tpu.memory_space<hbm>>) target(%dma_start3A_300 : memref<32xi32, #tpu.memory_space<vmem>>) target_semaphore(%arg8 : memref<!tpu.dma_semaphore, #tpu.memory_space<semaphore_mem>>)
    %dma_start3A_303 = arith.constant 7 : i32
    %dma_start3A_304 = arith.constant 1056 : i32
    %dma_start3A_305 = tpu.memref_slice %arg5[%dma_start3A_304] : memref<1664xi32, #tpu.memory_space<vmem>> -> memref<32xi32, #tpu.memory_space<vmem>>
    %dma_start3A_306 = tpu.memref_slice %arg2[%dma_start3A_303, %add3A_239] : memref<26x16384xi32, #tpu.memory_space<hbm>> -> memref<1x32xi32, #tpu.memory_space<hbm>>
    %dma_start3A_307 = tpu.memref_squeeze %dma_start3A_306 : memref<1x32xi32, #tpu.memory_space<hbm>> -> memref<32xi32, #tpu.memory_space<hbm>>
    %dma_start3A_308 = arith.constant 1056 : i32
    %dma_start3A_309 = tpu.memref_slice %arg5[%dma_start3A_308] : memref<1664xi32, #tpu.memory_space<vmem>> -> memref<32xi32, #tpu.memory_space<vmem>>
    %dma_start3A_310 = tpu.memref_slice %arg2[%dma_start3A_303, %add3A_239] : memref<26x16384xi32, #tpu.memory_space<hbm>> -> memref<1x32xi32, #tpu.memory_space<hbm>>
    %dma_start3A_311 = tpu.memref_squeeze %dma_start3A_310 : memref<1x32xi32, #tpu.memory_space<hbm>> -> memref<32xi32, #tpu.memory_space<hbm>>
    tpu.enqueue_dma source(%dma_start3A_311 : memref<32xi32, #tpu.memory_space<hbm>>) target(%dma_start3A_309 : memref<32xi32, #tpu.memory_space<vmem>>) target_semaphore(%arg8 : memref<!tpu.dma_semaphore, #tpu.memory_space<semaphore_mem>>)
    %dma_start3A_312 = arith.constant 8 : i32
    %dma_start3A_313 = arith.constant 1088 : i32
    %dma_start3A_314 = tpu.memref_slice %arg5[%dma_start3A_313] : memref<1664xi32, #tpu.memory_space<vmem>> -> memref<32xi32, #tpu.memory_space<vmem>>
    %dma_start3A_315 = tpu.memref_slice %arg2[%dma_start3A_312, %add3A_239] : memref<26x16384xi32, #tpu.memory_space<hbm>> -> memref<1x32xi32, #tpu.memory_space<hbm>>
    %dma_start3A_316 = tpu.memref_squeeze %dma_start3A_315 : memref<1x32xi32, #tpu.memory_space<hbm>> -> memref<32xi32, #tpu.memory_space<hbm>>
    %dma_start3A_317 = arith.constant 1088 : i32
    %dma_start3A_318 = tpu.memref_slice %arg5[%dma_start3A_317] : memref<1664xi32, #tpu.memory_space<vmem>> -> memref<32xi32, #tpu.memory_space<vmem>>
    %dma_start3A_319 = tpu.memref_slice %arg2[%dma_start3A_312, %add3A_239] : memref<26x16384xi32, #tpu.memory_space<hbm>> -> memref<1x32xi32, #tpu.memory_space<hbm>>
    %dma_start3A_320 = tpu.memref_squeeze %dma_start3A_319 : memref<1x32xi32, #tpu.memory_space<hbm>> -> memref<32xi32, #tpu.memory_space<hbm>>
    tpu.enqueue_dma source(%dma_start3A_320 : memref<32xi32, #tpu.memory_space<hbm>>) target(%dma_start3A_318 : memref<32xi32, #tpu.memory_space<vmem>>) target_semaphore(%arg8 : memref<!tpu.dma_semaphore, #tpu.memory_space<semaphore_mem>>)
    %dma_start3A_321 = arith.constant 9 : i32
    %dma_start3A_322 = arith.constant 1120 : i32
    %dma_start3A_323 = tpu.memref_slice %arg5[%dma_start3A_322] : memref<1664xi32, #tpu.memory_space<vmem>> -> memref<32xi32, #tpu.memory_space<vmem>>
    %dma_start3A_324 = tpu.memref_slice %arg2[%dma_start3A_321, %add3A_239] : memref<26x16384xi32, #tpu.memory_space<hbm>> -> memref<1x32xi32, #tpu.memory_space<hbm>>
    %dma_start3A_325 = tpu.memref_squeeze %dma_start3A_324 : memref<1x32xi32, #tpu.memory_space<hbm>> -> memref<32xi32, #tpu.memory_space<hbm>>
    %dma_start3A_326 = arith.constant 1120 : i32
    %dma_start3A_327 = tpu.memref_slice %arg5[%dma_start3A_326] : memref<1664xi32, #tpu.memory_space<vmem>> -> memref<32xi32, #tpu.memory_space<vmem>>
    %dma_start3A_328 = tpu.memref_slice %arg2[%dma_start3A_321, %add3A_239] : memref<26x16384xi32, #tpu.memory_space<hbm>> -> memref<1x32xi32, #tpu.memory_space<hbm>>
    %dma_start3A_329 = tpu.memref_squeeze %dma_start3A_328 : memref<1x32xi32, #tpu.memory_space<hbm>> -> memref<32xi32, #tpu.memory_space<hbm>>
    tpu.enqueue_dma source(%dma_start3A_329 : memref<32xi32, #tpu.memory_space<hbm>>) target(%dma_start3A_327 : memref<32xi32, #tpu.memory_space<vmem>>) target_semaphore(%arg8 : memref<!tpu.dma_semaphore, #tpu.memory_space<semaphore_mem>>)
    %dma_start3A_330 = arith.constant 10 : i32
    %dma_start3A_331 = arith.constant 1152 : i32
    %dma_start3A_332 = tpu.memref_slice %arg5[%dma_start3A_331] : memref<1664xi32, #tpu.memory_space<vmem>> -> memref<32xi32, #tpu.memory_space<vmem>>
    %dma_start3A_333 = tpu.memref_slice %arg2[%dma_start3A_330, %add3A_239] : memref<26x16384xi32, #tpu.memory_space<hbm>> -> memref<1x32xi32, #tpu.memory_space<hbm>>
    %dma_start3A_334 = tpu.memref_squeeze %dma_start3A_333 : memref<1x32xi32, #tpu.memory_space<hbm>> -> memref<32xi32, #tpu.memory_space<hbm>>
    %dma_start3A_335 = arith.constant 1152 : i32
    %dma_start3A_336 = tpu.memref_slice %arg5[%dma_start3A_335] : memref<1664xi32, #tpu.memory_space<vmem>> -> memref<32xi32, #tpu.memory_space<vmem>>
    %dma_start3A_337 = tpu.memref_slice %arg2[%dma_start3A_330, %add3A_239] : memref<26x16384xi32, #tpu.memory_space<hbm>> -> memref<1x32xi32, #tpu.memory_space<hbm>>
    %dma_start3A_338 = tpu.memref_squeeze %dma_start3A_337 : memref<1x32xi32, #tpu.memory_space<hbm>> -> memref<32xi32, #tpu.memory_space<hbm>>
    tpu.enqueue_dma source(%dma_start3A_338 : memref<32xi32, #tpu.memory_space<hbm>>) target(%dma_start3A_336 : memref<32xi32, #tpu.memory_space<vmem>>) target_semaphore(%arg8 : memref<!tpu.dma_semaphore, #tpu.memory_space<semaphore_mem>>)
    %dma_start3A_339 = arith.constant 11 : i32
    %dma_start3A_340 = arith.constant 1184 : i32
    %dma_start3A_341 = tpu.memref_slice %arg5[%dma_start3A_340] : memref<1664xi32, #tpu.memory_space<vmem>> -> memref<32xi32, #tpu.memory_space<vmem>>
    %dma_start3A_342 = tpu.memref_slice %arg2[%dma_start3A_339, %add3A_239] : memref<26x16384xi32, #tpu.memory_space<hbm>> -> memref<1x32xi32, #tpu.memory_space<hbm>>
    %dma_start3A_343 = tpu.memref_squeeze %dma_start3A_342 : memref<1x32xi32, #tpu.memory_space<hbm>> -> memref<32xi32, #tpu.memory_space<hbm>>
    %dma_start3A_344 = arith.constant 1184 : i32
    %dma_start3A_345 = tpu.memref_slice %arg5[%dma_start3A_344] : memref<1664xi32, #tpu.memory_space<vmem>> -> memref<32xi32, #tpu.memory_space<vmem>>
    %dma_start3A_346 = tpu.memref_slice %arg2[%dma_start3A_339, %add3A_239] : memref<26x16384xi32, #tpu.memory_space<hbm>> -> memref<1x32xi32, #tpu.memory_space<hbm>>
    %dma_start3A_347 = tpu.memref_squeeze %dma_start3A_346 : memref<1x32xi32, #tpu.memory_space<hbm>> -> memref<32xi32, #tpu.memory_space<hbm>>
    tpu.enqueue_dma source(%dma_start3A_347 : memref<32xi32, #tpu.memory_space<hbm>>) target(%dma_start3A_345 : memref<32xi32, #tpu.memory_space<vmem>>) target_semaphore(%arg8 : memref<!tpu.dma_semaphore, #tpu.memory_space<semaphore_mem>>)
    %dma_start3A_348 = arith.constant 12 : i32
    %dma_start3A_349 = arith.constant 1216 : i32
    %dma_start3A_350 = tpu.memref_slice %arg5[%dma_start3A_349] : memref<1664xi32, #tpu.memory_space<vmem>> -> memref<32xi32, #tpu.memory_space<vmem>>
    %dma_start3A_351 = tpu.memref_slice %arg2[%dma_start3A_348, %add3A_239] : memref<26x16384xi32, #tpu.memory_space<hbm>> -> memref<1x32xi32, #tpu.memory_space<hbm>>
    %dma_start3A_352 = tpu.memref_squeeze %dma_start3A_351 : memref<1x32xi32, #tpu.memory_space<hbm>> -> memref<32xi32, #tpu.memory_space<hbm>>
    %dma_start3A_353 = arith.constant 1216 : i32
    %dma_start3A_354 = tpu.memref_slice %arg5[%dma_start3A_353] : memref<1664xi32, #tpu.memory_space<vmem>> -> memref<32xi32, #tpu.memory_space<vmem>>
    %dma_start3A_355 = tpu.memref_slice %arg2[%dma_start3A_348, %add3A_239] : memref<26x16384xi32, #tpu.memory_space<hbm>> -> memref<1x32xi32, #tpu.memory_space<hbm>>
    %dma_start3A_356 = tpu.memref_squeeze %dma_start3A_355 : memref<1x32xi32, #tpu.memory_space<hbm>> -> memref<32xi32, #tpu.memory_space<hbm>>
    tpu.enqueue_dma source(%dma_start3A_356 : memref<32xi32, #tpu.memory_space<hbm>>) target(%dma_start3A_354 : memref<32xi32, #tpu.memory_space<vmem>>) target_semaphore(%arg8 : memref<!tpu.dma_semaphore, #tpu.memory_space<semaphore_mem>>)
    %dma_start3A_357 = arith.constant 13 : i32
    %dma_start3A_358 = arith.constant 1248 : i32
    %dma_start3A_359 = tpu.memref_slice %arg5[%dma_start3A_358] : memref<1664xi32, #tpu.memory_space<vmem>> -> memref<32xi32, #tpu.memory_space<vmem>>
    %dma_start3A_360 = tpu.memref_slice %arg2[%dma_start3A_357, %add3A_239] : memref<26x16384xi32, #tpu.memory_space<hbm>> -> memref<1x32xi32, #tpu.memory_space<hbm>>
    %dma_start3A_361 = tpu.memref_squeeze %dma_start3A_360 : memref<1x32xi32, #tpu.memory_space<hbm>> -> memref<32xi32, #tpu.memory_space<hbm>>
    %dma_start3A_362 = arith.constant 1248 : i32
    %dma_start3A_363 = tpu.memref_slice %arg5[%dma_start3A_362] : memref<1664xi32, #tpu.memory_space<vmem>> -> memref<32xi32, #tpu.memory_space<vmem>>
    %dma_start3A_364 = tpu.memref_slice %arg2[%dma_start3A_357, %add3A_239] : memref<26x16384xi32, #tpu.memory_space<hbm>> -> memref<1x32xi32, #tpu.memory_space<hbm>>
    %dma_start3A_365 = tpu.memref_squeeze %dma_start3A_364 : memref<1x32xi32, #tpu.memory_space<hbm>> -> memref<32xi32, #tpu.memory_space<hbm>>
    tpu.enqueue_dma source(%dma_start3A_365 : memref<32xi32, #tpu.memory_space<hbm>>) target(%dma_start3A_363 : memref<32xi32, #tpu.memory_space<vmem>>) target_semaphore(%arg8 : memref<!tpu.dma_semaphore, #tpu.memory_space<semaphore_mem>>)
    %dma_start3A_366 = arith.constant 14 : i32
    %dma_start3A_367 = arith.constant 1280 : i32
    %dma_start3A_368 = tpu.memref_slice %arg5[%dma_start3A_367] : memref<1664xi32, #tpu.memory_space<vmem>> -> memref<32xi32, #tpu.memory_space<vmem>>
    %dma_start3A_369 = tpu.memref_slice %arg2[%dma_start3A_366, %add3A_239] : memref<26x16384xi32, #tpu.memory_space<hbm>> -> memref<1x32xi32, #tpu.memory_space<hbm>>
    %dma_start3A_370 = tpu.memref_squeeze %dma_start3A_369 : memref<1x32xi32, #tpu.memory_space<hbm>> -> memref<32xi32, #tpu.memory_space<hbm>>
    %dma_start3A_371 = arith.constant 1280 : i32
    %dma_start3A_372 = tpu.memref_slice %arg5[%dma_start3A_371] : memref<1664xi32, #tpu.memory_space<vmem>> -> memref<32xi32, #tpu.memory_space<vmem>>
    %dma_start3A_373 = tpu.memref_slice %arg2[%dma_start3A_366, %add3A_239] : memref<26x16384xi32, #tpu.memory_space<hbm>> -> memref<1x32xi32, #tpu.memory_space<hbm>>
    %dma_start3A_374 = tpu.memref_squeeze %dma_start3A_373 : memref<1x32xi32, #tpu.memory_space<hbm>> -> memref<32xi32, #tpu.memory_space<hbm>>
    tpu.enqueue_dma source(%dma_start3A_374 : memref<32xi32, #tpu.memory_space<hbm>>) target(%dma_start3A_372 : memref<32xi32, #tpu.memory_space<vmem>>) target_semaphore(%arg8 : memref<!tpu.dma_semaphore, #tpu.memory_space<semaphore_mem>>)
    %dma_start3A_375 = arith.constant 15 : i32
    %dma_start3A_376 = arith.constant 1312 : i32
    %dma_start3A_377 = tpu.memref_slice %arg5[%dma_start3A_376] : memref<1664xi32, #tpu.memory_space<vmem>> -> memref<32xi32, #tpu.memory_space<vmem>>
    %dma_start3A_378 = tpu.memref_slice %arg2[%dma_start3A_375, %add3A_239] : memref<26x16384xi32, #tpu.memory_space<hbm>> -> memref<1x32xi32, #tpu.memory_space<hbm>>
    %dma_start3A_379 = tpu.memref_squeeze %dma_start3A_378 : memref<1x32xi32, #tpu.memory_space<hbm>> -> memref<32xi32, #tpu.memory_space<hbm>>
    %dma_start3A_380 = arith.constant 1312 : i32
    %dma_start3A_381 = tpu.memref_slice %arg5[%dma_start3A_380] : memref<1664xi32, #tpu.memory_space<vmem>> -> memref<32xi32, #tpu.memory_space<vmem>>
    %dma_start3A_382 = tpu.memref_slice %arg2[%dma_start3A_375, %add3A_239] : memref<26x16384xi32, #tpu.memory_space<hbm>> -> memref<1x32xi32, #tpu.memory_space<hbm>>
    %dma_start3A_383 = tpu.memref_squeeze %dma_start3A_382 : memref<1x32xi32, #tpu.memory_space<hbm>> -> memref<32xi32, #tpu.memory_space<hbm>>
    tpu.enqueue_dma source(%dma_start3A_383 : memref<32xi32, #tpu.memory_space<hbm>>) target(%dma_start3A_381 : memref<32xi32, #tpu.memory_space<vmem>>) target_semaphore(%arg8 : memref<!tpu.dma_semaphore, #tpu.memory_space<semaphore_mem>>)
    %dma_start3A_384 = arith.constant 16 : i32
    %dma_start3A_385 = arith.constant 1344 : i32
    %dma_start3A_386 = tpu.memref_slice %arg5[%dma_start3A_385] : memref<1664xi32, #tpu.memory_space<vmem>> -> memref<32xi32, #tpu.memory_space<vmem>>
    %dma_start3A_387 = tpu.memref_slice %arg2[%dma_start3A_384, %add3A_239] : memref<26x16384xi32, #tpu.memory_space<hbm>> -> memref<1x32xi32, #tpu.memory_space<hbm>>
    %dma_start3A_388 = tpu.memref_squeeze %dma_start3A_387 : memref<1x32xi32, #tpu.memory_space<hbm>> -> memref<32xi32, #tpu.memory_space<hbm>>
    %dma_start3A_389 = arith.constant 1344 : i32
    %dma_start3A_390 = tpu.memref_slice %arg5[%dma_start3A_389] : memref<1664xi32, #tpu.memory_space<vmem>> -> memref<32xi32, #tpu.memory_space<vmem>>
    %dma_start3A_391 = tpu.memref_slice %arg2[%dma_start3A_384, %add3A_239] : memref<26x16384xi32, #tpu.memory_space<hbm>> -> memref<1x32xi32, #tpu.memory_space<hbm>>
    %dma_start3A_392 = tpu.memref_squeeze %dma_start3A_391 : memref<1x32xi32, #tpu.memory_space<hbm>> -> memref<32xi32, #tpu.memory_space<hbm>>
    tpu.enqueue_dma source(%dma_start3A_392 : memref<32xi32, #tpu.memory_space<hbm>>) target(%dma_start3A_390 : memref<32xi32, #tpu.memory_space<vmem>>) target_semaphore(%arg8 : memref<!tpu.dma_semaphore, #tpu.memory_space<semaphore_mem>>)
    %dma_start3A_393 = arith.constant 17 : i32
    %dma_start3A_394 = arith.constant 1376 : i32
    %dma_start3A_395 = tpu.memref_slice %arg5[%dma_start3A_394] : memref<1664xi32, #tpu.memory_space<vmem>> -> memref<32xi32, #tpu.memory_space<vmem>>
    %dma_start3A_396 = tpu.memref_slice %arg2[%dma_start3A_393, %add3A_239] : memref<26x16384xi32, #tpu.memory_space<hbm>> -> memref<1x32xi32, #tpu.memory_space<hbm>>
    %dma_start3A_397 = tpu.memref_squeeze %dma_start3A_396 : memref<1x32xi32, #tpu.memory_space<hbm>> -> memref<32xi32, #tpu.memory_space<hbm>>
    %dma_start3A_398 = arith.constant 1376 : i32
    %dma_start3A_399 = tpu.memref_slice %arg5[%dma_start3A_398] : memref<1664xi32, #tpu.memory_space<vmem>> -> memref<32xi32, #tpu.memory_space<vmem>>
    %dma_start3A_400 = tpu.memref_slice %arg2[%dma_start3A_393, %add3A_239] : memref<26x16384xi32, #tpu.memory_space<hbm>> -> memref<1x32xi32, #tpu.memory_space<hbm>>
    %dma_start3A_401 = tpu.memref_squeeze %dma_start3A_400 : memref<1x32xi32, #tpu.memory_space<hbm>> -> memref<32xi32, #tpu.memory_space<hbm>>
    tpu.enqueue_dma source(%dma_start3A_401 : memref<32xi32, #tpu.memory_space<hbm>>) target(%dma_start3A_399 : memref<32xi32, #tpu.memory_space<vmem>>) target_semaphore(%arg8 : memref<!tpu.dma_semaphore, #tpu.memory_space<semaphore_mem>>)
    %dma_start3A_402 = arith.constant 18 : i32
    %dma_start3A_403 = arith.constant 1408 : i32
    %dma_start3A_404 = tpu.memref_slice %arg5[%dma_start3A_403] : memref<1664xi32, #tpu.memory_space<vmem>> -> memref<32xi32, #tpu.memory_space<vmem>>
    %dma_start3A_405 = tpu.memref_slice %arg2[%dma_start3A_402, %add3A_239] : memref<26x16384xi32, #tpu.memory_space<hbm>> -> memref<1x32xi32, #tpu.memory_space<hbm>>
    %dma_start3A_406 = tpu.memref_squeeze %dma_start3A_405 : memref<1x32xi32, #tpu.memory_space<hbm>> -> memref<32xi32, #tpu.memory_space<hbm>>
    %dma_start3A_407 = arith.constant 1408 : i32
    %dma_start3A_408 = tpu.memref_slice %arg5[%dma_start3A_407] : memref<1664xi32, #tpu.memory_space<vmem>> -> memref<32xi32, #tpu.memory_space<vmem>>
    %dma_start3A_409 = tpu.memref_slice %arg2[%dma_start3A_402, %add3A_239] : memref<26x16384xi32, #tpu.memory_space<hbm>> -> memref<1x32xi32, #tpu.memory_space<hbm>>
    %dma_start3A_410 = tpu.memref_squeeze %dma_start3A_409 : memref<1x32xi32, #tpu.memory_space<hbm>> -> memref<32xi32, #tpu.memory_space<hbm>>
    tpu.enqueue_dma source(%dma_start3A_410 : memref<32xi32, #tpu.memory_space<hbm>>) target(%dma_start3A_408 : memref<32xi32, #tpu.memory_space<vmem>>) target_semaphore(%arg8 : memref<!tpu.dma_semaphore, #tpu.memory_space<semaphore_mem>>)
    %dma_start3A_411 = arith.constant 19 : i32
    %dma_start3A_412 = arith.constant 1440 : i32
    %dma_start3A_413 = tpu.memref_slice %arg5[%dma_start3A_412] : memref<1664xi32, #tpu.memory_space<vmem>> -> memref<32xi32, #tpu.memory_space<vmem>>
    %dma_start3A_414 = tpu.memref_slice %arg2[%dma_start3A_411, %add3A_239] : memref<26x16384xi32, #tpu.memory_space<hbm>> -> memref<1x32xi32, #tpu.memory_space<hbm>>
    %dma_start3A_415 = tpu.memref_squeeze %dma_start3A_414 : memref<1x32xi32, #tpu.memory_space<hbm>> -> memref<32xi32, #tpu.memory_space<hbm>>
    %dma_start3A_416 = arith.constant 1440 : i32
    %dma_start3A_417 = tpu.memref_slice %arg5[%dma_start3A_416] : memref<1664xi32, #tpu.memory_space<vmem>> -> memref<32xi32, #tpu.memory_space<vmem>>
    %dma_start3A_418 = tpu.memref_slice %arg2[%dma_start3A_411, %add3A_239] : memref<26x16384xi32, #tpu.memory_space<hbm>> -> memref<1x32xi32, #tpu.memory_space<hbm>>
    %dma_start3A_419 = tpu.memref_squeeze %dma_start3A_418 : memref<1x32xi32, #tpu.memory_space<hbm>> -> memref<32xi32, #tpu.memory_space<hbm>>
    tpu.enqueue_dma source(%dma_start3A_419 : memref<32xi32, #tpu.memory_space<hbm>>) target(%dma_start3A_417 : memref<32xi32, #tpu.memory_space<vmem>>) target_semaphore(%arg8 : memref<!tpu.dma_semaphore, #tpu.memory_space<semaphore_mem>>)
    %dma_start3A_420 = arith.constant 20 : i32
    %dma_start3A_421 = arith.constant 1472 : i32
    %dma_start3A_422 = tpu.memref_slice %arg5[%dma_start3A_421] : memref<1664xi32, #tpu.memory_space<vmem>> -> memref<32xi32, #tpu.memory_space<vmem>>
    %dma_start3A_423 = tpu.memref_slice %arg2[%dma_start3A_420, %add3A_239] : memref<26x16384xi32, #tpu.memory_space<hbm>> -> memref<1x32xi32, #tpu.memory_space<hbm>>
    %dma_start3A_424 = tpu.memref_squeeze %dma_start3A_423 : memref<1x32xi32, #tpu.memory_space<hbm>> -> memref<32xi32, #tpu.memory_space<hbm>>
    %dma_start3A_425 = arith.constant 1472 : i32
    %dma_start3A_426 = tpu.memref_slice %arg5[%dma_start3A_425] : memref<1664xi32, #tpu.memory_space<vmem>> -> memref<32xi32, #tpu.memory_space<vmem>>
    %dma_start3A_427 = tpu.memref_slice %arg2[%dma_start3A_420, %add3A_239] : memref<26x16384xi32, #tpu.memory_space<hbm>> -> memref<1x32xi32, #tpu.memory_space<hbm>>
    %dma_start3A_428 = tpu.memref_squeeze %dma_start3A_427 : memref<1x32xi32, #tpu.memory_space<hbm>> -> memref<32xi32, #tpu.memory_space<hbm>>
    tpu.enqueue_dma source(%dma_start3A_428 : memref<32xi32, #tpu.memory_space<hbm>>) target(%dma_start3A_426 : memref<32xi32, #tpu.memory_space<vmem>>) target_semaphore(%arg8 : memref<!tpu.dma_semaphore, #tpu.memory_space<semaphore_mem>>)
    %dma_start3A_429 = arith.constant 21 : i32
    %dma_start3A_430 = arith.constant 1504 : i32
    %dma_start3A_431 = tpu.memref_slice %arg5[%dma_start3A_430] : memref<1664xi32, #tpu.memory_space<vmem>> -> memref<32xi32, #tpu.memory_space<vmem>>
    %dma_start3A_432 = tpu.memref_slice %arg2[%dma_start3A_429, %add3A_239] : memref<26x16384xi32, #tpu.memory_space<hbm>> -> memref<1x32xi32, #tpu.memory_space<hbm>>
    %dma_start3A_433 = tpu.memref_squeeze %dma_start3A_432 : memref<1x32xi32, #tpu.memory_space<hbm>> -> memref<32xi32, #tpu.memory_space<hbm>>
    %dma_start3A_434 = arith.constant 1504 : i32
    %dma_start3A_435 = tpu.memref_slice %arg5[%dma_start3A_434] : memref<1664xi32, #tpu.memory_space<vmem>> -> memref<32xi32, #tpu.memory_space<vmem>>
    %dma_start3A_436 = tpu.memref_slice %arg2[%dma_start3A_429, %add3A_239] : memref<26x16384xi32, #tpu.memory_space<hbm>> -> memref<1x32xi32, #tpu.memory_space<hbm>>
    %dma_start3A_437 = tpu.memref_squeeze %dma_start3A_436 : memref<1x32xi32, #tpu.memory_space<hbm>> -> memref<32xi32, #tpu.memory_space<hbm>>
    tpu.enqueue_dma source(%dma_start3A_437 : memref<32xi32, #tpu.memory_space<hbm>>) target(%dma_start3A_435 : memref<32xi32, #tpu.memory_space<vmem>>) target_semaphore(%arg8 : memref<!tpu.dma_semaphore, #tpu.memory_space<semaphore_mem>>)
    %dma_start3A_438 = arith.constant 22 : i32
    %dma_start3A_439 = arith.constant 1536 : i32
    %dma_start3A_440 = tpu.memref_slice %arg5[%dma_start3A_439] : memref<1664xi32, #tpu.memory_space<vmem>> -> memref<32xi32, #tpu.memory_space<vmem>>
    %dma_start3A_441 = tpu.memref_slice %arg2[%dma_start3A_438, %add3A_239] : memref<26x16384xi32, #tpu.memory_space<hbm>> -> memref<1x32xi32, #tpu.memory_space<hbm>>
    %dma_start3A_442 = tpu.memref_squeeze %dma_start3A_441 : memref<1x32xi32, #tpu.memory_space<hbm>> -> memref<32xi32, #tpu.memory_space<hbm>>
    %dma_start3A_443 = arith.constant 1536 : i32
    %dma_start3A_444 = tpu.memref_slice %arg5[%dma_start3A_443] : memref<1664xi32, #tpu.memory_space<vmem>> -> memref<32xi32, #tpu.memory_space<vmem>>
    %dma_start3A_445 = tpu.memref_slice %arg2[%dma_start3A_438, %add3A_239] : memref<26x16384xi32, #tpu.memory_space<hbm>> -> memref<1x32xi32, #tpu.memory_space<hbm>>
    %dma_start3A_446 = tpu.memref_squeeze %dma_start3A_445 : memref<1x32xi32, #tpu.memory_space<hbm>> -> memref<32xi32, #tpu.memory_space<hbm>>
    tpu.enqueue_dma source(%dma_start3A_446 : memref<32xi32, #tpu.memory_space<hbm>>) target(%dma_start3A_444 : memref<32xi32, #tpu.memory_space<vmem>>) target_semaphore(%arg8 : memref<!tpu.dma_semaphore, #tpu.memory_space<semaphore_mem>>)
    %dma_start3A_447 = arith.constant 23 : i32
    %dma_start3A_448 = arith.constant 1568 : i32
    %dma_start3A_449 = tpu.memref_slice %arg5[%dma_start3A_448] : memref<1664xi32, #tpu.memory_space<vmem>> -> memref<32xi32, #tpu.memory_space<vmem>>
    %dma_start3A_450 = tpu.memref_slice %arg2[%dma_start3A_447, %add3A_239] : memref<26x16384xi32, #tpu.memory_space<hbm>> -> memref<1x32xi32, #tpu.memory_space<hbm>>
    %dma_start3A_451 = tpu.memref_squeeze %dma_start3A_450 : memref<1x32xi32, #tpu.memory_space<hbm>> -> memref<32xi32, #tpu.memory_space<hbm>>
    %dma_start3A_452 = arith.constant 1568 : i32
    %dma_start3A_453 = tpu.memref_slice %arg5[%dma_start3A_452] : memref<1664xi32, #tpu.memory_space<vmem>> -> memref<32xi32, #tpu.memory_space<vmem>>
    %dma_start3A_454 = tpu.memref_slice %arg2[%dma_start3A_447, %add3A_239] : memref<26x16384xi32, #tpu.memory_space<hbm>> -> memref<1x32xi32, #tpu.memory_space<hbm>>
    %dma_start3A_455 = tpu.memref_squeeze %dma_start3A_454 : memref<1x32xi32, #tpu.memory_space<hbm>> -> memref<32xi32, #tpu.memory_space<hbm>>
    tpu.enqueue_dma source(%dma_start3A_455 : memref<32xi32, #tpu.memory_space<hbm>>) target(%dma_start3A_453 : memref<32xi32, #tpu.memory_space<vmem>>) target_semaphore(%arg8 : memref<!tpu.dma_semaphore, #tpu.memory_space<semaphore_mem>>)
    %dma_start3A_456 = arith.constant 24 : i32
    %dma_start3A_457 = arith.constant 1600 : i32
    %dma_start3A_458 = tpu.memref_slice %arg5[%dma_start3A_457] : memref<1664xi32, #tpu.memory_space<vmem>> -> memref<32xi32, #tpu.memory_space<vmem>>
    %dma_start3A_459 = tpu.memref_slice %arg2[%dma_start3A_456, %add3A_239] : memref<26x16384xi32, #tpu.memory_space<hbm>> -> memref<1x32xi32, #tpu.memory_space<hbm>>
    %dma_start3A_460 = tpu.memref_squeeze %dma_start3A_459 : memref<1x32xi32, #tpu.memory_space<hbm>> -> memref<32xi32, #tpu.memory_space<hbm>>
    %dma_start3A_461 = arith.constant 1600 : i32
    %dma_start3A_462 = tpu.memref_slice %arg5[%dma_start3A_461] : memref<1664xi32, #tpu.memory_space<vmem>> -> memref<32xi32, #tpu.memory_space<vmem>>
    %dma_start3A_463 = tpu.memref_slice %arg2[%dma_start3A_456, %add3A_239] : memref<26x16384xi32, #tpu.memory_space<hbm>> -> memref<1x32xi32, #tpu.memory_space<hbm>>
    %dma_start3A_464 = tpu.memref_squeeze %dma_start3A_463 : memref<1x32xi32, #tpu.memory_space<hbm>> -> memref<32xi32, #tpu.memory_space<hbm>>
    tpu.enqueue_dma source(%dma_start3A_464 : memref<32xi32, #tpu.memory_space<hbm>>) target(%dma_start3A_462 : memref<32xi32, #tpu.memory_space<vmem>>) target_semaphore(%arg8 : memref<!tpu.dma_semaphore, #tpu.memory_space<semaphore_mem>>)
    %dma_start3A_465 = arith.constant 25 : i32
    %dma_start3A_466 = arith.constant 1632 : i32
    %dma_start3A_467 = tpu.memref_slice %arg5[%dma_start3A_466] : memref<1664xi32, #tpu.memory_space<vmem>> -> memref<32xi32, #tpu.memory_space<vmem>>
    %dma_start3A_468 = tpu.memref_slice %arg2[%dma_start3A_465, %add3A_239] : memref<26x16384xi32, #tpu.memory_space<hbm>> -> memref<1x32xi32, #tpu.memory_space<hbm>>
    %dma_start3A_469 = tpu.memref_squeeze %dma_start3A_468 : memref<1x32xi32, #tpu.memory_space<hbm>> -> memref<32xi32, #tpu.memory_space<hbm>>
    %dma_start3A_470 = arith.constant 1632 : i32
    %dma_start3A_471 = tpu.memref_slice %arg5[%dma_start3A_470] : memref<1664xi32, #tpu.memory_space<vmem>> -> memref<32xi32, #tpu.memory_space<vmem>>
    %dma_start3A_472 = tpu.memref_slice %arg2[%dma_start3A_465, %add3A_239] : memref<26x16384xi32, #tpu.memory_space<hbm>> -> memref<1x32xi32, #tpu.memory_space<hbm>>
    %dma_start3A_473 = tpu.memref_squeeze %dma_start3A_472 : memref<1x32xi32, #tpu.memory_space<hbm>> -> memref<32xi32, #tpu.memory_space<hbm>>
    tpu.enqueue_dma source(%dma_start3A_473 : memref<32xi32, #tpu.memory_space<hbm>>) target(%dma_start3A_471 : memref<32xi32, #tpu.memory_space<vmem>>) target_semaphore(%arg8 : memref<!tpu.dma_semaphore, #tpu.memory_space<semaphore_mem>>)
    %dma_wait3A = arith.constant 0 : i32
    %dma_wait3A_474 = arith.constant 0 : i32
    %dma_wait3A_475 = tpu.memref_slice %arg6[%dma_wait3A, %dma_wait3A_474] : memref<1664x32xf32, #tpu.memory_space<vmem>> -> memref<26x32xf32, #tpu.memory_space<vmem>>
    %dma_wait3A_476 = arith.constant 0 : i32
    %dma_wait3A_477 = arith.constant 0 : i32
    %dma_wait3A_478 = tpu.memref_slice %arg3[%dma_wait3A_476, %dma_wait3A_477] : memref<1000000x32xf32, #tpu.memory_space<hbm>> -> memref<26x32xf32, #tpu.memory_space<hbm>>
    %dma_wait3A_479 = arith.constant 0 : i32
    %dma_wait3A_480 = arith.constant 0 : i32
    %dma_wait3A_481 = tpu.memref_slice %arg6[%dma_wait3A_479, %dma_wait3A_480] : memref<1664x32xf32, #tpu.memory_space<vmem>> -> memref<26x32xf32, #tpu.memory_space<vmem>>
    %dma_wait3A_482 = arith.constant 0 : i32
    %dma_wait3A_483 = arith.constant 0 : i32
    %dma_wait3A_484 = tpu.memref_slice %arg3[%dma_wait3A_482, %dma_wait3A_483] : memref<1000000x32xf32, #tpu.memory_space<hbm>> -> memref<26x32xf32, #tpu.memory_space<hbm>>
    tpu.wait_dma2 semaphore(%arg8 : memref<!tpu.dma_semaphore, #tpu.memory_space<semaphore_mem>>) src(%dma_wait3A_484 : memref<26x32xf32, #tpu.memory_space<hbm>>) dst(%dma_wait3A_481 : memref<26x32xf32, #tpu.memory_space<vmem>>)
    %dma_start3A_485 = arith.constant 0 : i32
    %dma_start3A_486 = arith.constant 0 : i32
    %dma_start3A_487 = tpu.memref_slice %arg6[%dma_start3A_485, %dma_start3A_486] : memref<1664x32xf32, #tpu.memory_space<vmem>> -> memref<832x32xf32, #tpu.memory_space<vmem>>
    %dma_start3A_488 = arith.constant 0 : i32
    %dma_start3A_489 = tpu.memref_slice %arg5[%dma_start3A_488] : memref<1664xi32, #tpu.memory_space<vmem>> -> memref<832xi32, #tpu.memory_space<vmem>>
    %dma_start3A_490 = arith.constant 0 : i32
    %dma_start3A_491 = arith.constant 0 : i32
    %dma_start3A_492 = tpu.memref_slice %arg3[%dma_start3A_490, %dma_start3A_491] : memref<1000000x32xf32, #tpu.memory_space<hbm>> -> memref<1000000x32xf32, #tpu.memory_space<hbm>>
    tpu.enqueue_indirect_dma source(%dma_start3A_492 : memref<1000000x32xf32, #tpu.memory_space<hbm>>) target(%dma_start3A_487 : memref<832x32xf32, #tpu.memory_space<vmem>>) offsets(%dma_start3A_489 : memref<832xi32, #tpu.memory_space<vmem>>) semaphore(%arg9 : memref<!tpu.dma_semaphore, #tpu.memory_space<semaphore_mem>>)
    %scan3A = arith.constant 0 : i32
    %scan3A_493 = arith.constant 0 : i32
    %scan3A_494 = arith.constant 16 : i32
    %scan3A_495 = arith.addi %scan3A_493, %scan3A_494 : i32
    %scan3A_496 = arith.constant 1 : i32
    scf.for %scan3A_544 = %scan3A_493 to %scan3A_495 step %scan3A_496  : i32 {
      %add3A_545 = arith.constant 1 : i32
      %add3A_546 = arith.addi %scan3A_544, %add3A_545 : i32
      %lt3A = arith.constant 16 : i32
      %lt3A_547 = arith.cmpi slt, %add3A_546, %lt3A : i32
      %convert_element_type3A = arith.extui %lt3A_547 : i1 to i32
      %cond3A = arith.constant 0 : i32
      %cond3A_548 = arith.cmpi ne, %convert_element_type3A, %cond3A : i32
      scf.if %cond3A_548 {
        %dma_wait3A_615 = arith.constant 0 : i32
        %dma_wait3A_616 = arith.constant 0 : i32
        %dma_wait3A_617 = tpu.memref_slice %arg6[%dma_wait3A_615, %dma_wait3A_616] : memref<1664x32xf32, #tpu.memory_space<vmem>> -> memref<26x32xf32, #tpu.memory_space<vmem>>
        %dma_wait3A_618 = arith.constant 0 : i32
        %dma_wait3A_619 = arith.constant 0 : i32
        %dma_wait3A_620 = tpu.memref_slice %arg3[%dma_wait3A_618, %dma_wait3A_619] : memref<1000000x32xf32, #tpu.memory_space<hbm>> -> memref<26x32xf32, #tpu.memory_space<hbm>>
        %dma_wait3A_621 = arith.constant 0 : i32
        %dma_wait3A_622 = arith.constant 0 : i32
        %dma_wait3A_623 = tpu.memref_slice %arg6[%dma_wait3A_621, %dma_wait3A_622] : memref<1664x32xf32, #tpu.memory_space<vmem>> -> memref<26x32xf32, #tpu.memory_space<vmem>>
        %dma_wait3A_624 = arith.constant 0 : i32
        %dma_wait3A_625 = arith.constant 0 : i32
        %dma_wait3A_626 = tpu.memref_slice %arg3[%dma_wait3A_624, %dma_wait3A_625] : memref<1000000x32xf32, #tpu.memory_space<hbm>> -> memref<26x32xf32, #tpu.memory_space<hbm>>
        tpu.wait_dma2 semaphore(%arg8 : memref<!tpu.dma_semaphore, #tpu.memory_space<semaphore_mem>>) src(%dma_wait3A_626 : memref<26x32xf32, #tpu.memory_space<hbm>>) dst(%dma_wait3A_623 : memref<26x32xf32, #tpu.memory_space<vmem>>)
        %add3A_627 = arith.constant 1 : i32
        %add3A_628 = arith.addi %scan3A_544, %add3A_627 : i32
        %and3A_629 = arith.constant 1 : i32
        %and3A_630 = arith.andi %add3A_628, %and3A_629 : i32
        %mul3A_631 = arith.constant 832 : i32
        %mul3A_632 = arith.muli %and3A_630, %mul3A_631 : i32
        %dma_start3A_633 = arith.constant 0 : i32
        %dma_start3A_634 = tpu.memref_slice %arg6[%mul3A_632, %dma_start3A_633] : memref<1664x32xf32, #tpu.memory_space<vmem>> -> memref<832x32xf32, #tpu.memory_space<vmem>>
        %dma_start3A_635 = tpu.memref_slice %arg5[%mul3A_632] : memref<1664xi32, #tpu.memory_space<vmem>> -> memref<832xi32, #tpu.memory_space<vmem>>
        %dma_start3A_636 = arith.constant 0 : i32
        %dma_start3A_637 = arith.constant 0 : i32
        %dma_start3A_638 = tpu.memref_slice %arg3[%dma_start3A_636, %dma_start3A_637] : memref<1000000x32xf32, #tpu.memory_space<hbm>> -> memref<1000000x32xf32, #tpu.memory_space<hbm>>
        tpu.enqueue_indirect_dma source(%dma_start3A_638 : memref<1000000x32xf32, #tpu.memory_space<hbm>>) target(%dma_start3A_634 : memref<832x32xf32, #tpu.memory_space<vmem>>) offsets(%dma_start3A_635 : memref<832xi32, #tpu.memory_space<vmem>>) semaphore(%arg9 : memref<!tpu.dma_semaphore, #tpu.memory_space<semaphore_mem>>)
      } else {
      }
      %dma_wait3A_549 = arith.constant 0 : i32
      %dma_wait3A_550 = arith.constant 0 : i32
      %dma_wait3A_551 = tpu.memref_slice %arg6[%dma_wait3A_549, %dma_wait3A_550] : memref<1664x32xf32, #tpu.memory_space<vmem>> -> memref<832x32xf32, #tpu.memory_space<vmem>>
      %dma_wait3A_552 = arith.constant 0 : i32
      %dma_wait3A_553 = arith.constant 0 : i32
      %dma_wait3A_554 = tpu.memref_slice %arg3[%dma_wait3A_552, %dma_wait3A_553] : memref<1000000x32xf32, #tpu.memory_space<hbm>> -> memref<832x32xf32, #tpu.memory_space<hbm>>
      %dma_wait3A_555 = arith.constant 0 : i32
      %dma_wait3A_556 = arith.constant 0 : i32
      %dma_wait3A_557 = tpu.memref_slice %arg6[%dma_wait3A_555, %dma_wait3A_556] : memref<1664x32xf32, #tpu.memory_space<vmem>> -> memref<832x32xf32, #tpu.memory_space<vmem>>
      %dma_wait3A_558 = arith.constant 0 : i32
      %dma_wait3A_559 = arith.constant 0 : i32
      %dma_wait3A_560 = tpu.memref_slice %arg3[%dma_wait3A_558, %dma_wait3A_559] : memref<1000000x32xf32, #tpu.memory_space<hbm>> -> memref<832x32xf32, #tpu.memory_space<hbm>>
      tpu.wait_dma2 semaphore(%arg9 : memref<!tpu.dma_semaphore, #tpu.memory_space<semaphore_mem>>) src(%dma_wait3A_560 : memref<832x32xf32, #tpu.memory_space<hbm>>) dst(%dma_wait3A_557 : memref<832x32xf32, #tpu.memory_space<vmem>>)
      %ge3A = arith.constant 2 : i32
      %ge3A_561 = arith.cmpi sge, %scan3A_544, %ge3A : i32
      %convert_element_type3A_562 = arith.extui %ge3A_561 : i1 to i32
      %cond3A_563 = arith.constant 0 : i32
      %cond3A_564 = arith.cmpi ne, %convert_element_type3A_562, %cond3A_563 : i32
      scf.if %cond3A_564 {
        %dma_wait3A_615 = arith.constant 0 : i32
        %dma_wait3A_616 = arith.constant 0 : i32
        %dma_wait3A_617 = arith.constant 0 : i32
        %dma_wait3A_618 = arith.constant 0 : i32
        %dma_wait3A_619 = arith.constant 0 : i32
        %dma_wait3A_620 = tpu.memref_slice %arg7[%dma_wait3A_616, %dma_wait3A_617, %dma_wait3A_618, %dma_wait3A_619] : memref<64x4x8x32xf32, #tpu.memory_space<vmem>> -> memref<26x4x8x32xf32, #tpu.memory_space<vmem>>
        %dma_wait3A_621 = arith.constant 0 : i32
        %dma_wait3A_622 = arith.constant 0 : i32
        %dma_wait3A_623 = arith.constant 0 : i32
        %dma_wait3A_624 = arith.constant 0 : i32
        %dma_wait3A_625 = tpu.memref_slice %arg4[%dma_wait3A_621, %dma_wait3A_622, %dma_wait3A_615, %dma_wait3A_623, %dma_wait3A_624] : memref<26x4x128x8x128xf32, #tpu.memory_space<hbm>> -> memref<26x4x1x8x32xf32, #tpu.memory_space<hbm>>
        %dma_wait3A_626 = tpu.memref_squeeze %dma_wait3A_625 : memref<26x4x1x8x32xf32, #tpu.memory_space<hbm>> -> memref<26x4x8x32xf32, #tpu.memory_space<hbm>>
        %dma_wait3A_627 = arith.constant 0 : i32
        %dma_wait3A_628 = arith.constant 0 : i32
        %dma_wait3A_629 = arith.constant 0 : i32
        %dma_wait3A_630 = arith.constant 0 : i32
        %dma_wait3A_631 = tpu.memref_slice %arg7[%dma_wait3A_627, %dma_wait3A_628, %dma_wait3A_629, %dma_wait3A_630] : memref<64x4x8x32xf32, #tpu.memory_space<vmem>> -> memref<26x4x8x32xf32, #tpu.memory_space<vmem>>
        %dma_wait3A_632 = arith.constant 0 : i32
        %dma_wait3A_633 = arith.constant 0 : i32
        %dma_wait3A_634 = arith.constant 0 : i32
        %dma_wait3A_635 = arith.constant 0 : i32
        %dma_wait3A_636 = tpu.memref_slice %arg4[%dma_wait3A_632, %dma_wait3A_633, %dma_wait3A_615, %dma_wait3A_634, %dma_wait3A_635] : memref<26x4x128x8x128xf32, #tpu.memory_space<hbm>> -> memref<26x4x1x8x32xf32, #tpu.memory_space<hbm>>
        %dma_wait3A_637 = tpu.memref_squeeze %dma_wait3A_636 : memref<26x4x1x8x32xf32, #tpu.memory_space<hbm>> -> memref<26x4x8x32xf32, #tpu.memory_space<hbm>>
        tpu.wait_dma2 semaphore(%arg10 : memref<!tpu.dma_semaphore, #tpu.memory_space<semaphore_mem>>) src(%dma_wait3A_637 : memref<26x4x8x32xf32, #tpu.memory_space<hbm>>) dst(%dma_wait3A_631 : memref<26x4x8x32xf32, #tpu.memory_space<vmem>>)
      } else {
      }
      %and3A = arith.constant 1 : i32
      %and3A_565 = arith.andi %scan3A_544, %and3A : i32
      %mul3A_566 = arith.constant 832 : i32
      %mul3A_567 = arith.muli %and3A_565, %mul3A_566 : i32
      %and3A_568 = arith.constant 1 : i32
      %and3A_569 = arith.andi %scan3A_544, %and3A_568 : i32
      %mul3A_570 = arith.constant 32 : i32
      %mul3A_571 = arith.muli %and3A_569, %mul3A_570 : i32
      %scan3A_572 = arith.constant 0 : i32
      %scan3A_573 = arith.constant 0 : i32
      %scan3A_574 = arith.constant 26 : i32
      %scan3A_575 = arith.addi %scan3A_573, %scan3A_574 : i32
      %scan3A_576 = arith.constant 1 : i32
      scf.for %scan3A_615 = %scan3A_573 to %scan3A_575 step %scan3A_576  : i32 {
        %mul3A_616 = arith.constant 32 : i32
        %mul3A_617 = arith.muli %scan3A_615, %mul3A_616 : i32
        %add3A_618 = arith.addi %mul3A_567, %mul3A_617 : i32
        %add3A_619 = arith.constant 0 : i32
        %add3A_620 = arith.addi %add3A_618, %add3A_619 : i32
        %add3A_621 = vector.broadcast %add3A_620 : i32 to vector<16xi32>
        %add3A_622 = arith.addi %iota3A, %add3A_621 : vector<16xi32>
        %add3A_623 = arith.constant 0 : i32
        %add3A_624 = vector.broadcast %add3A_623 : i32 to vector<16xi32>
        %add3A_625 = arith.addi %iota3A, %add3A_624 : vector<16xi32>
        %add3A_626 = arith.constant 0 : i32
        %add3A_627 = vector.broadcast %add3A_626 : i32 to vector<16xi32>
        %add3A_628 = arith.addi %iota3A, %add3A_627 : vector<16xi32>
        %and3A_629 = arith.constant 31 : i32
        %and3A_630 = vector.broadcast %and3A_629 : i32 to vector<16xi32>
        %and3A_631 = arith.andi %add3A_628, %and3A_630 : vector<16xi32>
        %gather3A = tpu.vector_load_idx %arg6[%add3A_622, %and3A_631] : memref<1664x32xf32, #tpu.memory_space<vmem>>[vector<16xi32>, vector<16xi32>], vector<16xf32>,
        %add3A_632 = arith.addi %mul3A_571, %scan3A_615 : i32
        %broadcast_in_dim3A = vector.broadcast %add3A_632 : i32 to vector<16xi32>
        %shift_right_logical3A_633 = arith.constant 3 : i32
        %shift_right_logical3A_634 = vector.broadcast %shift_right_logical3A_633 : i32 to vector<16xi32>
        %shift_right_logical3A_635 = arith.shrui %and3A_631, %shift_right_logical3A_634 : vector<16xi32>
        %and3A_636 = arith.constant 7 : i32
        %and3A_637 = vector.broadcast %and3A_636 : i32 to vector<16xi32>
        %and3A_638 = arith.andi %and3A_631, %and3A_637 : vector<16xi32>
        tpu.vector_store_idx %arg7[%broadcast_in_dim3A, %shift_right_logical3A_635, %and3A_638, %add3A_625], %gather3A : memref<64x4x8x32xf32, #tpu.memory_space<vmem>>[vector<16xi32>, vector<16xi32>, vector<16xi32>, vector<16xi32>], vector<16xf32>,
        %add3A_639 = arith.constant 1 : i32
        %add3A_640 = vector.broadcast %add3A_639 : i32 to vector<16xi32>
        %add3A_641 = arith.addi %iota3A, %add3A_640 : vector<16xi32>
        %and3A_642 = arith.constant 31 : i32
        %and3A_643 = vector.broadcast %and3A_642 : i32 to vector<16xi32>
        %and3A_644 = arith.andi %add3A_641, %and3A_643 : vector<16xi32>
        %gather3A_645 = tpu.vector_load_idx %arg6[%add3A_622, %and3A_644] : memref<1664x32xf32, #tpu.memory_space<vmem>>[vector<16xi32>, vector<16xi32>], vector<16xf32>,
        %add3A_646 = arith.addi %mul3A_571, %scan3A_615 : i32
        %broadcast_in_dim3A_647 = vector.broadcast %add3A_646 : i32 to vector<16xi32>
        %shift_right_logical3A_648 = arith.constant 3 : i32
        %shift_right_logical3A_649 = vector.broadcast %shift_right_logical3A_648 : i32 to vector<16xi32>
        %shift_right_logical3A_650 = arith.shrui %and3A_644, %shift_right_logical3A_649 : vector<16xi32>
        %and3A_651 = arith.constant 7 : i32
        %and3A_652 = vector.broadcast %and3A_651 : i32 to vector<16xi32>
        %and3A_653 = arith.andi %and3A_644, %and3A_652 : vector<16xi32>
        tpu.vector_store_idx %arg7[%broadcast_in_dim3A_647, %shift_right_logical3A_650, %and3A_653, %add3A_625], %gather3A_645 : memref<64x4x8x32xf32, #tpu.memory_space<vmem>>[vector<16xi32>, vector<16xi32>, vector<16xi32>, vector<16xi32>], vector<16xf32>,
        %add3A_654 = arith.constant 2 : i32
        %add3A_655 = vector.broadcast %add3A_654 : i32 to vector<16xi32>
        %add3A_656 = arith.addi %iota3A, %add3A_655 : vector<16xi32>
        %and3A_657 = arith.constant 31 : i32
        %and3A_658 = vector.broadcast %and3A_657 : i32 to vector<16xi32>
        %and3A_659 = arith.andi %add3A_656, %and3A_658 : vector<16xi32>
        %gather3A_660 = tpu.vector_load_idx %arg6[%add3A_622, %and3A_659] : memref<1664x32xf32, #tpu.memory_space<vmem>>[vector<16xi32>, vector<16xi32>], vector<16xf32>,
        %add3A_661 = arith.addi %mul3A_571, %scan3A_615 : i32
        %broadcast_in_dim3A_662 = vector.broadcast %add3A_661 : i32 to vector<16xi32>
        %shift_right_logical3A_663 = arith.constant 3 : i32
        %shift_right_logical3A_664 = vector.broadcast %shift_right_logical3A_663 : i32 to vector<16xi32>
        %shift_right_logical3A_665 = arith.shrui %and3A_659, %shift_right_logical3A_664 : vector<16xi32>
        %and3A_666 = arith.constant 7 : i32
        %and3A_667 = vector.broadcast %and3A_666 : i32 to vector<16xi32>
        %and3A_668 = arith.andi %and3A_659, %and3A_667 : vector<16xi32>
        tpu.vector_store_idx %arg7[%broadcast_in_dim3A_662, %shift_right_logical3A_665, %and3A_668, %add3A_625], %gather3A_660 : memref<64x4x8x32xf32, #tpu.memory_space<vmem>>[vector<16xi32>, vector<16xi32>, vector<16xi32>, vector<16xi32>], vector<16xf32>,
        %add3A_669 = arith.constant 3 : i32
        %add3A_670 = vector.broadcast %add3A_669 : i32 to vector<16xi32>
        %add3A_671 = arith.addi %iota3A, %add3A_670 : vector<16xi32>
        %and3A_672 = arith.constant 31 : i32
        %and3A_673 = vector.broadcast %and3A_672 : i32 to vector<16xi32>
        %and3A_674 = arith.andi %add3A_671, %and3A_673 : vector<16xi32>
        %gather3A_675 = tpu.vector_load_idx %arg6[%add3A_622, %and3A_674] : memref<1664x32xf32, #tpu.memory_space<vmem>>[vector<16xi32>, vector<16xi32>], vector<16xf32>,
        %add3A_676 = arith.addi %mul3A_571, %scan3A_615 : i32
        %broadcast_in_dim3A_677 = vector.broadcast %add3A_676 : i32 to vector<16xi32>
        %shift_right_logical3A_678 = arith.constant 3 : i32
        %shift_right_logical3A_679 = vector.broadcast %shift_right_logical3A_678 : i32 to vector<16xi32>
        %shift_right_logical3A_680 = arith.shrui %and3A_674, %shift_right_logical3A_679 : vector<16xi32>
        %and3A_681 = arith.constant 7 : i32
        %and3A_682 = vector.broadcast %and3A_681 : i32 to vector<16xi32>
        %and3A_683 = arith.andi %and3A_674, %and3A_682 : vector<16xi32>
        tpu.vector_store_idx %arg7[%broadcast_in_dim3A_677, %shift_right_logical3A_680, %and3A_683, %add3A_625], %gather3A_675 : memref<64x4x8x32xf32, #tpu.memory_space<vmem>>[vector<16xi32>, vector<16xi32>, vector<16xi32>, vector<16xi32>], vector<16xf32>,
        %add3A_684 = arith.constant 4 : i32
        %add3A_685 = vector.broadcast %add3A_684 : i32 to vector<16xi32>
        %add3A_686 = arith.addi %iota3A, %add3A_685 : vector<16xi32>
        %and3A_687 = arith.constant 31 : i32
        %and3A_688 = vector.broadcast %and3A_687 : i32 to vector<16xi32>
        %and3A_689 = arith.andi %add3A_686, %and3A_688 : vector<16xi32>
        %gather3A_690 = tpu.vector_load_idx %arg6[%add3A_622, %and3A_689] : memref<1664x32xf32, #tpu.memory_space<vmem>>[vector<16xi32>, vector<16xi32>], vector<16xf32>,
        %add3A_691 = arith.addi %mul3A_571, %scan3A_615 : i32
        %broadcast_in_dim3A_692 = vector.broadcast %add3A_691 : i32 to vector<16xi32>
        %shift_right_logical3A_693 = arith.constant 3 : i32
        %shift_right_logical3A_694 = vector.broadcast %shift_right_logical3A_693 : i32 to vector<16xi32>
        %shift_right_logical3A_695 = arith.shrui %and3A_689, %shift_right_logical3A_694 : vector<16xi32>
        %and3A_696 = arith.constant 7 : i32
        %and3A_697 = vector.broadcast %and3A_696 : i32 to vector<16xi32>
        %and3A_698 = arith.andi %and3A_689, %and3A_697 : vector<16xi32>
        tpu.vector_store_idx %arg7[%broadcast_in_dim3A_692, %shift_right_logical3A_695, %and3A_698, %add3A_625], %gather3A_690 : memref<64x4x8x32xf32, #tpu.memory_space<vmem>>[vector<16xi32>, vector<16xi32>, vector<16xi32>, vector<16xi32>], vector<16xf32>,
        %add3A_699 = arith.constant 5 : i32
        %add3A_700 = vector.broadcast %add3A_699 : i32 to vector<16xi32>
        %add3A_701 = arith.addi %iota3A, %add3A_700 : vector<16xi32>
        %and3A_702 = arith.constant 31 : i32
        %and3A_703 = vector.broadcast %and3A_702 : i32 to vector<16xi32>
        %and3A_704 = arith.andi %add3A_701, %and3A_703 : vector<16xi32>
        %gather3A_705 = tpu.vector_load_idx %arg6[%add3A_622, %and3A_704] : memref<1664x32xf32, #tpu.memory_space<vmem>>[vector<16xi32>, vector<16xi32>], vector<16xf32>,
        %add3A_706 = arith.addi %mul3A_571, %scan3A_615 : i32
        %broadcast_in_dim3A_707 = vector.broadcast %add3A_706 : i32 to vector<16xi32>
        %shift_right_logical3A_708 = arith.constant 3 : i32
        %shift_right_logical3A_709 = vector.broadcast %shift_right_logical3A_708 : i32 to vector<16xi32>
        %shift_right_logical3A_710 = arith.shrui %and3A_704, %shift_right_logical3A_709 : vector<16xi32>
        %and3A_711 = arith.constant 7 : i32
        %and3A_712 = vector.broadcast %and3A_711 : i32 to vector<16xi32>
        %and3A_713 = arith.andi %and3A_704, %and3A_712 : vector<16xi32>
        tpu.vector_store_idx %arg7[%broadcast_in_dim3A_707, %shift_right_logical3A_710, %and3A_713, %add3A_625], %gather3A_705 : memref<64x4x8x32xf32, #tpu.memory_space<vmem>>[vector<16xi32>, vector<16xi32>, vector<16xi32>, vector<16xi32>], vector<16xf32>,
        %add3A_714 = arith.constant 6 : i32
        %add3A_715 = vector.broadcast %add3A_714 : i32 to vector<16xi32>
        %add3A_716 = arith.addi %iota3A, %add3A_715 : vector<16xi32>
        %and3A_717 = arith.constant 31 : i32
        %and3A_718 = vector.broadcast %and3A_717 : i32 to vector<16xi32>
        %and3A_719 = arith.andi %add3A_716, %and3A_718 : vector<16xi32>
        %gather3A_720 = tpu.vector_load_idx %arg6[%add3A_622, %and3A_719] : memref<1664x32xf32, #tpu.memory_space<vmem>>[vector<16xi32>, vector<16xi32>], vector<16xf32>,
        %add3A_721 = arith.addi %mul3A_571, %scan3A_615 : i32
        %broadcast_in_dim3A_722 = vector.broadcast %add3A_721 : i32 to vector<16xi32>
        %shift_right_logical3A_723 = arith.constant 3 : i32
        %shift_right_logical3A_724 = vector.broadcast %shift_right_logical3A_723 : i32 to vector<16xi32>
        %shift_right_logical3A_725 = arith.shrui %and3A_719, %shift_right_logical3A_724 : vector<16xi32>
        %and3A_726 = arith.constant 7 : i32
        %and3A_727 = vector.broadcast %and3A_726 : i32 to vector<16xi32>
        %and3A_728 = arith.andi %and3A_719, %and3A_727 : vector<16xi32>
        tpu.vector_store_idx %arg7[%broadcast_in_dim3A_722, %shift_right_logical3A_725, %and3A_728, %add3A_625], %gather3A_720 : memref<64x4x8x32xf32, #tpu.memory_space<vmem>>[vector<16xi32>, vector<16xi32>, vector<16xi32>, vector<16xi32>], vector<16xf32>,
        %add3A_729 = arith.constant 7 : i32
        %add3A_730 = vector.broadcast %add3A_729 : i32 to vector<16xi32>
        %add3A_731 = arith.addi %iota3A, %add3A_730 : vector<16xi32>
        %and3A_732 = arith.constant 31 : i32
        %and3A_733 = vector.broadcast %and3A_732 : i32 to vector<16xi32>
        %and3A_734 = arith.andi %add3A_731, %and3A_733 : vector<16xi32>
        %gather3A_735 = tpu.vector_load_idx %arg6[%add3A_622, %and3A_734] : memref<1664x32xf32, #tpu.memory_space<vmem>>[vector<16xi32>, vector<16xi32>], vector<16xf32>,
        %add3A_736 = arith.addi %mul3A_571, %scan3A_615 : i32
        %broadcast_in_dim3A_737 = vector.broadcast %add3A_736 : i32 to vector<16xi32>
        %shift_right_logical3A_738 = arith.constant 3 : i32
        %shift_right_logical3A_739 = vector.broadcast %shift_right_logical3A_738 : i32 to vector<16xi32>
        %shift_right_logical3A_740 = arith.shrui %and3A_734, %shift_right_logical3A_739 : vector<16xi32>
        %and3A_741 = arith.constant 7 : i32
        %and3A_742 = vector.broadcast %and3A_741 : i32 to vector<16xi32>
        %and3A_743 = arith.andi %and3A_734, %and3A_742 : vector<16xi32>
        tpu.vector_store_idx %arg7[%broadcast_in_dim3A_737, %shift_right_logical3A_740, %and3A_743, %add3A_625], %gather3A_735 : memref<64x4x8x32xf32, #tpu.memory_space<vmem>>[vector<16xi32>, vector<16xi32>, vector<16xi32>, vector<16xi32>], vector<16xf32>,
        %add3A_744 = arith.constant 8 : i32
        %add3A_745 = vector.broadcast %add3A_744 : i32 to vector<16xi32>
        %add3A_746 = arith.addi %iota3A, %add3A_745 : vector<16xi32>
        %and3A_747 = arith.constant 31 : i32
        %and3A_748 = vector.broadcast %and3A_747 : i32 to vector<16xi32>
        %and3A_749 = arith.andi %add3A_746, %and3A_748 : vector<16xi32>
        %gather3A_750 = tpu.vector_load_idx %arg6[%add3A_622, %and3A_749] : memref<1664x32xf32, #tpu.memory_space<vmem>>[vector<16xi32>, vector<16xi32>], vector<16xf32>,
        %add3A_751 = arith.addi %mul3A_571, %scan3A_615 : i32
        %broadcast_in_dim3A_752 = vector.broadcast %add3A_751 : i32 to vector<16xi32>
        %shift_right_logical3A_753 = arith.constant 3 : i32
        %shift_right_logical3A_754 = vector.broadcast %shift_right_logical3A_753 : i32 to vector<16xi32>
        %shift_right_logical3A_755 = arith.shrui %and3A_749, %shift_right_logical3A_754 : vector<16xi32>
        %and3A_756 = arith.constant 7 : i32
        %and3A_757 = vector.broadcast %and3A_756 : i32 to vector<16xi32>
        %and3A_758 = arith.andi %and3A_749, %and3A_757 : vector<16xi32>
        tpu.vector_store_idx %arg7[%broadcast_in_dim3A_752, %shift_right_logical3A_755, %and3A_758, %add3A_625], %gather3A_750 : memref<64x4x8x32xf32, #tpu.memory_space<vmem>>[vector<16xi32>, vector<16xi32>, vector<16xi32>, vector<16xi32>], vector<16xf32>,
        %add3A_759 = arith.constant 9 : i32
        %add3A_760 = vector.broadcast %add3A_759 : i32 to vector<16xi32>
        %add3A_761 = arith.addi %iota3A, %add3A_760 : vector<16xi32>
        %and3A_762 = arith.constant 31 : i32
        %and3A_763 = vector.broadcast %and3A_762 : i32 to vector<16xi32>
        %and3A_764 = arith.andi %add3A_761, %and3A_763 : vector<16xi32>
        %gather3A_765 = tpu.vector_load_idx %arg6[%add3A_622, %and3A_764] : memref<1664x32xf32, #tpu.memory_space<vmem>>[vector<16xi32>, vector<16xi32>], vector<16xf32>,
        %add3A_766 = arith.addi %mul3A_571, %scan3A_615 : i32
        %broadcast_in_dim3A_767 = vector.broadcast %add3A_766 : i32 to vector<16xi32>
        %shift_right_logical3A_768 = arith.constant 3 : i32
        %shift_right_logical3A_769 = vector.broadcast %shift_right_logical3A_768 : i32 to vector<16xi32>
        %shift_right_logical3A_770 = arith.shrui %and3A_764, %shift_right_logical3A_769 : vector<16xi32>
        %and3A_771 = arith.constant 7 : i32
        %and3A_772 = vector.broadcast %and3A_771 : i32 to vector<16xi32>
        %and3A_773 = arith.andi %and3A_764, %and3A_772 : vector<16xi32>
        tpu.vector_store_idx %arg7[%broadcast_in_dim3A_767, %shift_right_logical3A_770, %and3A_773, %add3A_625], %gather3A_765 : memref<64x4x8x32xf32, #tpu.memory_space<vmem>>[vector<16xi32>, vector<16xi32>, vector<16xi32>, vector<16xi32>], vector<16xf32>,
        %add3A_774 = arith.constant 10 : i32
        %add3A_775 = vector.broadcast %add3A_774 : i32 to vector<16xi32>
        %add3A_776 = arith.addi %iota3A, %add3A_775 : vector<16xi32>
        %and3A_777 = arith.constant 31 : i32
        %and3A_778 = vector.broadcast %and3A_777 : i32 to vector<16xi32>
        %and3A_779 = arith.andi %add3A_776, %and3A_778 : vector<16xi32>
        %gather3A_780 = tpu.vector_load_idx %arg6[%add3A_622, %and3A_779] : memref<1664x32xf32, #tpu.memory_space<vmem>>[vector<16xi32>, vector<16xi32>], vector<16xf32>,
        %add3A_781 = arith.addi %mul3A_571, %scan3A_615 : i32
        %broadcast_in_dim3A_782 = vector.broadcast %add3A_781 : i32 to vector<16xi32>
        %shift_right_logical3A_783 = arith.constant 3 : i32
        %shift_right_logical3A_784 = vector.broadcast %shift_right_logical3A_783 : i32 to vector<16xi32>
        %shift_right_logical3A_785 = arith.shrui %and3A_779, %shift_right_logical3A_784 : vector<16xi32>
        %and3A_786 = arith.constant 7 : i32
        %and3A_787 = vector.broadcast %and3A_786 : i32 to vector<16xi32>
        %and3A_788 = arith.andi %and3A_779, %and3A_787 : vector<16xi32>
        tpu.vector_store_idx %arg7[%broadcast_in_dim3A_782, %shift_right_logical3A_785, %and3A_788, %add3A_625], %gather3A_780 : memref<64x4x8x32xf32, #tpu.memory_space<vmem>>[vector<16xi32>, vector<16xi32>, vector<16xi32>, vector<16xi32>], vector<16xf32>,
        %add3A_789 = arith.constant 11 : i32
        %add3A_790 = vector.broadcast %add3A_789 : i32 to vector<16xi32>
        %add3A_791 = arith.addi %iota3A, %add3A_790 : vector<16xi32>
        %and3A_792 = arith.constant 31 : i32
        %and3A_793 = vector.broadcast %and3A_792 : i32 to vector<16xi32>
        %and3A_794 = arith.andi %add3A_791, %and3A_793 : vector<16xi32>
        %gather3A_795 = tpu.vector_load_idx %arg6[%add3A_622, %and3A_794] : memref<1664x32xf32, #tpu.memory_space<vmem>>[vector<16xi32>, vector<16xi32>], vector<16xf32>,
        %add3A_796 = arith.addi %mul3A_571, %scan3A_615 : i32
        %broadcast_in_dim3A_797 = vector.broadcast %add3A_796 : i32 to vector<16xi32>
        %shift_right_logical3A_798 = arith.constant 3 : i32
        %shift_right_logical3A_799 = vector.broadcast %shift_right_logical3A_798 : i32 to vector<16xi32>
        %shift_right_logical3A_800 = arith.shrui %and3A_794, %shift_right_logical3A_799 : vector<16xi32>
        %and3A_801 = arith.constant 7 : i32
        %and3A_802 = vector.broadcast %and3A_801 : i32 to vector<16xi32>
        %and3A_803 = arith.andi %and3A_794, %and3A_802 : vector<16xi32>
        tpu.vector_store_idx %arg7[%broadcast_in_dim3A_797, %shift_right_logical3A_800, %and3A_803, %add3A_625], %gather3A_795 : memref<64x4x8x32xf32, #tpu.memory_space<vmem>>[vector<16xi32>, vector<16xi32>, vector<16xi32>, vector<16xi32>], vector<16xf32>,
        %add3A_804 = arith.constant 12 : i32
        %add3A_805 = vector.broadcast %add3A_804 : i32 to vector<16xi32>
        %add3A_806 = arith.addi %iota3A, %add3A_805 : vector<16xi32>
        %and3A_807 = arith.constant 31 : i32
        %and3A_808 = vector.broadcast %and3A_807 : i32 to vector<16xi32>
        %and3A_809 = arith.andi %add3A_806, %and3A_808 : vector<16xi32>
        %gather3A_810 = tpu.vector_load_idx %arg6[%add3A_622, %and3A_809] : memref<1664x32xf32, #tpu.memory_space<vmem>>[vector<16xi32>, vector<16xi32>], vector<16xf32>,
        %add3A_811 = arith.addi %mul3A_571, %scan3A_615 : i32
        %broadcast_in_dim3A_812 = vector.broadcast %add3A_811 : i32 to vector<16xi32>
        %shift_right_logical3A_813 = arith.constant 3 : i32
        %shift_right_logical3A_814 = vector.broadcast %shift_right_logical3A_813 : i32 to vector<16xi32>
        %shift_right_logical3A_815 = arith.shrui %and3A_809, %shift_right_logical3A_814 : vector<16xi32>
        %and3A_816 = arith.constant 7 : i32
        %and3A_817 = vector.broadcast %and3A_816 : i32 to vector<16xi32>
        %and3A_818 = arith.andi %and3A_809, %and3A_817 : vector<16xi32>
        tpu.vector_store_idx %arg7[%broadcast_in_dim3A_812, %shift_right_logical3A_815, %and3A_818, %add3A_625], %gather3A_810 : memref<64x4x8x32xf32, #tpu.memory_space<vmem>>[vector<16xi32>, vector<16xi32>, vector<16xi32>, vector<16xi32>], vector<16xf32>,
        %add3A_819 = arith.constant 13 : i32
        %add3A_820 = vector.broadcast %add3A_819 : i32 to vector<16xi32>
        %add3A_821 = arith.addi %iota3A, %add3A_820 : vector<16xi32>
        %and3A_822 = arith.constant 31 : i32
        %and3A_823 = vector.broadcast %and3A_822 : i32 to vector<16xi32>
        %and3A_824 = arith.andi %add3A_821, %and3A_823 : vector<16xi32>
        %gather3A_825 = tpu.vector_load_idx %arg6[%add3A_622, %and3A_824] : memref<1664x32xf32, #tpu.memory_space<vmem>>[vector<16xi32>, vector<16xi32>], vector<16xf32>,
        %add3A_826 = arith.addi %mul3A_571, %scan3A_615 : i32
        %broadcast_in_dim3A_827 = vector.broadcast %add3A_826 : i32 to vector<16xi32>
        %shift_right_logical3A_828 = arith.constant 3 : i32
        %shift_right_logical3A_829 = vector.broadcast %shift_right_logical3A_828 : i32 to vector<16xi32>
        %shift_right_logical3A_830 = arith.shrui %and3A_824, %shift_right_logical3A_829 : vector<16xi32>
        %and3A_831 = arith.constant 7 : i32
        %and3A_832 = vector.broadcast %and3A_831 : i32 to vector<16xi32>
        %and3A_833 = arith.andi %and3A_824, %and3A_832 : vector<16xi32>
        tpu.vector_store_idx %arg7[%broadcast_in_dim3A_827, %shift_right_logical3A_830, %and3A_833, %add3A_625], %gather3A_825 : memref<64x4x8x32xf32, #tpu.memory_space<vmem>>[vector<16xi32>, vector<16xi32>, vector<16xi32>, vector<16xi32>], vector<16xf32>,
        %add3A_834 = arith.constant 14 : i32
        %add3A_835 = vector.broadcast %add3A_834 : i32 to vector<16xi32>
        %add3A_836 = arith.addi %iota3A, %add3A_835 : vector<16xi32>
        %and3A_837 = arith.constant 31 : i32
        %and3A_838 = vector.broadcast %and3A_837 : i32 to vector<16xi32>
        %and3A_839 = arith.andi %add3A_836, %and3A_838 : vector<16xi32>
        %gather3A_840 = tpu.vector_load_idx %arg6[%add3A_622, %and3A_839] : memref<1664x32xf32, #tpu.memory_space<vmem>>[vector<16xi32>, vector<16xi32>], vector<16xf32>,
        %add3A_841 = arith.addi %mul3A_571, %scan3A_615 : i32
        %broadcast_in_dim3A_842 = vector.broadcast %add3A_841 : i32 to vector<16xi32>
        %shift_right_logical3A_843 = arith.constant 3 : i32
        %shift_right_logical3A_844 = vector.broadcast %shift_right_logical3A_843 : i32 to vector<16xi32>
        %shift_right_logical3A_845 = arith.shrui %and3A_839, %shift_right_logical3A_844 : vector<16xi32>
        %and3A_846 = arith.constant 7 : i32
        %and3A_847 = vector.broadcast %and3A_846 : i32 to vector<16xi32>
        %and3A_848 = arith.andi %and3A_839, %and3A_847 : vector<16xi32>
        tpu.vector_store_idx %arg7[%broadcast_in_dim3A_842, %shift_right_logical3A_845, %and3A_848, %add3A_625], %gather3A_840 : memref<64x4x8x32xf32, #tpu.memory_space<vmem>>[vector<16xi32>, vector<16xi32>, vector<16xi32>, vector<16xi32>], vector<16xf32>,
        %add3A_849 = arith.constant 15 : i32
        %add3A_850 = vector.broadcast %add3A_849 : i32 to vector<16xi32>
        %add3A_851 = arith.addi %iota3A, %add3A_850 : vector<16xi32>
        %and3A_852 = arith.constant 31 : i32
        %and3A_853 = vector.broadcast %and3A_852 : i32 to vector<16xi32>
        %and3A_854 = arith.andi %add3A_851, %and3A_853 : vector<16xi32>
        %gather3A_855 = tpu.vector_load_idx %arg6[%add3A_622, %and3A_854] : memref<1664x32xf32, #tpu.memory_space<vmem>>[vector<16xi32>, vector<16xi32>], vector<16xf32>,
        %add3A_856 = arith.addi %mul3A_571, %scan3A_615 : i32
        %broadcast_in_dim3A_857 = vector.broadcast %add3A_856 : i32 to vector<16xi32>
        %shift_right_logical3A_858 = arith.constant 3 : i32
        %shift_right_logical3A_859 = vector.broadcast %shift_right_logical3A_858 : i32 to vector<16xi32>
        %shift_right_logical3A_860 = arith.shrui %and3A_854, %shift_right_logical3A_859 : vector<16xi32>
        %and3A_861 = arith.constant 7 : i32
        %and3A_862 = vector.broadcast %and3A_861 : i32 to vector<16xi32>
        %and3A_863 = arith.andi %and3A_854, %and3A_862 : vector<16xi32>
        tpu.vector_store_idx %arg7[%broadcast_in_dim3A_857, %shift_right_logical3A_860, %and3A_863, %add3A_625], %gather3A_855 : memref<64x4x8x32xf32, #tpu.memory_space<vmem>>[vector<16xi32>, vector<16xi32>, vector<16xi32>, vector<16xi32>], vector<16xf32>,
        %add3A_864 = arith.constant 16 : i32
        %add3A_865 = vector.broadcast %add3A_864 : i32 to vector<16xi32>
        %add3A_866 = arith.addi %iota3A, %add3A_865 : vector<16xi32>
        %and3A_867 = arith.constant 31 : i32
        %and3A_868 = vector.broadcast %and3A_867 : i32 to vector<16xi32>
        %and3A_869 = arith.andi %add3A_866, %and3A_868 : vector<16xi32>
        %gather3A_870 = tpu.vector_load_idx %arg6[%add3A_622, %and3A_869] : memref<1664x32xf32, #tpu.memory_space<vmem>>[vector<16xi32>, vector<16xi32>], vector<16xf32>,
        %add3A_871 = arith.addi %mul3A_571, %scan3A_615 : i32
        %broadcast_in_dim3A_872 = vector.broadcast %add3A_871 : i32 to vector<16xi32>
        %shift_right_logical3A_873 = arith.constant 3 : i32
        %shift_right_logical3A_874 = vector.broadcast %shift_right_logical3A_873 : i32 to vector<16xi32>
        %shift_right_logical3A_875 = arith.shrui %and3A_869, %shift_right_logical3A_874 : vector<16xi32>
        %and3A_876 = arith.constant 7 : i32
        %and3A_877 = vector.broadcast %and3A_876 : i32 to vector<16xi32>
        %and3A_878 = arith.andi %and3A_869, %and3A_877 : vector<16xi32>
        tpu.vector_store_idx %arg7[%broadcast_in_dim3A_872, %shift_right_logical3A_875, %and3A_878, %add3A_625], %gather3A_870 : memref<64x4x8x32xf32, #tpu.memory_space<vmem>>[vector<16xi32>, vector<16xi32>, vector<16xi32>, vector<16xi32>], vector<16xf32>,
        %add3A_879 = arith.constant 17 : i32
        %add3A_880 = vector.broadcast %add3A_879 : i32 to vector<16xi32>
        %add3A_881 = arith.addi %iota3A, %add3A_880 : vector<16xi32>
        %and3A_882 = arith.constant 31 : i32
        %and3A_883 = vector.broadcast %and3A_882 : i32 to vector<16xi32>
        %and3A_884 = arith.andi %add3A_881, %and3A_883 : vector<16xi32>
        %gather3A_885 = tpu.vector_load_idx %arg6[%add3A_622, %and3A_884] : memref<1664x32xf32, #tpu.memory_space<vmem>>[vector<16xi32>, vector<16xi32>], vector<16xf32>,
        %add3A_886 = arith.addi %mul3A_571, %scan3A_615 : i32
        %broadcast_in_dim3A_887 = vector.broadcast %add3A_886 : i32 to vector<16xi32>
        %shift_right_logical3A_888 = arith.constant 3 : i32
        %shift_right_logical3A_889 = vector.broadcast %shift_right_logical3A_888 : i32 to vector<16xi32>
        %shift_right_logical3A_890 = arith.shrui %and3A_884, %shift_right_logical3A_889 : vector<16xi32>
        %and3A_891 = arith.constant 7 : i32
        %and3A_892 = vector.broadcast %and3A_891 : i32 to vector<16xi32>
        %and3A_893 = arith.andi %and3A_884, %and3A_892 : vector<16xi32>
        tpu.vector_store_idx %arg7[%broadcast_in_dim3A_887, %shift_right_logical3A_890, %and3A_893, %add3A_625], %gather3A_885 : memref<64x4x8x32xf32, #tpu.memory_space<vmem>>[vector<16xi32>, vector<16xi32>, vector<16xi32>, vector<16xi32>], vector<16xf32>,
        %add3A_894 = arith.constant 18 : i32
        %add3A_895 = vector.broadcast %add3A_894 : i32 to vector<16xi32>
        %add3A_896 = arith.addi %iota3A, %add3A_895 : vector<16xi32>
        %and3A_897 = arith.constant 31 : i32
        %and3A_898 = vector.broadcast %and3A_897 : i32 to vector<16xi32>
        %and3A_899 = arith.andi %add3A_896, %and3A_898 : vector<16xi32>
        %gather3A_900 = tpu.vector_load_idx %arg6[%add3A_622, %and3A_899] : memref<1664x32xf32, #tpu.memory_space<vmem>>[vector<16xi32>, vector<16xi32>], vector<16xf32>,
        %add3A_901 = arith.addi %mul3A_571, %scan3A_615 : i32
        %broadcast_in_dim3A_902 = vector.broadcast %add3A_901 : i32 to vector<16xi32>
        %shift_right_logical3A_903 = arith.constant 3 : i32
        %shift_right_logical3A_904 = vector.broadcast %shift_right_logical3A_903 : i32 to vector<16xi32>
        %shift_right_logical3A_905 = arith.shrui %and3A_899, %shift_right_logical3A_904 : vector<16xi32>
        %and3A_906 = arith.constant 7 : i32
        %and3A_907 = vector.broadcast %and3A_906 : i32 to vector<16xi32>
        %and3A_908 = arith.andi %and3A_899, %and3A_907 : vector<16xi32>
        tpu.vector_store_idx %arg7[%broadcast_in_dim3A_902, %shift_right_logical3A_905, %and3A_908, %add3A_625], %gather3A_900 : memref<64x4x8x32xf32, #tpu.memory_space<vmem>>[vector<16xi32>, vector<16xi32>, vector<16xi32>, vector<16xi32>], vector<16xf32>,
        %add3A_909 = arith.constant 19 : i32
        %add3A_910 = vector.broadcast %add3A_909 : i32 to vector<16xi32>
        %add3A_911 = arith.addi %iota3A, %add3A_910 : vector<16xi32>
        %and3A_912 = arith.constant 31 : i32
        %and3A_913 = vector.broadcast %and3A_912 : i32 to vector<16xi32>
        %and3A_914 = arith.andi %add3A_911, %and3A_913 : vector<16xi32>
        %gather3A_915 = tpu.vector_load_idx %arg6[%add3A_622, %and3A_914] : memref<1664x32xf32, #tpu.memory_space<vmem>>[vector<16xi32>, vector<16xi32>], vector<16xf32>,
        %add3A_916 = arith.addi %mul3A_571, %scan3A_615 : i32
        %broadcast_in_dim3A_917 = vector.broadcast %add3A_916 : i32 to vector<16xi32>
        %shift_right_logical3A_918 = arith.constant 3 : i32
        %shift_right_logical3A_919 = vector.broadcast %shift_right_logical3A_918 : i32 to vector<16xi32>
        %shift_right_logical3A_920 = arith.shrui %and3A_914, %shift_right_logical3A_919 : vector<16xi32>
        %and3A_921 = arith.constant 7 : i32
        %and3A_922 = vector.broadcast %and3A_921 : i32 to vector<16xi32>
        %and3A_923 = arith.andi %and3A_914, %and3A_922 : vector<16xi32>
        tpu.vector_store_idx %arg7[%broadcast_in_dim3A_917, %shift_right_logical3A_920, %and3A_923, %add3A_625], %gather3A_915 : memref<64x4x8x32xf32, #tpu.memory_space<vmem>>[vector<16xi32>, vector<16xi32>, vector<16xi32>, vector<16xi32>], vector<16xf32>,
        %add3A_924 = arith.constant 20 : i32
        %add3A_925 = vector.broadcast %add3A_924 : i32 to vector<16xi32>
        %add3A_926 = arith.addi %iota3A, %add3A_925 : vector<16xi32>
        %and3A_927 = arith.constant 31 : i32
        %and3A_928 = vector.broadcast %and3A_927 : i32 to vector<16xi32>
        %and3A_929 = arith.andi %add3A_926, %and3A_928 : vector<16xi32>
        %gather3A_930 = tpu.vector_load_idx %arg6[%add3A_622, %and3A_929] : memref<1664x32xf32, #tpu.memory_space<vmem>>[vector<16xi32>, vector<16xi32>], vector<16xf32>,
        %add3A_931 = arith.addi %mul3A_571, %scan3A_615 : i32
        %broadcast_in_dim3A_932 = vector.broadcast %add3A_931 : i32 to vector<16xi32>
        %shift_right_logical3A_933 = arith.constant 3 : i32
        %shift_right_logical3A_934 = vector.broadcast %shift_right_logical3A_933 : i32 to vector<16xi32>
        %shift_right_logical3A_935 = arith.shrui %and3A_929, %shift_right_logical3A_934 : vector<16xi32>
        %and3A_936 = arith.constant 7 : i32
        %and3A_937 = vector.broadcast %and3A_936 : i32 to vector<16xi32>
        %and3A_938 = arith.andi %and3A_929, %and3A_937 : vector<16xi32>
        tpu.vector_store_idx %arg7[%broadcast_in_dim3A_932, %shift_right_logical3A_935, %and3A_938, %add3A_625], %gather3A_930 : memref<64x4x8x32xf32, #tpu.memory_space<vmem>>[vector<16xi32>, vector<16xi32>, vector<16xi32>, vector<16xi32>], vector<16xf32>,
        %add3A_939 = arith.constant 21 : i32
        %add3A_940 = vector.broadcast %add3A_939 : i32 to vector<16xi32>
        %add3A_941 = arith.addi %iota3A, %add3A_940 : vector<16xi32>
        %and3A_942 = arith.constant 31 : i32
        %and3A_943 = vector.broadcast %and3A_942 : i32 to vector<16xi32>
        %and3A_944 = arith.andi %add3A_941, %and3A_943 : vector<16xi32>
        %gather3A_945 = tpu.vector_load_idx %arg6[%add3A_622, %and3A_944] : memref<1664x32xf32, #tpu.memory_space<vmem>>[vector<16xi32>, vector<16xi32>], vector<16xf32>,
        %add3A_946 = arith.addi %mul3A_571, %scan3A_615 : i32
        %broadcast_in_dim3A_947 = vector.broadcast %add3A_946 : i32 to vector<16xi32>
        %shift_right_logical3A_948 = arith.constant 3 : i32
        %shift_right_logical3A_949 = vector.broadcast %shift_right_logical3A_948 : i32 to vector<16xi32>
        %shift_right_logical3A_950 = arith.shrui %and3A_944, %shift_right_logical3A_949 : vector<16xi32>
        %and3A_951 = arith.constant 7 : i32
        %and3A_952 = vector.broadcast %and3A_951 : i32 to vector<16xi32>
        %and3A_953 = arith.andi %and3A_944, %and3A_952 : vector<16xi32>
        tpu.vector_store_idx %arg7[%broadcast_in_dim3A_947, %shift_right_logical3A_950, %and3A_953, %add3A_625], %gather3A_945 : memref<64x4x8x32xf32, #tpu.memory_space<vmem>>[vector<16xi32>, vector<16xi32>, vector<16xi32>, vector<16xi32>], vector<16xf32>,
        %add3A_954 = arith.constant 22 : i32
        %add3A_955 = vector.broadcast %add3A_954 : i32 to vector<16xi32>
        %add3A_956 = arith.addi %iota3A, %add3A_955 : vector<16xi32>
        %and3A_957 = arith.constant 31 : i32
        %and3A_958 = vector.broadcast %and3A_957 : i32 to vector<16xi32>
        %and3A_959 = arith.andi %add3A_956, %and3A_958 : vector<16xi32>
        %gather3A_960 = tpu.vector_load_idx %arg6[%add3A_622, %and3A_959] : memref<1664x32xf32, #tpu.memory_space<vmem>>[vector<16xi32>, vector<16xi32>], vector<16xf32>,
        %add3A_961 = arith.addi %mul3A_571, %scan3A_615 : i32
        %broadcast_in_dim3A_962 = vector.broadcast %add3A_961 : i32 to vector<16xi32>
        %shift_right_logical3A_963 = arith.constant 3 : i32
        %shift_right_logical3A_964 = vector.broadcast %shift_right_logical3A_963 : i32 to vector<16xi32>
        %shift_right_logical3A_965 = arith.shrui %and3A_959, %shift_right_logical3A_964 : vector<16xi32>
        %and3A_966 = arith.constant 7 : i32
        %and3A_967 = vector.broadcast %and3A_966 : i32 to vector<16xi32>
        %and3A_968 = arith.andi %and3A_959, %and3A_967 : vector<16xi32>
        tpu.vector_store_idx %arg7[%broadcast_in_dim3A_962, %shift_right_logical3A_965, %and3A_968, %add3A_625], %gather3A_960 : memref<64x4x8x32xf32, #tpu.memory_space<vmem>>[vector<16xi32>, vector<16xi32>, vector<16xi32>, vector<16xi32>], vector<16xf32>,
        %add3A_969 = arith.constant 23 : i32
        %add3A_970 = vector.broadcast %add3A_969 : i32 to vector<16xi32>
        %add3A_971 = arith.addi %iota3A, %add3A_970 : vector<16xi32>
        %and3A_972 = arith.constant 31 : i32
        %and3A_973 = vector.broadcast %and3A_972 : i32 to vector<16xi32>
        %and3A_974 = arith.andi %add3A_971, %and3A_973 : vector<16xi32>
        %gather3A_975 = tpu.vector_load_idx %arg6[%add3A_622, %and3A_974] : memref<1664x32xf32, #tpu.memory_space<vmem>>[vector<16xi32>, vector<16xi32>], vector<16xf32>,
        %add3A_976 = arith.addi %mul3A_571, %scan3A_615 : i32
        %broadcast_in_dim3A_977 = vector.broadcast %add3A_976 : i32 to vector<16xi32>
        %shift_right_logical3A_978 = arith.constant 3 : i32
        %shift_right_logical3A_979 = vector.broadcast %shift_right_logical3A_978 : i32 to vector<16xi32>
        %shift_right_logical3A_980 = arith.shrui %and3A_974, %shift_right_logical3A_979 : vector<16xi32>
        %and3A_981 = arith.constant 7 : i32
        %and3A_982 = vector.broadcast %and3A_981 : i32 to vector<16xi32>
        %and3A_983 = arith.andi %and3A_974, %and3A_982 : vector<16xi32>
        tpu.vector_store_idx %arg7[%broadcast_in_dim3A_977, %shift_right_logical3A_980, %and3A_983, %add3A_625], %gather3A_975 : memref<64x4x8x32xf32, #tpu.memory_space<vmem>>[vector<16xi32>, vector<16xi32>, vector<16xi32>, vector<16xi32>], vector<16xf32>,
        %add3A_984 = arith.constant 24 : i32
        %add3A_985 = vector.broadcast %add3A_984 : i32 to vector<16xi32>
        %add3A_986 = arith.addi %iota3A, %add3A_985 : vector<16xi32>
        %and3A_987 = arith.constant 31 : i32
        %and3A_988 = vector.broadcast %and3A_987 : i32 to vector<16xi32>
        %and3A_989 = arith.andi %add3A_986, %and3A_988 : vector<16xi32>
        %gather3A_990 = tpu.vector_load_idx %arg6[%add3A_622, %and3A_989] : memref<1664x32xf32, #tpu.memory_space<vmem>>[vector<16xi32>, vector<16xi32>], vector<16xf32>,
        %add3A_991 = arith.addi %mul3A_571, %scan3A_615 : i32
        %broadcast_in_dim3A_992 = vector.broadcast %add3A_991 : i32 to vector<16xi32>
        %shift_right_logical3A_993 = arith.constant 3 : i32
        %shift_right_logical3A_994 = vector.broadcast %shift_right_logical3A_993 : i32 to vector<16xi32>
        %shift_right_logical3A_995 = arith.shrui %and3A_989, %shift_right_logical3A_994 : vector<16xi32>
        %and3A_996 = arith.constant 7 : i32
        %and3A_997 = vector.broadcast %and3A_996 : i32 to vector<16xi32>
        %and3A_998 = arith.andi %and3A_989, %and3A_997 : vector<16xi32>
        tpu.vector_store_idx %arg7[%broadcast_in_dim3A_992, %shift_right_logical3A_995, %and3A_998, %add3A_625], %gather3A_990 : memref<64x4x8x32xf32, #tpu.memory_space<vmem>>[vector<16xi32>, vector<16xi32>, vector<16xi32>, vector<16xi32>], vector<16xf32>,
        %add3A_999 = arith.constant 25 : i32
        %add3A_1000 = vector.broadcast %add3A_999 : i32 to vector<16xi32>
        %add3A_1001 = arith.addi %iota3A, %add3A_1000 : vector<16xi32>
        %and3A_1002 = arith.constant 31 : i32
        %and3A_1003 = vector.broadcast %and3A_1002 : i32 to vector<16xi32>
        %and3A_1004 = arith.andi %add3A_1001, %and3A_1003 : vector<16xi32>
        %gather3A_1005 = tpu.vector_load_idx %arg6[%add3A_622, %and3A_1004] : memref<1664x32xf32, #tpu.memory_space<vmem>>[vector<16xi32>, vector<16xi32>], vector<16xf32>,
        %add3A_1006 = arith.addi %mul3A_571, %scan3A_615 : i32
        %broadcast_in_dim3A_1007 = vector.broadcast %add3A_1006 : i32 to vector<16xi32>
        %shift_right_logical3A_1008 = arith.constant 3 : i32
        %shift_right_logical3A_1009 = vector.broadcast %shift_right_logical3A_1008 : i32 to vector<16xi32>
        %shift_right_logical3A_1010 = arith.shrui %and3A_1004, %shift_right_logical3A_1009 : vector<16xi32>
        %and3A_1011 = arith.constant 7 : i32
        %and3A_1012 = vector.broadcast %and3A_1011 : i32 to vector<16xi32>
        %and3A_1013 = arith.andi %and3A_1004, %and3A_1012 : vector<16xi32>
        tpu.vector_store_idx %arg7[%broadcast_in_dim3A_1007, %shift_right_logical3A_1010, %and3A_1013, %add3A_625], %gather3A_1005 : memref<64x4x8x32xf32, #tpu.memory_space<vmem>>[vector<16xi32>, vector<16xi32>, vector<16xi32>, vector<16xi32>], vector<16xf32>,
        %add3A_1014 = arith.constant 26 : i32
        %add3A_1015 = vector.broadcast %add3A_1014 : i32 to vector<16xi32>
        %add3A_1016 = arith.addi %iota3A, %add3A_1015 : vector<16xi32>
        %and3A_1017 = arith.constant 31 : i32
        %and3A_1018 = vector.broadcast %and3A_1017 : i32 to vector<16xi32>
        %and3A_1019 = arith.andi %add3A_1016, %and3A_1018 : vector<16xi32>
        %gather3A_1020 = tpu.vector_load_idx %arg6[%add3A_622, %and3A_1019] : memref<1664x32xf32, #tpu.memory_space<vmem>>[vector<16xi32>, vector<16xi32>], vector<16xf32>,
        %add3A_1021 = arith.addi %mul3A_571, %scan3A_615 : i32
        %broadcast_in_dim3A_1022 = vector.broadcast %add3A_1021 : i32 to vector<16xi32>
        %shift_right_logical3A_1023 = arith.constant 3 : i32
        %shift_right_logical3A_1024 = vector.broadcast %shift_right_logical3A_1023 : i32 to vector<16xi32>
        %shift_right_logical3A_1025 = arith.shrui %and3A_1019, %shift_right_logical3A_1024 : vector<16xi32>
        %and3A_1026 = arith.constant 7 : i32
        %and3A_1027 = vector.broadcast %and3A_1026 : i32 to vector<16xi32>
        %and3A_1028 = arith.andi %and3A_1019, %and3A_1027 : vector<16xi32>
        tpu.vector_store_idx %arg7[%broadcast_in_dim3A_1022, %shift_right_logical3A_1025, %and3A_1028, %add3A_625], %gather3A_1020 : memref<64x4x8x32xf32, #tpu.memory_space<vmem>>[vector<16xi32>, vector<16xi32>, vector<16xi32>, vector<16xi32>], vector<16xf32>,
        %add3A_1029 = arith.constant 27 : i32
        %add3A_1030 = vector.broadcast %add3A_1029 : i32 to vector<16xi32>
        %add3A_1031 = arith.addi %iota3A, %add3A_1030 : vector<16xi32>
        %and3A_1032 = arith.constant 31 : i32
        %and3A_1033 = vector.broadcast %and3A_1032 : i32 to vector<16xi32>
        %and3A_1034 = arith.andi %add3A_1031, %and3A_1033 : vector<16xi32>
        %gather3A_1035 = tpu.vector_load_idx %arg6[%add3A_622, %and3A_1034] : memref<1664x32xf32, #tpu.memory_space<vmem>>[vector<16xi32>, vector<16xi32>], vector<16xf32>,
        %add3A_1036 = arith.addi %mul3A_571, %scan3A_615 : i32
        %broadcast_in_dim3A_1037 = vector.broadcast %add3A_1036 : i32 to vector<16xi32>
        %shift_right_logical3A_1038 = arith.constant 3 : i32
        %shift_right_logical3A_1039 = vector.broadcast %shift_right_logical3A_1038 : i32 to vector<16xi32>
        %shift_right_logical3A_1040 = arith.shrui %and3A_1034, %shift_right_logical3A_1039 : vector<16xi32>
        %and3A_1041 = arith.constant 7 : i32
        %and3A_1042 = vector.broadcast %and3A_1041 : i32 to vector<16xi32>
        %and3A_1043 = arith.andi %and3A_1034, %and3A_1042 : vector<16xi32>
        tpu.vector_store_idx %arg7[%broadcast_in_dim3A_1037, %shift_right_logical3A_1040, %and3A_1043, %add3A_625], %gather3A_1035 : memref<64x4x8x32xf32, #tpu.memory_space<vmem>>[vector<16xi32>, vector<16xi32>, vector<16xi32>, vector<16xi32>], vector<16xf32>,
        %add3A_1044 = arith.constant 28 : i32
        %add3A_1045 = vector.broadcast %add3A_1044 : i32 to vector<16xi32>
        %add3A_1046 = arith.addi %iota3A, %add3A_1045 : vector<16xi32>
        %and3A_1047 = arith.constant 31 : i32
        %and3A_1048 = vector.broadcast %and3A_1047 : i32 to vector<16xi32>
        %and3A_1049 = arith.andi %add3A_1046, %and3A_1048 : vector<16xi32>
        %gather3A_1050 = tpu.vector_load_idx %arg6[%add3A_622, %and3A_1049] : memref<1664x32xf32, #tpu.memory_space<vmem>>[vector<16xi32>, vector<16xi32>], vector<16xf32>,
        %add3A_1051 = arith.addi %mul3A_571, %scan3A_615 : i32
        %broadcast_in_dim3A_1052 = vector.broadcast %add3A_1051 : i32 to vector<16xi32>
        %shift_right_logical3A_1053 = arith.constant 3 : i32
        %shift_right_logical3A_1054 = vector.broadcast %shift_right_logical3A_1053 : i32 to vector<16xi32>
        %shift_right_logical3A_1055 = arith.shrui %and3A_1049, %shift_right_logical3A_1054 : vector<16xi32>
        %and3A_1056 = arith.constant 7 : i32
        %and3A_1057 = vector.broadcast %and3A_1056 : i32 to vector<16xi32>
        %and3A_1058 = arith.andi %and3A_1049, %and3A_1057 : vector<16xi32>
        tpu.vector_store_idx %arg7[%broadcast_in_dim3A_1052, %shift_right_logical3A_1055, %and3A_1058, %add3A_625], %gather3A_1050 : memref<64x4x8x32xf32, #tpu.memory_space<vmem>>[vector<16xi32>, vector<16xi32>, vector<16xi32>, vector<16xi32>], vector<16xf32>,
        %add3A_1059 = arith.constant 29 : i32
        %add3A_1060 = vector.broadcast %add3A_1059 : i32 to vector<16xi32>
        %add3A_1061 = arith.addi %iota3A, %add3A_1060 : vector<16xi32>
        %and3A_1062 = arith.constant 31 : i32
        %and3A_1063 = vector.broadcast %and3A_1062 : i32 to vector<16xi32>
        %and3A_1064 = arith.andi %add3A_1061, %and3A_1063 : vector<16xi32>
        %gather3A_1065 = tpu.vector_load_idx %arg6[%add3A_622, %and3A_1064] : memref<1664x32xf32, #tpu.memory_space<vmem>>[vector<16xi32>, vector<16xi32>], vector<16xf32>,
        %add3A_1066 = arith.addi %mul3A_571, %scan3A_615 : i32
        %broadcast_in_dim3A_1067 = vector.broadcast %add3A_1066 : i32 to vector<16xi32>
        %shift_right_logical3A_1068 = arith.constant 3 : i32
        %shift_right_logical3A_1069 = vector.broadcast %shift_right_logical3A_1068 : i32 to vector<16xi32>
        %shift_right_logical3A_1070 = arith.shrui %and3A_1064, %shift_right_logical3A_1069 : vector<16xi32>
        %and3A_1071 = arith.constant 7 : i32
        %and3A_1072 = vector.broadcast %and3A_1071 : i32 to vector<16xi32>
        %and3A_1073 = arith.andi %and3A_1064, %and3A_1072 : vector<16xi32>
        tpu.vector_store_idx %arg7[%broadcast_in_dim3A_1067, %shift_right_logical3A_1070, %and3A_1073, %add3A_625], %gather3A_1065 : memref<64x4x8x32xf32, #tpu.memory_space<vmem>>[vector<16xi32>, vector<16xi32>, vector<16xi32>, vector<16xi32>], vector<16xf32>,
        %add3A_1074 = arith.constant 30 : i32
        %add3A_1075 = vector.broadcast %add3A_1074 : i32 to vector<16xi32>
        %add3A_1076 = arith.addi %iota3A, %add3A_1075 : vector<16xi32>
        %and3A_1077 = arith.constant 31 : i32
        %and3A_1078 = vector.broadcast %and3A_1077 : i32 to vector<16xi32>
        %and3A_1079 = arith.andi %add3A_1076, %and3A_1078 : vector<16xi32>
        %gather3A_1080 = tpu.vector_load_idx %arg6[%add3A_622, %and3A_1079] : memref<1664x32xf32, #tpu.memory_space<vmem>>[vector<16xi32>, vector<16xi32>], vector<16xf32>,
        %add3A_1081 = arith.addi %mul3A_571, %scan3A_615 : i32
        %broadcast_in_dim3A_1082 = vector.broadcast %add3A_1081 : i32 to vector<16xi32>
        %shift_right_logical3A_1083 = arith.constant 3 : i32
        %shift_right_logical3A_1084 = vector.broadcast %shift_right_logical3A_1083 : i32 to vector<16xi32>
        %shift_right_logical3A_1085 = arith.shrui %and3A_1079, %shift_right_logical3A_1084 : vector<16xi32>
        %and3A_1086 = arith.constant 7 : i32
        %and3A_1087 = vector.broadcast %and3A_1086 : i32 to vector<16xi32>
        %and3A_1088 = arith.andi %and3A_1079, %and3A_1087 : vector<16xi32>
        tpu.vector_store_idx %arg7[%broadcast_in_dim3A_1082, %shift_right_logical3A_1085, %and3A_1088, %add3A_625], %gather3A_1080 : memref<64x4x8x32xf32, #tpu.memory_space<vmem>>[vector<16xi32>, vector<16xi32>, vector<16xi32>, vector<16xi32>], vector<16xf32>,
        %add3A_1089 = arith.constant 31 : i32
        %add3A_1090 = vector.broadcast %add3A_1089 : i32 to vector<16xi32>
        %add3A_1091 = arith.addi %iota3A, %add3A_1090 : vector<16xi32>
        %and3A_1092 = arith.constant 31 : i32
        %and3A_1093 = vector.broadcast %and3A_1092 : i32 to vector<16xi32>
        %and3A_1094 = arith.andi %add3A_1091, %and3A_1093 : vector<16xi32>
        %gather3A_1095 = tpu.vector_load_idx %arg6[%add3A_622, %and3A_1094] : memref<1664x32xf32, #tpu.memory_space<vmem>>[vector<16xi32>, vector<16xi32>], vector<16xf32>,
        %add3A_1096 = arith.addi %mul3A_571, %scan3A_615 : i32
        %broadcast_in_dim3A_1097 = vector.broadcast %add3A_1096 : i32 to vector<16xi32>
        %shift_right_logical3A_1098 = arith.constant 3 : i32
        %shift_right_logical3A_1099 = vector.broadcast %shift_right_logical3A_1098 : i32 to vector<16xi32>
        %shift_right_logical3A_1100 = arith.shrui %and3A_1094, %shift_right_logical3A_1099 : vector<16xi32>
        %and3A_1101 = arith.constant 7 : i32
        %and3A_1102 = vector.broadcast %and3A_1101 : i32 to vector<16xi32>
        %and3A_1103 = arith.andi %and3A_1094, %and3A_1102 : vector<16xi32>
        tpu.vector_store_idx %arg7[%broadcast_in_dim3A_1097, %shift_right_logical3A_1100, %and3A_1103, %add3A_625], %gather3A_1095 : memref<64x4x8x32xf32, #tpu.memory_space<vmem>>[vector<16xi32>, vector<16xi32>, vector<16xi32>, vector<16xi32>], vector<16xf32>,
        %add3A_1104 = arith.constant 16 : i32
        %add3A_1105 = arith.addi %add3A_618, %add3A_1104 : i32
        %add3A_1106 = vector.broadcast %add3A_1105 : i32 to vector<16xi32>
        %add3A_1107 = arith.addi %iota3A, %add3A_1106 : vector<16xi32>
        %add3A_1108 = arith.constant 16 : i32
        %add3A_1109 = vector.broadcast %add3A_1108 : i32 to vector<16xi32>
        %add3A_1110 = arith.addi %iota3A, %add3A_1109 : vector<16xi32>
        %add3A_1111 = arith.constant 0 : i32
        %add3A_1112 = vector.broadcast %add3A_1111 : i32 to vector<16xi32>
        %add3A_1113 = arith.addi %iota3A, %add3A_1112 : vector<16xi32>
        %and3A_1114 = arith.constant 31 : i32
        %and3A_1115 = vector.broadcast %and3A_1114 : i32 to vector<16xi32>
        %and3A_1116 = arith.andi %add3A_1113, %and3A_1115 : vector<16xi32>
        %gather3A_1117 = tpu.vector_load_idx %arg6[%add3A_1107, %and3A_1116] : memref<1664x32xf32, #tpu.memory_space<vmem>>[vector<16xi32>, vector<16xi32>], vector<16xf32>,
        %add3A_1118 = arith.addi %mul3A_571, %scan3A_615 : i32
        %broadcast_in_dim3A_1119 = vector.broadcast %add3A_1118 : i32 to vector<16xi32>
        %shift_right_logical3A_1120 = arith.constant 3 : i32
        %shift_right_logical3A_1121 = vector.broadcast %shift_right_logical3A_1120 : i32 to vector<16xi32>
        %shift_right_logical3A_1122 = arith.shrui %and3A_1116, %shift_right_logical3A_1121 : vector<16xi32>
        %and3A_1123 = arith.constant 7 : i32
        %and3A_1124 = vector.broadcast %and3A_1123 : i32 to vector<16xi32>
        %and3A_1125 = arith.andi %and3A_1116, %and3A_1124 : vector<16xi32>
        tpu.vector_store_idx %arg7[%broadcast_in_dim3A_1119, %shift_right_logical3A_1122, %and3A_1125, %add3A_1110], %gather3A_1117 : memref<64x4x8x32xf32, #tpu.memory_space<vmem>>[vector<16xi32>, vector<16xi32>, vector<16xi32>, vector<16xi32>], vector<16xf32>,
        %add3A_1126 = arith.constant 1 : i32
        %add3A_1127 = vector.broadcast %add3A_1126 : i32 to vector<16xi32>
        %add3A_1128 = arith.addi %iota3A, %add3A_1127 : vector<16xi32>
        %and3A_1129 = arith.constant 31 : i32
        %and3A_1130 = vector.broadcast %and3A_1129 : i32 to vector<16xi32>
        %and3A_1131 = arith.andi %add3A_1128, %and3A_1130 : vector<16xi32>
        %gather3A_1132 = tpu.vector_load_idx %arg6[%add3A_1107, %and3A_1131] : memref<1664x32xf32, #tpu.memory_space<vmem>>[vector<16xi32>, vector<16xi32>], vector<16xf32>,
        %add3A_1133 = arith.addi %mul3A_571, %scan3A_615 : i32
        %broadcast_in_dim3A_1134 = vector.broadcast %add3A_1133 : i32 to vector<16xi32>
        %shift_right_logical3A_1135 = arith.constant 3 : i32
        %shift_right_logical3A_1136 = vector.broadcast %shift_right_logical3A_1135 : i32 to vector<16xi32>
        %shift_right_logical3A_1137 = arith.shrui %and3A_1131, %shift_right_logical3A_1136 : vector<16xi32>
        %and3A_1138 = arith.constant 7 : i32
        %and3A_1139 = vector.broadcast %and3A_1138 : i32 to vector<16xi32>
        %and3A_1140 = arith.andi %and3A_1131, %and3A_1139 : vector<16xi32>
        tpu.vector_store_idx %arg7[%broadcast_in_dim3A_1134, %shift_right_logical3A_1137, %and3A_1140, %add3A_1110], %gather3A_1132 : memref<64x4x8x32xf32, #tpu.memory_space<vmem>>[vector<16xi32>, vector<16xi32>, vector<16xi32>, vector<16xi32>], vector<16xf32>,
        %add3A_1141 = arith.constant 2 : i32
        %add3A_1142 = vector.broadcast %add3A_1141 : i32 to vector<16xi32>
        %add3A_1143 = arith.addi %iota3A, %add3A_1142 : vector<16xi32>
        %and3A_1144 = arith.constant 31 : i32
        %and3A_1145 = vector.broadcast %and3A_1144 : i32 to vector<16xi32>
        %and3A_1146 = arith.andi %add3A_1143, %and3A_1145 : vector<16xi32>
        %gather3A_1147 = tpu.vector_load_idx %arg6[%add3A_1107, %and3A_1146] : memref<1664x32xf32, #tpu.memory_space<vmem>>[vector<16xi32>, vector<16xi32>], vector<16xf32>,
        %add3A_1148 = arith.addi %mul3A_571, %scan3A_615 : i32
        %broadcast_in_dim3A_1149 = vector.broadcast %add3A_1148 : i32 to vector<16xi32>
        %shift_right_logical3A_1150 = arith.constant 3 : i32
        %shift_right_logical3A_1151 = vector.broadcast %shift_right_logical3A_1150 : i32 to vector<16xi32>
        %shift_right_logical3A_1152 = arith.shrui %and3A_1146, %shift_right_logical3A_1151 : vector<16xi32>
        %and3A_1153 = arith.constant 7 : i32
        %and3A_1154 = vector.broadcast %and3A_1153 : i32 to vector<16xi32>
        %and3A_1155 = arith.andi %and3A_1146, %and3A_1154 : vector<16xi32>
        tpu.vector_store_idx %arg7[%broadcast_in_dim3A_1149, %shift_right_logical3A_1152, %and3A_1155, %add3A_1110], %gather3A_1147 : memref<64x4x8x32xf32, #tpu.memory_space<vmem>>[vector<16xi32>, vector<16xi32>, vector<16xi32>, vector<16xi32>], vector<16xf32>,
        %add3A_1156 = arith.constant 3 : i32
        %add3A_1157 = vector.broadcast %add3A_1156 : i32 to vector<16xi32>
        %add3A_1158 = arith.addi %iota3A, %add3A_1157 : vector<16xi32>
        %and3A_1159 = arith.constant 31 : i32
        %and3A_1160 = vector.broadcast %and3A_1159 : i32 to vector<16xi32>
        %and3A_1161 = arith.andi %add3A_1158, %and3A_1160 : vector<16xi32>
        %gather3A_1162 = tpu.vector_load_idx %arg6[%add3A_1107, %and3A_1161] : memref<1664x32xf32, #tpu.memory_space<vmem>>[vector<16xi32>, vector<16xi32>], vector<16xf32>,
        %add3A_1163 = arith.addi %mul3A_571, %scan3A_615 : i32
        %broadcast_in_dim3A_1164 = vector.broadcast %add3A_1163 : i32 to vector<16xi32>
        %shift_right_logical3A_1165 = arith.constant 3 : i32
        %shift_right_logical3A_1166 = vector.broadcast %shift_right_logical3A_1165 : i32 to vector<16xi32>
        %shift_right_logical3A_1167 = arith.shrui %and3A_1161, %shift_right_logical3A_1166 : vector<16xi32>
        %and3A_1168 = arith.constant 7 : i32
        %and3A_1169 = vector.broadcast %and3A_1168 : i32 to vector<16xi32>
        %and3A_1170 = arith.andi %and3A_1161, %and3A_1169 : vector<16xi32>
        tpu.vector_store_idx %arg7[%broadcast_in_dim3A_1164, %shift_right_logical3A_1167, %and3A_1170, %add3A_1110], %gather3A_1162 : memref<64x4x8x32xf32, #tpu.memory_space<vmem>>[vector<16xi32>, vector<16xi32>, vector<16xi32>, vector<16xi32>], vector<16xf32>,
        %add3A_1171 = arith.constant 4 : i32
        %add3A_1172 = vector.broadcast %add3A_1171 : i32 to vector<16xi32>
        %add3A_1173 = arith.addi %iota3A, %add3A_1172 : vector<16xi32>
        %and3A_1174 = arith.constant 31 : i32
        %and3A_1175 = vector.broadcast %and3A_1174 : i32 to vector<16xi32>
        %and3A_1176 = arith.andi %add3A_1173, %and3A_1175 : vector<16xi32>
        %gather3A_1177 = tpu.vector_load_idx %arg6[%add3A_1107, %and3A_1176] : memref<1664x32xf32, #tpu.memory_space<vmem>>[vector<16xi32>, vector<16xi32>], vector<16xf32>,
        %add3A_1178 = arith.addi %mul3A_571, %scan3A_615 : i32
        %broadcast_in_dim3A_1179 = vector.broadcast %add3A_1178 : i32 to vector<16xi32>
        %shift_right_logical3A_1180 = arith.constant 3 : i32
        %shift_right_logical3A_1181 = vector.broadcast %shift_right_logical3A_1180 : i32 to vector<16xi32>
        %shift_right_logical3A_1182 = arith.shrui %and3A_1176, %shift_right_logical3A_1181 : vector<16xi32>
        %and3A_1183 = arith.constant 7 : i32
        %and3A_1184 = vector.broadcast %and3A_1183 : i32 to vector<16xi32>
        %and3A_1185 = arith.andi %and3A_1176, %and3A_1184 : vector<16xi32>
        tpu.vector_store_idx %arg7[%broadcast_in_dim3A_1179, %shift_right_logical3A_1182, %and3A_1185, %add3A_1110], %gather3A_1177 : memref<64x4x8x32xf32, #tpu.memory_space<vmem>>[vector<16xi32>, vector<16xi32>, vector<16xi32>, vector<16xi32>], vector<16xf32>,
        %add3A_1186 = arith.constant 5 : i32
        %add3A_1187 = vector.broadcast %add3A_1186 : i32 to vector<16xi32>
        %add3A_1188 = arith.addi %iota3A, %add3A_1187 : vector<16xi32>
        %and3A_1189 = arith.constant 31 : i32
        %and3A_1190 = vector.broadcast %and3A_1189 : i32 to vector<16xi32>
        %and3A_1191 = arith.andi %add3A_1188, %and3A_1190 : vector<16xi32>
        %gather3A_1192 = tpu.vector_load_idx %arg6[%add3A_1107, %and3A_1191] : memref<1664x32xf32, #tpu.memory_space<vmem>>[vector<16xi32>, vector<16xi32>], vector<16xf32>,
        %add3A_1193 = arith.addi %mul3A_571, %scan3A_615 : i32
        %broadcast_in_dim3A_1194 = vector.broadcast %add3A_1193 : i32 to vector<16xi32>
        %shift_right_logical3A_1195 = arith.constant 3 : i32
        %shift_right_logical3A_1196 = vector.broadcast %shift_right_logical3A_1195 : i32 to vector<16xi32>
        %shift_right_logical3A_1197 = arith.shrui %and3A_1191, %shift_right_logical3A_1196 : vector<16xi32>
        %and3A_1198 = arith.constant 7 : i32
        %and3A_1199 = vector.broadcast %and3A_1198 : i32 to vector<16xi32>
        %and3A_1200 = arith.andi %and3A_1191, %and3A_1199 : vector<16xi32>
        tpu.vector_store_idx %arg7[%broadcast_in_dim3A_1194, %shift_right_logical3A_1197, %and3A_1200, %add3A_1110], %gather3A_1192 : memref<64x4x8x32xf32, #tpu.memory_space<vmem>>[vector<16xi32>, vector<16xi32>, vector<16xi32>, vector<16xi32>], vector<16xf32>,
        %add3A_1201 = arith.constant 6 : i32
        %add3A_1202 = vector.broadcast %add3A_1201 : i32 to vector<16xi32>
        %add3A_1203 = arith.addi %iota3A, %add3A_1202 : vector<16xi32>
        %and3A_1204 = arith.constant 31 : i32
        %and3A_1205 = vector.broadcast %and3A_1204 : i32 to vector<16xi32>
        %and3A_1206 = arith.andi %add3A_1203, %and3A_1205 : vector<16xi32>
        %gather3A_1207 = tpu.vector_load_idx %arg6[%add3A_1107, %and3A_1206] : memref<1664x32xf32, #tpu.memory_space<vmem>>[vector<16xi32>, vector<16xi32>], vector<16xf32>,
        %add3A_1208 = arith.addi %mul3A_571, %scan3A_615 : i32
        %broadcast_in_dim3A_1209 = vector.broadcast %add3A_1208 : i32 to vector<16xi32>
        %shift_right_logical3A_1210 = arith.constant 3 : i32
        %shift_right_logical3A_1211 = vector.broadcast %shift_right_logical3A_1210 : i32 to vector<16xi32>
        %shift_right_logical3A_1212 = arith.shrui %and3A_1206, %shift_right_logical3A_1211 : vector<16xi32>
        %and3A_1213 = arith.constant 7 : i32
        %and3A_1214 = vector.broadcast %and3A_1213 : i32 to vector<16xi32>
        %and3A_1215 = arith.andi %and3A_1206, %and3A_1214 : vector<16xi32>
        tpu.vector_store_idx %arg7[%broadcast_in_dim3A_1209, %shift_right_logical3A_1212, %and3A_1215, %add3A_1110], %gather3A_1207 : memref<64x4x8x32xf32, #tpu.memory_space<vmem>>[vector<16xi32>, vector<16xi32>, vector<16xi32>, vector<16xi32>], vector<16xf32>,
        %add3A_1216 = arith.constant 7 : i32
        %add3A_1217 = vector.broadcast %add3A_1216 : i32 to vector<16xi32>
        %add3A_1218 = arith.addi %iota3A, %add3A_1217 : vector<16xi32>
        %and3A_1219 = arith.constant 31 : i32
        %and3A_1220 = vector.broadcast %and3A_1219 : i32 to vector<16xi32>
        %and3A_1221 = arith.andi %add3A_1218, %and3A_1220 : vector<16xi32>
        %gather3A_1222 = tpu.vector_load_idx %arg6[%add3A_1107, %and3A_1221] : memref<1664x32xf32, #tpu.memory_space<vmem>>[vector<16xi32>, vector<16xi32>], vector<16xf32>,
        %add3A_1223 = arith.addi %mul3A_571, %scan3A_615 : i32
        %broadcast_in_dim3A_1224 = vector.broadcast %add3A_1223 : i32 to vector<16xi32>
        %shift_right_logical3A_1225 = arith.constant 3 : i32
        %shift_right_logical3A_1226 = vector.broadcast %shift_right_logical3A_1225 : i32 to vector<16xi32>
        %shift_right_logical3A_1227 = arith.shrui %and3A_1221, %shift_right_logical3A_1226 : vector<16xi32>
        %and3A_1228 = arith.constant 7 : i32
        %and3A_1229 = vector.broadcast %and3A_1228 : i32 to vector<16xi32>
        %and3A_1230 = arith.andi %and3A_1221, %and3A_1229 : vector<16xi32>
        tpu.vector_store_idx %arg7[%broadcast_in_dim3A_1224, %shift_right_logical3A_1227, %and3A_1230, %add3A_1110], %gather3A_1222 : memref<64x4x8x32xf32, #tpu.memory_space<vmem>>[vector<16xi32>, vector<16xi32>, vector<16xi32>, vector<16xi32>], vector<16xf32>,
        %add3A_1231 = arith.constant 8 : i32
        %add3A_1232 = vector.broadcast %add3A_1231 : i32 to vector<16xi32>
        %add3A_1233 = arith.addi %iota3A, %add3A_1232 : vector<16xi32>
        %and3A_1234 = arith.constant 31 : i32
        %and3A_1235 = vector.broadcast %and3A_1234 : i32 to vector<16xi32>
        %and3A_1236 = arith.andi %add3A_1233, %and3A_1235 : vector<16xi32>
        %gather3A_1237 = tpu.vector_load_idx %arg6[%add3A_1107, %and3A_1236] : memref<1664x32xf32, #tpu.memory_space<vmem>>[vector<16xi32>, vector<16xi32>], vector<16xf32>,
        %add3A_1238 = arith.addi %mul3A_571, %scan3A_615 : i32
        %broadcast_in_dim3A_1239 = vector.broadcast %add3A_1238 : i32 to vector<16xi32>
        %shift_right_logical3A_1240 = arith.constant 3 : i32
        %shift_right_logical3A_1241 = vector.broadcast %shift_right_logical3A_1240 : i32 to vector<16xi32>
        %shift_right_logical3A_1242 = arith.shrui %and3A_1236, %shift_right_logical3A_1241 : vector<16xi32>
        %and3A_1243 = arith.constant 7 : i32
        %and3A_1244 = vector.broadcast %and3A_1243 : i32 to vector<16xi32>
        %and3A_1245 = arith.andi %and3A_1236, %and3A_1244 : vector<16xi32>
        tpu.vector_store_idx %arg7[%broadcast_in_dim3A_1239, %shift_right_logical3A_1242, %and3A_1245, %add3A_1110], %gather3A_1237 : memref<64x4x8x32xf32, #tpu.memory_space<vmem>>[vector<16xi32>, vector<16xi32>, vector<16xi32>, vector<16xi32>], vector<16xf32>,
        %add3A_1246 = arith.constant 9 : i32
        %add3A_1247 = vector.broadcast %add3A_1246 : i32 to vector<16xi32>
        %add3A_1248 = arith.addi %iota3A, %add3A_1247 : vector<16xi32>
        %and3A_1249 = arith.constant 31 : i32
        %and3A_1250 = vector.broadcast %and3A_1249 : i32 to vector<16xi32>
        %and3A_1251 = arith.andi %add3A_1248, %and3A_1250 : vector<16xi32>
        %gather3A_1252 = tpu.vector_load_idx %arg6[%add3A_1107, %and3A_1251] : memref<1664x32xf32, #tpu.memory_space<vmem>>[vector<16xi32>, vector<16xi32>], vector<16xf32>,
        %add3A_1253 = arith.addi %mul3A_571, %scan3A_615 : i32
        %broadcast_in_dim3A_1254 = vector.broadcast %add3A_1253 : i32 to vector<16xi32>
        %shift_right_logical3A_1255 = arith.constant 3 : i32
        %shift_right_logical3A_1256 = vector.broadcast %shift_right_logical3A_1255 : i32 to vector<16xi32>
        %shift_right_logical3A_1257 = arith.shrui %and3A_1251, %shift_right_logical3A_1256 : vector<16xi32>
        %and3A_1258 = arith.constant 7 : i32
        %and3A_1259 = vector.broadcast %and3A_1258 : i32 to vector<16xi32>
        %and3A_1260 = arith.andi %and3A_1251, %and3A_1259 : vector<16xi32>
        tpu.vector_store_idx %arg7[%broadcast_in_dim3A_1254, %shift_right_logical3A_1257, %and3A_1260, %add3A_1110], %gather3A_1252 : memref<64x4x8x32xf32, #tpu.memory_space<vmem>>[vector<16xi32>, vector<16xi32>, vector<16xi32>, vector<16xi32>], vector<16xf32>,
        %add3A_1261 = arith.constant 10 : i32
        %add3A_1262 = vector.broadcast %add3A_1261 : i32 to vector<16xi32>
        %add3A_1263 = arith.addi %iota3A, %add3A_1262 : vector<16xi32>
        %and3A_1264 = arith.constant 31 : i32
        %and3A_1265 = vector.broadcast %and3A_1264 : i32 to vector<16xi32>
        %and3A_1266 = arith.andi %add3A_1263, %and3A_1265 : vector<16xi32>
        %gather3A_1267 = tpu.vector_load_idx %arg6[%add3A_1107, %and3A_1266] : memref<1664x32xf32, #tpu.memory_space<vmem>>[vector<16xi32>, vector<16xi32>], vector<16xf32>,
        %add3A_1268 = arith.addi %mul3A_571, %scan3A_615 : i32
        %broadcast_in_dim3A_1269 = vector.broadcast %add3A_1268 : i32 to vector<16xi32>
        %shift_right_logical3A_1270 = arith.constant 3 : i32
        %shift_right_logical3A_1271 = vector.broadcast %shift_right_logical3A_1270 : i32 to vector<16xi32>
        %shift_right_logical3A_1272 = arith.shrui %and3A_1266, %shift_right_logical3A_1271 : vector<16xi32>
        %and3A_1273 = arith.constant 7 : i32
        %and3A_1274 = vector.broadcast %and3A_1273 : i32 to vector<16xi32>
        %and3A_1275 = arith.andi %and3A_1266, %and3A_1274 : vector<16xi32>
        tpu.vector_store_idx %arg7[%broadcast_in_dim3A_1269, %shift_right_logical3A_1272, %and3A_1275, %add3A_1110], %gather3A_1267 : memref<64x4x8x32xf32, #tpu.memory_space<vmem>>[vector<16xi32>, vector<16xi32>, vector<16xi32>, vector<16xi32>], vector<16xf32>,
        %add3A_1276 = arith.constant 11 : i32
        %add3A_1277 = vector.broadcast %add3A_1276 : i32 to vector<16xi32>
        %add3A_1278 = arith.addi %iota3A, %add3A_1277 : vector<16xi32>
        %and3A_1279 = arith.constant 31 : i32
        %and3A_1280 = vector.broadcast %and3A_1279 : i32 to vector<16xi32>
        %and3A_1281 = arith.andi %add3A_1278, %and3A_1280 : vector<16xi32>
        %gather3A_1282 = tpu.vector_load_idx %arg6[%add3A_1107, %and3A_1281] : memref<1664x32xf32, #tpu.memory_space<vmem>>[vector<16xi32>, vector<16xi32>], vector<16xf32>,
        %add3A_1283 = arith.addi %mul3A_571, %scan3A_615 : i32
        %broadcast_in_dim3A_1284 = vector.broadcast %add3A_1283 : i32 to vector<16xi32>
        %shift_right_logical3A_1285 = arith.constant 3 : i32
        %shift_right_logical3A_1286 = vector.broadcast %shift_right_logical3A_1285 : i32 to vector<16xi32>
        %shift_right_logical3A_1287 = arith.shrui %and3A_1281, %shift_right_logical3A_1286 : vector<16xi32>
        %and3A_1288 = arith.constant 7 : i32
        %and3A_1289 = vector.broadcast %and3A_1288 : i32 to vector<16xi32>
        %and3A_1290 = arith.andi %and3A_1281, %and3A_1289 : vector<16xi32>
        tpu.vector_store_idx %arg7[%broadcast_in_dim3A_1284, %shift_right_logical3A_1287, %and3A_1290, %add3A_1110], %gather3A_1282 : memref<64x4x8x32xf32, #tpu.memory_space<vmem>>[vector<16xi32>, vector<16xi32>, vector<16xi32>, vector<16xi32>], vector<16xf32>,
        %add3A_1291 = arith.constant 12 : i32
        %add3A_1292 = vector.broadcast %add3A_1291 : i32 to vector<16xi32>
        %add3A_1293 = arith.addi %iota3A, %add3A_1292 : vector<16xi32>
        %and3A_1294 = arith.constant 31 : i32
        %and3A_1295 = vector.broadcast %and3A_1294 : i32 to vector<16xi32>
        %and3A_1296 = arith.andi %add3A_1293, %and3A_1295 : vector<16xi32>
        %gather3A_1297 = tpu.vector_load_idx %arg6[%add3A_1107, %and3A_1296] : memref<1664x32xf32, #tpu.memory_space<vmem>>[vector<16xi32>, vector<16xi32>], vector<16xf32>,
        %add3A_1298 = arith.addi %mul3A_571, %scan3A_615 : i32
        %broadcast_in_dim3A_1299 = vector.broadcast %add3A_1298 : i32 to vector<16xi32>
        %shift_right_logical3A_1300 = arith.constant 3 : i32
        %shift_right_logical3A_1301 = vector.broadcast %shift_right_logical3A_1300 : i32 to vector<16xi32>
        %shift_right_logical3A_1302 = arith.shrui %and3A_1296, %shift_right_logical3A_1301 : vector<16xi32>
        %and3A_1303 = arith.constant 7 : i32
        %and3A_1304 = vector.broadcast %and3A_1303 : i32 to vector<16xi32>
        %and3A_1305 = arith.andi %and3A_1296, %and3A_1304 : vector<16xi32>
        tpu.vector_store_idx %arg7[%broadcast_in_dim3A_1299, %shift_right_logical3A_1302, %and3A_1305, %add3A_1110], %gather3A_1297 : memref<64x4x8x32xf32, #tpu.memory_space<vmem>>[vector<16xi32>, vector<16xi32>, vector<16xi32>, vector<16xi32>], vector<16xf32>,
        %add3A_1306 = arith.constant 13 : i32
        %add3A_1307 = vector.broadcast %add3A_1306 : i32 to vector<16xi32>
        %add3A_1308 = arith.addi %iota3A, %add3A_1307 : vector<16xi32>
        %and3A_1309 = arith.constant 31 : i32
        %and3A_1310 = vector.broadcast %and3A_1309 : i32 to vector<16xi32>
        %and3A_1311 = arith.andi %add3A_1308, %and3A_1310 : vector<16xi32>
        %gather3A_1312 = tpu.vector_load_idx %arg6[%add3A_1107, %and3A_1311] : memref<1664x32xf32, #tpu.memory_space<vmem>>[vector<16xi32>, vector<16xi32>], vector<16xf32>,
        %add3A_1313 = arith.addi %mul3A_571, %scan3A_615 : i32
        %broadcast_in_dim3A_1314 = vector.broadcast %add3A_1313 : i32 to vector<16xi32>
        %shift_right_logical3A_1315 = arith.constant 3 : i32
        %shift_right_logical3A_1316 = vector.broadcast %shift_right_logical3A_1315 : i32 to vector<16xi32>
        %shift_right_logical3A_1317 = arith.shrui %and3A_1311, %shift_right_logical3A_1316 : vector<16xi32>
        %and3A_1318 = arith.constant 7 : i32
        %and3A_1319 = vector.broadcast %and3A_1318 : i32 to vector<16xi32>
        %and3A_1320 = arith.andi %and3A_1311, %and3A_1319 : vector<16xi32>
        tpu.vector_store_idx %arg7[%broadcast_in_dim3A_1314, %shift_right_logical3A_1317, %and3A_1320, %add3A_1110], %gather3A_1312 : memref<64x4x8x32xf32, #tpu.memory_space<vmem>>[vector<16xi32>, vector<16xi32>, vector<16xi32>, vector<16xi32>], vector<16xf32>,
        %add3A_1321 = arith.constant 14 : i32
        %add3A_1322 = vector.broadcast %add3A_1321 : i32 to vector<16xi32>
        %add3A_1323 = arith.addi %iota3A, %add3A_1322 : vector<16xi32>
        %and3A_1324 = arith.constant 31 : i32
        %and3A_1325 = vector.broadcast %and3A_1324 : i32 to vector<16xi32>
        %and3A_1326 = arith.andi %add3A_1323, %and3A_1325 : vector<16xi32>
        %gather3A_1327 = tpu.vector_load_idx %arg6[%add3A_1107, %and3A_1326] : memref<1664x32xf32, #tpu.memory_space<vmem>>[vector<16xi32>, vector<16xi32>], vector<16xf32>,
        %add3A_1328 = arith.addi %mul3A_571, %scan3A_615 : i32
        %broadcast_in_dim3A_1329 = vector.broadcast %add3A_1328 : i32 to vector<16xi32>
        %shift_right_logical3A_1330 = arith.constant 3 : i32
        %shift_right_logical3A_1331 = vector.broadcast %shift_right_logical3A_1330 : i32 to vector<16xi32>
        %shift_right_logical3A_1332 = arith.shrui %and3A_1326, %shift_right_logical3A_1331 : vector<16xi32>
        %and3A_1333 = arith.constant 7 : i32
        %and3A_1334 = vector.broadcast %and3A_1333 : i32 to vector<16xi32>
        %and3A_1335 = arith.andi %and3A_1326, %and3A_1334 : vector<16xi32>
        tpu.vector_store_idx %arg7[%broadcast_in_dim3A_1329, %shift_right_logical3A_1332, %and3A_1335, %add3A_1110], %gather3A_1327 : memref<64x4x8x32xf32, #tpu.memory_space<vmem>>[vector<16xi32>, vector<16xi32>, vector<16xi32>, vector<16xi32>], vector<16xf32>,
        %add3A_1336 = arith.constant 15 : i32
        %add3A_1337 = vector.broadcast %add3A_1336 : i32 to vector<16xi32>
        %add3A_1338 = arith.addi %iota3A, %add3A_1337 : vector<16xi32>
        %and3A_1339 = arith.constant 31 : i32
        %and3A_1340 = vector.broadcast %and3A_1339 : i32 to vector<16xi32>
        %and3A_1341 = arith.andi %add3A_1338, %and3A_1340 : vector<16xi32>
        %gather3A_1342 = tpu.vector_load_idx %arg6[%add3A_1107, %and3A_1341] : memref<1664x32xf32, #tpu.memory_space<vmem>>[vector<16xi32>, vector<16xi32>], vector<16xf32>,
        %add3A_1343 = arith.addi %mul3A_571, %scan3A_615 : i32
        %broadcast_in_dim3A_1344 = vector.broadcast %add3A_1343 : i32 to vector<16xi32>
        %shift_right_logical3A_1345 = arith.constant 3 : i32
        %shift_right_logical3A_1346 = vector.broadcast %shift_right_logical3A_1345 : i32 to vector<16xi32>
        %shift_right_logical3A_1347 = arith.shrui %and3A_1341, %shift_right_logical3A_1346 : vector<16xi32>
        %and3A_1348 = arith.constant 7 : i32
        %and3A_1349 = vector.broadcast %and3A_1348 : i32 to vector<16xi32>
        %and3A_1350 = arith.andi %and3A_1341, %and3A_1349 : vector<16xi32>
        tpu.vector_store_idx %arg7[%broadcast_in_dim3A_1344, %shift_right_logical3A_1347, %and3A_1350, %add3A_1110], %gather3A_1342 : memref<64x4x8x32xf32, #tpu.memory_space<vmem>>[vector<16xi32>, vector<16xi32>, vector<16xi32>, vector<16xi32>], vector<16xf32>,
        %add3A_1351 = arith.constant 16 : i32
        %add3A_1352 = vector.broadcast %add3A_1351 : i32 to vector<16xi32>
        %add3A_1353 = arith.addi %iota3A, %add3A_1352 : vector<16xi32>
        %and3A_1354 = arith.constant 31 : i32
        %and3A_1355 = vector.broadcast %and3A_1354 : i32 to vector<16xi32>
        %and3A_1356 = arith.andi %add3A_1353, %and3A_1355 : vector<16xi32>
        %gather3A_1357 = tpu.vector_load_idx %arg6[%add3A_1107, %and3A_1356] : memref<1664x32xf32, #tpu.memory_space<vmem>>[vector<16xi32>, vector<16xi32>], vector<16xf32>,
        %add3A_1358 = arith.addi %mul3A_571, %scan3A_615 : i32
        %broadcast_in_dim3A_1359 = vector.broadcast %add3A_1358 : i32 to vector<16xi32>
        %shift_right_logical3A_1360 = arith.constant 3 : i32
        %shift_right_logical3A_1361 = vector.broadcast %shift_right_logical3A_1360 : i32 to vector<16xi32>
        %shift_right_logical3A_1362 = arith.shrui %and3A_1356, %shift_right_logical3A_1361 : vector<16xi32>
        %and3A_1363 = arith.constant 7 : i32
        %and3A_1364 = vector.broadcast %and3A_1363 : i32 to vector<16xi32>
        %and3A_1365 = arith.andi %and3A_1356, %and3A_1364 : vector<16xi32>
        tpu.vector_store_idx %arg7[%broadcast_in_dim3A_1359, %shift_right_logical3A_1362, %and3A_1365, %add3A_1110], %gather3A_1357 : memref<64x4x8x32xf32, #tpu.memory_space<vmem>>[vector<16xi32>, vector<16xi32>, vector<16xi32>, vector<16xi32>], vector<16xf32>,
        %add3A_1366 = arith.constant 17 : i32
        %add3A_1367 = vector.broadcast %add3A_1366 : i32 to vector<16xi32>
        %add3A_1368 = arith.addi %iota3A, %add3A_1367 : vector<16xi32>
        %and3A_1369 = arith.constant 31 : i32
        %and3A_1370 = vector.broadcast %and3A_1369 : i32 to vector<16xi32>
        %and3A_1371 = arith.andi %add3A_1368, %and3A_1370 : vector<16xi32>
        %gather3A_1372 = tpu.vector_load_idx %arg6[%add3A_1107, %and3A_1371] : memref<1664x32xf32, #tpu.memory_space<vmem>>[vector<16xi32>, vector<16xi32>], vector<16xf32>,
        %add3A_1373 = arith.addi %mul3A_571, %scan3A_615 : i32
        %broadcast_in_dim3A_1374 = vector.broadcast %add3A_1373 : i32 to vector<16xi32>
        %shift_right_logical3A_1375 = arith.constant 3 : i32
        %shift_right_logical3A_1376 = vector.broadcast %shift_right_logical3A_1375 : i32 to vector<16xi32>
        %shift_right_logical3A_1377 = arith.shrui %and3A_1371, %shift_right_logical3A_1376 : vector<16xi32>
        %and3A_1378 = arith.constant 7 : i32
        %and3A_1379 = vector.broadcast %and3A_1378 : i32 to vector<16xi32>
        %and3A_1380 = arith.andi %and3A_1371, %and3A_1379 : vector<16xi32>
        tpu.vector_store_idx %arg7[%broadcast_in_dim3A_1374, %shift_right_logical3A_1377, %and3A_1380, %add3A_1110], %gather3A_1372 : memref<64x4x8x32xf32, #tpu.memory_space<vmem>>[vector<16xi32>, vector<16xi32>, vector<16xi32>, vector<16xi32>], vector<16xf32>,
        %add3A_1381 = arith.constant 18 : i32
        %add3A_1382 = vector.broadcast %add3A_1381 : i32 to vector<16xi32>
        %add3A_1383 = arith.addi %iota3A, %add3A_1382 : vector<16xi32>
        %and3A_1384 = arith.constant 31 : i32
        %and3A_1385 = vector.broadcast %and3A_1384 : i32 to vector<16xi32>
        %and3A_1386 = arith.andi %add3A_1383, %and3A_1385 : vector<16xi32>
        %gather3A_1387 = tpu.vector_load_idx %arg6[%add3A_1107, %and3A_1386] : memref<1664x32xf32, #tpu.memory_space<vmem>>[vector<16xi32>, vector<16xi32>], vector<16xf32>,
        %add3A_1388 = arith.addi %mul3A_571, %scan3A_615 : i32
        %broadcast_in_dim3A_1389 = vector.broadcast %add3A_1388 : i32 to vector<16xi32>
        %shift_right_logical3A_1390 = arith.constant 3 : i32
        %shift_right_logical3A_1391 = vector.broadcast %shift_right_logical3A_1390 : i32 to vector<16xi32>
        %shift_right_logical3A_1392 = arith.shrui %and3A_1386, %shift_right_logical3A_1391 : vector<16xi32>
        %and3A_1393 = arith.constant 7 : i32
        %and3A_1394 = vector.broadcast %and3A_1393 : i32 to vector<16xi32>
        %and3A_1395 = arith.andi %and3A_1386, %and3A_1394 : vector<16xi32>
        tpu.vector_store_idx %arg7[%broadcast_in_dim3A_1389, %shift_right_logical3A_1392, %and3A_1395, %add3A_1110], %gather3A_1387 : memref<64x4x8x32xf32, #tpu.memory_space<vmem>>[vector<16xi32>, vector<16xi32>, vector<16xi32>, vector<16xi32>], vector<16xf32>,
        %add3A_1396 = arith.constant 19 : i32
        %add3A_1397 = vector.broadcast %add3A_1396 : i32 to vector<16xi32>
        %add3A_1398 = arith.addi %iota3A, %add3A_1397 : vector<16xi32>
        %and3A_1399 = arith.constant 31 : i32
        %and3A_1400 = vector.broadcast %and3A_1399 : i32 to vector<16xi32>
        %and3A_1401 = arith.andi %add3A_1398, %and3A_1400 : vector<16xi32>
        %gather3A_1402 = tpu.vector_load_idx %arg6[%add3A_1107, %and3A_1401] : memref<1664x32xf32, #tpu.memory_space<vmem>>[vector<16xi32>, vector<16xi32>], vector<16xf32>,
        %add3A_1403 = arith.addi %mul3A_571, %scan3A_615 : i32
        %broadcast_in_dim3A_1404 = vector.broadcast %add3A_1403 : i32 to vector<16xi32>
        %shift_right_logical3A_1405 = arith.constant 3 : i32
        %shift_right_logical3A_1406 = vector.broadcast %shift_right_logical3A_1405 : i32 to vector<16xi32>
        %shift_right_logical3A_1407 = arith.shrui %and3A_1401, %shift_right_logical3A_1406 : vector<16xi32>
        %and3A_1408 = arith.constant 7 : i32
        %and3A_1409 = vector.broadcast %and3A_1408 : i32 to vector<16xi32>
        %and3A_1410 = arith.andi %and3A_1401, %and3A_1409 : vector<16xi32>
        tpu.vector_store_idx %arg7[%broadcast_in_dim3A_1404, %shift_right_logical3A_1407, %and3A_1410, %add3A_1110], %gather3A_1402 : memref<64x4x8x32xf32, #tpu.memory_space<vmem>>[vector<16xi32>, vector<16xi32>, vector<16xi32>, vector<16xi32>], vector<16xf32>,
        %add3A_1411 = arith.constant 20 : i32
        %add3A_1412 = vector.broadcast %add3A_1411 : i32 to vector<16xi32>
        %add3A_1413 = arith.addi %iota3A, %add3A_1412 : vector<16xi32>
        %and3A_1414 = arith.constant 31 : i32
        %and3A_1415 = vector.broadcast %and3A_1414 : i32 to vector<16xi32>
        %and3A_1416 = arith.andi %add3A_1413, %and3A_1415 : vector<16xi32>
        %gather3A_1417 = tpu.vector_load_idx %arg6[%add3A_1107, %and3A_1416] : memref<1664x32xf32, #tpu.memory_space<vmem>>[vector<16xi32>, vector<16xi32>], vector<16xf32>,
        %add3A_1418 = arith.addi %mul3A_571, %scan3A_615 : i32
        %broadcast_in_dim3A_1419 = vector.broadcast %add3A_1418 : i32 to vector<16xi32>
        %shift_right_logical3A_1420 = arith.constant 3 : i32
        %shift_right_logical3A_1421 = vector.broadcast %shift_right_logical3A_1420 : i32 to vector<16xi32>
        %shift_right_logical3A_1422 = arith.shrui %and3A_1416, %shift_right_logical3A_1421 : vector<16xi32>
        %and3A_1423 = arith.constant 7 : i32
        %and3A_1424 = vector.broadcast %and3A_1423 : i32 to vector<16xi32>
        %and3A_1425 = arith.andi %and3A_1416, %and3A_1424 : vector<16xi32>
        tpu.vector_store_idx %arg7[%broadcast_in_dim3A_1419, %shift_right_logical3A_1422, %and3A_1425, %add3A_1110], %gather3A_1417 : memref<64x4x8x32xf32, #tpu.memory_space<vmem>>[vector<16xi32>, vector<16xi32>, vector<16xi32>, vector<16xi32>], vector<16xf32>,
        %add3A_1426 = arith.constant 21 : i32
        %add3A_1427 = vector.broadcast %add3A_1426 : i32 to vector<16xi32>
        %add3A_1428 = arith.addi %iota3A, %add3A_1427 : vector<16xi32>
        %and3A_1429 = arith.constant 31 : i32
        %and3A_1430 = vector.broadcast %and3A_1429 : i32 to vector<16xi32>
        %and3A_1431 = arith.andi %add3A_1428, %and3A_1430 : vector<16xi32>
        %gather3A_1432 = tpu.vector_load_idx %arg6[%add3A_1107, %and3A_1431] : memref<1664x32xf32, #tpu.memory_space<vmem>>[vector<16xi32>, vector<16xi32>], vector<16xf32>,
        %add3A_1433 = arith.addi %mul3A_571, %scan3A_615 : i32
        %broadcast_in_dim3A_1434 = vector.broadcast %add3A_1433 : i32 to vector<16xi32>
        %shift_right_logical3A_1435 = arith.constant 3 : i32
        %shift_right_logical3A_1436 = vector.broadcast %shift_right_logical3A_1435 : i32 to vector<16xi32>
        %shift_right_logical3A_1437 = arith.shrui %and3A_1431, %shift_right_logical3A_1436 : vector<16xi32>
        %and3A_1438 = arith.constant 7 : i32
        %and3A_1439 = vector.broadcast %and3A_1438 : i32 to vector<16xi32>
        %and3A_1440 = arith.andi %and3A_1431, %and3A_1439 : vector<16xi32>
        tpu.vector_store_idx %arg7[%broadcast_in_dim3A_1434, %shift_right_logical3A_1437, %and3A_1440, %add3A_1110], %gather3A_1432 : memref<64x4x8x32xf32, #tpu.memory_space<vmem>>[vector<16xi32>, vector<16xi32>, vector<16xi32>, vector<16xi32>], vector<16xf32>,
        %add3A_1441 = arith.constant 22 : i32
        %add3A_1442 = vector.broadcast %add3A_1441 : i32 to vector<16xi32>
        %add3A_1443 = arith.addi %iota3A, %add3A_1442 : vector<16xi32>
        %and3A_1444 = arith.constant 31 : i32
        %and3A_1445 = vector.broadcast %and3A_1444 : i32 to vector<16xi32>
        %and3A_1446 = arith.andi %add3A_1443, %and3A_1445 : vector<16xi32>
        %gather3A_1447 = tpu.vector_load_idx %arg6[%add3A_1107, %and3A_1446] : memref<1664x32xf32, #tpu.memory_space<vmem>>[vector<16xi32>, vector<16xi32>], vector<16xf32>,
        %add3A_1448 = arith.addi %mul3A_571, %scan3A_615 : i32
        %broadcast_in_dim3A_1449 = vector.broadcast %add3A_1448 : i32 to vector<16xi32>
        %shift_right_logical3A_1450 = arith.constant 3 : i32
        %shift_right_logical3A_1451 = vector.broadcast %shift_right_logical3A_1450 : i32 to vector<16xi32>
        %shift_right_logical3A_1452 = arith.shrui %and3A_1446, %shift_right_logical3A_1451 : vector<16xi32>
        %and3A_1453 = arith.constant 7 : i32
        %and3A_1454 = vector.broadcast %and3A_1453 : i32 to vector<16xi32>
        %and3A_1455 = arith.andi %and3A_1446, %and3A_1454 : vector<16xi32>
        tpu.vector_store_idx %arg7[%broadcast_in_dim3A_1449, %shift_right_logical3A_1452, %and3A_1455, %add3A_1110], %gather3A_1447 : memref<64x4x8x32xf32, #tpu.memory_space<vmem>>[vector<16xi32>, vector<16xi32>, vector<16xi32>, vector<16xi32>], vector<16xf32>,
        %add3A_1456 = arith.constant 23 : i32
        %add3A_1457 = vector.broadcast %add3A_1456 : i32 to vector<16xi32>
        %add3A_1458 = arith.addi %iota3A, %add3A_1457 : vector<16xi32>
        %and3A_1459 = arith.constant 31 : i32
        %and3A_1460 = vector.broadcast %and3A_1459 : i32 to vector<16xi32>
        %and3A_1461 = arith.andi %add3A_1458, %and3A_1460 : vector<16xi32>
        %gather3A_1462 = tpu.vector_load_idx %arg6[%add3A_1107, %and3A_1461] : memref<1664x32xf32, #tpu.memory_space<vmem>>[vector<16xi32>, vector<16xi32>], vector<16xf32>,
        %add3A_1463 = arith.addi %mul3A_571, %scan3A_615 : i32
        %broadcast_in_dim3A_1464 = vector.broadcast %add3A_1463 : i32 to vector<16xi32>
        %shift_right_logical3A_1465 = arith.constant 3 : i32
        %shift_right_logical3A_1466 = vector.broadcast %shift_right_logical3A_1465 : i32 to vector<16xi32>
        %shift_right_logical3A_1467 = arith.shrui %and3A_1461, %shift_right_logical3A_1466 : vector<16xi32>
        %and3A_1468 = arith.constant 7 : i32
        %and3A_1469 = vector.broadcast %and3A_1468 : i32 to vector<16xi32>
        %and3A_1470 = arith.andi %and3A_1461, %and3A_1469 : vector<16xi32>
        tpu.vector_store_idx %arg7[%broadcast_in_dim3A_1464, %shift_right_logical3A_1467, %and3A_1470, %add3A_1110], %gather3A_1462 : memref<64x4x8x32xf32, #tpu.memory_space<vmem>>[vector<16xi32>, vector<16xi32>, vector<16xi32>, vector<16xi32>], vector<16xf32>,
        %add3A_1471 = arith.constant 24 : i32
        %add3A_1472 = vector.broadcast %add3A_1471 : i32 to vector<16xi32>
        %add3A_1473 = arith.addi %iota3A, %add3A_1472 : vector<16xi32>
        %and3A_1474 = arith.constant 31 : i32
        %and3A_1475 = vector.broadcast %and3A_1474 : i32 to vector<16xi32>
        %and3A_1476 = arith.andi %add3A_1473, %and3A_1475 : vector<16xi32>
        %gather3A_1477 = tpu.vector_load_idx %arg6[%add3A_1107, %and3A_1476] : memref<1664x32xf32, #tpu.memory_space<vmem>>[vector<16xi32>, vector<16xi32>], vector<16xf32>,
        %add3A_1478 = arith.addi %mul3A_571, %scan3A_615 : i32
        %broadcast_in_dim3A_1479 = vector.broadcast %add3A_1478 : i32 to vector<16xi32>
        %shift_right_logical3A_1480 = arith.constant 3 : i32
        %shift_right_logical3A_1481 = vector.broadcast %shift_right_logical3A_1480 : i32 to vector<16xi32>
        %shift_right_logical3A_1482 = arith.shrui %and3A_1476, %shift_right_logical3A_1481 : vector<16xi32>
        %and3A_1483 = arith.constant 7 : i32
        %and3A_1484 = vector.broadcast %and3A_1483 : i32 to vector<16xi32>
        %and3A_1485 = arith.andi %and3A_1476, %and3A_1484 : vector<16xi32>
        tpu.vector_store_idx %arg7[%broadcast_in_dim3A_1479, %shift_right_logical3A_1482, %and3A_1485, %add3A_1110], %gather3A_1477 : memref<64x4x8x32xf32, #tpu.memory_space<vmem>>[vector<16xi32>, vector<16xi32>, vector<16xi32>, vector<16xi32>], vector<16xf32>,
        %add3A_1486 = arith.constant 25 : i32
        %add3A_1487 = vector.broadcast %add3A_1486 : i32 to vector<16xi32>
        %add3A_1488 = arith.addi %iota3A, %add3A_1487 : vector<16xi32>
        %and3A_1489 = arith.constant 31 : i32
        %and3A_1490 = vector.broadcast %and3A_1489 : i32 to vector<16xi32>
        %and3A_1491 = arith.andi %add3A_1488, %and3A_1490 : vector<16xi32>
        %gather3A_1492 = tpu.vector_load_idx %arg6[%add3A_1107, %and3A_1491] : memref<1664x32xf32, #tpu.memory_space<vmem>>[vector<16xi32>, vector<16xi32>], vector<16xf32>,
        %add3A_1493 = arith.addi %mul3A_571, %scan3A_615 : i32
        %broadcast_in_dim3A_1494 = vector.broadcast %add3A_1493 : i32 to vector<16xi32>
        %shift_right_logical3A_1495 = arith.constant 3 : i32
        %shift_right_logical3A_1496 = vector.broadcast %shift_right_logical3A_1495 : i32 to vector<16xi32>
        %shift_right_logical3A_1497 = arith.shrui %and3A_1491, %shift_right_logical3A_1496 : vector<16xi32>
        %and3A_1498 = arith.constant 7 : i32
        %and3A_1499 = vector.broadcast %and3A_1498 : i32 to vector<16xi32>
        %and3A_1500 = arith.andi %and3A_1491, %and3A_1499 : vector<16xi32>
        tpu.vector_store_idx %arg7[%broadcast_in_dim3A_1494, %shift_right_logical3A_1497, %and3A_1500, %add3A_1110], %gather3A_1492 : memref<64x4x8x32xf32, #tpu.memory_space<vmem>>[vector<16xi32>, vector<16xi32>, vector<16xi32>, vector<16xi32>], vector<16xf32>,
        %add3A_1501 = arith.constant 26 : i32
        %add3A_1502 = vector.broadcast %add3A_1501 : i32 to vector<16xi32>
        %add3A_1503 = arith.addi %iota3A, %add3A_1502 : vector<16xi32>
        %and3A_1504 = arith.constant 31 : i32
        %and3A_1505 = vector.broadcast %and3A_1504 : i32 to vector<16xi32>
        %and3A_1506 = arith.andi %add3A_1503, %and3A_1505 : vector<16xi32>
        %gather3A_1507 = tpu.vector_load_idx %arg6[%add3A_1107, %and3A_1506] : memref<1664x32xf32, #tpu.memory_space<vmem>>[vector<16xi32>, vector<16xi32>], vector<16xf32>,
        %add3A_1508 = arith.addi %mul3A_571, %scan3A_615 : i32
        %broadcast_in_dim3A_1509 = vector.broadcast %add3A_1508 : i32 to vector<16xi32>
        %shift_right_logical3A_1510 = arith.constant 3 : i32
        %shift_right_logical3A_1511 = vector.broadcast %shift_right_logical3A_1510 : i32 to vector<16xi32>
        %shift_right_logical3A_1512 = arith.shrui %and3A_1506, %shift_right_logical3A_1511 : vector<16xi32>
        %and3A_1513 = arith.constant 7 : i32
        %and3A_1514 = vector.broadcast %and3A_1513 : i32 to vector<16xi32>
        %and3A_1515 = arith.andi %and3A_1506, %and3A_1514 : vector<16xi32>
        tpu.vector_store_idx %arg7[%broadcast_in_dim3A_1509, %shift_right_logical3A_1512, %and3A_1515, %add3A_1110], %gather3A_1507 : memref<64x4x8x32xf32, #tpu.memory_space<vmem>>[vector<16xi32>, vector<16xi32>, vector<16xi32>, vector<16xi32>], vector<16xf32>,
        %add3A_1516 = arith.constant 27 : i32
        %add3A_1517 = vector.broadcast %add3A_1516 : i32 to vector<16xi32>
        %add3A_1518 = arith.addi %iota3A, %add3A_1517 : vector<16xi32>
        %and3A_1519 = arith.constant 31 : i32
        %and3A_1520 = vector.broadcast %and3A_1519 : i32 to vector<16xi32>
        %and3A_1521 = arith.andi %add3A_1518, %and3A_1520 : vector<16xi32>
        %gather3A_1522 = tpu.vector_load_idx %arg6[%add3A_1107, %and3A_1521] : memref<1664x32xf32, #tpu.memory_space<vmem>>[vector<16xi32>, vector<16xi32>], vector<16xf32>,
        %add3A_1523 = arith.addi %mul3A_571, %scan3A_615 : i32
        %broadcast_in_dim3A_1524 = vector.broadcast %add3A_1523 : i32 to vector<16xi32>
        %shift_right_logical3A_1525 = arith.constant 3 : i32
        %shift_right_logical3A_1526 = vector.broadcast %shift_right_logical3A_1525 : i32 to vector<16xi32>
        %shift_right_logical3A_1527 = arith.shrui %and3A_1521, %shift_right_logical3A_1526 : vector<16xi32>
        %and3A_1528 = arith.constant 7 : i32
        %and3A_1529 = vector.broadcast %and3A_1528 : i32 to vector<16xi32>
        %and3A_1530 = arith.andi %and3A_1521, %and3A_1529 : vector<16xi32>
        tpu.vector_store_idx %arg7[%broadcast_in_dim3A_1524, %shift_right_logical3A_1527, %and3A_1530, %add3A_1110], %gather3A_1522 : memref<64x4x8x32xf32, #tpu.memory_space<vmem>>[vector<16xi32>, vector<16xi32>, vector<16xi32>, vector<16xi32>], vector<16xf32>,
        %add3A_1531 = arith.constant 28 : i32
        %add3A_1532 = vector.broadcast %add3A_1531 : i32 to vector<16xi32>
        %add3A_1533 = arith.addi %iota3A, %add3A_1532 : vector<16xi32>
        %and3A_1534 = arith.constant 31 : i32
        %and3A_1535 = vector.broadcast %and3A_1534 : i32 to vector<16xi32>
        %and3A_1536 = arith.andi %add3A_1533, %and3A_1535 : vector<16xi32>
        %gather3A_1537 = tpu.vector_load_idx %arg6[%add3A_1107, %and3A_1536] : memref<1664x32xf32, #tpu.memory_space<vmem>>[vector<16xi32>, vector<16xi32>], vector<16xf32>,
        %add3A_1538 = arith.addi %mul3A_571, %scan3A_615 : i32
        %broadcast_in_dim3A_1539 = vector.broadcast %add3A_1538 : i32 to vector<16xi32>
        %shift_right_logical3A_1540 = arith.constant 3 : i32
        %shift_right_logical3A_1541 = vector.broadcast %shift_right_logical3A_1540 : i32 to vector<16xi32>
        %shift_right_logical3A_1542 = arith.shrui %and3A_1536, %shift_right_logical3A_1541 : vector<16xi32>
        %and3A_1543 = arith.constant 7 : i32
        %and3A_1544 = vector.broadcast %and3A_1543 : i32 to vector<16xi32>
        %and3A_1545 = arith.andi %and3A_1536, %and3A_1544 : vector<16xi32>
        tpu.vector_store_idx %arg7[%broadcast_in_dim3A_1539, %shift_right_logical3A_1542, %and3A_1545, %add3A_1110], %gather3A_1537 : memref<64x4x8x32xf32, #tpu.memory_space<vmem>>[vector<16xi32>, vector<16xi32>, vector<16xi32>, vector<16xi32>], vector<16xf32>,
        %add3A_1546 = arith.constant 29 : i32
        %add3A_1547 = vector.broadcast %add3A_1546 : i32 to vector<16xi32>
        %add3A_1548 = arith.addi %iota3A, %add3A_1547 : vector<16xi32>
        %and3A_1549 = arith.constant 31 : i32
        %and3A_1550 = vector.broadcast %and3A_1549 : i32 to vector<16xi32>
        %and3A_1551 = arith.andi %add3A_1548, %and3A_1550 : vector<16xi32>
        %gather3A_1552 = tpu.vector_load_idx %arg6[%add3A_1107, %and3A_1551] : memref<1664x32xf32, #tpu.memory_space<vmem>>[vector<16xi32>, vector<16xi32>], vector<16xf32>,
        %add3A_1553 = arith.addi %mul3A_571, %scan3A_615 : i32
        %broadcast_in_dim3A_1554 = vector.broadcast %add3A_1553 : i32 to vector<16xi32>
        %shift_right_logical3A_1555 = arith.constant 3 : i32
        %shift_right_logical3A_1556 = vector.broadcast %shift_right_logical3A_1555 : i32 to vector<16xi32>
        %shift_right_logical3A_1557 = arith.shrui %and3A_1551, %shift_right_logical3A_1556 : vector<16xi32>
        %and3A_1558 = arith.constant 7 : i32
        %and3A_1559 = vector.broadcast %and3A_1558 : i32 to vector<16xi32>
        %and3A_1560 = arith.andi %and3A_1551, %and3A_1559 : vector<16xi32>
        tpu.vector_store_idx %arg7[%broadcast_in_dim3A_1554, %shift_right_logical3A_1557, %and3A_1560, %add3A_1110], %gather3A_1552 : memref<64x4x8x32xf32, #tpu.memory_space<vmem>>[vector<16xi32>, vector<16xi32>, vector<16xi32>, vector<16xi32>], vector<16xf32>,
        %add3A_1561 = arith.constant 30 : i32
        %add3A_1562 = vector.broadcast %add3A_1561 : i32 to vector<16xi32>
        %add3A_1563 = arith.addi %iota3A, %add3A_1562 : vector<16xi32>
        %and3A_1564 = arith.constant 31 : i32
        %and3A_1565 = vector.broadcast %and3A_1564 : i32 to vector<16xi32>
        %and3A_1566 = arith.andi %add3A_1563, %and3A_1565 : vector<16xi32>
        %gather3A_1567 = tpu.vector_load_idx %arg6[%add3A_1107, %and3A_1566] : memref<1664x32xf32, #tpu.memory_space<vmem>>[vector<16xi32>, vector<16xi32>], vector<16xf32>,
        %add3A_1568 = arith.addi %mul3A_571, %scan3A_615 : i32
        %broadcast_in_dim3A_1569 = vector.broadcast %add3A_1568 : i32 to vector<16xi32>
        %shift_right_logical3A_1570 = arith.constant 3 : i32
        %shift_right_logical3A_1571 = vector.broadcast %shift_right_logical3A_1570 : i32 to vector<16xi32>
        %shift_right_logical3A_1572 = arith.shrui %and3A_1566, %shift_right_logical3A_1571 : vector<16xi32>
        %and3A_1573 = arith.constant 7 : i32
        %and3A_1574 = vector.broadcast %and3A_1573 : i32 to vector<16xi32>
        %and3A_1575 = arith.andi %and3A_1566, %and3A_1574 : vector<16xi32>
        tpu.vector_store_idx %arg7[%broadcast_in_dim3A_1569, %shift_right_logical3A_1572, %and3A_1575, %add3A_1110], %gather3A_1567 : memref<64x4x8x32xf32, #tpu.memory_space<vmem>>[vector<16xi32>, vector<16xi32>, vector<16xi32>, vector<16xi32>], vector<16xf32>,
        %add3A_1576 = arith.constant 31 : i32
        %add3A_1577 = vector.broadcast %add3A_1576 : i32 to vector<16xi32>
        %add3A_1578 = arith.addi %iota3A, %add3A_1577 : vector<16xi32>
        %and3A_1579 = arith.constant 31 : i32
        %and3A_1580 = vector.broadcast %and3A_1579 : i32 to vector<16xi32>
        %and3A_1581 = arith.andi %add3A_1578, %and3A_1580 : vector<16xi32>
        %gather3A_1582 = tpu.vector_load_idx %arg6[%add3A_1107, %and3A_1581] : memref<1664x32xf32, #tpu.memory_space<vmem>>[vector<16xi32>, vector<16xi32>], vector<16xf32>,
        %add3A_1583 = arith.addi %mul3A_571, %scan3A_615 : i32
        %broadcast_in_dim3A_1584 = vector.broadcast %add3A_1583 : i32 to vector<16xi32>
        %shift_right_logical3A_1585 = arith.constant 3 : i32
        %shift_right_logical3A_1586 = vector.broadcast %shift_right_logical3A_1585 : i32 to vector<16xi32>
        %shift_right_logical3A_1587 = arith.shrui %and3A_1581, %shift_right_logical3A_1586 : vector<16xi32>
        %and3A_1588 = arith.constant 7 : i32
        %and3A_1589 = vector.broadcast %and3A_1588 : i32 to vector<16xi32>
        %and3A_1590 = arith.andi %and3A_1581, %and3A_1589 : vector<16xi32>
        tpu.vector_store_idx %arg7[%broadcast_in_dim3A_1584, %shift_right_logical3A_1587, %and3A_1590, %add3A_1110], %gather3A_1582 : memref<64x4x8x32xf32, #tpu.memory_space<vmem>>[vector<16xi32>, vector<16xi32>, vector<16xi32>, vector<16xi32>], vector<16xf32>,
      }
      %scan3A_577 = arith.constant 26 : i32
      %and3A_578 = arith.constant 1 : i32
      %and3A_579 = arith.andi %scan3A_544, %and3A_578 : i32
      %mul3A_580 = arith.constant 32 : i32
      %mul3A_581 = arith.muli %and3A_579, %mul3A_580 : i32
      %mul3A_582 = arith.constant 4 : i32
      %mul3A_583 = arith.muli %add3A, %mul3A_582 : i32
      %shift_right_logical3A = arith.constant 2 : i32
      %shift_right_logical3A_584 = arith.shrui %scan3A_544, %shift_right_logical3A : i32
      %add3A_585 = arith.addi %mul3A_583, %shift_right_logical3A_584 : i32
      %and3A_586 = arith.constant 3 : i32
      %and3A_587 = arith.andi %scan3A_544, %and3A_586 : i32
      %mul3A_588 = arith.constant 32 : i32
      %mul3A_589 = arith.muli %and3A_587, %mul3A_588 : i32
      %dma_start3A_590 = arith.constant 0 : i32
      %dma_start3A_591 = arith.constant 0 : i32
      %dma_start3A_592 = arith.constant 0 : i32
      %dma_start3A_593 = tpu.memref_slice %arg7[%mul3A_581, %dma_start3A_590, %dma_start3A_591, %dma_start3A_592] : memref<64x4x8x32xf32, #tpu.memory_space<vmem>> -> memref<26x4x8x32xf32, #tpu.memory_space<vmem>>
      %dma_start3A_594 = arith.constant 0 : i32
      %dma_start3A_595 = arith.constant 0 : i32
      %dma_start3A_596 = arith.constant 0 : i32
      %dma_start3A_597 = tpu.memref_slice %arg4[%dma_start3A_594, %dma_start3A_595, %add3A_585, %dma_start3A_596, %mul3A_589] : memref<26x4x128x8x128xf32, #tpu.memory_space<hbm>> -> memref<26x4x1x8x32xf32, #tpu.memory_space<hbm>>
      %dma_start3A_598 = tpu.memref_squeeze %dma_start3A_597 : memref<26x4x1x8x32xf32, #tpu.memory_space<hbm>> -> memref<26x4x8x32xf32, #tpu.memory_space<hbm>>
      %dma_start3A_599 = arith.constant 0 : i32
      %dma_start3A_600 = arith.constant 0 : i32
      %dma_start3A_601 = arith.constant 0 : i32
      %dma_start3A_602 = tpu.memref_slice %arg4[%dma_start3A_599, %dma_start3A_600, %add3A_585, %dma_start3A_601, %mul3A_589] : memref<26x4x128x8x128xf32, #tpu.memory_space<hbm>> -> memref<26x4x1x8x32xf32, #tpu.memory_space<hbm>>
      %dma_start3A_603 = tpu.memref_squeeze %dma_start3A_602 : memref<26x4x1x8x32xf32, #tpu.memory_space<hbm>> -> memref<26x4x8x32xf32, #tpu.memory_space<hbm>>
      %dma_start3A_604 = arith.constant 0 : i32
      %dma_start3A_605 = arith.constant 0 : i32
      %dma_start3A_606 = arith.constant 0 : i32
      %dma_start3A_607 = tpu.memref_slice %arg7[%mul3A_581, %dma_start3A_604, %dma_start3A_605, %dma_start3A_606] : memref<64x4x8x32xf32, #tpu.memory_space<vmem>> -> memref<26x4x8x32xf32, #tpu.memory_space<vmem>>
      tpu.enqueue_dma source(%dma_start3A_607 : memref<26x4x8x32xf32, #tpu.memory_space<vmem>>) target(%dma_start3A_603 : memref<26x4x8x32xf32, #tpu.memory_space<hbm>>) target_semaphore(%arg10 : memref<!tpu.dma_semaphore, #tpu.memory_space<semaphore_mem>>)
      %add3A_608 = arith.constant 2 : i32
      %add3A_609 = arith.addi %scan3A_544, %add3A_608 : i32
      %lt3A_610 = arith.constant 16 : i32
      %lt3A_611 = arith.cmpi slt, %add3A_609, %lt3A_610 : i32
      %convert_element_type3A_612 = arith.extui %lt3A_611 : i1 to i32
      %cond3A_613 = arith.constant 0 : i32
      %cond3A_614 = arith.cmpi ne, %convert_element_type3A_612, %cond3A_613 : i32
      scf.if %cond3A_614 {
        %add3A_615 = arith.constant 2 : i32
        %add3A_616 = arith.addi %scan3A_544, %add3A_615 : i32
        %and3A_617 = arith.constant 1 : i32
        %and3A_618 = arith.andi %add3A_616, %and3A_617 : i32
        %mul3A_619 = arith.constant 832 : i32
        %mul3A_620 = arith.muli %and3A_618, %mul3A_619 : i32
        %mul3A_621 = arith.constant 32 : i32
        %mul3A_622 = arith.muli %add3A_616, %mul3A_621 : i32
        %add3A_623 = arith.addi %mul3A_2, %mul3A_622 : i32
        %add3A_624 = arith.constant 0 : i32
        %add3A_625 = arith.addi %mul3A_620, %add3A_624 : i32
        %dma_start3A_626 = arith.constant 0 : i32
        %dma_start3A_627 = tpu.memref_slice %arg5[%add3A_625] : memref<1664xi32, #tpu.memory_space<vmem>> -> memref<32xi32, #tpu.memory_space<vmem>>
        %dma_start3A_628 = tpu.memref_slice %arg2[%dma_start3A_626, %add3A_623] : memref<26x16384xi32, #tpu.memory_space<hbm>> -> memref<1x32xi32, #tpu.memory_space<hbm>>
        %dma_start3A_629 = tpu.memref_squeeze %dma_start3A_628 : memref<1x32xi32, #tpu.memory_space<hbm>> -> memref<32xi32, #tpu.memory_space<hbm>>
        %dma_start3A_630 = tpu.memref_slice %arg5[%add3A_625] : memref<1664xi32, #tpu.memory_space<vmem>> -> memref<32xi32, #tpu.memory_space<vmem>>
        %dma_start3A_631 = tpu.memref_slice %arg2[%dma_start3A_626, %add3A_623] : memref<26x16384xi32, #tpu.memory_space<hbm>> -> memref<1x32xi32, #tpu.memory_space<hbm>>
        %dma_start3A_632 = tpu.memref_squeeze %dma_start3A_631 : memref<1x32xi32, #tpu.memory_space<hbm>> -> memref<32xi32, #tpu.memory_space<hbm>>
        tpu.enqueue_dma source(%dma_start3A_632 : memref<32xi32, #tpu.memory_space<hbm>>) target(%dma_start3A_630 : memref<32xi32, #tpu.memory_space<vmem>>) target_semaphore(%arg8 : memref<!tpu.dma_semaphore, #tpu.memory_space<semaphore_mem>>)
        %add3A_633 = arith.constant 32 : i32
        %add3A_634 = arith.addi %mul3A_620, %add3A_633 : i32
        %dma_start3A_635 = arith.constant 1 : i32
        %dma_start3A_636 = tpu.memref_slice %arg5[%add3A_634] : memref<1664xi32, #tpu.memory_space<vmem>> -> memref<32xi32, #tpu.memory_space<vmem>>
        %dma_start3A_637 = tpu.memref_slice %arg2[%dma_start3A_635, %add3A_623] : memref<26x16384xi32, #tpu.memory_space<hbm>> -> memref<1x32xi32, #tpu.memory_space<hbm>>
        %dma_start3A_638 = tpu.memref_squeeze %dma_start3A_637 : memref<1x32xi32, #tpu.memory_space<hbm>> -> memref<32xi32, #tpu.memory_space<hbm>>
        %dma_start3A_639 = tpu.memref_slice %arg5[%add3A_634] : memref<1664xi32, #tpu.memory_space<vmem>> -> memref<32xi32, #tpu.memory_space<vmem>>
        %dma_start3A_640 = tpu.memref_slice %arg2[%dma_start3A_635, %add3A_623] : memref<26x16384xi32, #tpu.memory_space<hbm>> -> memref<1x32xi32, #tpu.memory_space<hbm>>
        %dma_start3A_641 = tpu.memref_squeeze %dma_start3A_640 : memref<1x32xi32, #tpu.memory_space<hbm>> -> memref<32xi32, #tpu.memory_space<hbm>>
        tpu.enqueue_dma source(%dma_start3A_641 : memref<32xi32, #tpu.memory_space<hbm>>) target(%dma_start3A_639 : memref<32xi32, #tpu.memory_space<vmem>>) target_semaphore(%arg8 : memref<!tpu.dma_semaphore, #tpu.memory_space<semaphore_mem>>)
        %add3A_642 = arith.constant 64 : i32
        %add3A_643 = arith.addi %mul3A_620, %add3A_642 : i32
        %dma_start3A_644 = arith.constant 2 : i32
        %dma_start3A_645 = tpu.memref_slice %arg5[%add3A_643] : memref<1664xi32, #tpu.memory_space<vmem>> -> memref<32xi32, #tpu.memory_space<vmem>>
        %dma_start3A_646 = tpu.memref_slice %arg2[%dma_start3A_644, %add3A_623] : memref<26x16384xi32, #tpu.memory_space<hbm>> -> memref<1x32xi32, #tpu.memory_space<hbm>>
        %dma_start3A_647 = tpu.memref_squeeze %dma_start3A_646 : memref<1x32xi32, #tpu.memory_space<hbm>> -> memref<32xi32, #tpu.memory_space<hbm>>
        %dma_start3A_648 = tpu.memref_slice %arg5[%add3A_643] : memref<1664xi32, #tpu.memory_space<vmem>> -> memref<32xi32, #tpu.memory_space<vmem>>
        %dma_start3A_649 = tpu.memref_slice %arg2[%dma_start3A_644, %add3A_623] : memref<26x16384xi32, #tpu.memory_space<hbm>> -> memref<1x32xi32, #tpu.memory_space<hbm>>
        %dma_start3A_650 = tpu.memref_squeeze %dma_start3A_649 : memref<1x32xi32, #tpu.memory_space<hbm>> -> memref<32xi32, #tpu.memory_space<hbm>>
        tpu.enqueue_dma source(%dma_start3A_650 : memref<32xi32, #tpu.memory_space<hbm>>) target(%dma_start3A_648 : memref<32xi32, #tpu.memory_space<vmem>>) target_semaphore(%arg8 : memref<!tpu.dma_semaphore, #tpu.memory_space<semaphore_mem>>)
        %add3A_651 = arith.constant 96 : i32
        %add3A_652 = arith.addi %mul3A_620, %add3A_651 : i32
        %dma_start3A_653 = arith.constant 3 : i32
        %dma_start3A_654 = tpu.memref_slice %arg5[%add3A_652] : memref<1664xi32, #tpu.memory_space<vmem>> -> memref<32xi32, #tpu.memory_space<vmem>>
        %dma_start3A_655 = tpu.memref_slice %arg2[%dma_start3A_653, %add3A_623] : memref<26x16384xi32, #tpu.memory_space<hbm>> -> memref<1x32xi32, #tpu.memory_space<hbm>>
        %dma_start3A_656 = tpu.memref_squeeze %dma_start3A_655 : memref<1x32xi32, #tpu.memory_space<hbm>> -> memref<32xi32, #tpu.memory_space<hbm>>
        %dma_start3A_657 = tpu.memref_slice %arg5[%add3A_652] : memref<1664xi32, #tpu.memory_space<vmem>> -> memref<32xi32, #tpu.memory_space<vmem>>
        %dma_start3A_658 = tpu.memref_slice %arg2[%dma_start3A_653, %add3A_623] : memref<26x16384xi32, #tpu.memory_space<hbm>> -> memref<1x32xi32, #tpu.memory_space<hbm>>
        %dma_start3A_659 = tpu.memref_squeeze %dma_start3A_658 : memref<1x32xi32, #tpu.memory_space<hbm>> -> memref<32xi32, #tpu.memory_space<hbm>>
        tpu.enqueue_dma source(%dma_start3A_659 : memref<32xi32, #tpu.memory_space<hbm>>) target(%dma_start3A_657 : memref<32xi32, #tpu.memory_space<vmem>>) target_semaphore(%arg8 : memref<!tpu.dma_semaphore, #tpu.memory_space<semaphore_mem>>)
        %add3A_660 = arith.constant 128 : i32
        %add3A_661 = arith.addi %mul3A_620, %add3A_660 : i32
        %dma_start3A_662 = arith.constant 4 : i32
        %dma_start3A_663 = tpu.memref_slice %arg5[%add3A_661] : memref<1664xi32, #tpu.memory_space<vmem>> -> memref<32xi32, #tpu.memory_space<vmem>>
        %dma_start3A_664 = tpu.memref_slice %arg2[%dma_start3A_662, %add3A_623] : memref<26x16384xi32, #tpu.memory_space<hbm>> -> memref<1x32xi32, #tpu.memory_space<hbm>>
        %dma_start3A_665 = tpu.memref_squeeze %dma_start3A_664 : memref<1x32xi32, #tpu.memory_space<hbm>> -> memref<32xi32, #tpu.memory_space<hbm>>
        %dma_start3A_666 = tpu.memref_slice %arg5[%add3A_661] : memref<1664xi32, #tpu.memory_space<vmem>> -> memref<32xi32, #tpu.memory_space<vmem>>
        %dma_start3A_667 = tpu.memref_slice %arg2[%dma_start3A_662, %add3A_623] : memref<26x16384xi32, #tpu.memory_space<hbm>> -> memref<1x32xi32, #tpu.memory_space<hbm>>
        %dma_start3A_668 = tpu.memref_squeeze %dma_start3A_667 : memref<1x32xi32, #tpu.memory_space<hbm>> -> memref<32xi32, #tpu.memory_space<hbm>>
        tpu.enqueue_dma source(%dma_start3A_668 : memref<32xi32, #tpu.memory_space<hbm>>) target(%dma_start3A_666 : memref<32xi32, #tpu.memory_space<vmem>>) target_semaphore(%arg8 : memref<!tpu.dma_semaphore, #tpu.memory_space<semaphore_mem>>)
        %add3A_669 = arith.constant 160 : i32
        %add3A_670 = arith.addi %mul3A_620, %add3A_669 : i32
        %dma_start3A_671 = arith.constant 5 : i32
        %dma_start3A_672 = tpu.memref_slice %arg5[%add3A_670] : memref<1664xi32, #tpu.memory_space<vmem>> -> memref<32xi32, #tpu.memory_space<vmem>>
        %dma_start3A_673 = tpu.memref_slice %arg2[%dma_start3A_671, %add3A_623] : memref<26x16384xi32, #tpu.memory_space<hbm>> -> memref<1x32xi32, #tpu.memory_space<hbm>>
        %dma_start3A_674 = tpu.memref_squeeze %dma_start3A_673 : memref<1x32xi32, #tpu.memory_space<hbm>> -> memref<32xi32, #tpu.memory_space<hbm>>
        %dma_start3A_675 = tpu.memref_slice %arg5[%add3A_670] : memref<1664xi32, #tpu.memory_space<vmem>> -> memref<32xi32, #tpu.memory_space<vmem>>
        %dma_start3A_676 = tpu.memref_slice %arg2[%dma_start3A_671, %add3A_623] : memref<26x16384xi32, #tpu.memory_space<hbm>> -> memref<1x32xi32, #tpu.memory_space<hbm>>
        %dma_start3A_677 = tpu.memref_squeeze %dma_start3A_676 : memref<1x32xi32, #tpu.memory_space<hbm>> -> memref<32xi32, #tpu.memory_space<hbm>>
        tpu.enqueue_dma source(%dma_start3A_677 : memref<32xi32, #tpu.memory_space<hbm>>) target(%dma_start3A_675 : memref<32xi32, #tpu.memory_space<vmem>>) target_semaphore(%arg8 : memref<!tpu.dma_semaphore, #tpu.memory_space<semaphore_mem>>)
        %add3A_678 = arith.constant 192 : i32
        %add3A_679 = arith.addi %mul3A_620, %add3A_678 : i32
        %dma_start3A_680 = arith.constant 6 : i32
        %dma_start3A_681 = tpu.memref_slice %arg5[%add3A_679] : memref<1664xi32, #tpu.memory_space<vmem>> -> memref<32xi32, #tpu.memory_space<vmem>>
        %dma_start3A_682 = tpu.memref_slice %arg2[%dma_start3A_680, %add3A_623] : memref<26x16384xi32, #tpu.memory_space<hbm>> -> memref<1x32xi32, #tpu.memory_space<hbm>>
        %dma_start3A_683 = tpu.memref_squeeze %dma_start3A_682 : memref<1x32xi32, #tpu.memory_space<hbm>> -> memref<32xi32, #tpu.memory_space<hbm>>
        %dma_start3A_684 = tpu.memref_slice %arg5[%add3A_679] : memref<1664xi32, #tpu.memory_space<vmem>> -> memref<32xi32, #tpu.memory_space<vmem>>
        %dma_start3A_685 = tpu.memref_slice %arg2[%dma_start3A_680, %add3A_623] : memref<26x16384xi32, #tpu.memory_space<hbm>> -> memref<1x32xi32, #tpu.memory_space<hbm>>
        %dma_start3A_686 = tpu.memref_squeeze %dma_start3A_685 : memref<1x32xi32, #tpu.memory_space<hbm>> -> memref<32xi32, #tpu.memory_space<hbm>>
        tpu.enqueue_dma source(%dma_start3A_686 : memref<32xi32, #tpu.memory_space<hbm>>) target(%dma_start3A_684 : memref<32xi32, #tpu.memory_space<vmem>>) target_semaphore(%arg8 : memref<!tpu.dma_semaphore, #tpu.memory_space<semaphore_mem>>)
        %add3A_687 = arith.constant 224 : i32
        %add3A_688 = arith.addi %mul3A_620, %add3A_687 : i32
        %dma_start3A_689 = arith.constant 7 : i32
        %dma_start3A_690 = tpu.memref_slice %arg5[%add3A_688] : memref<1664xi32, #tpu.memory_space<vmem>> -> memref<32xi32, #tpu.memory_space<vmem>>
        %dma_start3A_691 = tpu.memref_slice %arg2[%dma_start3A_689, %add3A_623] : memref<26x16384xi32, #tpu.memory_space<hbm>> -> memref<1x32xi32, #tpu.memory_space<hbm>>
        %dma_start3A_692 = tpu.memref_squeeze %dma_start3A_691 : memref<1x32xi32, #tpu.memory_space<hbm>> -> memref<32xi32, #tpu.memory_space<hbm>>
        %dma_start3A_693 = tpu.memref_slice %arg5[%add3A_688] : memref<1664xi32, #tpu.memory_space<vmem>> -> memref<32xi32, #tpu.memory_space<vmem>>
        %dma_start3A_694 = tpu.memref_slice %arg2[%dma_start3A_689, %add3A_623] : memref<26x16384xi32, #tpu.memory_space<hbm>> -> memref<1x32xi32, #tpu.memory_space<hbm>>
        %dma_start3A_695 = tpu.memref_squeeze %dma_start3A_694 : memref<1x32xi32, #tpu.memory_space<hbm>> -> memref<32xi32, #tpu.memory_space<hbm>>
        tpu.enqueue_dma source(%dma_start3A_695 : memref<32xi32, #tpu.memory_space<hbm>>) target(%dma_start3A_693 : memref<32xi32, #tpu.memory_space<vmem>>) target_semaphore(%arg8 : memref<!tpu.dma_semaphore, #tpu.memory_space<semaphore_mem>>)
        %add3A_696 = arith.constant 256 : i32
        %add3A_697 = arith.addi %mul3A_620, %add3A_696 : i32
        %dma_start3A_698 = arith.constant 8 : i32
        %dma_start3A_699 = tpu.memref_slice %arg5[%add3A_697] : memref<1664xi32, #tpu.memory_space<vmem>> -> memref<32xi32, #tpu.memory_space<vmem>>
        %dma_start3A_700 = tpu.memref_slice %arg2[%dma_start3A_698, %add3A_623] : memref<26x16384xi32, #tpu.memory_space<hbm>> -> memref<1x32xi32, #tpu.memory_space<hbm>>
        %dma_start3A_701 = tpu.memref_squeeze %dma_start3A_700 : memref<1x32xi32, #tpu.memory_space<hbm>> -> memref<32xi32, #tpu.memory_space<hbm>>
        %dma_start3A_702 = tpu.memref_slice %arg5[%add3A_697] : memref<1664xi32, #tpu.memory_space<vmem>> -> memref<32xi32, #tpu.memory_space<vmem>>
        %dma_start3A_703 = tpu.memref_slice %arg2[%dma_start3A_698, %add3A_623] : memref<26x16384xi32, #tpu.memory_space<hbm>> -> memref<1x32xi32, #tpu.memory_space<hbm>>
        %dma_start3A_704 = tpu.memref_squeeze %dma_start3A_703 : memref<1x32xi32, #tpu.memory_space<hbm>> -> memref<32xi32, #tpu.memory_space<hbm>>
        tpu.enqueue_dma source(%dma_start3A_704 : memref<32xi32, #tpu.memory_space<hbm>>) target(%dma_start3A_702 : memref<32xi32, #tpu.memory_space<vmem>>) target_semaphore(%arg8 : memref<!tpu.dma_semaphore, #tpu.memory_space<semaphore_mem>>)
        %add3A_705 = arith.constant 288 : i32
        %add3A_706 = arith.addi %mul3A_620, %add3A_705 : i32
        %dma_start3A_707 = arith.constant 9 : i32
        %dma_start3A_708 = tpu.memref_slice %arg5[%add3A_706] : memref<1664xi32, #tpu.memory_space<vmem>> -> memref<32xi32, #tpu.memory_space<vmem>>
        %dma_start3A_709 = tpu.memref_slice %arg2[%dma_start3A_707, %add3A_623] : memref<26x16384xi32, #tpu.memory_space<hbm>> -> memref<1x32xi32, #tpu.memory_space<hbm>>
        %dma_start3A_710 = tpu.memref_squeeze %dma_start3A_709 : memref<1x32xi32, #tpu.memory_space<hbm>> -> memref<32xi32, #tpu.memory_space<hbm>>
        %dma_start3A_711 = tpu.memref_slice %arg5[%add3A_706] : memref<1664xi32, #tpu.memory_space<vmem>> -> memref<32xi32, #tpu.memory_space<vmem>>
        %dma_start3A_712 = tpu.memref_slice %arg2[%dma_start3A_707, %add3A_623] : memref<26x16384xi32, #tpu.memory_space<hbm>> -> memref<1x32xi32, #tpu.memory_space<hbm>>
        %dma_start3A_713 = tpu.memref_squeeze %dma_start3A_712 : memref<1x32xi32, #tpu.memory_space<hbm>> -> memref<32xi32, #tpu.memory_space<hbm>>
        tpu.enqueue_dma source(%dma_start3A_713 : memref<32xi32, #tpu.memory_space<hbm>>) target(%dma_start3A_711 : memref<32xi32, #tpu.memory_space<vmem>>) target_semaphore(%arg8 : memref<!tpu.dma_semaphore, #tpu.memory_space<semaphore_mem>>)
        %add3A_714 = arith.constant 320 : i32
        %add3A_715 = arith.addi %mul3A_620, %add3A_714 : i32
        %dma_start3A_716 = arith.constant 10 : i32
        %dma_start3A_717 = tpu.memref_slice %arg5[%add3A_715] : memref<1664xi32, #tpu.memory_space<vmem>> -> memref<32xi32, #tpu.memory_space<vmem>>
        %dma_start3A_718 = tpu.memref_slice %arg2[%dma_start3A_716, %add3A_623] : memref<26x16384xi32, #tpu.memory_space<hbm>> -> memref<1x32xi32, #tpu.memory_space<hbm>>
        %dma_start3A_719 = tpu.memref_squeeze %dma_start3A_718 : memref<1x32xi32, #tpu.memory_space<hbm>> -> memref<32xi32, #tpu.memory_space<hbm>>
        %dma_start3A_720 = tpu.memref_slice %arg5[%add3A_715] : memref<1664xi32, #tpu.memory_space<vmem>> -> memref<32xi32, #tpu.memory_space<vmem>>
        %dma_start3A_721 = tpu.memref_slice %arg2[%dma_start3A_716, %add3A_623] : memref<26x16384xi32, #tpu.memory_space<hbm>> -> memref<1x32xi32, #tpu.memory_space<hbm>>
        %dma_start3A_722 = tpu.memref_squeeze %dma_start3A_721 : memref<1x32xi32, #tpu.memory_space<hbm>> -> memref<32xi32, #tpu.memory_space<hbm>>
        tpu.enqueue_dma source(%dma_start3A_722 : memref<32xi32, #tpu.memory_space<hbm>>) target(%dma_start3A_720 : memref<32xi32, #tpu.memory_space<vmem>>) target_semaphore(%arg8 : memref<!tpu.dma_semaphore, #tpu.memory_space<semaphore_mem>>)
        %add3A_723 = arith.constant 352 : i32
        %add3A_724 = arith.addi %mul3A_620, %add3A_723 : i32
        %dma_start3A_725 = arith.constant 11 : i32
        %dma_start3A_726 = tpu.memref_slice %arg5[%add3A_724] : memref<1664xi32, #tpu.memory_space<vmem>> -> memref<32xi32, #tpu.memory_space<vmem>>
        %dma_start3A_727 = tpu.memref_slice %arg2[%dma_start3A_725, %add3A_623] : memref<26x16384xi32, #tpu.memory_space<hbm>> -> memref<1x32xi32, #tpu.memory_space<hbm>>
        %dma_start3A_728 = tpu.memref_squeeze %dma_start3A_727 : memref<1x32xi32, #tpu.memory_space<hbm>> -> memref<32xi32, #tpu.memory_space<hbm>>
        %dma_start3A_729 = tpu.memref_slice %arg5[%add3A_724] : memref<1664xi32, #tpu.memory_space<vmem>> -> memref<32xi32, #tpu.memory_space<vmem>>
        %dma_start3A_730 = tpu.memref_slice %arg2[%dma_start3A_725, %add3A_623] : memref<26x16384xi32, #tpu.memory_space<hbm>> -> memref<1x32xi32, #tpu.memory_space<hbm>>
        %dma_start3A_731 = tpu.memref_squeeze %dma_start3A_730 : memref<1x32xi32, #tpu.memory_space<hbm>> -> memref<32xi32, #tpu.memory_space<hbm>>
        tpu.enqueue_dma source(%dma_start3A_731 : memref<32xi32, #tpu.memory_space<hbm>>) target(%dma_start3A_729 : memref<32xi32, #tpu.memory_space<vmem>>) target_semaphore(%arg8 : memref<!tpu.dma_semaphore, #tpu.memory_space<semaphore_mem>>)
        %add3A_732 = arith.constant 384 : i32
        %add3A_733 = arith.addi %mul3A_620, %add3A_732 : i32
        %dma_start3A_734 = arith.constant 12 : i32
        %dma_start3A_735 = tpu.memref_slice %arg5[%add3A_733] : memref<1664xi32, #tpu.memory_space<vmem>> -> memref<32xi32, #tpu.memory_space<vmem>>
        %dma_start3A_736 = tpu.memref_slice %arg2[%dma_start3A_734, %add3A_623] : memref<26x16384xi32, #tpu.memory_space<hbm>> -> memref<1x32xi32, #tpu.memory_space<hbm>>
        %dma_start3A_737 = tpu.memref_squeeze %dma_start3A_736 : memref<1x32xi32, #tpu.memory_space<hbm>> -> memref<32xi32, #tpu.memory_space<hbm>>
        %dma_start3A_738 = tpu.memref_slice %arg5[%add3A_733] : memref<1664xi32, #tpu.memory_space<vmem>> -> memref<32xi32, #tpu.memory_space<vmem>>
        %dma_start3A_739 = tpu.memref_slice %arg2[%dma_start3A_734, %add3A_623] : memref<26x16384xi32, #tpu.memory_space<hbm>> -> memref<1x32xi32, #tpu.memory_space<hbm>>
        %dma_start3A_740 = tpu.memref_squeeze %dma_start3A_739 : memref<1x32xi32, #tpu.memory_space<hbm>> -> memref<32xi32, #tpu.memory_space<hbm>>
        tpu.enqueue_dma source(%dma_start3A_740 : memref<32xi32, #tpu.memory_space<hbm>>) target(%dma_start3A_738 : memref<32xi32, #tpu.memory_space<vmem>>) target_semaphore(%arg8 : memref<!tpu.dma_semaphore, #tpu.memory_space<semaphore_mem>>)
        %add3A_741 = arith.constant 416 : i32
        %add3A_742 = arith.addi %mul3A_620, %add3A_741 : i32
        %dma_start3A_743 = arith.constant 13 : i32
        %dma_start3A_744 = tpu.memref_slice %arg5[%add3A_742] : memref<1664xi32, #tpu.memory_space<vmem>> -> memref<32xi32, #tpu.memory_space<vmem>>
        %dma_start3A_745 = tpu.memref_slice %arg2[%dma_start3A_743, %add3A_623] : memref<26x16384xi32, #tpu.memory_space<hbm>> -> memref<1x32xi32, #tpu.memory_space<hbm>>
        %dma_start3A_746 = tpu.memref_squeeze %dma_start3A_745 : memref<1x32xi32, #tpu.memory_space<hbm>> -> memref<32xi32, #tpu.memory_space<hbm>>
        %dma_start3A_747 = tpu.memref_slice %arg5[%add3A_742] : memref<1664xi32, #tpu.memory_space<vmem>> -> memref<32xi32, #tpu.memory_space<vmem>>
        %dma_start3A_748 = tpu.memref_slice %arg2[%dma_start3A_743, %add3A_623] : memref<26x16384xi32, #tpu.memory_space<hbm>> -> memref<1x32xi32, #tpu.memory_space<hbm>>
        %dma_start3A_749 = tpu.memref_squeeze %dma_start3A_748 : memref<1x32xi32, #tpu.memory_space<hbm>> -> memref<32xi32, #tpu.memory_space<hbm>>
        tpu.enqueue_dma source(%dma_start3A_749 : memref<32xi32, #tpu.memory_space<hbm>>) target(%dma_start3A_747 : memref<32xi32, #tpu.memory_space<vmem>>) target_semaphore(%arg8 : memref<!tpu.dma_semaphore, #tpu.memory_space<semaphore_mem>>)
        %add3A_750 = arith.constant 448 : i32
        %add3A_751 = arith.addi %mul3A_620, %add3A_750 : i32
        %dma_start3A_752 = arith.constant 14 : i32
        %dma_start3A_753 = tpu.memref_slice %arg5[%add3A_751] : memref<1664xi32, #tpu.memory_space<vmem>> -> memref<32xi32, #tpu.memory_space<vmem>>
        %dma_start3A_754 = tpu.memref_slice %arg2[%dma_start3A_752, %add3A_623] : memref<26x16384xi32, #tpu.memory_space<hbm>> -> memref<1x32xi32, #tpu.memory_space<hbm>>
        %dma_start3A_755 = tpu.memref_squeeze %dma_start3A_754 : memref<1x32xi32, #tpu.memory_space<hbm>> -> memref<32xi32, #tpu.memory_space<hbm>>
        %dma_start3A_756 = tpu.memref_slice %arg5[%add3A_751] : memref<1664xi32, #tpu.memory_space<vmem>> -> memref<32xi32, #tpu.memory_space<vmem>>
        %dma_start3A_757 = tpu.memref_slice %arg2[%dma_start3A_752, %add3A_623] : memref<26x16384xi32, #tpu.memory_space<hbm>> -> memref<1x32xi32, #tpu.memory_space<hbm>>
        %dma_start3A_758 = tpu.memref_squeeze %dma_start3A_757 : memref<1x32xi32, #tpu.memory_space<hbm>> -> memref<32xi32, #tpu.memory_space<hbm>>
        tpu.enqueue_dma source(%dma_start3A_758 : memref<32xi32, #tpu.memory_space<hbm>>) target(%dma_start3A_756 : memref<32xi32, #tpu.memory_space<vmem>>) target_semaphore(%arg8 : memref<!tpu.dma_semaphore, #tpu.memory_space<semaphore_mem>>)
        %add3A_759 = arith.constant 480 : i32
        %add3A_760 = arith.addi %mul3A_620, %add3A_759 : i32
        %dma_start3A_761 = arith.constant 15 : i32
        %dma_start3A_762 = tpu.memref_slice %arg5[%add3A_760] : memref<1664xi32, #tpu.memory_space<vmem>> -> memref<32xi32, #tpu.memory_space<vmem>>
        %dma_start3A_763 = tpu.memref_slice %arg2[%dma_start3A_761, %add3A_623] : memref<26x16384xi32, #tpu.memory_space<hbm>> -> memref<1x32xi32, #tpu.memory_space<hbm>>
        %dma_start3A_764 = tpu.memref_squeeze %dma_start3A_763 : memref<1x32xi32, #tpu.memory_space<hbm>> -> memref<32xi32, #tpu.memory_space<hbm>>
        %dma_start3A_765 = tpu.memref_slice %arg5[%add3A_760] : memref<1664xi32, #tpu.memory_space<vmem>> -> memref<32xi32, #tpu.memory_space<vmem>>
        %dma_start3A_766 = tpu.memref_slice %arg2[%dma_start3A_761, %add3A_623] : memref<26x16384xi32, #tpu.memory_space<hbm>> -> memref<1x32xi32, #tpu.memory_space<hbm>>
        %dma_start3A_767 = tpu.memref_squeeze %dma_start3A_766 : memref<1x32xi32, #tpu.memory_space<hbm>> -> memref<32xi32, #tpu.memory_space<hbm>>
        tpu.enqueue_dma source(%dma_start3A_767 : memref<32xi32, #tpu.memory_space<hbm>>) target(%dma_start3A_765 : memref<32xi32, #tpu.memory_space<vmem>>) target_semaphore(%arg8 : memref<!tpu.dma_semaphore, #tpu.memory_space<semaphore_mem>>)
        %add3A_768 = arith.constant 512 : i32
        %add3A_769 = arith.addi %mul3A_620, %add3A_768 : i32
        %dma_start3A_770 = arith.constant 16 : i32
        %dma_start3A_771 = tpu.memref_slice %arg5[%add3A_769] : memref<1664xi32, #tpu.memory_space<vmem>> -> memref<32xi32, #tpu.memory_space<vmem>>
        %dma_start3A_772 = tpu.memref_slice %arg2[%dma_start3A_770, %add3A_623] : memref<26x16384xi32, #tpu.memory_space<hbm>> -> memref<1x32xi32, #tpu.memory_space<hbm>>
        %dma_start3A_773 = tpu.memref_squeeze %dma_start3A_772 : memref<1x32xi32, #tpu.memory_space<hbm>> -> memref<32xi32, #tpu.memory_space<hbm>>
        %dma_start3A_774 = tpu.memref_slice %arg5[%add3A_769] : memref<1664xi32, #tpu.memory_space<vmem>> -> memref<32xi32, #tpu.memory_space<vmem>>
        %dma_start3A_775 = tpu.memref_slice %arg2[%dma_start3A_770, %add3A_623] : memref<26x16384xi32, #tpu.memory_space<hbm>> -> memref<1x32xi32, #tpu.memory_space<hbm>>
        %dma_start3A_776 = tpu.memref_squeeze %dma_start3A_775 : memref<1x32xi32, #tpu.memory_space<hbm>> -> memref<32xi32, #tpu.memory_space<hbm>>
        tpu.enqueue_dma source(%dma_start3A_776 : memref<32xi32, #tpu.memory_space<hbm>>) target(%dma_start3A_774 : memref<32xi32, #tpu.memory_space<vmem>>) target_semaphore(%arg8 : memref<!tpu.dma_semaphore, #tpu.memory_space<semaphore_mem>>)
        %add3A_777 = arith.constant 544 : i32
        %add3A_778 = arith.addi %mul3A_620, %add3A_777 : i32
        %dma_start3A_779 = arith.constant 17 : i32
        %dma_start3A_780 = tpu.memref_slice %arg5[%add3A_778] : memref<1664xi32, #tpu.memory_space<vmem>> -> memref<32xi32, #tpu.memory_space<vmem>>
        %dma_start3A_781 = tpu.memref_slice %arg2[%dma_start3A_779, %add3A_623] : memref<26x16384xi32, #tpu.memory_space<hbm>> -> memref<1x32xi32, #tpu.memory_space<hbm>>
        %dma_start3A_782 = tpu.memref_squeeze %dma_start3A_781 : memref<1x32xi32, #tpu.memory_space<hbm>> -> memref<32xi32, #tpu.memory_space<hbm>>
        %dma_start3A_783 = tpu.memref_slice %arg5[%add3A_778] : memref<1664xi32, #tpu.memory_space<vmem>> -> memref<32xi32, #tpu.memory_space<vmem>>
        %dma_start3A_784 = tpu.memref_slice %arg2[%dma_start3A_779, %add3A_623] : memref<26x16384xi32, #tpu.memory_space<hbm>> -> memref<1x32xi32, #tpu.memory_space<hbm>>
        %dma_start3A_785 = tpu.memref_squeeze %dma_start3A_784 : memref<1x32xi32, #tpu.memory_space<hbm>> -> memref<32xi32, #tpu.memory_space<hbm>>
        tpu.enqueue_dma source(%dma_start3A_785 : memref<32xi32, #tpu.memory_space<hbm>>) target(%dma_start3A_783 : memref<32xi32, #tpu.memory_space<vmem>>) target_semaphore(%arg8 : memref<!tpu.dma_semaphore, #tpu.memory_space<semaphore_mem>>)
        %add3A_786 = arith.constant 576 : i32
        %add3A_787 = arith.addi %mul3A_620, %add3A_786 : i32
        %dma_start3A_788 = arith.constant 18 : i32
        %dma_start3A_789 = tpu.memref_slice %arg5[%add3A_787] : memref<1664xi32, #tpu.memory_space<vmem>> -> memref<32xi32, #tpu.memory_space<vmem>>
        %dma_start3A_790 = tpu.memref_slice %arg2[%dma_start3A_788, %add3A_623] : memref<26x16384xi32, #tpu.memory_space<hbm>> -> memref<1x32xi32, #tpu.memory_space<hbm>>
        %dma_start3A_791 = tpu.memref_squeeze %dma_start3A_790 : memref<1x32xi32, #tpu.memory_space<hbm>> -> memref<32xi32, #tpu.memory_space<hbm>>
        %dma_start3A_792 = tpu.memref_slice %arg5[%add3A_787] : memref<1664xi32, #tpu.memory_space<vmem>> -> memref<32xi32, #tpu.memory_space<vmem>>
        %dma_start3A_793 = tpu.memref_slice %arg2[%dma_start3A_788, %add3A_623] : memref<26x16384xi32, #tpu.memory_space<hbm>> -> memref<1x32xi32, #tpu.memory_space<hbm>>
        %dma_start3A_794 = tpu.memref_squeeze %dma_start3A_793 : memref<1x32xi32, #tpu.memory_space<hbm>> -> memref<32xi32, #tpu.memory_space<hbm>>
        tpu.enqueue_dma source(%dma_start3A_794 : memref<32xi32, #tpu.memory_space<hbm>>) target(%dma_start3A_792 : memref<32xi32, #tpu.memory_space<vmem>>) target_semaphore(%arg8 : memref<!tpu.dma_semaphore, #tpu.memory_space<semaphore_mem>>)
        %add3A_795 = arith.constant 608 : i32
        %add3A_796 = arith.addi %mul3A_620, %add3A_795 : i32
        %dma_start3A_797 = arith.constant 19 : i32
        %dma_start3A_798 = tpu.memref_slice %arg5[%add3A_796] : memref<1664xi32, #tpu.memory_space<vmem>> -> memref<32xi32, #tpu.memory_space<vmem>>
        %dma_start3A_799 = tpu.memref_slice %arg2[%dma_start3A_797, %add3A_623] : memref<26x16384xi32, #tpu.memory_space<hbm>> -> memref<1x32xi32, #tpu.memory_space<hbm>>
        %dma_start3A_800 = tpu.memref_squeeze %dma_start3A_799 : memref<1x32xi32, #tpu.memory_space<hbm>> -> memref<32xi32, #tpu.memory_space<hbm>>
        %dma_start3A_801 = tpu.memref_slice %arg5[%add3A_796] : memref<1664xi32, #tpu.memory_space<vmem>> -> memref<32xi32, #tpu.memory_space<vmem>>
        %dma_start3A_802 = tpu.memref_slice %arg2[%dma_start3A_797, %add3A_623] : memref<26x16384xi32, #tpu.memory_space<hbm>> -> memref<1x32xi32, #tpu.memory_space<hbm>>
        %dma_start3A_803 = tpu.memref_squeeze %dma_start3A_802 : memref<1x32xi32, #tpu.memory_space<hbm>> -> memref<32xi32, #tpu.memory_space<hbm>>
        tpu.enqueue_dma source(%dma_start3A_803 : memref<32xi32, #tpu.memory_space<hbm>>) target(%dma_start3A_801 : memref<32xi32, #tpu.memory_space<vmem>>) target_semaphore(%arg8 : memref<!tpu.dma_semaphore, #tpu.memory_space<semaphore_mem>>)
        %add3A_804 = arith.constant 640 : i32
        %add3A_805 = arith.addi %mul3A_620, %add3A_804 : i32
        %dma_start3A_806 = arith.constant 20 : i32
        %dma_start3A_807 = tpu.memref_slice %arg5[%add3A_805] : memref<1664xi32, #tpu.memory_space<vmem>> -> memref<32xi32, #tpu.memory_space<vmem>>
        %dma_start3A_808 = tpu.memref_slice %arg2[%dma_start3A_806, %add3A_623] : memref<26x16384xi32, #tpu.memory_space<hbm>> -> memref<1x32xi32, #tpu.memory_space<hbm>>
        %dma_start3A_809 = tpu.memref_squeeze %dma_start3A_808 : memref<1x32xi32, #tpu.memory_space<hbm>> -> memref<32xi32, #tpu.memory_space<hbm>>
        %dma_start3A_810 = tpu.memref_slice %arg5[%add3A_805] : memref<1664xi32, #tpu.memory_space<vmem>> -> memref<32xi32, #tpu.memory_space<vmem>>
        %dma_start3A_811 = tpu.memref_slice %arg2[%dma_start3A_806, %add3A_623] : memref<26x16384xi32, #tpu.memory_space<hbm>> -> memref<1x32xi32, #tpu.memory_space<hbm>>
        %dma_start3A_812 = tpu.memref_squeeze %dma_start3A_811 : memref<1x32xi32, #tpu.memory_space<hbm>> -> memref<32xi32, #tpu.memory_space<hbm>>
        tpu.enqueue_dma source(%dma_start3A_812 : memref<32xi32, #tpu.memory_space<hbm>>) target(%dma_start3A_810 : memref<32xi32, #tpu.memory_space<vmem>>) target_semaphore(%arg8 : memref<!tpu.dma_semaphore, #tpu.memory_space<semaphore_mem>>)
        %add3A_813 = arith.constant 672 : i32
        %add3A_814 = arith.addi %mul3A_620, %add3A_813 : i32
        %dma_start3A_815 = arith.constant 21 : i32
        %dma_start3A_816 = tpu.memref_slice %arg5[%add3A_814] : memref<1664xi32, #tpu.memory_space<vmem>> -> memref<32xi32, #tpu.memory_space<vmem>>
        %dma_start3A_817 = tpu.memref_slice %arg2[%dma_start3A_815, %add3A_623] : memref<26x16384xi32, #tpu.memory_space<hbm>> -> memref<1x32xi32, #tpu.memory_space<hbm>>
        %dma_start3A_818 = tpu.memref_squeeze %dma_start3A_817 : memref<1x32xi32, #tpu.memory_space<hbm>> -> memref<32xi32, #tpu.memory_space<hbm>>
        %dma_start3A_819 = tpu.memref_slice %arg5[%add3A_814] : memref<1664xi32, #tpu.memory_space<vmem>> -> memref<32xi32, #tpu.memory_space<vmem>>
        %dma_start3A_820 = tpu.memref_slice %arg2[%dma_start3A_815, %add3A_623] : memref<26x16384xi32, #tpu.memory_space<hbm>> -> memref<1x32xi32, #tpu.memory_space<hbm>>
        %dma_start3A_821 = tpu.memref_squeeze %dma_start3A_820 : memref<1x32xi32, #tpu.memory_space<hbm>> -> memref<32xi32, #tpu.memory_space<hbm>>
        tpu.enqueue_dma source(%dma_start3A_821 : memref<32xi32, #tpu.memory_space<hbm>>) target(%dma_start3A_819 : memref<32xi32, #tpu.memory_space<vmem>>) target_semaphore(%arg8 : memref<!tpu.dma_semaphore, #tpu.memory_space<semaphore_mem>>)
        %add3A_822 = arith.constant 704 : i32
        %add3A_823 = arith.addi %mul3A_620, %add3A_822 : i32
        %dma_start3A_824 = arith.constant 22 : i32
        %dma_start3A_825 = tpu.memref_slice %arg5[%add3A_823] : memref<1664xi32, #tpu.memory_space<vmem>> -> memref<32xi32, #tpu.memory_space<vmem>>
        %dma_start3A_826 = tpu.memref_slice %arg2[%dma_start3A_824, %add3A_623] : memref<26x16384xi32, #tpu.memory_space<hbm>> -> memref<1x32xi32, #tpu.memory_space<hbm>>
        %dma_start3A_827 = tpu.memref_squeeze %dma_start3A_826 : memref<1x32xi32, #tpu.memory_space<hbm>> -> memref<32xi32, #tpu.memory_space<hbm>>
        %dma_start3A_828 = tpu.memref_slice %arg5[%add3A_823] : memref<1664xi32, #tpu.memory_space<vmem>> -> memref<32xi32, #tpu.memory_space<vmem>>
        %dma_start3A_829 = tpu.memref_slice %arg2[%dma_start3A_824, %add3A_623] : memref<26x16384xi32, #tpu.memory_space<hbm>> -> memref<1x32xi32, #tpu.memory_space<hbm>>
        %dma_start3A_830 = tpu.memref_squeeze %dma_start3A_829 : memref<1x32xi32, #tpu.memory_space<hbm>> -> memref<32xi32, #tpu.memory_space<hbm>>
        tpu.enqueue_dma source(%dma_start3A_830 : memref<32xi32, #tpu.memory_space<hbm>>) target(%dma_start3A_828 : memref<32xi32, #tpu.memory_space<vmem>>) target_semaphore(%arg8 : memref<!tpu.dma_semaphore, #tpu.memory_space<semaphore_mem>>)
        %add3A_831 = arith.constant 736 : i32
        %add3A_832 = arith.addi %mul3A_620, %add3A_831 : i32
        %dma_start3A_833 = arith.constant 23 : i32
        %dma_start3A_834 = tpu.memref_slice %arg5[%add3A_832] : memref<1664xi32, #tpu.memory_space<vmem>> -> memref<32xi32, #tpu.memory_space<vmem>>
        %dma_start3A_835 = tpu.memref_slice %arg2[%dma_start3A_833, %add3A_623] : memref<26x16384xi32, #tpu.memory_space<hbm>> -> memref<1x32xi32, #tpu.memory_space<hbm>>
        %dma_start3A_836 = tpu.memref_squeeze %dma_start3A_835 : memref<1x32xi32, #tpu.memory_space<hbm>> -> memref<32xi32, #tpu.memory_space<hbm>>
        %dma_start3A_837 = tpu.memref_slice %arg5[%add3A_832] : memref<1664xi32, #tpu.memory_space<vmem>> -> memref<32xi32, #tpu.memory_space<vmem>>
        %dma_start3A_838 = tpu.memref_slice %arg2[%dma_start3A_833, %add3A_623] : memref<26x16384xi32, #tpu.memory_space<hbm>> -> memref<1x32xi32, #tpu.memory_space<hbm>>
        %dma_start3A_839 = tpu.memref_squeeze %dma_start3A_838 : memref<1x32xi32, #tpu.memory_space<hbm>> -> memref<32xi32, #tpu.memory_space<hbm>>
        tpu.enqueue_dma source(%dma_start3A_839 : memref<32xi32, #tpu.memory_space<hbm>>) target(%dma_start3A_837 : memref<32xi32, #tpu.memory_space<vmem>>) target_semaphore(%arg8 : memref<!tpu.dma_semaphore, #tpu.memory_space<semaphore_mem>>)
        %add3A_840 = arith.constant 768 : i32
        %add3A_841 = arith.addi %mul3A_620, %add3A_840 : i32
        %dma_start3A_842 = arith.constant 24 : i32
        %dma_start3A_843 = tpu.memref_slice %arg5[%add3A_841] : memref<1664xi32, #tpu.memory_space<vmem>> -> memref<32xi32, #tpu.memory_space<vmem>>
        %dma_start3A_844 = tpu.memref_slice %arg2[%dma_start3A_842, %add3A_623] : memref<26x16384xi32, #tpu.memory_space<hbm>> -> memref<1x32xi32, #tpu.memory_space<hbm>>
        %dma_start3A_845 = tpu.memref_squeeze %dma_start3A_844 : memref<1x32xi32, #tpu.memory_space<hbm>> -> memref<32xi32, #tpu.memory_space<hbm>>
        %dma_start3A_846 = tpu.memref_slice %arg5[%add3A_841] : memref<1664xi32, #tpu.memory_space<vmem>> -> memref<32xi32, #tpu.memory_space<vmem>>
        %dma_start3A_847 = tpu.memref_slice %arg2[%dma_start3A_842, %add3A_623] : memref<26x16384xi32, #tpu.memory_space<hbm>> -> memref<1x32xi32, #tpu.memory_space<hbm>>
        %dma_start3A_848 = tpu.memref_squeeze %dma_start3A_847 : memref<1x32xi32, #tpu.memory_space<hbm>> -> memref<32xi32, #tpu.memory_space<hbm>>
        tpu.enqueue_dma source(%dma_start3A_848 : memref<32xi32, #tpu.memory_space<hbm>>) target(%dma_start3A_846 : memref<32xi32, #tpu.memory_space<vmem>>) target_semaphore(%arg8 : memref<!tpu.dma_semaphore, #tpu.memory_space<semaphore_mem>>)
        %add3A_849 = arith.constant 800 : i32
        %add3A_850 = arith.addi %mul3A_620, %add3A_849 : i32
        %dma_start3A_851 = arith.constant 25 : i32
        %dma_start3A_852 = tpu.memref_slice %arg5[%add3A_850] : memref<1664xi32, #tpu.memory_space<vmem>> -> memref<32xi32, #tpu.memory_space<vmem>>
        %dma_start3A_853 = tpu.memref_slice %arg2[%dma_start3A_851, %add3A_623] : memref<26x16384xi32, #tpu.memory_space<hbm>> -> memref<1x32xi32, #tpu.memory_space<hbm>>
        %dma_start3A_854 = tpu.memref_squeeze %dma_start3A_853 : memref<1x32xi32, #tpu.memory_space<hbm>> -> memref<32xi32, #tpu.memory_space<hbm>>
        %dma_start3A_855 = tpu.memref_slice %arg5[%add3A_850] : memref<1664xi32, #tpu.memory_space<vmem>> -> memref<32xi32, #tpu.memory_space<vmem>>
        %dma_start3A_856 = tpu.memref_slice %arg2[%dma_start3A_851, %add3A_623] : memref<26x16384xi32, #tpu.memory_space<hbm>> -> memref<1x32xi32, #tpu.memory_space<hbm>>
        %dma_start3A_857 = tpu.memref_squeeze %dma_start3A_856 : memref<1x32xi32, #tpu.memory_space<hbm>> -> memref<32xi32, #tpu.memory_space<hbm>>
        tpu.enqueue_dma source(%dma_start3A_857 : memref<32xi32, #tpu.memory_space<hbm>>) target(%dma_start3A_855 : memref<32xi32, #tpu.memory_space<vmem>>) target_semaphore(%arg8 : memref<!tpu.dma_semaphore, #tpu.memory_space<semaphore_mem>>)
      } else {
      }
    }
    %scan3A_497 = arith.constant 16 : i32
    %dma_wait3A_498 = arith.constant 0 : i32
    %dma_wait3A_499 = arith.constant 0 : i32
    %dma_wait3A_500 = arith.constant 0 : i32
    %dma_wait3A_501 = arith.constant 0 : i32
    %dma_wait3A_502 = arith.constant 0 : i32
    %dma_wait3A_503 = tpu.memref_slice %arg7[%dma_wait3A_499, %dma_wait3A_500, %dma_wait3A_501, %dma_wait3A_502] : memref<64x4x8x32xf32, #tpu.memory_space<vmem>> -> memref<26x4x8x32xf32, #tpu.memory_space<vmem>>
    %dma_wait3A_504 = arith.constant 0 : i32
    %dma_wait3A_505 = arith.constant 0 : i32
    %dma_wait3A_506 = arith.constant 0 : i32
    %dma_wait3A_507 = arith.constant 0 : i32
    %dma_wait3A_508 = tpu.memref_slice %arg4[%dma_wait3A_504, %dma_wait3A_505, %dma_wait3A_498, %dma_wait3A_506, %dma_wait3A_507] : memref<26x4x128x8x128xf32, #tpu.memory_space<hbm>> -> memref<26x4x1x8x32xf32, #tpu.memory_space<hbm>>
    %dma_wait3A_509 = tpu.memref_squeeze %dma_wait3A_508 : memref<26x4x1x8x32xf32, #tpu.memory_space<hbm>> -> memref<26x4x8x32xf32, #tpu.memory_space<hbm>>
    %dma_wait3A_510 = arith.constant 0 : i32
    %dma_wait3A_511 = arith.constant 0 : i32
    %dma_wait3A_512 = arith.constant 0 : i32
    %dma_wait3A_513 = arith.constant 0 : i32
    %dma_wait3A_514 = tpu.memref_slice %arg7[%dma_wait3A_510, %dma_wait3A_511, %dma_wait3A_512, %dma_wait3A_513] : memref<64x4x8x32xf32, #tpu.memory_space<vmem>> -> memref<26x4x8x32xf32, #tpu.memory_space<vmem>>
    %dma_wait3A_515 = arith.constant 0 : i32
    %dma_wait3A_516 = arith.constant 0 : i32
    %dma_wait3A_517 = arith.constant 0 : i32
    %dma_wait3A_518 = arith.constant 0 : i32
    %dma_wait3A_519 = tpu.memref_slice %arg4[%dma_wait3A_515, %dma_wait3A_516, %dma_wait3A_498, %dma_wait3A_517, %dma_wait3A_518] : memref<26x4x128x8x128xf32, #tpu.memory_space<hbm>> -> memref<26x4x1x8x32xf32, #tpu.memory_space<hbm>>
    %dma_wait3A_520 = tpu.memref_squeeze %dma_wait3A_519 : memref<26x4x1x8x32xf32, #tpu.memory_space<hbm>> -> memref<26x4x8x32xf32, #tpu.memory_space<hbm>>
    tpu.wait_dma2 semaphore(%arg10 : memref<!tpu.dma_semaphore, #tpu.memory_space<semaphore_mem>>) src(%dma_wait3A_520 : memref<26x4x8x32xf32, #tpu.memory_space<hbm>>) dst(%dma_wait3A_514 : memref<26x4x8x32xf32, #tpu.memory_space<vmem>>)
    %dma_wait3A_521 = arith.constant 0 : i32
    %dma_wait3A_522 = arith.constant 0 : i32
    %dma_wait3A_523 = arith.constant 0 : i32
    %dma_wait3A_524 = arith.constant 0 : i32
    %dma_wait3A_525 = arith.constant 0 : i32
    %dma_wait3A_526 = tpu.memref_slice %arg7[%dma_wait3A_522, %dma_wait3A_523, %dma_wait3A_524, %dma_wait3A_525] : memref<64x4x8x32xf32, #tpu.memory_space<vmem>> -> memref<26x4x8x32xf32, #tpu.memory_space<vmem>>
    %dma_wait3A_527 = arith.constant 0 : i32
    %dma_wait3A_528 = arith.constant 0 : i32
    %dma_wait3A_529 = arith.constant 0 : i32
    %dma_wait3A_530 = arith.constant 0 : i32
    %dma_wait3A_531 = tpu.memref_slice %arg4[%dma_wait3A_527, %dma_wait3A_528, %dma_wait3A_521, %dma_wait3A_529, %dma_wait3A_530] : memref<26x4x128x8x128xf32, #tpu.memory_space<hbm>> -> memref<26x4x1x8x32xf32, #tpu.memory_space<hbm>>
    %dma_wait3A_532 = tpu.memref_squeeze %dma_wait3A_531 : memref<26x4x1x8x32xf32, #tpu.memory_space<hbm>> -> memref<26x4x8x32xf32, #tpu.memory_space<hbm>>
    %dma_wait3A_533 = arith.constant 0 : i32
    %dma_wait3A_534 = arith.constant 0 : i32
    %dma_wait3A_535 = arith.constant 0 : i32
    %dma_wait3A_536 = arith.constant 0 : i32
    %dma_wait3A_537 = tpu.memref_slice %arg7[%dma_wait3A_533, %dma_wait3A_534, %dma_wait3A_535, %dma_wait3A_536] : memref<64x4x8x32xf32, #tpu.memory_space<vmem>> -> memref<26x4x8x32xf32, #tpu.memory_space<vmem>>
    %dma_wait3A_538 = arith.constant 0 : i32
    %dma_wait3A_539 = arith.constant 0 : i32
    %dma_wait3A_540 = arith.constant 0 : i32
    %dma_wait3A_541 = arith.constant 0 : i32
    %dma_wait3A_542 = tpu.memref_slice %arg4[%dma_wait3A_538, %dma_wait3A_539, %dma_wait3A_521, %dma_wait3A_540, %dma_wait3A_541] : memref<26x4x128x8x128xf32, #tpu.memory_space<hbm>> -> memref<26x4x1x8x32xf32, #tpu.memory_space<hbm>>
    %dma_wait3A_543 = tpu.memref_squeeze %dma_wait3A_542 : memref<26x4x1x8x32xf32, #tpu.memory_space<hbm>> -> memref<26x4x8x32xf32, #tpu.memory_space<hbm>>
    tpu.wait_dma2 semaphore(%arg10 : memref<!tpu.dma_semaphore, #tpu.memory_space<semaphore_mem>>) src(%dma_wait3A_543 : memref<26x4x8x32xf32, #tpu.memory_space<hbm>>) dst(%dma_wait3A_537 : memref<26x4x8x32xf32, #tpu.memory_space<vmem>>)
    return
  }
}

</mosaic_0001>

<sc_bundles>
// kernel: kernel.3.cloned.1.call-start
scs
__scs_entry_jumppad:
0x0: {  	(pc) =	sbr.rel $0x88, $3  }
0x1: {  	(tag) =	ssettag $0x0;
	lr =	simm.s32 $0x1  }
0x2: {  	[smem:$0x3F9F] =	sst lr;
	_ =	strace $0xD0000000  }
0x3: {  	_ = 	snop  }
0x4: {  	_ = 	snop  }
0x5: {  	_ = 	snop  }
0x6: {  	_ = 	snop  }
0x7: {  	_ = 	snop  }
__scs_overlays_trampoline_lowered:
0x8: {  	[smem:$0x3FAE] =	sst s0  }
0x9: {  	[smem:$0x3FAF] =	sst s1  }
0xa: {  	[smem:$0x3FB0] =	sst s2  }
0xb: {  	[smem:$0x3FB1] =	sst s3  }
0xc: {  	[smem:$0x3FB2] =	sst s4  }
0xd: {  	[smem:$0x3FB3] =	sst s5  }
0xe: {  	[smem:$0x3FB4] =	sst s6  }
0xf: {  	[smem:$0x3FB5] =	sst s7  }
0x10: {  	[smem:$0x3FB6] =	sst s8  }
0x11: {  	[smem:$0x3FB7] =	sst s9;
	s0 =	simm.s32 @!p0 $0x0  }
0x12: {  	s1 =	sld [smem:$0x3F9D];
	s0 =	simm.s32 @p0 $0x1  }
0x13: {  	[smem:$0x3FB8] =	sst s0;
	s0 =	simm.s32 @!p1 $0x0  }
0x14: {  	s2 =	sld [smem:$0x3F9C];
	s0 =	simm.s32 @p1 $0x1  }
0x15: {  	[smem:$0x3FB9] =	sst s0;
	s0 =	simm.s32 @!p2 $0x0  }
0x16: {  	s3 =	sld [smem:$0x3FDB];
	s0 =	simm.s32 @p2 $0x1  }
0x17: {  	s4 =	simm.s32 $0x1BF5;
	[smem:$0x3FBB] =	sst s0  }
0x18: {  	s0 =	sld [smem:$0x3F9E];
	_ =	swait.ge [sflag:s4], $0x0  }
0x19: {  	s7 =	sld [smem:$0x3F9F]  }
0x1a: {  	s8 =	sadd.s32 $0xFFFFE003, lr  }
0x1b: {  	s9 =	sadd.s32 $0xFFFFFEF7, lr;
	s5 =	simm.s32 $0xFFFFFFFF;
	p2 =	slt.u32 s8, $0xFFFFF086  }
0x1c: {  	p1 =	slt.u32 s9, $0xF7A;
	s5 =	simm.s32 @!p2 $0x0  }
0x1d: {  	s5 =	simm.s32 @p1 $0x1;
	p0 =	seq.s32 s7, s2  }
0x1e: {  	s7 =	smul.u32 @!p0 $0xF7A, s2;
	p2 =	seq.s32 @!p0 s5, $0x0  }
0x1f: {  	s9 =	smul.u32 $0xF7A, s1;
	s8 =	simm.s32 @!p0 $0x1BF5;
	p2 =	por !p2, p0  }
0x20: {  	[sflag:s8] =	ssyncset.s32 @!p0 $0xFFFFF086;
	s6 =	sadd.s32 @!p0 s3, s7;
	s7 =	simm.s32 @!p0 $0x108  }
0x21: {  	s3 =	sadd.s32 s3, s9;
	s6 =	sadd.s32 @!p0 $0x88, s6;
	s7 =	simm.s32 @p2 $0x1082  }
0x22: {  	[simem:s7], [sflag:s8] =	dma.local @!p0 [hbm:s6], $0xF7A  }
0x23: {  	s9 =	sor.u32 $0xD0000000, s2;
	s6 =	simm.s32 $0x108;
	_ =	swait.ge @!p0 [sflag:s8], $0x0  }
0x24: {  	s3 =	sadd.s32 $0x88, s3;
	s6 =	simm.s32 @!p1 $0x1082;
	[sflag:s4] =	ssyncset.s32 $0xFFFFF086  }
0x25: {  	[simem:s6], [sflag:s4] =	dma.local [hbm:s3], $0xF7A  }
0x26: {  	[smem:$0x3F9F] =	sst s1;
	(tag) =	ssettag s2;
	_ =	strace s9  }
0x27: {  	s1 =	sld [smem:$0x3FAF]  }
0x28: {  	s2 =	sld [smem:$0x3FB0]  }
0x29: {  	s4 =	sld [smem:$0x3FB2]  }
0x2a: {  	p0 =	seq.s32 s5, $0x0;
	s5 =	sld [smem:$0x3FB3]  }
0x2b: {  	s6 =	sld [smem:$0x3FB4]  }
0x2c: {  	s7 =	sld [smem:$0x3FB5]  }
0x2d: {  	s3 =	simm.s32 $0x108;
	s8 =	sld [smem:$0x3FB6]  }
0x2e: {  	s3 =	simm.s32 @!p0 $0x1082;
	s9 =	sld [smem:$0x3FB7]  }
0x2f: {  	lr =	sadd.s32 s0, s3;
	s0 =	sld [smem:$0x3FAE]  }
0x30: {  	s3 =	sld [smem:$0x3FB1]  }
0x31: {  	[smem:$0x3FBA] =	sst s10  }
0x32: {  	s10 =	sld [smem:$0x3FB8];
	_ =	sdelay $0x3  }
0x33: {  	p0 =	seq.s32 s10, $0x1;
	s10 =	sld [smem:$0x3FBA];
	_ =	sdelay $0x3  }
0x34: {  	[smem:$0x3FBA] =	sst s10  }
0x35: {  	s10 =	sld [smem:$0x3FB9];
	_ =	sdelay $0x3  }
0x36: {  	p1 =	seq.s32 s10, $0x1;
	s10 =	sld [smem:$0x3FBA];
	_ =	sdelay $0x3  }
0x37: {  	[smem:$0x3FBA] =	sst s10  }
0x38: {  	s10 =	sld [smem:$0x3FBB]  }
0x39: {  	_ = 	snop;
	(pc) =	sbr.ind lr, $3  }
0x3a: {  	_ = 	snop  }
0x3b: {  	_ = 	snop  }
0x3c: {  	p2 =	seq.s32 s10, $0x1;
	s10 =	sld [smem:$0x3FBA]  }
0x3d: {  	_ =	shalt  }
0x3e: {  	_ =	shalt  }
0x3f: {  	_ =	shalt  }
0x40: {  	_ =	shalt  }
0x41: {  	_ =	shalt  }
0x42: {  	_ =	shalt  }
0x43: {  	_ =	shalt  }
0x44: {  	_ =	shalt  }
0x45: {  	_ =	shalt  }
0x46: {  	_ =	shalt  }
0x47: {  	_ =	shalt  }
0x48: {  	_ =	shalt  }
0x49: {  	_ =	shalt  }
0x4a: {  	_ =	shalt  }
0x4b: {  	_ =	shalt  }
0x4c: {  	_ =	shalt  }
0x4d: {  	_ =	shalt  }
0x4e: {  	_ =	shalt  }
0x4f: {  	_ =	shalt  }
0x50: {  	_ =	shalt  }
0x51: {  	_ =	shalt  }
0x52: {  	_ =	shalt  }
0x53: {  	_ =	shalt  }
0x54: {  	_ =	shalt  }
0x55: {  	_ =	shalt  }
0x56: {  	_ =	shalt  }
0x57: {  	_ =	shalt  }
0x58: {  	_ =	shalt  }
0x59: {  	_ =	shalt  }
0x5a: {  	_ =	shalt  }
0x5b: {  	_ =	shalt  }
0x5c: {  	_ =	shalt  }
0x5d: {  	_ =	shalt  }
0x5e: {  	_ =	shalt  }
0x5f: {  	_ =	shalt  }
0x60: {  	_ =	shalt  }
0x61: {  	_ =	shalt  }
0x62: {  	_ =	shalt  }
0x63: {  	_ =	shalt  }
0x64: {  	_ =	shalt  }
0x65: {  	_ =	shalt  }
0x66: {  	_ =	shalt  }
0x67: {  	_ =	shalt  }
0x68: {  	_ =	shalt  }
0x69: {  	_ =	shalt  }
0x6a: {  	_ =	shalt  }
0x6b: {  	_ =	shalt  }
0x6c: {  	_ =	shalt  }
0x6d: {  	_ =	shalt  }
0x6e: {  	_ =	shalt  }
0x6f: {  	_ =	shalt  }
0x70: {  	_ =	shalt  }
0x71: {  	_ =	shalt  }
0x72: {  	_ =	shalt  }
0x73: {  	_ =	shalt  }
0x74: {  	_ =	shalt  }
0x75: {  	_ =	shalt  }
0x76: {  	_ =	shalt  }
0x77: {  	_ =	shalt  }
0x78: {  	_ =	shalt  }
0x79: {  	_ =	shalt  }
0x7a: {  	_ =	shalt  }
0x7b: {  	_ =	shalt  }
0x7c: {  	_ =	shalt  }
0x7d: {  	_ =	shalt  }
0x7e: {  	_ =	shalt  }
0x7f: {  	_ =	shalt  }
0x80: {  	_ =	shalt  }
0x81: {  	_ =	shalt  }
0x82: {  	_ =	shalt  }
0x83: {  	_ =	shalt  }
0x84: {  	_ =	shalt  }
0x85: {  	_ =	shalt  }
0x86: {  	_ =	shalt  }
0x87: {  	_ =	shalt  }
.Lfunc_end0:
.L_simem_size_0:
called_computation_lowered:
.L_overlay_start_0:
0x88: {  	s2 =	sld [smem:$0x3FD9]  }
0x89: {  	s3 =	sld [smem:$0x3FFE];
	_ =	sdelay $0x1  }
0x8a: {  	s1 =	srdreg.scid  }
0x8b: {  	s0 =	sand.u32 $0x1, s1  }
0x8c: {  	s14 =	sshll.u32 s0, $0xA;
	s2 =	sadd.s32 s3, s2  }
0x8d: {  	s2 =	sadd.s32 s2, s14  }
0x8e: {  	[smem:$0x3FC6] =	sst s2  }
0x8f: {  	_ = 	snop  }
0x90: {  	s2 =	sld [smem:$0x3FD0];
	_ =	sdelay $0x2  }
0x91: {  	s15 =	simm.s32 $0xA;
	s4 =	simm.s32 $0x10  }
0x92: {  	[smem:s4], [sflag:s15] =	dma.local [hbm:s2], $0x1  }
0x93: {  	_ =	swait.eq [sflag:s15], $0x1  }
0x94: {  	[sflag:s15] =	ssyncset.done $0x0  }
0x95: {  	[sflag:s15] =	ssyncadd.s32 $0xFFFFFFFF  }
0x96: {  	s16 =	sld [smem:$0x10];
	(tm) =	ssettm $0x1  }
0x97: {  	s17 =	sld [smem:$0x3FFB];
	_ =	sdelay $0x3  }
0x98: {  	_ =	strace s17  }
0x99: {  	s3 =	sld [smem:$0x3FFC];
	_ =	sdelay $0x3  }
0x9a: {  	_ =	strace s3  }
0x9b: {  	s3 =	sld [smem:$0x3FFD];
	_ =	sdelay $0x3  }
0x9c: {  	_ =	strace s3  }
0x9d: {  	_ =	strace $0x8FFFFFFF  }
0x9e: {  	s18 =	sld [smem:$0x3FDB];
	_ =	sdelay $0x1  }
0x9f: {  	s19 =	simm.s32 $_scs_section_size  }
0xa0: {  	s5 =	simm.s32 $_size__tile_overlayer_lowered;
	s6 =	simm.s32 $_tile_overlayer_lowered  }
0xa1: {  	s22 =	simm.s32 $0x1BFF;
	s21 =	sshll.u32 s6, $0x1;
	s3 =	sadd.s32 s19, s18  }
0xa2: {  	s7 =	simm.s32 $0x0;
	s20 =	sshll.u32 s5, $0x1;
	s5 =	sadd.s32 s21, s3  }
0xa3: {  	[timem:s7], [sflag:s22] =	dma.local [hbm:s5], s20  }
0xa4: {  	_ =	swait.ge [sflag:s22], s20  }
0xa5: {  	s4 =	ssub.s32 $0x0, s20;
	[sflag:s22] =	ssyncset.done $0x0  }
0xa6: {  	[sflag:s22] =	ssyncadd.s32 s4;
	_ =	sdelay $0x1  }
0xa7: {  	s23 =	simm.s32 $0x1B8B  }
0xa8: {  	_ =	swait.ge [sflag:s23], $0x1  }
0xa9: {  	[sflag:s23] =	ssyncset.done $0x0  }
0xaa: {  	s25 =	simm.s32 $0x1B8E;
	s24 =	sld [smem:$0x3FFE];
	[sflag:s23] =	ssyncadd.s32 $0xFFFFFFFF  }
0xab: {  	s26 =	simm.s32 $execute0_lowered;
	[smem:$0x3FD2] =	sst s25  }
0xac: {  	s5 =	sshll.u32 s26, $0x1;
	_ =	strace $0x80000046;
	[dreg:$0x1] =	wrdreg $0xFFFFFFFF  }
0xad: {  	s28 =	simm.s32 $_size_execute0_lowered;
	s3 =	sadd.s32 s3, s5;
	[dreg:$0x0] =	wrdreg $0x0  }
0xae: {  	s5 =	sshll.u32 s28, $0x1;
	[dreg:$0x2] =	wrdreg s3  }
0xaf: {  	[dreg:$0x3] =	wrdreg s5  }
0xb0: {  	[dreg:$0x4] =	wrdreg $0xC0  }
0xb1: {  	_ =	task [dreg:s7], $0x5FFFF  }
0xb2: {  	[dreg:$0x1] =	wrdreg $0xFFFFFFFF  }
0xb3: {  	[dreg:$0x0] =	wrdreg $0x60  }
0xb4: {  	[dreg:$0x2] =	wrdreg s24  }
0xb5: {  	[dreg:$0x3] =	wrdreg s16  }
0xb6: {  	[dreg:$0x4] =	wrdreg $0x9  }
0xb7: {  	_ =	task.clear_ibuf [dreg:s7], $0x5FFFF;
	_ =	strace $0x90000046  }
0xb8: {  	s29 =	simm.s32 $0x9;
	_ =	strace $0x80000048  }
0xb9: {  	_ =	swait.ge [sflag:s29], $0x1  }
0xba: {  	[sflag:s29] =	ssyncadd.s32 $0xFFFFFFFF  }
0xbb: {  	_ =	strace $0x90000048  }
0xbc: {  	_ =	sfence  }
0xbd: {  	s30 =	sld [smem:$0x0];
	_ =	sdelay $0x2  }
0xbe: {  	s31 =	sshll.u32 s1, $0xD;
	s1 =	sshrl.u32 s1, $0x2  }
0xbf: {  	s3 =	sand.u32 $0x4000, s31;
	s1 =	sadd.s32 s1, s30  }
0xc0: {  	s0 =	sor.u32 s3, s0;
	s1 =	sshll.u32 s1, $0x11  }
0xc1: {  	s0 =	sor.u32 s1, s0  }
0xc2: {  	s0 =	sadd.s32 $0x8F2B, s0  }
0xc3: {  	[sflag:s0] =	ssyncadd.remote.s32 $0x1  }
0xc4: {  	_ =	sfence.sel $0xFFFF  }
0xc5: {  	[dreg:$0x0] =	wrdreg $0xFFFFFFFF;
	(pc) =	sbr.abs _section_cstart, $3  }
0xc6: {  	[dreg:$0x1] =	wrdreg $0xFFFFFFFF  }
0xc7: {  	_ =	task.clear_ibuf [dreg:s7], $0x2FFFF;
	_ =	strace $0x9FFFFFFF  }
0xc8: {  	(tm) =	ssettm $0x7FFFFFFF  }
0xc9: {  	_ =	shalt  }
tec
execute0_lowered:
.L_overlay_start_1:
0x0: {  	(tag) =	ssettag $0x1  }
0x1: {  	vm0 =	vcmask $0x300;
	v0 =	vimm.s32 $0xF;
	vm2 =	vcmask $0x704  }
0x2: {  	vm3 =	vcmask $0xB08;
	vm5 =	vcmask $0xF0C;
	vm6 =	vcmask $0x1310  }
0x3: {  	vm7 =	vcmask $0x1714;
	v1 =	vimm.s32 $0x1F1E1D;
	vm8 =	vcmask $0x1B18  }
0x4: {  	vm9 =	vcmask $0x1F1C;
	v2 =	vimm.s32 $0x2F;
	vm10 =	vcmask $0x2320  }
0x5: {  	vm1 =	vcmask $0x2724;
	v3 =	vimm.s32 $0x54329876;
	v8 =	vimm.s32 $0x6543A987  }
0x6: {  	vm4 =	vcmask $0x2F10;
	vm12 =	vcmask $0x3F30;
	v10 =	vimm.s32 $0xE0D0C0B  }
0x7: {  	v12 =	vimm.s32 $0x378;
	vm13 =	vcmask $0x1F14;
	v18 =	vimm.s32 $0x1F  }
0x8: {  	v19 =	vimm.s32 $0x3F;
	v21 =	vimm.s32 $0xBF;
	v22 =	vimm.s32 $0xDF  }
0x9: {  	vm14 =	vcmask $0x3B2C;
	v29 =	vimm.s32 $0x11F;
	vm15 =	vcmask $0x3728  }
0xa: {  	v31 =	vimm.s32 $0xBB9AFDDC;
	v48 =	vimm.s32 $0xDBBA99FC;
	v49 =	vimm.s32 $0x3020100  }
0xb: {  	v39 =	vimm.s32 $0x17161514;
	v40 =	vimm.s32 $0x1B1A1918;
	v50 =	vimm.s32 $0x6F4E2D0C  }
0xc: {  	v41 =	vimm.s32 $0x4030201;
	v42 =	vimm.s32 $0x5040302;
	v51 =	vimm.s32 $0x6050403  }
0xd: {  	v53 =	vimm.s32 $0xEBCAA988;
	v55 =	vimm.s32 $0x77563514;
	v57 =	vimm.s32 $0x7F5E3D1C  }
0xe: {  	v60 =	vimm.s32 $0xFBDAB998;
	vm11 =	vcmask $0x1304;
	v0 =	vsel vm0, $0x220, v0  }
0xf: {  	v2 =	vsel vm0, $0x240, v2;
	v14 =	vunpack.c.0.s8.s32 v1;
	v1 =	vimm.s32 $0x368  }
0x10: {  	v3 =	vunpack.c.l.s4.s8 v3;
	v10 =	vunpack.c.0.s8.s32 v10;
	v12 =	vsel vm2, $0x399, v12  }
0x11: {  	v18 =	vsel vm0, $0x230, v18;
	v19 =	vsel vm0, $0x250, v19;
	v21 =	vsel vm0, $0x2D0, v21  }
0x12: {  	v22 =	vsel vm0, $0x2F0, v22;
	v29 =	vsel vm0, $0x330, v29;
	v39 =	vunpack.c.0.s8.s32 v39  }
0x13: {  	v41 =	vunpack.c.0.s8.s32 v41;
	v54 =	vunpack.c.0.s8.s32 v53;
	v53 =	vimm.s32 $0x18F  }
0x14: {  	v0 =	vsel vm2, $0x241, v0;
	v1 =	vsel vm2, $0x389, v1;
	v18 =	vsel vm2, $0x251, v18  }
0x15: {  	v19 =	vsel vm2, $0x271, v19;
	v21 =	vsel vm2, $0x2F1, v21;
	v22 =	vsel vm2, $0x311, v22  }
0x16: {  	v29 =	vsel vm2, $0x351, v29;
	v0 =	vsel vm3, $0x262, v0;
	v1 =	vsel vm3, $0x3AA, v1  }
0x17: {  	v3 =	vunpack.c.0.s8.s32 v3;
	v18 =	vsel vm3, $0x272, v18;
	v19 =	vsel vm3, $0x292, v19  }
0x18: {  	v21 =	vsel vm3, $0x312, v21;
	v22 =	vsel vm3, $0x332, v22;
	v29 =	vsel vm3, $0x372, v29  }
0x19: {  	v0 =	vsel vm5, $0x283, v0;
	v1 =	vsel vm5, $0x3CB, v1;
	v18 =	vsel vm5, $0x293, v18  }
0x1a: {  	v19 =	vsel vm5, $0x2B3, v19;
	v21 =	vsel vm5, $0x333, v21;
	v22 =	vsel vm5, $0x353, v22  }
0x1b: {  	v29 =	vsel vm5, $0x393, v29;
	v0 =	vsel vm6, $0x2A4, v0;
	v4 =	vsel vm6, $0x3EC, v1  }
0x1c: {  	v1 =	vimm.s32 $0x4F2E0D00;
	v3 =	vand.u32 $0xF, v3;
	v18 =	vsel vm6, $0x2B4, v18  }
0x1d: {  	v19 =	vsel vm6, $0x2D4, v19;
	v21 =	vsel vm6, $0x354, v21;
	v22 =	vsel vm6, $0x374, v22  }
0x1e: {  	v29 =	vsel vm6, $0x3B4, v29;
	v0 =	vsel vm7, $0x2C5, v0;
	v5 =	vunpack.c.0.s8.s32 v1  }
0x1f: {  	v1 =	vimm.s32 $0x1F1E1D1C;
	v18 =	vsel vm7, $0x2D5, v18;
	v19 =	vsel vm7, $0x2F5, v19  }
0x20: {  	v21 =	vsel vm7, $0x375, v21;
	v22 =	vsel vm7, $0x395, v22;
	v0 =	vsel vm8, $0x2E6, v0  }
0x21: {  	v17 =	vunpack.c.0.s8.s32 v1;
	v1 =	vunpack.c.l.s4.s8 v8;
	v8 =	vimm.s32 $0xB0A0908  }
0x22: {  	v18 =	vsel vm8, $0x2F6, v18;
	v19 =	vsel vm8, $0x316, v19;
	v21 =	vsel vm8, $0x396, v21  }
0x23: {  	v22 =	vsel vm8, $0x3B6, v22;
	v0 =	vsel vm9, $0x307, v0;
	v8 =	vunpack.c.0.s8.s32 v8  }
0x24: {  	v62 =	vsel vm13, v5, v4;
	v18 =	vsel vm9, $0x317, v18;
	v21 =	vsel vm9, $0x3B7, v21  }
0x25: {  	v11 =	vsel vm10, $0x328, v0;
	v0 =	vsel vm2, $0x261, v2;
	v2 =	vimm.s32 $0x1001F1E  }
0x26: {  	v1 =	vunpack.c.0.s8.s32 v1;
	v18 =	vsel vm10, $0x338, v18;
	v24 =	vsel vm10, $0x3D8, v21  }
0x27: {  	v0 =	vsel vm3, $0x282, v0;
	v15 =	vunpack.c.0.s8.s32 v2;
	v2 =	vimm.s32 $0x260  }
0x28: {  	v24 =	vsel vm1, $0x3F9, v24;
	v11 =	vsel vm1, $0x349, v11;
	v18 =	vsel vm1, $0x359, v18  }
0x29: {  	v0 =	vsel vm5, $0x2A3, v0;
	v7 =	vsel vm2, $0x281, v2;
	v2 =	vimm.s32 $0x43218765  }
0x2a: {  	v1 =	vand.u32 $0xF, v1;
	v0 =	vsel vm6, $0x2C4, v0;
	v2 =	vunpack.c.l.s4.s8 v2  }
0x2b: {  	v7 =	vsel vm3, $0x2A2, v7;
	v6 =	vsel vm7, $0x2E5, v0;
	v0 =	vimm.s32 $0x201001F  }
0x2c: {  	v7 =	vsel vm5, $0x2C3, v7;
	v16 =	vunpack.c.0.s8.s32 v0;
	v0 =	vimm.s32 $0x32107654  }
0x2d: {  	v2 =	vunpack.c.0.s8.s32 v2;
	v6 =	vsel vm8, $0x306, v6;
	v0 =	vunpack.c.l.s4.s8 v0  }
0x2e: {  	v3 =	vsel vm4, v3, v15;
	v7 =	vsel vm6, $0x2E4, v7;
	v6 =	vsel vm9, $0x327, v6  }
0x2f: {  	v7 =	vsel vm7, $0x305, v7;
	v2 =	vand.u32 $0xF, v2;
	v0 =	vunpack.c.0.s8.s32 v0  }
0x30: {  	v9 =	vsel vm4, v1, v16;
	v1 =	vimm.s32 $0xC0B0A09;
	v13 =	vsel vm10, $0x348, v6  }
0x31: {  	v6 =	vsel vm8, $0x326, v7;
	v2 =	vsel vm4, v2, v14;
	v0 =	vand.u32 $0xF, v0  }
0x32: {  	v1 =	vunpack.c.0.s8.s32 v1;
	v6 =	vsel vm9, $0x347, v6;
	v0 =	vsel vm4, v0, v17  }
0x33: {  	v13 =	vsel vm1, $0x369, v13;
	v61 =	vsel vm12, v8, v0;
	v8 =	vimm.s32 $0xD0C0B0A  }
0x34: {  	v1 =	vsel vm12, v1, v2;
	vm4 =	vcmask $0x2B28;
	v8 =	vunpack.c.0.s8.s32 v8  }
0x35: {  	v11 =	vsel vm4, $0x36A, v11;
	v13 =	vsel vm4, $0x38A, v13;
	v18 =	vsel vm4, $0x37A, v18  }
0x36: {  	v2 =	vsel vm12, v8, v3;
	v8 =	vsel vm3, $0x3BA, v12;
	v12 =	vimm.s32 $0x5F3E1D00  }
0x37: {  	v3 =	vsel vm12, v10, v9;
	v10 =	vimm.s32 $0xB6E4D2C;
	vm12 =	vcmask $0x3324  }
0x38: {  	v8 =	vsel vm5, $0x3DB, v8;
	v9 =	vunpack.c.0.s8.s32 v12;
	v12 =	vimm.s32 $0xCF  }
0x39: {  	v10 =	vunpack.c.0.s8.s32 v10;
	v8 =	vsel vm6, $0x3FC, v8;
	v12 =	vsel vm0, $0x2E0, v12  }
0x3a: {  	v4 =	vsel vm13, v9, v8;
	v8 =	vimm.s32 $0x8F;
	v9 =	vimm.s32 $0xAF  }
0x3b: {  	v10 =	vand.u32 $0xFF, v10;
	v12 =	vsel vm2, $0x301, v12;
	vm13 =	vcmask $0x2314  }
0x3c: {  	v7 =	vsel vm0, $0x2A0, v8;
	v8 =	vimm.s32 $0x280;
	v12 =	vsel vm3, $0x322, v12  }
0x3d: {  	v9 =	vsel vm0, $0x2C0, v9;
	v7 =	vsel vm2, $0x2C1, v7;
	v12 =	vsel vm5, $0x343, v12  }
0x3e: {  	v8 =	vsel vm2, $0x2A1, v8;
	v9 =	vsel vm2, $0x2E1, v9;
	v12 =	vsel vm6, $0x364, v12  }
0x3f: {  	v7 =	vsel vm3, $0x2E2, v7;
	v8 =	vsel vm3, $0x2C2, v8;
	v12 =	vsel vm7, $0x385, v12  }
0x40: {  	v9 =	vsel vm3, $0x302, v9;
	v7 =	vsel vm5, $0x303, v7;
	v12 =	vsel vm8, $0x3A6, v12  }
0x41: {  	v8 =	vsel vm5, $0x2E3, v8;
	v9 =	vsel vm5, $0x323, v9;
	v12 =	vsel vm9, $0x3C7, v12  }
0x42: {  	v7 =	vsel vm6, $0x324, v7;
	v20 =	vsel vm10, $0x3E8, v12;
	v12 =	vsel vm9, $0x337, v19  }
0x43: {  	v8 =	vsel vm6, $0x304, v8;
	v19 =	vsel vm10, $0x358, v12;
	v12 =	vimm.s32 $0x9F  }
0x44: {  	v9 =	vsel vm6, $0x344, v9;
	v7 =	vsel vm7, $0x345, v7;
	v12 =	vsel vm0, $0x2B0, v12  }
0x45: {  	v8 =	vsel vm7, $0x325, v8;
	v9 =	vsel vm7, $0x365, v9;
	v12 =	vsel vm2, $0x2D1, v12  }
0x46: {  	v7 =	vsel vm8, $0x366, v7;
	v8 =	vsel vm8, $0x346, v8;
	v12 =	vsel vm3, $0x2F2, v12  }
0x47: {  	v9 =	vsel vm8, $0x386, v9;
	v7 =	vsel vm9, $0x387, v7;
	v12 =	vsel vm5, $0x313, v12  }
0x48: {  	v9 =	vsel vm9, $0x3A7, v9;
	v7 =	vsel vm10, $0x3A8, v7;
	v12 =	vsel vm6, $0x334, v12  }
0x49: {  	v9 =	vsel vm10, $0x3C8, v9;
	v7 =	vsel vm1, $0x3C9, v7;
	v12 =	vsel vm7, $0x355, v12  }
0x4a: {  	v19 =	vsel vm1, $0x379, v19;
	v7 =	vsel vm4, $0x3EA, v7;
	v12 =	vsel vm8, $0x376, v12  }
0x4b: {  	v19 =	vsel vm4, $0x39A, v19;
	v58 =	vsel vm14, v10, v7;
	v12 =	vsel vm9, $0x397, v12  }
0x4c: {  	v10 =	vimm.s32 $0x10F;
	v23 =	vsel vm10, $0x3B8, v12;
	v12 =	vsel vm9, $0x3D7, v22  }
0x4d: {  	v10 =	vsel vm0, $0x320, v10;
	v22 =	vimm.s32 $0x300;
	v21 =	vsel vm10, $0x3F8, v12  }
0x4e: {  	v12 =	vsel vm9, $0x367, v8;
	v7 =	vsel vm2, $0x321, v22;
	v8 =	vimm.s32 $0x2B0A6D4C  }
0x4f: {  	v22 =	vsel vm1, $0x3E9, v9;
	v9 =	vsel vm2, $0x341, v10;
	v10 =	vimm.s32 $0x76A4928  }
0x50: {  	v23 =	vsel vm1, $0x3D9, v23;
	v7 =	vsel vm3, $0x342, v7;
	v8 =	vunpack.c.0.s8.s32 v8  }
0x51: {  	vm10 =	vcmask $0x1708;
	v26 =	vunpack.c.0.s8.s32 v10;
	v7 =	vsel vm5, $0x363, v7  }
0x52: {  	v23 =	vsel vm4, $0x3FA, v23;
	v7 =	vsel vm6, $0x384, v7;
	v25 =	vand.u32 $0xFF, v8  }
0x53: {  	v8 =	vsel vm3, $0x362, v9;
	v9 =	vimm.s32 $0x270;
	v26 =	vand.u32 $0xFF, v26  }
0x54: {  	v7 =	vsel vm7, $0x3A5, v7;
	v8 =	vsel vm5, $0x383, v8;
	v9 =	vsel vm2, $0x291, v9  }
0x55: {  	v22 =	vsel vm15, v25, v22;
	v25 =	vimm.s32 $0x4B2A096C;
	v7 =	vsel vm8, $0x3C6, v7  }
0x56: {  	v8 =	vsel vm6, $0x3A4, v8;
	v9 =	vsel vm3, $0x2B2, v9;
	v25 =	vunpack.c.0.s8.s32 v25  }
0x57: {  	v8 =	vsel vm7, $0x3C5, v8;
	v10 =	vsel vm9, $0x3E7, v7;
	v7 =	vsel vm5, $0x2D3, v9  }
0x58: {  	v9 =	vimm.s32 $0x310;
	v27 =	vsel vm8, $0x3E6, v8;
	v8 =	vimm.s32 $0x8BEECDAC  }
0x59: {  	v7 =	vsel vm6, $0x2F4, v7;
	v28 =	vunpack.c.0.s8.s32 v8;
	v8 =	vimm.s32 $0x290  }
0x5a: {  	v9 =	vsel vm2, $0x331, v9;
	v25 =	vand.u32 $0xFF, v25;
	v8 =	vsel vm2, $0x2B1, v8  }
0x5b: {  	v7 =	vsel vm7, $0x315, v7;
	v9 =	vsel vm3, $0x352, v9;
	v8 =	vsel vm3, $0x2D2, v8  }
0x5c: {  	v35 =	vsel vm12, v25, v20;
	v25 =	vimm.s32 $0x1D1C1B1A;
	v8 =	vsel vm5, $0x2F3, v8  }
0x5d: {  	v7 =	vsel vm8, $0x336, v7;
	v9 =	vsel vm5, $0x373, v9;
	v8 =	vsel vm6, $0x314, v8  }
0x5e: {  	v46 =	vunpack.c.0.s8.s32 v25;
	v9 =	vsel vm6, $0x394, v9;
	v8 =	vsel vm7, $0x335, v8  }
0x5f: {  	v25 =	vimm.s32 $0x1A191817;
	v30 =	vsel vm7, $0x3B5, v9;
	v8 =	vsel vm8, $0x356, v8  }
0x60: {  	v63 =	vsel vm9, $0x357, v7;
	v9 =	vsel vm9, $0x377, v8;
	v8 =	vsel vm8, $0x3D6, v30  }
0x61: {  	v47 =	vunpack.c.0.s8.s32 v25;
	v8 =	vsel vm9, $0x3F7, v8;
	vm9 =	vcmask $0x2B1C  }
0x62: {  	v4 =	vcombine.low v63, v4;
	v26 =	vsel vm9, v26, v27;
	v27 =	vand.u32 $0xFF, v28  }
0x63: {  	v30 =	vimm.s32 $0x9BFEDDBC;
	v59 =	vsel vm14, v27, v26;
	v27 =	vimm.s32 $0x1B7E5D3C  }
0x64: {  	v28 =	vsel vm7, $0x3D5, v29;
	v29 =	vimm.s32 $0x177A5938;
	v27 =	vunpack.c.0.s8.s32 v27  }
0x65: {  	v30 =	vunpack.c.0.s8.s32 v30;
	v28 =	vsel vm8, $0x3F6, v28;
	v29 =	vunpack.c.0.s8.s32 v29  }
0x66: {  	v26 =	vimm.s32 $0x12F;
	vm8 =	vcmask $0x1B0C;
	v27 =	vand.u32 $0xFF, v27  }
0x67: {  	v26 =	vsel vm0, $0x340, v26;
	v29 =	vand.u32 $0xFF, v29;
	v0 =	vsel vm14, v27, v23  }
0x68: {  	v23 =	vsel vm9, v29, v28;
	v27 =	vand.u32 $0xFF, v30;
	v28 =	vimm.s32 $0xAB8AEDCC  }
0x69: {  	v5 =	vsel vm14, v27, v23;
	v23 =	vsel vm2, $0x361, v26;
	v26 =	vimm.s32 $0x13F  }
0x6a: {  	v29 =	vimm.s32 $0x14F;
	v30 =	vimm.s32 $0x37167958;
	v26 =	vsel vm0, $0x350, v26  }
0x6b: {  	v27 =	vimm.s32 $0x27066948;
	v28 =	vunpack.c.0.s8.s32 v28;
	v26 =	vsel vm2, $0x371, v26  }
0x6c: {  	v23 =	vsel vm3, $0x382, v23;
	v27 =	vunpack.c.0.s8.s32 v27;
	v26 =	vsel vm3, $0x392, v26  }
0x6d: {  	v29 =	vsel vm0, $0x360, v29;
	v23 =	vsel vm5, $0x3A3, v23;
	v26 =	vsel vm5, $0x3B3, v26  }
0x6e: {  	v23 =	vsel vm6, $0x3C4, v23;
	v27 =	vand.u32 $0xFF, v27;
	v26 =	vsel vm6, $0x3D4, v26  }
0x6f: {  	v23 =	vsel vm7, $0x3E5, v23;
	v26 =	vsel vm7, $0x3F5, v26;
	vm7 =	vcmask $0x2718  }
0x70: {  	v30 =	vunpack.c.0.s8.s32 v30;
	v23 =	vsel vm7, v27, v23;
	v27 =	vand.u32 $0xFF, v28  }
0x71: {  	vm14 =	vcmask $0x1F10;
	v29 =	vsel vm2, $0x381, v29;
	v28 =	vsel vm15, v27, v23  }
0x72: {  	v23 =	vsel vm3, $0x3A2, v29;
	v27 =	vimm.s32 $0x47260568;
	v29 =	vimm.s32 $0x3B1A7D5C  }
0x73: {  	v30 =	vand.u32 $0xFF, v30;
	v29 =	vunpack.c.0.s8.s32 v29;
	v32 =	vunpack.c.0.s8.s32 v27  }
0x74: {  	v27 =	vunpack.c.0.s8.s32 v31;
	v31 =	vimm.s32 $0x15F;
	v23 =	vsel vm5, $0x3C3, v23  }
0x75: {  	v26 =	vsel vm7, v30, v26;
	v30 =	vsel vm0, $0x370, v31;
	v23 =	vsel vm6, $0x3E4, v23  }
0x76: {  	v31 =	vimm.s32 $0x5B3A197C;
	v29 =	vand.u32 $0xFF, v29;
	v27 =	vand.u32 $0xFF, v27  }
0x77: {  	v31 =	vunpack.c.0.s8.s32 v31;
	v29 =	vsel vm15, v29, v24;
	v27 =	vsel vm15, v27, v26  }
0x78: {  	v24 =	vsel vm2, $0x391, v30;
	v26 =	vand.u32 $0xFF, v32;
	v30 =	vimm.s32 $0xCBAA89EC  }
0x79: {  	v23 =	vsel vm13, v26, v23;
	v26 =	vunpack.c.0.s8.s32 v30;
	v30 =	vimm.s32 $0x57361578  }
0x7a: {  	v32 =	vunpack.c.0.s8.s32 v48;
	v24 =	vsel vm3, $0x3B2, v24;
	v30 =	vunpack.c.0.s8.s32 v30  }
0x7b: {  	vm15 =	vcmask $0x2F20;
	v24 =	vsel vm5, $0x3D3, v24;
	v26 =	vand.u32 $0xFF, v26  }
0x7c: {  	v24 =	vsel vm6, $0x3F4, v24;
	v33 =	vsel vm12, v26, v23;
	v20 =	vand.u32 $0xFF, v30  }
0x7d: {  	v23 =	vand.u32 $0xFF, v31;
	v26 =	vimm.s32 $0x1E1D1C1B;
	v20 =	vsel vm13, v20, v24  }
0x7e: {  	v24 =	vand.u32 $0xFF, v32;
	v30 =	vsel vm12, v23, v21;
	v21 =	vimm.s32 $0x18171615  }
0x7f: {  	v23 =	vimm.s32 $0x388;
	v48 =	vunpack.c.0.s8.s32 v26;
	v26 =	vsel vm14, v15, v46  }
0x80: {  	v32 =	vunpack.c.0.s8.s32 v49;
	v49 =	vunpack.c.0.s8.s32 v40;
	v40 =	vunpack.c.0.s8.s32 v50  }
0x81: {  	v50 =	vunpack.c.0.s8.s32 v42;
	v31 =	vsel vm12, v24, v20;
	v20 =	vimm.s32 $0x14131211  }
0x82: {  	v34 =	vunpack.c.0.s8.s32 v21;
	v21 =	vimm.s32 $0x1C1B1A19;
	v23 =	vsel vm2, $0x3A9, v23  }
0x83: {  	v24 =	vimm.s32 $0x398;
	vm12 =	vcmask $0x2F2C;
	v20 =	vunpack.c.0.s8.s32 v20  }
0x84: {  	v36 =	vunpack.c.0.s8.s32 v21;
	v21 =	vsel vm3, $0x3CA, v23;
	v23 =	vimm.s32 $0x16F  }
0x85: {  	v24 =	vsel vm2, $0x3B9, v24;
	v32 =	vsel vm14, v32, v17;
	v39 =	vsel vm14, v49, v39  }
0x86: {  	v56 =	vsel vm14, v48, v47;
	v11 =	vsel vm12, $0x38B, v11;
	v13 =	vsel vm12, $0x3AB, v13  }
0x87: {  	v18 =	vsel vm12, $0x39B, v18;
	v19 =	vsel vm12, $0x3BB, v19;
	v37 =	vsel vm5, $0x3EB, v21  }
0x88: {  	v21 =	vsel vm0, $0x380, v23;
	v23 =	vimm.s32 $0x17F;
	v39 =	vcombine.low v39, v32  }
0x89: {  	v21 =	vsel vm2, $0x3A1, v21;
	v23 =	vsel vm0, $0x390, v23;
	v42 =	vsel vm14, v40, v37  }
0x8a: {  	v37 =	vsel vm14, v41, v14;
	v40 =	vsel vm14, v36, v34;
	v41 =	vsel vm14, v50, v15  }
0x8b: {  	v15 =	vimm.s32 $0xEFCEAD8C;
	v21 =	vsel vm3, $0x3C2, v21;
	v23 =	vsel vm2, $0x3B1, v23  }
0x8c: {  	v15 =	vunpack.c.0.s8.s32 v15;
	v12 =	vcombine.low v12, v42;
	v42 =	vcombine.low v40, v37  }
0x8d: {  	v38 =	vsel vm5, $0x3E3, v21;
	v21 =	vsel vm3, $0x3DA, v24;
	v23 =	vsel vm3, $0x3D2, v23  }
0x8e: {  	v24 =	vimm.s32 $0x19181716;
	v44 =	vsel vm5, $0x3FB, v21;
	v45 =	vsel vm5, $0x3F3, v23  }
0x8f: {  	v23 =	vsel vm14, v34, v20;
	v20 =	vsel vm14, v14, v36;
	v21 =	vimm.s32 $0x15141312  }
0x90: {  	v43 =	vunpack.c.0.s8.s32 v24;
	v24 =	vimm.s32 $0x16151413;
	v14 =	vunpack.c.0.s8.s32 v51  }
0x91: {  	v51 =	vimm.s32 $0x67462504;
	v15 =	vand.u32 $0xFF, v15;
	v21 =	vunpack.c.0.s8.s32 v21  }
0x92: {  	v36 =	vsel vm14, v17, v49;
	v49 =	vunpack.c.0.s8.s32 v60;
	v24 =	vunpack.c.0.s8.s32 v24  }
0x93: {  	v60 =	vimm.s32 $0x19F;
	v52 =	vunpack.c.0.s8.s32 v51;
	v25 =	vsel vm14, v43, v21  }
0x94: {  	v24 =	vsel vm14, v47, v24;
	v21 =	vsel vm14, v16, v48;
	v43 =	vsel vm14, v46, v43  }
0x95: {  	v16 =	vsel vm14, v14, v16;
	v14 =	vimm.s32 $0x6B4A2908;
	v46 =	vand.u32 $0xFF, v54  }
0x96: {  	v47 =	vunpack.c.0.s8.s32 v55;
	v48 =	vunpack.c.0.s8.s32 v57;
	v14 =	vunpack.c.0.s8.s32 v14  }
0x97: {  	v54 =	vand.u32 $0xFF, v49;
	v55 =	vsel vm0, $0x3A0, v53;
	v57 =	vimm.s32 $0x3664524  }
0x98: {  	v53 =	vimm.s32 $0x97FAD9B8;
	v43 =	vcombine.low v43, v41;
	v14 =	vand.u32 $0xFF, v14  }
0x99: {  	v47 =	vand.u32 $0xFF, v47;
	v17 =	vsel vm14, v15, v14;
	v14 =	vand.u32 $0xFF, v52  }
0x9a: {  	v15 =	vimm.s32 $0xFFDEBD9C;
	v52 =	vsel vm14, v47, v45;
	v45 =	vunpack.c.0.s8.s32 v57  }
0x9b: {  	v47 =	vsel vm0, $0x3B0, v60;
	v38 =	vsel vm14, v14, v38;
	v14 =	vimm.s32 $0x7B5A3918  }
0x9c: {  	v15 =	vunpack.c.0.s8.s32 v15;
	v47 =	vsel vm2, $0x3D1, v47;
	v32 =	vcombine.low v10, v17  }
0x9d: {  	v14 =	vunpack.c.0.s8.s32 v14;
	v46 =	vsel vm15, v46, v38;
	v38 =	vsel vm15, v54, v52  }
0x9e: {  	v45 =	vand.u32 $0xFF, v45;
	v47 =	vsel vm3, $0x3F2, v47;
	v52 =	vimm.s32 $0x87EAC9A8  }
0x9f: {  	v54 =	vimm.s32 $0x1AF;
	vm15 =	vcmask $0x3B38;
	v34 =	vand.u32 $0xFF, v15  }
0xa0: {  	v15 =	vsel vm14, v48, v44;
	v44 =	vsel vm2, $0x3C1, v55;
	v55 =	vimm.s32 $0x23026544  }
0xa1: {  	s2 =	rddreg [dreg:$0x0];
	s1 =	simm.s32 $0x0;
	v49 =	vsel vm0, $0x3C0, v54;
	v54 =	vimm.s32 $0x1BF;
	v28 =	vsel vm15, $0x10E, v28  }
0xa2: {  	[smem:$0x7FF] =	sst s1;
	[tilespmem:$0x1FD70] =	vst v0;
	v14 =	vand.u32 $0xFF, v14;
	v44 =	vsel vm3, $0x3E2, v44;
	v50 =	vunpack.c.0.s8.s32 v55  }
0xa3: {  	s0 =	rddreg [dreg:$0x1];
	_ =	strace $0x80000047;
	[tilespmem:$0x1FE60] =	vst v4;
	v57 =	vsel vm2, $0x3E1, v49;
	v55 =	vimm.s32 $0x33127554;
	v4 =	vcombine.low v9, v15  }
0xa4: {  	v14 =	vsel vm14, v34, v14;
	v34 =	vimm.s32 $0x13765534;
	v44 =	vsel vm8, v45, v44  }
0xa5: {  	v45 =	vunpack.c.0.s8.s32 v52;
	v51 =	vunpack.c.0.s8.s32 v55;
	v52 =	vimm.s32 $0xB796F9D8  }
0xa6: {  	v55 =	vimm.s32 $0xD7B695F8;
	vm14 =	vcmask $0x3734;
	v48 =	vunpack.c.0.s8.s32 v34  }
0xa7: {  	s3 =	srdreg.scid;
	s5 =	stileid.u32;
	v60 =	vand.u32 $0xFF, v50;
	v34 =	vimm.s32 $0xA786E9C8;
	v50 =	vsel vm0, $0x3D0, v54  }
0xa8: {  	s4 =	sand.u32 $0x1, s3;
	s5 =	sshll.u32 s5, $0x1;
	v54 =	vimm.s32 $0x53321174;
	v52 =	vunpack.c.0.s8.s32 v52;
	v55 =	vunpack.c.0.s8.s32 v55  }
0xa9: {  	s5 =	sor.u32 s4, s5;
	v35 =	vsel vm14, $0x8D, v35;
	v33 =	vsel vm14, $0x10D, v33;
	v30 =	vsel vm14, $0x9D, v30  }
0xaa: {  	s3 =	sadd.s32 $0x600, s2;
	s7 =	sshll.u32 s5, $0x6;
	[tilespmem:$0x1FE70] =	vst v4;
	v4 =	vcombine.low v8, v14;
	v45 =	vand.u32 $0xFF, v45;
	v50 =	vsel vm2, $0x3F1, v50  }
0xab: {  	s22 =	sshll.u32 s5, $0x9;
	s5 =	sadd.s32 s3, s7;
	v51 =	vand.u32 $0xFF, v51;
	v54 =	vunpack.c.0.s8.s32 v54;
	v48 =	vand.u32 $0xFF, v48  }
0xac: {  	s7 =	sadd.s32 $0x800, s5;
	v44 =	vsel vm9, v45, v44;
	v45 =	vsel vm10, v60, v57;
	v57 =	vimm.s32 $0x43220164  }
0xad: {  	s23 =	sadd.s32 $0x1000, s5;
	[dreg:$0x3] =	wrdreg s7;
	v50 =	vsel vm10, v51, v50;
	v47 =	vsel vm8, v48, v47;
	v48 =	vunpack.c.0.s8.s32 v53  }
0xae: {  	s24 =	sadd.s32 $0x1800, s5;
	[dreg:$0x4] =	wrdreg s23;
	v60 =	vimm.s32 $0x1CF;
	v52 =	vand.u32 $0xFF, v52;
	v49 =	vunpack.c.0.s8.s32 v57  }
0xaf: {  	s25 =	sadd.s32 $0x2000, s5;
	[dreg:$0x5] =	wrdreg s24;
	v53 =	vimm.s32 $0x1DF;
	v54 =	vand.u32 $0xFF, v54;
	v48 =	vand.u32 $0xFF, v48  }
0xb0: {  	s26 =	sadd.s32 $0x2800, s5;
	[dreg:$0x6] =	wrdreg s25;
	v44 =	vsel vm12, $0x10B, v44;
	v47 =	vsel vm9, v48, v47;
	v48 =	vunpack.c.0.s8.s32 v34  }
0xb1: {  	s28 =	sadd.s32 $0x3000, s5;
	[dreg:$0x7] =	wrdreg s26;
	v53 =	vsel vm0, $0x3F0, v53;
	v49 =	vand.u32 $0xFF, v49;
	v34 =	vimm.s32 $0xC7A685E8  }
0xb2: {  	s8 =	sadd.s32 $0x3800, s5;
	[dreg:$0x8] =	wrdreg s28;
	v57 =	vsel vm11, v54, v53;
	v51 =	vunpack.c.0.s8.s32 v34;
	v48 =	vand.u32 $0xFF, v48  }
0xb3: {  	s9 =	sadd.s32 $0x4000, s5;
	[dreg:$0x9] =	wrdreg s8;
	v54 =	vlaneseq.u32;
	v45 =	vsel vm7, v48, v45;
	v48 =	vsel vm0, $0x3E0, v60  }
0xb4: {  	s10 =	sadd.s32 $0x4800, s5;
	[dreg:$0xa] =	wrdreg s9;
	v51 =	vand.u32 $0xFF, v51;
	v60 =	vand.u32 $0xFF, v55;
	v48 =	vsel vm11, v49, v48  }
0xb5: {  	s6 =	ssub.s32 $0x2, s4;
	s11 =	sadd.s32 $0x5000, s5;
	[dreg:$0xb] =	wrdreg s10;
	v49 =	vsel vm13, v60, v57;
	v45 =	vsel vm4, $0x10A, v45;
	v57 =	vmul.u32 $0x21, v54  }
0xb6: {  	s4 =	sadd.s32 $0xF42A00, s2;
	s12 =	sadd.s32 $0x5800, s5;
	[dreg:$0xc] =	wrdreg s11;
	[tilespmem:$0x1FEB0] =	vst v58;
	v48 =	vsel vm13, v51, v48;
	vm13 =	vcmask $0x3330;
	v45 =	vsel vm12, $0x12B, v45  }
0xb7: {  	s13 =	sadd.s32 $0x6000, s5;
	[dreg:$0xd] =	wrdreg s12;
	[tilespmem:$0x1FFF0] =	vst v5;
	v11 =	vsel vm13, $0x3AC, v11;
	v13 =	vsel vm13, $0x3CC, v13;
	v46 =	vsel vm13, $0x10C, v46  }
0xb8: {  	s14 =	sadd.s32 $0x6800, s5;
	[dreg:$0xe] =	wrdreg s13;
	[tilespmem:$0x1FE80] =	vst v4;
	v44 =	vsel vm13, $0x12C, v44;
	v7 =	vadd.s32 $0x60, v57;
	v34 =	vadd.s32 $0x80, v57  }
0xb9: {  	s15 =	sadd.s32 $0x7000, s5;
	[dreg:$0xf] =	wrdreg s14;
	v11 =	vsel vm14, $0x3CD, v11;
	v13 =	vsel vm14, $0x3ED, v13;
	v46 =	vsel vm14, $0x12D, v46;
	[tilespmem:$0x1FF00] =	vst v7  }
0xba: {  	s16 =	sadd.s32 $0x7800, s5;
	[dreg:$0x10] =	wrdreg s15;
	[tilespmem:$0x1FF20] =	vst v34;
	v60 =	vsel vm15, $0x3EE, v11;
	v11 =	vsel vm15, $0xE, v13;
	v13 =	vsel vm15, $0x8E, v22  }
0xbb: {  	s21 =	sshrl.u32 s6, $0x1;
	s17 =	sadd.s32 $0x8000, s5;
	[dreg:$0x11] =	wrdreg s16;
	v45 =	vsel vm13, $0x14C, v45;
	v44 =	vsel vm14, $0x14D, v44;
	v0 =	vsel vm15, $0x14E, v46;
	[tilespmem:$0x1FD80] =	vst v13  }
0xbc: {  	s2 =	ssub.s32 s6, s21;
	s18 =	sadd.s32 $0x8800, s5;
	[dreg:$0x12] =	wrdreg s17;
	v18 =	vsel vm13, $0x3BC, v18;
	v45 =	vsel vm14, $0x16D, v45;
	[tilespmem:$0x1FDA0] =	vst v0;
	v0 =	vsel vm15, $0x16E, v44  }
0xbd: {  	s19 =	smax.u32 s2, $0x1;
	[dreg:$0x13] =	wrdreg s18;
	v19 =	vsel vm13, $0x3DC, v19;
	v18 =	vsel vm14, $0x3DD, v18;
	[tilespmem:$0x1FDB0] =	vst v0;
	v0 =	vsel vm15, $0x18E, v45  }
0xbe: {  	s20 =	sadd.s32 $0x9000, s5;
	[dreg:$0x14] =	wrdreg s19;
	v50 =	vsel vm7, v52, v50;
	v19 =	vsel vm14, $0x3FD, v19;
	[tilespmem:$0x1FDC0] =	vst v0;
	v0 =	vsel vm15, $0x3FE, v18  }
0xbf: {  	s21 =	sadd.s32 $0x9800, s5;
	[dreg:$0x15] =	wrdreg s20;
	v31 =	vsel vm14, $0x11D, v31;
	v50 =	vsel vm4, $0x11A, v50;
	[tilespmem:$0x1FDD0] =	vst v0;
	v0 =	vsel vm15, $0x1E, v19  }
0xc0: {  	s2 =	sadd.s32 $0xC000, s5;
	[dreg:$0x16] =	wrdreg s21;
	v52 =	vcombine.low v25, v26;
	v50 =	vsel vm12, $0x13B, v50;
	[tilespmem:$0x1FDE0] =	vst v0;
	v0 =	vsel vm15, $0x9E, v29  }
0xc1: {  	s6 =	sadd.s32 $0xC800, s5;
	s23 =	sadd.s32 s0, s22;
	[dreg:$0x1b] =	wrdreg s2;
	v47 =	vsel vm12, $0x11B, v47;
	v48 =	vsel vm1, $0x109, v48;
	[tilespmem:$0x1FDF0] =	vst v0;
	v0 =	vsel vm15, $0xBE, v30  }
0xc2: {  	s24 =	sor.u32 $0x40, s22;
	s22 =	sadd.s32 $0xA000, s5;
	[dreg:$0x1c] =	wrdreg s6;
	v38 =	vsel vm13, $0x11C, v38;
	v47 =	vsel vm13, $0x13C, v47;
	[tilespmem:$0x1FE00] =	vst v0;
	v0 =	vsel vm15, $0x11E, v27  }
0xc3: {  	s25 =	sadd.s32 $0xA800, s5;
	[dreg:$0x17] =	wrdreg s22;
	v48 =	vsel vm4, $0x12A, v48;
	v38 =	vsel vm14, $0x13D, v38;
	[tilespmem:$0x1FE10] =	vst v0;
	v0 =	vsel vm15, $0x13E, v31  }
0xc4: {  	s26 =	sadd.s32 $0xB000, s5;
	[dreg:$0x18] =	wrdreg s25;
	v47 =	vsel vm14, $0x15D, v47;
	v48 =	vsel vm12, $0x14B, v48;
	[tilespmem:$0x1FE20] =	vst v0;
	v0 =	vsel vm15, $0x15E, v38  }
0xc5: {  	s28 =	sadd.s32 $0xB800, s5;
	[dreg:$0x19] =	wrdreg s26;
	[tilespmem:$0x1FE30] =	vst v0;
	v0 =	vsel vm15, $0x17E, v47;
	v47 =	vcombine.low v6, v62;
	v6 =	vimm.s32 $0x76543210  }
0xc6: {  	s7 =	sadd.s32 $0x4, s5;
	[dreg:$0x1a] =	wrdreg s28;
	v48 =	vsel vm13, $0x16C, v48;
	v13 =	vsel vm15, $0xAE, v35;
	[tilespmem:$0x1FED0] =	vst v60;
	v62 =	vmovc v11;
	v11 =	vunpack.c.l.s4.s8 v6  }
0xc7: {  	s8 =	sadd.s32 $0x804, s5;
	[dreg:$0x1d] =	wrdreg s7;
	v44 =	vcombine.low v56, v16;
	v16 =	vadd.s32 $0xA0, v57;
	v48 =	vsel vm14, $0x18D, v48;
	[tilespmem:$0x1FD90] =	vst v13  }
0xc8: {  	s9 =	sadd.s32 $0x1004, s5;
	[dreg:$0x1e] =	wrdreg s8;
	[tilespmem:$0x1FF30] =	vst v16;
	v18 =	vadd.s32 $0x20, v57;
	v19 =	vunpack.c.0.s8.s32 v11;
	v11 =	vimm.s32 $0x98765432  }
0xc9: {  	s10 =	sadd.s32 $0x1804, s5;
	[dreg:$0x1f] =	wrdreg s9;
	v49 =	vsel vm1, $0x119, v49;
	v48 =	vsel vm15, $0x1AE, v48;
	[tilespmem:$0x1FEE0] =	vst v18;
	v11 =	vunpack.c.l.s4.s8 v11  }
0xca: {  	s11 =	sadd.s32 $0x2004, s5;
	[smem:$0x7EE] =	sst s10;
	v49 =	vsel vm4, $0x13A, v49;
	v50 =	vsel vm13, $0x15C, v50;
	[tilespmem:$0x1FFE0] =	vst v48;
	v27 =	vadd.s32 $0x40, v57  }
0xcb: {  	s29 =	sadd.s32 $0x9804, s5;
	s12 =	sadd.s32 $0x2804, s5;
	[smem:$0x7EF] =	sst s11;
	v49 =	vsel vm12, $0x15B, v49;
	v50 =	vsel vm14, $0x17D, v50;
	[tilespmem:$0x1FEF0] =	vst v27;
	v10 =	vunpack.c.0.s8.s32 v11  }
0xcc: {  	s13 =	sadd.s32 $0x3004, s5;
	[smem:$0x7F0] =	sst s12;
	v4 =	vadd.s32 $0x9, v54;
	v49 =	vsel vm13, $0x17C, v49;
	[tilespmem:$0x1FE40] =	vst v0;
	v0 =	vsel vm15, $0x19E, v50  }
0xcd: {  	s14 =	sadd.s32 $0x3804, s5;
	[smem:$0x7F1] =	sst s13;
	v8 =	vadd.s32 $0xB, v54;
	v49 =	vsel vm14, $0x19D, v49;
	[tilespmem:$0x1FE50] =	vst v0;
	v10 =	vand.u32 $0xF, v10  }
0xce: {  	s15 =	sadd.s32 $0x4004, s5;
	[smem:$0x7F2] =	sst s14;
	v15 =	vadd.s32 $0xE, v54;
	v17 =	vadd.s32 $0xF, v54;
	v0 =	vsel vm15, $0x1BE, v49;
	[tilespmem:$0x1FF10] =	vst v47  }
0xcf: {  	s30 =	sadd.s32 $0xA004, s5;
	s16 =	sadd.s32 $0x4804, s5;
	[smem:$0x7F3] =	sst s15;
	v55 =	vcombine.low v24, v21;
	[tilespmem:$0x1FFD0] =	vst v0;
	v46 =	vcombine.low v36, v19;
	v36 =	vadd.s32 $0xC0, v57  }
0xd0: {  	s31 =	sadd.s32 $0xA804, s5;
	s17 =	sadd.s32 $0x5004, s5;
	[smem:$0x7F4] =	sst s16;
	v51 =	vadd.s32 $0x6, v54;
	v35 =	vadd.s32 $0x3, v54;
	[tilespmem:$0x1FF40] =	vst v36;
	v53 =	vcombine.low v26, v10;
	v10 =	vmovc v57  }
0xd1: {  	s18 =	sadd.s32 $0x5804, s5;
	s19 =	sadd.s32 $0x6004, s5;
	[smem:$0x7F5] =	sst s17;
	v13 =	vsel vm15, $0x12E, v33;
	v33 =	vadd.s32 $0x2, v54;
	v9 =	vadd.s32 $0x1E0, v10;
	[tilespmem:$0x1FEC0] =	vst v10  }
0xd2: {  	s20 =	sadd.s32 $0x6804, s5;
	[smem:$0x7F6] =	sst s18;
	v45 =	vadd.s32 $0x5, v54;
	v29 =	vmovc v3;
	v3 =	vmovc v2;
	v6 =	vimm.s32 $0x87654321;
	v40 =	vadd.s32 $0xE0, v10;
	[tilespmem:$0x1FE90] =	vst v9  }
0xd3: {  	s21 =	sadd.s32 $0x7004, s5;
	s0 =	sadd.s32 $0xB004, s5;
	[smem:$0x7F7] =	sst s19;
	v2 =	vmovc v1;
	v1 =	vmovc v61;
	v61 =	vadd.s32 $0x8, v54;
	v6 =	vunpack.c.l.s4.s8 v6;
	v63 =	vadd.s32 $0x100, v10;
	[tilespmem:$0x1FF50] =	vst v40  }
0xd4: {  	s2 =	sadd.s32 $0xB804, s5;
	s6 =	sadd.s32 $0xC004, s5;
	[smem:$0x7F8] =	sst s20;
	v30 =	vmul.u32 $0x20, v54;
	v31 =	vadd.s32 $0x1, v54;
	v14 =	vadd.s32 $0x120, v10;
	[tilespmem:$0x1FF60] =	vst v63  }
0xd5: {  	[smem:$0x7F9] =	sst s21;
	s22 =	sadd.s32 $0x7804, s5;
	v19 =	vunpack.c.0.s8.s32 v6;
	v6 =	vimm.s32 $0xA9876543;
	v24 =	vadd.s32 $0x140, v10;
	[tilespmem:$0x1FF70] =	vst v14  }
0xd6: {  	s25 =	sadd.s32 $0x8004, s5;
	s26 =	sadd.s32 $0x8804, s5;
	s28 =	sadd.s32 $0x9004, s5;
	v38 =	vadd.s32 $0x4, v54;
	v6 =	vunpack.c.l.s4.s8 v6;
	v25 =	vadd.s32 $0x160, v10;
	[tilespmem:$0x1FF80] =	vst v24  }
.Ltmp0:
0xd7: {  	s7 =	sadd.s32 $0xC804, s5;
	s8 =	simm.s32 $0x20;
	v49 =	vcombine.low v23, v20;
	v11 =	vand.u32 $0xF, v19;
	v26 =	vadd.s32 $0x180, v10;
	[tilespmem:$0x1FF90] =	vst v25;
	(pc) =	sbr.rel .LBB2_1-.Ltmp0, $4  }
0xd8: {  	s9 =	simm.s32 $0x80;
	s10 =	simm.s32 $0x340;
	[smem:$0x7FA] =	sst s22;
	v19 =	vor.u32 $0x10, v54;
	v6 =	vunpack.c.0.s8.s32 v6;
	v37 =	vadd.s32 $0x1A0, v10;
	[tilespmem:$0x1FFA0] =	vst v26  }
0xd9: {  	s11 =	simm.s32 $0x1;
	s12 =	simm.s32 $0x680;
	[smem:$0x7FB] =	sst s25;
	v50 =	vcombine.low v20, v11;
	v11 =	vadd.s32 $0xC, v54;
	v41 =	vadd.s32 $0x1C0, v10;
	[tilespmem:$0x1FFB0] =	vst v37  }
0xda: {  	s13 =	simm.s32 $0x2;
	s14 =	simm.s32 $0xD680;
	[smem:$0x7FC] =	sst s26;
	v20 =	vmovc v13;
	v13 =	vadd.s32 $0xD, v54;
	v6 =	vand.u32 $0xF, v6;
	v9 =	vor.u32 $0x200, v10;
	[tilespmem:$0x1FFC0] =	vst v41  }
0xdb: {  	s15 =	simm.s32 $0x3;
	s16 =	simm.s32 $0x0;
	[smem:$0x7FD] =	sst s28;
	v56 =	vcombine.low v21, v6;
	v57 =	vadd.s32 $0x7, v54;
	v6 =	vadd.s32 $0xA, v54;
	[tilespmem:$0x1FEA0] =	vst v9  }
.LBB2_9:
0xdc: {  	_ =	swait.ge [sflag:s15], $0x6800  }
0xdd: {  	[sflag:s15] =	ssyncset.done $0x0  }
0xde: {  	[sflag:s15] =	ssyncadd.s32 $0xFFFF9800  }
0xdf: {  	_ =	swait.ge [sflag:s15], $0x6800  }
0xe0: {  	s16 =	sadd.s32 $0x1, s16;
	s17 =	rddreg [dreg:$0x14]  }
0xe1: {  	p0 =	sne.s32 s16, s17  }
.Ltmp1:
0xe2: {  	_ = 	snop;
	(pc) =	sbr.rel @!p0 .LBB2_10-.Ltmp1, $3  }
0xe3: {  	_ =	sdelay $0x1  }
0xe4: {  	[sflag:s15] =	ssyncset.done $0x0  }
0xe5: {  	v1 =	vmov v5;
	[sflag:s15] =	ssyncadd.s32 $0xFFFF9800  }
.LBB2_1:
0xe6: {  	[tilespmem:s1], [sflag:$0x1] =	stream.linear.gather [hbm4b:s5+s1], $0x20, $0x38;
	[tilespmem:$0x1D680] =	vst v63  }
0xe7: {  	s17 =	rddreg [dreg:$0x3]  }
0xe8: {  	s22 =	rddreg [dreg:$0x4]  }
0xe9: {  	[tilespmem:s8], [sflag:$0x1] =	stream.linear.gather [hbm4b:s17+s1], $0x20, $0x38;
	[tilespmem:$0x1D680] =	vst v63  }
0xea: {  	s18 =	simm.s32 $0x40;
	s25 =	rddreg [dreg:$0x5]  }
0xeb: {  	[tilespmem:s18], [sflag:$0x1] =	stream.linear.gather [hbm4b:s22+s1], $0x20, $0x38;
	[tilespmem:$0x1D680] =	vst v63  }
0xec: {  	s26 =	simm.s32 $0x60;
	s28 =	rddreg [dreg:$0x6]  }
0xed: {  	[tilespmem:s26], [sflag:$0x1] =	stream.linear.gather [hbm4b:s25+s1], $0x20, $0x38;
	[tilespmem:$0x1D680] =	vst v63  }
0xee: {  	s20 =	rddreg [dreg:$0x8]  }
0xef: {  	[tilespmem:s9], [sflag:$0x1] =	stream.linear.gather [hbm4b:s28+s1], $0x20, $0x38;
	[tilespmem:$0x1D680] =	vst v63  }
0xf0: {  	s19 =	simm.s32 $0xA0;
	s18 =	rddreg [dreg:$0x7]  }
0xf1: {  	[tilespmem:s19], [sflag:$0x1] =	stream.linear.gather [hbm4b:s18+s1], $0x20, $0x38;
	[tilespmem:$0x1D680] =	vst v63  }
0xf2: {  	s21 =	simm.s32 $0xC0;
	s22 =	rddreg [dreg:$0x9]  }
0xf3: {  	[tilespmem:s21], [sflag:$0x1] =	stream.linear.gather [hbm4b:s20+s1], $0x20, $0x38;
	[tilespmem:$0x1D680] =	vst v63  }
0xf4: {  	s25 =	simm.s32 $0xE0;
	s26 =	rddreg [dreg:$0xa]  }
0xf5: {  	[tilespmem:s25], [sflag:$0x1] =	stream.linear.gather [hbm4b:s22+s1], $0x20, $0x38;
	[tilespmem:$0x1D680] =	vst v63  }
0xf6: {  	s28 =	simm.s32 $0x100;
	s18 =	rddreg [dreg:$0xb]  }
0xf7: {  	[tilespmem:s28], [sflag:$0x1] =	stream.linear.gather [hbm4b:s26+s1], $0x20, $0x38;
	[tilespmem:$0x1D680] =	vst v63  }
0xf8: {  	s19 =	simm.s32 $0x120;
	s20 =	rddreg [dreg:$0xc]  }
0xf9: {  	[tilespmem:s19], [sflag:$0x1] =	stream.linear.gather [hbm4b:s18+s1], $0x20, $0x38;
	[tilespmem:$0x1D680] =	vst v63  }
0xfa: {  	s21 =	simm.s32 $0x140;
	s22 =	rddreg [dreg:$0xd]  }
0xfb: {  	[tilespmem:s21], [sflag:$0x1] =	stream.linear.gather [hbm4b:s20+s1], $0x20, $0x38;
	[tilespmem:$0x1D680] =	vst v63  }
0xfc: {  	s25 =	simm.s32 $0x160;
	s26 =	rddreg [dreg:$0xe]  }
0xfd: {  	[tilespmem:s25], [sflag:$0x1] =	stream.linear.gather [hbm4b:s22+s1], $0x20, $0x38;
	[tilespmem:$0x1D680] =	vst v63  }
0xfe: {  	s28 =	simm.s32 $0x180;
	s18 =	rddreg [dreg:$0xf]  }
0xff: {  	[tilespmem:s28], [sflag:$0x1] =	stream.linear.gather [hbm4b:s26+s1], $0x20, $0x38;
	[tilespmem:$0x1D680] =	vst v63  }
0x100: {  	s19 =	simm.s32 $0x1A0;
	s20 =	rddreg [dreg:$0x10]  }
0x101: {  	[tilespmem:s19], [sflag:$0x1] =	stream.linear.gather [hbm4b:s18+s1], $0x20, $0x38;
	[tilespmem:$0x1D680] =	vst v63  }
0x102: {  	s21 =	simm.s32 $0x1C0;
	s22 =	rddreg [dreg:$0x11]  }
0x103: {  	[tilespmem:s21], [sflag:$0x1] =	stream.linear.gather [hbm4b:s20+s1], $0x20, $0x38;
	[tilespmem:$0x1D680] =	vst v63  }
0x104: {  	s25 =	simm.s32 $0x1E0;
	s26 =	rddreg [dreg:$0x12]  }
0x105: {  	[tilespmem:s25], [sflag:$0x1] =	stream.linear.gather [hbm4b:s22+s1], $0x20, $0x38;
	[tilespmem:$0x1D680] =	vst v63  }
0x106: {  	s28 =	simm.s32 $0x200;
	s18 =	rddreg [dreg:$0x13]  }
0x107: {  	[tilespmem:s28], [sflag:$0x1] =	stream.linear.gather [hbm4b:s26+s1], $0x20, $0x38;
	[tilespmem:$0x1D680] =	vst v63  }
0x108: {  	s19 =	simm.s32 $0x220;
	s20 =	rddreg [dreg:$0x15]  }
0x109: {  	[tilespmem:s19], [sflag:$0x1] =	stream.linear.gather [hbm4b:s18+s1], $0x20, $0x38;
	[tilespmem:$0x1D680] =	vst v63  }
0x10a: {  	s21 =	simm.s32 $0x240;
	s22 =	rddreg [dreg:$0x16]  }
0x10b: {  	[tilespmem:s21], [sflag:$0x1] =	stream.linear.gather [hbm4b:s20+s1], $0x20, $0x38;
	[tilespmem:$0x1D680] =	vst v63  }
0x10c: {  	s25 =	simm.s32 $0x260;
	s26 =	rddreg [dreg:$0x17]  }
0x10d: {  	[tilespmem:s25], [sflag:$0x1] =	stream.linear.gather [hbm4b:s22+s1], $0x20, $0x38;
	[tilespmem:$0x1D680] =	vst v63  }
0x10e: {  	s28 =	simm.s32 $0x280;
	s18 =	rddreg [dreg:$0x18]  }
0x10f: {  	[tilespmem:s28], [sflag:$0x1] =	stream.linear.gather [hbm4b:s26+s1], $0x20, $0x38;
	[tilespmem:$0x1D680] =	vst v63  }
0x110: {  	s19 =	simm.s32 $0x2A0;
	s20 =	rddreg [dreg:$0x19]  }
0x111: {  	[tilespmem:s19], [sflag:$0x1] =	stream.linear.gather [hbm4b:s18+s1], $0x20, $0x38;
	[tilespmem:$0x1D680] =	vst v63  }
0x112: {  	s21 =	simm.s32 $0x2C0;
	s22 =	rddreg [dreg:$0x1a]  }
0x113: {  	[tilespmem:s21], [sflag:$0x1] =	stream.linear.gather [hbm4b:s20+s1], $0x20, $0x38;
	[tilespmem:$0x1D680] =	vst v63  }
0x114: {  	s25 =	simm.s32 $0x2E0;
	s26 =	rddreg [dreg:$0x1b]  }
0x115: {  	[tilespmem:s25], [sflag:$0x1] =	stream.linear.gather [hbm4b:s22+s1], $0x20, $0x38;
	[tilespmem:$0x1D680] =	vst v63  }
0x116: {  	s28 =	simm.s32 $0x300;
	s19 =	rddreg [dreg:$0x1c]  }
0x117: {  	[tilespmem:s28], [sflag:$0x1] =	stream.linear.gather [hbm4b:s26+s1], $0x20, $0x38;
	[tilespmem:$0x1D680] =	vst v63  }
0x118: {  	s18 =	sld [smem:$0x7EE];
	s20 =	simm.s32 $0x320  }
0x119: {  	[tilespmem:s20], [sflag:$0x1] =	stream.linear.gather [hbm4b:s19+s1], $0x20, $0x38;
	[tilespmem:$0x1D680] =	vst v63  }
0x11a: {  	s21 =	rddreg [dreg:$0x1d]  }
0x11b: {  	[tilespmem:s10], [sflag:$0x1] =	stream.linear.gather [hbm4b:s21+s1], $0x20, $0x38;
	[tilespmem:$0x1D680] =	vst v63  }
0x11c: {  	s22 =	rddreg [dreg:$0x1e];
	s25 =	simm.s32 $0x360  }
0x11d: {  	[tilespmem:s25], [sflag:$0x1] =	stream.linear.gather [hbm4b:s22+s1], $0x20, $0x38;
	[tilespmem:$0x1D680] =	vst v63  }
0x11e: {  	s26 =	rddreg [dreg:$0x1f];
	s28 =	simm.s32 $0x380  }
0x11f: {  	[tilespmem:s28], [sflag:$0x1] =	stream.linear.gather [hbm4b:s26+s1], $0x20, $0x38;
	[tilespmem:$0x1D680] =	vst v63  }
0x120: {  	s19 =	simm.s32 $0x3A0;
	s20 =	sld [smem:$0x7EF]  }
0x121: {  	[tilespmem:s19], [sflag:$0x1] =	stream.linear.gather [hbm4b:s18+s1], $0x20, $0x38;
	[tilespmem:$0x1D680] =	vst v63  }
0x122: {  	s21 =	simm.s32 $0x3C0;
	s22 =	sld [smem:$0x7F0]  }
0x123: {  	[tilespmem:s21], [sflag:$0x1] =	stream.linear.gather [hbm4b:s20+s1], $0x20, $0x38;
	[tilespmem:$0x1D680] =	vst v63  }
0x124: {  	s25 =	simm.s32 $0x3E0;
	s26 =	sld [smem:$0x7F1]  }
0x125: {  	[tilespmem:s25], [sflag:$0x1] =	stream.linear.gather [hbm4b:s22+s1], $0x20, $0x38;
	[tilespmem:$0x1D680] =	vst v63  }
0x126: {  	s28 =	simm.s32 $0x400;
	s18 =	sld [smem:$0x7F2]  }
0x127: {  	[tilespmem:s28], [sflag:$0x1] =	stream.linear.gather [hbm4b:s26+s1], $0x20, $0x38;
	[tilespmem:$0x1D680] =	vst v63  }
0x128: {  	s19 =	simm.s32 $0x420;
	s20 =	sld [smem:$0x7F3]  }
0x129: {  	[tilespmem:s19], [sflag:$0x1] =	stream.linear.gather [hbm4b:s18+s1], $0x20, $0x38;
	[tilespmem:$0x1D680] =	vst v63  }
0x12a: {  	s21 =	simm.s32 $0x440;
	s22 =	sld [smem:$0x7F4]  }
0x12b: {  	[tilespmem:s21], [sflag:$0x1] =	stream.linear.gather [hbm4b:s20+s1], $0x20, $0x38;
	[tilespmem:$0x1D680] =	vst v63  }
0x12c: {  	s25 =	simm.s32 $0x460;
	s26 =	sld [smem:$0x7F5]  }
0x12d: {  	[tilespmem:s25], [sflag:$0x1] =	stream.linear.gather [hbm4b:s22+s1], $0x20, $0x38;
	[tilespmem:$0x1D680] =	vst v63  }
0x12e: {  	s28 =	simm.s32 $0x480;
	s18 =	sld [smem:$0x7F6]  }
0x12f: {  	[tilespmem:s28], [sflag:$0x1] =	stream.linear.gather [hbm4b:s26+s1], $0x20, $0x38;
	[tilespmem:$0x1D680] =	vst v63  }
0x130: {  	s19 =	simm.s32 $0x4A0;
	s20 =	sld [smem:$0x7F7]  }
0x131: {  	[tilespmem:s19], [sflag:$0x1] =	stream.linear.gather [hbm4b:s18+s1], $0x20, $0x38;
	[tilespmem:$0x1D680] =	vst v63  }
0x132: {  	s21 =	simm.s32 $0x4C0;
	s22 =	sld [smem:$0x7F8]  }
0x133: {  	[tilespmem:s21], [sflag:$0x1] =	stream.linear.gather [hbm4b:s20+s1], $0x20, $0x38;
	[tilespmem:$0x1D680] =	vst v63  }
0x134: {  	s25 =	simm.s32 $0x4E0;
	s26 =	sld [smem:$0x7F9]  }
0x135: {  	[tilespmem:s25], [sflag:$0x1] =	stream.linear.gather [hbm4b:s22+s1], $0x20, $0x38;
	[tilespmem:$0x1D680] =	vst v63  }
0x136: {  	s28 =	simm.s32 $0x500;
	s18 =	sld [smem:$0x7FA]  }
0x137: {  	[tilespmem:s28], [sflag:$0x1] =	stream.linear.gather [hbm4b:s26+s1], $0x20, $0x38;
	[tilespmem:$0x1D680] =	vst v63  }
0x138: {  	s19 =	simm.s32 $0x520;
	s20 =	sld [smem:$0x7FB]  }
0x139: {  	[tilespmem:s19], [sflag:$0x1] =	stream.linear.gather [hbm4b:s18+s1], $0x20, $0x38;
	[tilespmem:$0x1D680] =	vst v63  }
0x13a: {  	s21 =	simm.s32 $0x540;
	s22 =	sld [smem:$0x7FC]  }
0x13b: {  	[tilespmem:s21], [sflag:$0x1] =	stream.linear.gather [hbm4b:s20+s1], $0x20, $0x38;
	[tilespmem:$0x1D680] =	vst v63  }
0x13c: {  	s25 =	simm.s32 $0x560;
	s26 =	sld [smem:$0x7FD]  }
0x13d: {  	[tilespmem:s25], [sflag:$0x1] =	stream.linear.gather [hbm4b:s22+s1], $0x20, $0x38;
	[tilespmem:$0x1D680] =	vst v63  }
0x13e: {  	s28 =	simm.s32 $0x580  }
0x13f: {  	[tilespmem:s28], [sflag:$0x1] =	stream.linear.gather [hbm4b:s26+s1], $0x20, $0x38;
	[tilespmem:$0x1D680] =	vst v63  }
0x140: {  	s19 =	simm.s32 $0x5A0  }
0x141: {  	[tilespmem:s19], [sflag:$0x1] =	stream.linear.gather [hbm4b:s29+s1], $0x20, $0x38;
	[tilespmem:$0x1D680] =	vst v63  }
0x142: {  	s20 =	simm.s32 $0x5C0  }
0x143: {  	[tilespmem:s20], [sflag:$0x1] =	stream.linear.gather [hbm4b:s30+s1], $0x20, $0x38;
	[tilespmem:$0x1D680] =	vst v63  }
0x144: {  	s21 =	simm.s32 $0x5E0  }
0x145: {  	[tilespmem:s21], [sflag:$0x1] =	stream.linear.gather [hbm4b:s31+s1], $0x20, $0x38;
	[tilespmem:$0x1D680] =	vst v63  }
0x146: {  	s22 =	simm.s32 $0x600  }
0x147: {  	[tilespmem:s22], [sflag:$0x1] =	stream.linear.gather [hbm4b:s0+s1], $0x20, $0x38;
	[tilespmem:$0x1D680] =	vst v63  }
0x148: {  	s25 =	simm.s32 $0x620  }
0x149: {  	[tilespmem:s25], [sflag:$0x1] =	stream.linear.gather [hbm4b:s2+s1], $0x20, $0x38;
	[tilespmem:$0x1D680] =	vst v63  }
0x14a: {  	s26 =	simm.s32 $0x640  }
0x14b: {  	[tilespmem:s26], [sflag:$0x1] =	stream.linear.gather [hbm4b:s6+s1], $0x20, $0x38;
	[tilespmem:$0x1D680] =	vst v63  }
0x14c: {  	s28 =	simm.s32 $0x660  }
0x14d: {  	[tilespmem:s28], [sflag:$0x1] =	stream.linear.gather [hbm4b:s7+s1], $0x20, $0x38;
	[tilespmem:$0x1D680] =	vst v63  }
.Ltmp2:
0x14e: {  	_ = 	snop;
	(pc) =	sbr.rel .LBB2_2-.Ltmp2, $4  }
0x14f: {  	_ =	swait.ge [sflag:s11], $0x340  }
0x150: {  	[sflag:s11] =	ssyncset.done $0x0  }
0x151: {  	p0 =	por $0x0, $0x0;
	s18 =	simm.s32 $0x0;
	[sflag:s11] =	ssyncadd.s32 $0xFFFFFCC0  }
0x152: {  	v5 =	vmov v1;
	[tilespmem:s12], [sflag:$0x2] =	stream.indirect.gather [hbm4b:s4+s10], $0x20, s1, s10, $0xb8;
	[tilespmem:$0x1D680] =	vst v63  }
.LBB2_8:
0x153: {  	v58 =	vld [tilespmem:$0x1FEB0]  }
0x154: {  	v10 =	vld [tilespmem:$0x1FEC0]  }
0x155: {  	v60 =	vld [tilespmem:$0x1FED0]  }
0x156: {  	v48 =	vmov v18;
	v18 =	vld [tilespmem:$0x1FEE0]  }
0x157: {  	v27 =	vld [tilespmem:$0x1FEF0]  }
0x158: {  	v7 =	vld [tilespmem:$0x1FF00]  }
0x159: {  	v47 =	vld [tilespmem:$0x1FF10]  }
0x15a: {  	v34 =	vld [tilespmem:$0x1FF20]  }
0x15b: {  	v28 =	vmov v16;
	v16 =	vld [tilespmem:$0x1FF30]  }
0x15c: {  	v36 =	vld [tilespmem:$0x1FF40]  }
0x15d: {  	v40 =	vld [tilespmem:$0x1FF50]  }
0x15e: {  	v63 =	vld [tilespmem:$0x1FF60]  }
0x15f: {  	p1 =	sne.s32 s18, $0x10;
	v14 =	vld [tilespmem:$0x1FF70]  }
.Ltmp3:
0x160: {  	v24 =	vld [tilespmem:$0x1FF80];
	(pc) =	sbr.rel @!p1 .LBB2_9-.Ltmp3, $4  }
0x161: {  	v25 =	vld [tilespmem:$0x1FF90]  }
0x162: {  	v26 =	vld [tilespmem:$0x1FFA0]  }
0x163: {  	v37 =	vld [tilespmem:$0x1FFB0]  }
0x164: {  	p0 =	por !p0, !p0;
	v41 =	vld [tilespmem:$0x1FFC0]  }
.LBB2_2:
0x165: {  	s17 =	smov.u32 s18  }
0x166: {  	s19 =	simm.s32 $0x1;
	s18 =	sadd.s32 $0x1, s18;
	p1 =	seq.s32 s17, $0xF  }
0x167: {  	s19 =	simm.s32 @!p0 $0x0;
	s20 =	sand.u32 @!p1 $0x1, s18  }
0x168: {  	s21 =	smul.u32 $0x340, s19;
	p2 =	seq.s32 @!p1 s20, $0x1  }
0x169: {  	s25 =	simm.s32 @!p1 $0x340;
	s20 =	simm.s32 @!p1 $0x1;
	p2 =	por !p2, p1  }
0x16a: {  	s22 =	sor.u32 $0x10, s21;
	_ =	swait.ge @!p1 [sflag:s20], $0x340;
	s25 =	simm.s32 @p2 $0x0  }
0x16b: {  	[sflag:s20] =	ssyncset.done @!p1 $0x0;
	s26 =	sadd.s32 $0xFFFFFFF0, s22;
	s21 =	sshll.u32 @!p1 s25, $0x5  }
0x16c: {  	[sflag:s20] =	ssyncadd.s32 @!p1 $0xFFFFFCC0;
	s20 =	simm.s32 @!p1 $0x340;
	v9 =	vmov s26;
	s21 =	sor.u32 @!p1 $0x680, s21  }
0x16d: {  	v9 =	vshll.u32 v9, $0x5;
	[tilespmem:s21], [sflag:$0x2] =	stream.indirect.gather @!p1 [hbm4b:s4+s20], $0x20, s25, s20, $0xb8;
	[tilespmem:$0x1D680] =	vst v63  }
0x16e: {  	v0 =	vor.u32 v30, v9;
	_ =	swait.ge [sflag:s13], $0x6800  }
0x16f: {  	p1 =	slt.u32 s17, $0x2;
	v21 =	vor.u32 v54, v0;
	[sflag:s13] =	ssyncset.done $0x0  }
0x170: {  	s21 =	simm.s32 @!p1 $0x3;
	[sflag:s13] =	ssyncadd.s32 $0xFFFF9800  }
0x171: {  	s20 =	sshll.u32 s19, $0x5;
	_ =	swait.ge @!p1 [sflag:s21], $0x6800  }
0x172: {  	s26 =	sadd.s32 $0x0, s20;
	[sflag:s21] =	ssyncset.done @!p1 $0x0  }
0x173: {  	[sflag:s21] =	ssyncadd.s32 @!p1 $0xFFFF9800;
	s21 =	sshll.u32 s26, $0xA  }
0x174: {  	v21 =	vld.idx.msk [tilespmem:v21+s12+$0x0], $0xffff;
	v22 =	vor.u32 s21, v10  }
0x175: {  	v23 =	vor.u32 v31, v0;
	_ =	sdelay $0x3  }
0x176: {  	[tilespmem:v22+s14+$0x0] =	vst.idx.msk $0xffff, v21  }
0x177: {  	v22 =	vor.u32 s21, v18;
	v21 =	vld.idx.msk [tilespmem:v23+s12+$0x0], $0xffff  }
0x178: {  	v23 =	vor.u32 v33, v0;
	_ =	sdelay $0x3  }
0x179: {  	[tilespmem:v22+s14+$0x0] =	vst.idx.msk $0xffff, v21  }
0x17a: {  	v22 =	vor.u32 s21, v27;
	v21 =	vld.idx.msk [tilespmem:v23+s12+$0x0], $0xffff  }
0x17b: {  	v23 =	vor.u32 v35, v0;
	_ =	sdelay $0x3  }
0x17c: {  	[tilespmem:v22+s14+$0x0] =	vst.idx.msk $0xffff, v21  }
0x17d: {  	v22 =	vor.u32 s21, v7;
	v21 =	vld.idx.msk [tilespmem:v23+s12+$0x0], $0xffff  }
0x17e: {  	v23 =	vor.u32 v38, v0;
	_ =	sdelay $0x3  }
0x17f: {  	[tilespmem:v22+s14+$0x0] =	vst.idx.msk $0xffff, v21  }
0x180: {  	v22 =	vor.u32 s21, v34;
	v21 =	vld.idx.msk [tilespmem:v23+s12+$0x0], $0xffff  }
0x181: {  	v23 =	vor.u32 v45, v0;
	_ =	sdelay $0x3  }
0x182: {  	[tilespmem:v22+s14+$0x0] =	vst.idx.msk $0xffff, v21  }
0x183: {  	v22 =	vor.u32 s21, v16;
	v21 =	vld.idx.msk [tilespmem:v23+s12+$0x0], $0xffff  }
0x184: {  	v23 =	vor.u32 v51, v0;
	_ =	sdelay $0x3  }
0x185: {  	[tilespmem:v22+s14+$0x0] =	vst.idx.msk $0xffff, v21  }
0x186: {  	v22 =	vor.u32 s21, v36;
	v21 =	vld.idx.msk [tilespmem:v23+s12+$0x0], $0xffff  }
0x187: {  	v23 =	vor.u32 v57, v0;
	_ =	sdelay $0x3  }
0x188: {  	[tilespmem:v22+s14+$0x0] =	vst.idx.msk $0xffff, v21  }
0x189: {  	v22 =	vor.u32 s21, v40;
	v21 =	vld.idx.msk [tilespmem:v23+s12+$0x0], $0xffff  }
0x18a: {  	v23 =	vor.u32 v61, v0;
	_ =	sdelay $0x3  }
0x18b: {  	[tilespmem:v22+s14+$0x0] =	vst.idx.msk $0xffff, v21  }
0x18c: {  	v22 =	vor.u32 s21, v63;
	v21 =	vld.idx.msk [tilespmem:v23+s12+$0x0], $0xffff  }
0x18d: {  	v23 =	vor.u32 v4, v0;
	_ =	sdelay $0x3  }
0x18e: {  	[tilespmem:v22+s14+$0x0] =	vst.idx.msk $0xffff, v21  }
0x18f: {  	v22 =	vor.u32 s21, v14;
	v21 =	vld.idx.msk [tilespmem:v23+s12+$0x0], $0xffff  }
0x190: {  	v23 =	vor.u32 v6, v0;
	_ =	sdelay $0x3  }
0x191: {  	[tilespmem:v22+s14+$0x0] =	vst.idx.msk $0xffff, v21  }
0x192: {  	v22 =	vor.u32 s21, v24;
	v21 =	vld.idx.msk [tilespmem:v23+s12+$0x0], $0xffff  }
0x193: {  	v23 =	vor.u32 v8, v0;
	_ =	sdelay $0x3  }
0x194: {  	[tilespmem:v22+s14+$0x0] =	vst.idx.msk $0xffff, v21  }
0x195: {  	v22 =	vor.u32 s21, v25;
	v21 =	vld.idx.msk [tilespmem:v23+s12+$0x0], $0xffff  }
0x196: {  	v23 =	vor.u32 v11, v0;
	_ =	sdelay $0x3  }
0x197: {  	[tilespmem:v22+s14+$0x0] =	vst.idx.msk $0xffff, v21  }
0x198: {  	v22 =	vor.u32 s21, v26;
	v21 =	vld.idx.msk [tilespmem:v23+s12+$0x0], $0xffff  }
0x199: {  	v23 =	vor.u32 v13, v0;
	_ =	sdelay $0x3  }
0x19a: {  	[tilespmem:v22+s14+$0x0] =	vst.idx.msk $0xffff, v21  }
0x19b: {  	v22 =	vor.u32 s21, v37;
	v21 =	vld.idx.msk [tilespmem:v23+s12+$0x0], $0xffff  }
0x19c: {  	v23 =	vor.u32 v15, v0;
	_ =	sdelay $0x3  }
0x19d: {  	[tilespmem:v22+s14+$0x0] =	vst.idx.msk $0xffff, v21  }
0x19e: {  	v22 =	vor.u32 s21, v41;
	v21 =	vld.idx.msk [tilespmem:v23+s12+$0x0], $0xffff  }
0x19f: {  	v9 =	vld [tilespmem:$0x1FE90];
	v23 =	vor.u32 v17, v0;
	_ =	sdelay $0x3  }
0x1a0: {  	[tilespmem:v22+s14+$0x0] =	vst.idx.msk $0xffff, v21  }
0x1a1: {  	v22 =	vor.u32 s21, v9;
	v21 =	vld.idx.msk [tilespmem:v23+s12+$0x0], $0xffff  }
0x1a2: {  	v9 =	vld [tilespmem:$0x1FEA0];
	v23 =	vor.u32 v19, v0;
	_ =	sdelay $0x3  }
0x1a3: {  	[tilespmem:v22+s14+$0x0] =	vst.idx.msk $0xffff, v21  }
0x1a4: {  	v22 =	vor.u32 s21, v9;
	v21 =	vld.idx.msk [tilespmem:v23+s12+$0x0], $0xffff  }
0x1a5: {  	v23 =	vor.u32 v49, v0;
	_ =	sdelay $0x3  }
0x1a6: {  	[tilespmem:v22+s14+$0x0] =	vst.idx.msk $0xffff, v21  }
0x1a7: {  	v22 =	vor.u32 s21, v60;
	v21 =	vld.idx.msk [tilespmem:v23+s12+$0x0], $0xffff  }
0x1a8: {  	v23 =	vor.u32 v52, v0;
	_ =	sdelay $0x3  }
0x1a9: {  	[tilespmem:v22+s14+$0x0] =	vst.idx.msk $0xffff, v21  }
0x1aa: {  	v22 =	vor.u32 s21, v62;
	v21 =	vld.idx.msk [tilespmem:v23+s12+$0x0], $0xffff  }
0x1ab: {  	v23 =	vor.u32 v55, v0;
	_ =	sdelay $0x3  }
0x1ac: {  	[tilespmem:v22+s14+$0x0] =	vst.idx.msk $0xffff, v21  }
0x1ad: {  	v22 =	vor.u32 s21, v47;
	v21 =	vld.idx.msk [tilespmem:v23+s12+$0x0], $0xffff  }
0x1ae: {  	v23 =	vor.u32 v39, v0;
	_ =	sdelay $0x3  }
0x1af: {  	[tilespmem:v22+s14+$0x0] =	vst.idx.msk $0xffff, v21  }
0x1b0: {  	v22 =	vor.u32 s21, v12;
	v21 =	vld.idx.msk [tilespmem:v23+s12+$0x0], $0xffff  }
0x1b1: {  	v23 =	vor.u32 v42, v0;
	_ =	sdelay $0x3  }
0x1b2: {  	[tilespmem:v22+s14+$0x0] =	vst.idx.msk $0xffff, v21  }
0x1b3: {  	v22 =	vor.u32 s21, v58;
	v21 =	vld.idx.msk [tilespmem:v23+s12+$0x0], $0xffff  }
0x1b4: {  	v9 =	vld [tilespmem:$0x1FD80];
	v23 =	vor.u32 v43, v0;
	_ =	sdelay $0x3  }
0x1b5: {  	[tilespmem:v22+s14+$0x0] =	vst.idx.msk $0xffff, v21  }
0x1b6: {  	v22 =	vor.u32 s21, v9;
	v21 =	vld.idx.msk [tilespmem:v23+s12+$0x0], $0xffff  }
0x1b7: {  	v9 =	vmov v18;
	v18 =	vld [tilespmem:$0x1FD90];
	v23 =	vor.u32 v44, v0;
	_ =	sdelay $0x3  }
0x1b8: {  	[tilespmem:v22+s14+$0x0] =	vst.idx.msk $0xffff, v21  }
0x1b9: {  	v22 =	vor.u32 s21, v18;
	v21 =	vld.idx.msk [tilespmem:v23+s12+$0x0], $0xffff  }
0x1ba: {  	v23 =	vor.u32 v46, v0;
	_ =	sdelay $0x3  }
0x1bb: {  	[tilespmem:v22+s14+$0x0] =	vst.idx.msk $0xffff, v21  }
0x1bc: {  	v22 =	vor.u32 s21, v32;
	v21 =	vld.idx.msk [tilespmem:v23+s12+$0x0], $0xffff  }
0x1bd: {  	v23 =	vor.u32 v50, v0;
	_ =	sdelay $0x3  }
0x1be: {  	[tilespmem:v22+s14+$0x0] =	vst.idx.msk $0xffff, v21  }
0x1bf: {  	v22 =	vor.u32 s21, v59;
	v21 =	vld.idx.msk [tilespmem:v23+s12+$0x0], $0xffff  }
0x1c0: {  	v23 =	vor.u32 v53, v0;
	_ =	sdelay $0x3  }
0x1c1: {  	[tilespmem:v22+s14+$0x0] =	vst.idx.msk $0xffff, v21  }
0x1c2: {  	v22 =	vor.u32 s21, v28;
	v21 =	vld.idx.msk [tilespmem:v23+s12+$0x0], $0xffff  }
0x1c3: {  	v23 =	vor.u32 v56, v0;
	_ =	sdelay $0x3  }
0x1c4: {  	[tilespmem:v22+s14+$0x0] =	vst.idx.msk $0xffff, v21  }
0x1c5: {  	v22 =	vor.u32 s21, v20;
	v21 =	vld.idx.msk [tilespmem:v23+s12+$0x0], $0xffff  }
0x1c6: {  	v18 =	vld [tilespmem:$0x1FDA0];
	v23 =	vor.u32 v5, v0;
	_ =	sdelay $0x3  }
0x1c7: {  	[tilespmem:v22+s14+$0x0] =	vst.idx.msk $0xffff, v21  }
0x1c8: {  	v22 =	vor.u32 s21, v18;
	v21 =	vld.idx.msk [tilespmem:v23+s12+$0x0], $0xffff  }
0x1c9: {  	v18 =	vor.u32 v2, v0;
	_ =	sdelay $0x3  }
0x1ca: {  	[tilespmem:v22+s14+$0x0] =	vst.idx.msk $0xffff, v21  }
0x1cb: {  	v23 =	vmov v14;
	v14 =	vld.idx.msk [tilespmem:v18+s12+$0x0], $0xffff  }
0x1cc: {  	v18 =	vld [tilespmem:$0x1FDB0];
	_ =	sdelay $0x4  }
0x1cd: {  	v22 =	vor.u32 s21, v18  }
0x1ce: {  	v18 =	vor.u32 v3, v0;
	_ =	sdelay $0x3  }
0x1cf: {  	[tilespmem:v22+s14+$0x0] =	vst.idx.msk $0xffff, v14  }
0x1d0: {  	v14 =	vld.idx.msk [tilespmem:v18+s12+$0x0], $0xffff  }
0x1d1: {  	v18 =	vld [tilespmem:$0x1FDC0];
	_ =	sdelay $0x4  }
0x1d2: {  	v22 =	vor.u32 s21, v18  }
0x1d3: {  	v0 =	vor.u32 v29, v0;
	_ =	sdelay $0x2  }
0x1d4: {  	v18 =	vmov s22  }
0x1d5: {  	[tilespmem:v22+s14+$0x0] =	vst.idx.msk $0xffff, v14;
	v14 =	vshll.u32 v18, $0x5  }
0x1d6: {  	v18 =	vor.u32 s21, v48;
	v0 =	vld.idx.msk [tilespmem:v0+s12+$0x0], $0xffff;
	v48 =	vor.u32 v30, v14  }
0x1d7: {  	v14 =	vor.u32 v54, v48;
	_ =	sdelay $0x3  }
0x1d8: {  	[tilespmem:v18+s14+$0x0] =	vst.idx.msk $0xffff, v0;
	v18 =	vadd.s32 $0x10, v10  }
0x1d9: {  	v0 =	vld.idx.msk [tilespmem:v14+s12+$0x0], $0xffff;
	v14 =	vor.u32 s21, v18  }
0x1da: {  	[tilespmem:$0x1FC60] =	vst v18;
	v18 =	vor.u32 v31, v48;
	_ =	sdelay $0x3  }
0x1db: {  	[tilespmem:v14+s14+$0x0] =	vst.idx.msk $0xffff, v0;
	v14 =	vadd.s32 $0x30, v10  }
0x1dc: {  	v0 =	vld.idx.msk [tilespmem:v18+s12+$0x0], $0xffff;
	[tilespmem:$0x1FC70] =	vst v14;
	v14 =	vor.u32 s21, v14  }
0x1dd: {  	v18 =	vor.u32 v33, v48;
	_ =	sdelay $0x3  }
0x1de: {  	[tilespmem:v14+s14+$0x0] =	vst.idx.msk $0xffff, v0;
	v14 =	vadd.s32 $0x50, v10  }
0x1df: {  	v0 =	vld.idx.msk [tilespmem:v18+s12+$0x0], $0xffff;
	[tilespmem:$0x1FC80] =	vst v14;
	v14 =	vor.u32 s21, v14  }
0x1e0: {  	v18 =	vor.u32 v35, v48;
	_ =	sdelay $0x3  }
0x1e1: {  	[tilespmem:v14+s14+$0x0] =	vst.idx.msk $0xffff, v0;
	v14 =	vadd.s32 $0x70, v10  }
0x1e2: {  	v0 =	vld.idx.msk [tilespmem:v18+s12+$0x0], $0xffff;
	[tilespmem:$0x1FC90] =	vst v14;
	v14 =	vor.u32 s21, v14  }
0x1e3: {  	v18 =	vor.u32 v38, v48;
	_ =	sdelay $0x3  }
0x1e4: {  	[tilespmem:v14+s14+$0x0] =	vst.idx.msk $0xffff, v0;
	v14 =	vadd.s32 $0x90, v10  }
0x1e5: {  	v0 =	vld.idx.msk [tilespmem:v18+s12+$0x0], $0xffff;
	[tilespmem:$0x1FCA0] =	vst v14;
	v14 =	vor.u32 s21, v14  }
0x1e6: {  	v22 =	vmov v16;
	v16 =	vmov v27;
	v27 =	vor.u32 v45, v48;
	_ =	sdelay $0x3  }
0x1e7: {  	[tilespmem:v14+s14+$0x0] =	vst.idx.msk $0xffff, v0;
	v14 =	vadd.s32 $0xB0, v10  }
0x1e8: {  	v0 =	vld.idx.msk [tilespmem:v27+s12+$0x0], $0xffff;
	v27 =	vor.u32 s21, v14  }
0x1e9: {  	v1 =	vmovc v5;
	v5 =	vmovc v29;
	v29 =	vmov v20;
	v20 =	vmov v28;
	v28 =	vor.u32 v51, v48;
	_ =	sdelay $0x3  }
0x1ea: {  	[tilespmem:v27+s14+$0x0] =	vst.idx.msk $0xffff, v0;
	v0 =	vadd.s32 $0xD0, v10  }
0x1eb: {  	v27 =	vld.idx.msk [tilespmem:v28+s12+$0x0], $0xffff;
	v28 =	vor.u32 s21, v0  }
0x1ec: {  	[tilespmem:$0x1FCC0] =	vst v0;
	v0 =	vor.u32 v57, v48;
	_ =	sdelay $0x3  }
0x1ed: {  	v18 =	vmov v7;
	v7 =	vadd.s32 $0xF0, v10;
	[tilespmem:v28+s14+$0x0] =	vst.idx.msk $0xffff, v27  }
0x1ee: {  	v28 =	vld.idx.msk [tilespmem:v0+s12+$0x0], $0xffff;
	v0 =	vor.u32 s21, v7  }
0x1ef: {  	[tilespmem:$0x1FCD0] =	vst v7;
	v7 =	vor.u32 v61, v48;
	_ =	sdelay $0x3  }
0x1f0: {  	[tilespmem:v0+s14+$0x0] =	vst.idx.msk $0xffff, v28;
	v0 =	vadd.s32 $0x110, v10  }
0x1f1: {  	[tilespmem:$0x1FCB0] =	vst v14;
	v7 =	vld.idx.msk [tilespmem:v7+s12+$0x0], $0xffff;
	v14 =	vor.u32 s21, v0  }
0x1f2: {  	[tilespmem:$0x1FCE0] =	vst v0;
	v0 =	vor.u32 v4, v48;
	_ =	sdelay $0x3  }
0x1f3: {  	[tilespmem:v14+s14+$0x0] =	vst.idx.msk $0xffff, v7;
	v14 =	vadd.s32 $0x130, v10  }
0x1f4: {  	v7 =	vld.idx.msk [tilespmem:v0+s12+$0x0], $0xffff;
	v0 =	vor.u32 s21, v14  }
0x1f5: {  	[tilespmem:$0x1FCF0] =	vst v14;
	v14 =	vor.u32 v6, v48;
	_ =	sdelay $0x3  }
0x1f6: {  	[tilespmem:v0+s14+$0x0] =	vst.idx.msk $0xffff, v7;
	v7 =	vadd.s32 $0x150, v10  }
0x1f7: {  	v0 =	vld.idx.msk [tilespmem:v14+s12+$0x0], $0xffff;
	v14 =	vor.u32 s21, v7  }
0x1f8: {  	v54 =	vor.u32 v8, v48;
	_ =	sdelay $0x2  }
0x1f9: {  	[tilespmem:$0x1FD00] =	vst v7  }
0x1fa: {  	v7 =	vadd.s32 $0x170, v10;
	[tilespmem:v14+s14+$0x0] =	vst.idx.msk $0xffff, v0  }
0x1fb: {  	v0 =	vld.idx.msk [tilespmem:v54+s12+$0x0], $0xffff;
	v54 =	vor.u32 s21, v7  }
0x1fc: {  	v14 =	vor.u32 v11, v48;
	_ =	sdelay $0x3  }
0x1fd: {  	[tilespmem:v54+s14+$0x0] =	vst.idx.msk $0xffff, v0;
	v0 =	vadd.s32 $0x190, v10  }
0x1fe: {  	v27 =	vmov v37;
	v37 =	vld.idx.msk [tilespmem:v14+s12+$0x0], $0xffff;
	[tilespmem:$0x1FD20] =	vst v0;
	v0 =	vor.u32 s21, v0  }
0x1ff: {  	v54 =	vor.u32 v13, v48;
	_ =	sdelay $0x2  }
0x200: {  	[tilespmem:$0x1FD10] =	vst v7  }
0x201: {  	v7 =	vadd.s32 $0x1B0, v10;
	[tilespmem:v0+s14+$0x0] =	vst.idx.msk $0xffff, v37  }
0x202: {  	v37 =	vor.u32 s21, v7;
	v0 =	vld.idx.msk [tilespmem:v54+s12+$0x0], $0xffff  }
0x203: {  	v54 =	vor.u32 v15, v48;
	_ =	sdelay $0x3  }
0x204: {  	[tilespmem:v37+s14+$0x0] =	vst.idx.msk $0xffff, v0;
	v0 =	vadd.s32 $0x1D0, v10  }
0x205: {  	v21 =	vmov v47;
	v28 =	vmov v41;
	v41 =	vld.idx.msk [tilespmem:v54+s12+$0x0], $0xffff;
	v47 =	vor.u32 s21, v0  }
0x206: {  	v37 =	vor.u32 v17, v48;
	_ =	sdelay $0x2  }
0x207: {  	[tilespmem:$0x1FD40] =	vst v0  }
0x208: {  	v0 =	vadd.s32 $0x1F0, v10;
	[tilespmem:v47+s14+$0x0] =	vst.idx.msk $0xffff, v41  }
0x209: {  	v54 =	vor.u32 s21, v0;
	v47 =	vld.idx.msk [tilespmem:v37+s12+$0x0], $0xffff  }
0x20a: {  	v41 =	vmovc v12;
	v12 =	vmov v60;
	v60 =	vmov v58;
	v58 =	vor.u32 v19, v48;
	_ =	sdelay $0x2  }
0x20b: {  	[tilespmem:$0x1FD50] =	vst v0  }
0x20c: {  	v0 =	vadd.s32 $0x210, v10;
	[tilespmem:v54+s14+$0x0] =	vst.idx.msk $0xffff, v47  }
0x20d: {  	v47 =	vor.u32 s21, v0;
	v14 =	vld.idx.msk [tilespmem:v58+s12+$0x0], $0xffff  }
0x20e: {  	[tilespmem:$0x1FD60] =	vst v0;
	v37 =	vmov v59;
	v59 =	vor.u32 v49, v48;
	v0 =	vld [tilespmem:$0x1FDD0];
	_ =	sdelay $0x3  }
0x20f: {  	[tilespmem:v47+s14+$0x0] =	vst.idx.msk $0xffff, v14  }
0x210: {  	v47 =	vor.u32 s21, v0;
	v14 =	vld.idx.msk [tilespmem:v59+s12+$0x0], $0xffff  }
0x211: {  	v0 =	vld [tilespmem:$0x1FDE0];
	v59 =	vor.u32 v52, v48;
	_ =	sdelay $0x3  }
0x212: {  	[tilespmem:v47+s14+$0x0] =	vst.idx.msk $0xffff, v14  }
0x213: {  	v47 =	vor.u32 s21, v0;
	v14 =	vld.idx.msk [tilespmem:v59+s12+$0x0], $0xffff  }
0x214: {  	v0 =	vld [tilespmem:$0x1FE60];
	v59 =	vor.u32 v55, v48;
	_ =	sdelay $0x3  }
0x215: {  	[tilespmem:v47+s14+$0x0] =	vst.idx.msk $0xffff, v14  }
0x216: {  	v47 =	vor.u32 s21, v0;
	v14 =	vld.idx.msk [tilespmem:v59+s12+$0x0], $0xffff  }
0x217: {  	v0 =	vld [tilespmem:$0x1FE70];
	v59 =	vor.u32 v39, v48;
	_ =	sdelay $0x3  }
0x218: {  	[tilespmem:v47+s14+$0x0] =	vst.idx.msk $0xffff, v14  }
0x219: {  	v47 =	vor.u32 s21, v0;
	v14 =	vld.idx.msk [tilespmem:v59+s12+$0x0], $0xffff  }
0x21a: {  	v59 =	vor.u32 v42, v48;
	_ =	sdelay $0x3  }
0x21b: {  	[tilespmem:v47+s14+$0x0] =	vst.idx.msk $0xffff, v14  }
0x21c: {  	v0 =	vld.idx.msk [tilespmem:v59+s12+$0x0], $0xffff  }
0x21d: {  	v59 =	vld [tilespmem:$0x1FD70];
	_ =	sdelay $0x4  }
0x21e: {  	v58 =	vor.u32 s21, v59;
	_ =	sdelay $0x4  }
0x21f: {  	v47 =	vor.u32 v43, v48;
	[tilespmem:v58+s14+$0x0] =	vst.idx.msk $0xffff, v0;
	v0 =	vld [tilespmem:$0x1FDF0];
	_ =	sdelay $0x4  }
0x220: {  	v14 =	vld.idx.msk [tilespmem:v47+s12+$0x0], $0xffff;
	v58 =	vor.u32 s21, v0  }
0x221: {  	v47 =	vor.u32 v44, v48;
	v0 =	vld [tilespmem:$0x1FE00];
	_ =	sdelay $0x3  }
0x222: {  	[tilespmem:v58+s14+$0x0] =	vst.idx.msk $0xffff, v14  }
0x223: {  	v58 =	vor.u32 s21, v0;
	v14 =	vld.idx.msk [tilespmem:v47+s12+$0x0], $0xffff  }
0x224: {  	v0 =	vld [tilespmem:$0x1FE80];
	v47 =	vor.u32 v46, v48;
	_ =	sdelay $0x3  }
0x225: {  	[tilespmem:v58+s14+$0x0] =	vst.idx.msk $0xffff, v14  }
0x226: {  	v58 =	vor.u32 s21, v0;
	v14 =	vld.idx.msk [tilespmem:v47+s12+$0x0], $0xffff  }
0x227: {  	v47 =	vor.u32 v50, v48;
	_ =	sdelay $0x3  }
0x228: {  	[tilespmem:v58+s14+$0x0] =	vst.idx.msk $0xffff, v14  }
0x229: {  	v0 =	vld.idx.msk [tilespmem:v47+s12+$0x0], $0xffff  }
0x22a: {  	v47 =	vld [tilespmem:$0x1FFF0];
	_ =	sdelay $0x4  }
0x22b: {  	v58 =	vor.u32 s21, v47;
	_ =	sdelay $0x4  }
0x22c: {  	v54 =	vor.u32 v53, v48;
	[tilespmem:v58+s14+$0x0] =	vst.idx.msk $0xffff, v0;
	v0 =	vld [tilespmem:$0x1FE10];
	_ =	sdelay $0x4  }
0x22d: {  	v14 =	vld.idx.msk [tilespmem:v54+s12+$0x0], $0xffff;
	v58 =	vor.u32 s21, v0  }
0x22e: {  	v54 =	vor.u32 v56, v48;
	v0 =	vld [tilespmem:$0x1FE20];
	_ =	sdelay $0x3  }
0x22f: {  	[tilespmem:v58+s14+$0x0] =	vst.idx.msk $0xffff, v14  }
0x230: {  	v58 =	vor.u32 s21, v0;
	v14 =	vld.idx.msk [tilespmem:v54+s12+$0x0], $0xffff  }
0x231: {  	v0 =	vld [tilespmem:$0x1FE30];
	v54 =	vor.u32 v1, v48;
	_ =	sdelay $0x3  }
0x232: {  	[tilespmem:v58+s14+$0x0] =	vst.idx.msk $0xffff, v14  }
0x233: {  	v58 =	vor.u32 s21, v0;
	v14 =	vld.idx.msk [tilespmem:v54+s12+$0x0], $0xffff  }
0x234: {  	v0 =	vld [tilespmem:$0x1FE40];
	v54 =	vor.u32 v2, v48;
	_ =	sdelay $0x3  }
0x235: {  	[tilespmem:v58+s14+$0x0] =	vst.idx.msk $0xffff, v14  }
0x236: {  	v58 =	vor.u32 s21, v0;
	v54 =	vld.idx.msk [tilespmem:v54+s12+$0x0], $0xffff  }
0x237: {  	v0 =	vor.u32 v3, v48;
	_ =	sdelay $0x3  }
0x238: {  	[tilespmem:v58+s14+$0x0] =	vst.idx.msk $0xffff, v54  }
0x239: {  	v54 =	vld.idx.msk [tilespmem:v0+s12+$0x0], $0xffff  }
0x23a: {  	v0 =	vld [tilespmem:$0x1FE50];
	_ =	sdelay $0x3  }
0x23b: {  	s19 =	sshll.u32 s19, $0xF;
	s25 =	simm.s32 $0x1;
	s22 =	sadd.s32 $0x20, s22;
	[tilespmem:$0x1FD30] =	vst v7;
	v7 =	vlaneseq.u32  }
0x23c: {  	s19 =	sadd.s32 $0xD680, s19;
	s26 =	simm.s32 $0x2;
	s28 =	sadd.s32 $0xFFFFFFF0, s22;
	v48 =	vor.u32 v5, v48;
	v14 =	vmovc v5;
	v5 =	vmovc v47;
	v47 =	vmov v59;
	v58 =	vor.u32 s21, v0  }
.LBB2_3:
0x23d: {  	_ =	sdelay $0x2  }
0x23e: {  	v59 =	vmov s28  }
0x23f: {  	[tilespmem:v58+s14+$0x0] =	vst.idx.msk $0xffff, v54;
	v54 =	vshll.u32 v59, $0x5;
	v59 =	vld [tilespmem:$0x1FFD0];
	_ =	sdelay $0x4  }
0x240: {  	v58 =	vld.idx.msk [tilespmem:v48+s12+$0x0], $0xffff;
	v48 =	vor.u32 v30, v54;
	v54 =	vor.u32 s21, v59  }
0x241: {  	v59 =	vor.u32 v7, v48;
	_ =	sdelay $0x2  }
0x242: {  	s21 =	sadd.s32 s25, s20  }
0x243: {  	s21 =	sshll.u32 s21, $0xA;
	[tilespmem:v54+s14+$0x0] =	vst.idx.msk $0xffff, v58  }
0x244: {  	v58 =	vor.u32 s21, v10;
	v54 =	vld.idx.msk [tilespmem:v59+s12+$0x0], $0xffff  }
0x245: {  	v59 =	vor.u32 v31, v48;
	_ =	sdelay $0x3  }
0x246: {  	[tilespmem:v58+s14+$0x0] =	vst.idx.msk $0xffff, v54  }
0x247: {  	v58 =	vor.u32 s21, v9;
	v54 =	vld.idx.msk [tilespmem:v59+s12+$0x0], $0xffff  }
0x248: {  	v59 =	vor.u32 v33, v48;
	_ =	sdelay $0x3  }
0x249: {  	[tilespmem:v58+s14+$0x0] =	vst.idx.msk $0xffff, v54  }
0x24a: {  	v58 =	vor.u32 s21, v16;
	v54 =	vld.idx.msk [tilespmem:v59+s12+$0x0], $0xffff  }
0x24b: {  	v59 =	vor.u32 v35, v48;
	_ =	sdelay $0x3  }
0x24c: {  	[tilespmem:v58+s14+$0x0] =	vst.idx.msk $0xffff, v54  }
0x24d: {  	v58 =	vor.u32 s21, v18;
	v54 =	vld.idx.msk [tilespmem:v59+s12+$0x0], $0xffff  }
0x24e: {  	v59 =	vor.u32 v38, v48;
	_ =	sdelay $0x3  }
0x24f: {  	[tilespmem:v58+s14+$0x0] =	vst.idx.msk $0xffff, v54  }
0x250: {  	v58 =	vor.u32 s21, v34;
	v54 =	vld.idx.msk [tilespmem:v59+s12+$0x0], $0xffff  }
0x251: {  	v59 =	vor.u32 v45, v48;
	_ =	sdelay $0x3  }
0x252: {  	[tilespmem:v58+s14+$0x0] =	vst.idx.msk $0xffff, v54  }
0x253: {  	v58 =	vor.u32 s21, v22;
	v54 =	vld.idx.msk [tilespmem:v59+s12+$0x0], $0xffff  }
0x254: {  	v59 =	vor.u32 v51, v48;
	_ =	sdelay $0x3  }
0x255: {  	[tilespmem:v58+s14+$0x0] =	vst.idx.msk $0xffff, v54  }
0x256: {  	v58 =	vor.u32 s21, v36;
	v54 =	vld.idx.msk [tilespmem:v59+s12+$0x0], $0xffff  }
0x257: {  	v59 =	vor.u32 v57, v48;
	_ =	sdelay $0x3  }
0x258: {  	[tilespmem:v58+s14+$0x0] =	vst.idx.msk $0xffff, v54  }
0x259: {  	v58 =	vor.u32 s21, v40;
	v54 =	vld.idx.msk [tilespmem:v59+s12+$0x0], $0xffff  }
0x25a: {  	v59 =	vor.u32 v61, v48;
	_ =	sdelay $0x3  }
0x25b: {  	[tilespmem:v58+s14+$0x0] =	vst.idx.msk $0xffff, v54  }
0x25c: {  	v58 =	vor.u32 s21, v63;
	v54 =	vld.idx.msk [tilespmem:v59+s12+$0x0], $0xffff  }
0x25d: {  	v59 =	vor.u32 v4, v48;
	_ =	sdelay $0x3  }
0x25e: {  	[tilespmem:v58+s14+$0x0] =	vst.idx.msk $0xffff, v54  }
0x25f: {  	v58 =	vor.u32 s21, v23;
	v54 =	vld.idx.msk [tilespmem:v59+s12+$0x0], $0xffff  }
0x260: {  	v59 =	vor.u32 v6, v48;
	_ =	sdelay $0x3  }
0x261: {  	[tilespmem:v58+s14+$0x0] =	vst.idx.msk $0xffff, v54  }
0x262: {  	v58 =	vor.u32 s21, v24;
	v54 =	vld.idx.msk [tilespmem:v59+s12+$0x0], $0xffff  }
0x263: {  	v59 =	vor.u32 v8, v48;
	_ =	sdelay $0x3  }
0x264: {  	[tilespmem:v58+s14+$0x0] =	vst.idx.msk $0xffff, v54  }
0x265: {  	v58 =	vor.u32 s21, v25;
	v54 =	vld.idx.msk [tilespmem:v59+s12+$0x0], $0xffff  }
0x266: {  	v59 =	vor.u32 v11, v48;
	_ =	sdelay $0x3  }
0x267: {  	[tilespmem:v58+s14+$0x0] =	vst.idx.msk $0xffff, v54  }
0x268: {  	v58 =	vor.u32 s21, v26;
	v54 =	vld.idx.msk [tilespmem:v59+s12+$0x0], $0xffff  }
0x269: {  	v59 =	vor.u32 v13, v48;
	_ =	sdelay $0x3  }
0x26a: {  	[tilespmem:v58+s14+$0x0] =	vst.idx.msk $0xffff, v54  }
0x26b: {  	v58 =	vor.u32 s21, v27;
	v54 =	vld.idx.msk [tilespmem:v59+s12+$0x0], $0xffff  }
0x26c: {  	v59 =	vor.u32 v15, v48;
	_ =	sdelay $0x3  }
0x26d: {  	[tilespmem:v58+s14+$0x0] =	vst.idx.msk $0xffff, v54  }
0x26e: {  	v58 =	vor.u32 s21, v28;
	v54 =	vld.idx.msk [tilespmem:v59+s12+$0x0], $0xffff;
	_ =	sdelay $0x4  }
0x26f: {  	v59 =	vor.u32 v17, v48;
	[tilespmem:v58+s14+$0x0] =	vst.idx.msk $0xffff, v54;
	v58 =	vld [tilespmem:$0x1FE90];
	_ =	sdelay $0x4  }
0x270: {  	v54 =	vld.idx.msk [tilespmem:v59+s12+$0x0], $0xffff;
	v58 =	vor.u32 s21, v58;
	_ =	sdelay $0x4  }
0x271: {  	v59 =	vor.u32 v19, v48;
	[tilespmem:v58+s14+$0x0] =	vst.idx.msk $0xffff, v54;
	v58 =	vld [tilespmem:$0x1FEA0];
	_ =	sdelay $0x4  }
0x272: {  	v54 =	vld.idx.msk [tilespmem:v59+s12+$0x0], $0xffff;
	v58 =	vor.u32 s21, v58  }
0x273: {  	v59 =	vor.u32 v49, v48;
	_ =	sdelay $0x3  }
0x274: {  	[tilespmem:v58+s14+$0x0] =	vst.idx.msk $0xffff, v54  }
0x275: {  	v58 =	vor.u32 s21, v12;
	v54 =	vld.idx.msk [tilespmem:v59+s12+$0x0], $0xffff  }
0x276: {  	v59 =	vor.u32 v52, v48;
	_ =	sdelay $0x3  }
0x277: {  	[tilespmem:v58+s14+$0x0] =	vst.idx.msk $0xffff, v54  }
0x278: {  	v58 =	vor.u32 s21, v62;
	v54 =	vld.idx.msk [tilespmem:v59+s12+$0x0], $0xffff  }
0x279: {  	v59 =	vor.u32 v55, v48;
	_ =	sdelay $0x3  }
0x27a: {  	[tilespmem:v58+s14+$0x0] =	vst.idx.msk $0xffff, v54  }
0x27b: {  	v58 =	vor.u32 s21, v21;
	v54 =	vld.idx.msk [tilespmem:v59+s12+$0x0], $0xffff  }
0x27c: {  	v59 =	vor.u32 v39, v48;
	_ =	sdelay $0x3  }
0x27d: {  	[tilespmem:v58+s14+$0x0] =	vst.idx.msk $0xffff, v54  }
0x27e: {  	v58 =	vor.u32 s21, v41;
	v54 =	vld.idx.msk [tilespmem:v59+s12+$0x0], $0xffff  }
0x27f: {  	v59 =	vor.u32 v42, v48;
	_ =	sdelay $0x3  }
0x280: {  	[tilespmem:v58+s14+$0x0] =	vst.idx.msk $0xffff, v54  }
0x281: {  	v58 =	vor.u32 s21, v60;
	v54 =	vld.idx.msk [tilespmem:v59+s12+$0x0], $0xffff;
	_ =	sdelay $0x4  }
0x282: {  	v59 =	vor.u32 v43, v48;
	[tilespmem:v58+s14+$0x0] =	vst.idx.msk $0xffff, v54;
	v58 =	vld [tilespmem:$0x1FD80];
	_ =	sdelay $0x4  }
0x283: {  	v54 =	vld.idx.msk [tilespmem:v59+s12+$0x0], $0xffff;
	v58 =	vor.u32 s21, v58;
	_ =	sdelay $0x4  }
0x284: {  	v59 =	vor.u32 v44, v48;
	[tilespmem:v58+s14+$0x0] =	vst.idx.msk $0xffff, v54;
	v58 =	vld [tilespmem:$0x1FD90];
	_ =	sdelay $0x4  }
0x285: {  	v54 =	vld.idx.msk [tilespmem:v59+s12+$0x0], $0xffff;
	v58 =	vor.u32 s21, v58  }
0x286: {  	v59 =	vor.u32 v46, v48;
	_ =	sdelay $0x3  }
0x287: {  	[tilespmem:v58+s14+$0x0] =	vst.idx.msk $0xffff, v54  }
0x288: {  	v58 =	vor.u32 s21, v32;
	v54 =	vld.idx.msk [tilespmem:v59+s12+$0x0], $0xffff  }
0x289: {  	v59 =	vor.u32 v50, v48;
	_ =	sdelay $0x3  }
0x28a: {  	[tilespmem:v58+s14+$0x0] =	vst.idx.msk $0xffff, v54  }
0x28b: {  	v58 =	vor.u32 s21, v37;
	v54 =	vld.idx.msk [tilespmem:v59+s12+$0x0], $0xffff  }
0x28c: {  	v59 =	vor.u32 v53, v48;
	_ =	sdelay $0x3  }
0x28d: {  	[tilespmem:v58+s14+$0x0] =	vst.idx.msk $0xffff, v54  }
0x28e: {  	v58 =	vor.u32 s21, v20;
	v54 =	vld.idx.msk [tilespmem:v59+s12+$0x0], $0xffff  }
0x28f: {  	v59 =	vor.u32 v56, v48;
	_ =	sdelay $0x3  }
0x290: {  	[tilespmem:v58+s14+$0x0] =	vst.idx.msk $0xffff, v54  }
0x291: {  	v58 =	vor.u32 s21, v29;
	v54 =	vld.idx.msk [tilespmem:v59+s12+$0x0], $0xffff;
	_ =	sdelay $0x4  }
0x292: {  	v59 =	vor.u32 v1, v48;
	[tilespmem:v58+s14+$0x0] =	vst.idx.msk $0xffff, v54;
	v58 =	vld [tilespmem:$0x1FDA0];
	_ =	sdelay $0x4  }
0x293: {  	v54 =	vld.idx.msk [tilespmem:v59+s12+$0x0], $0xffff;
	v58 =	vor.u32 s21, v58;
	_ =	sdelay $0x4  }
0x294: {  	v59 =	vor.u32 v2, v48;
	[tilespmem:v58+s14+$0x0] =	vst.idx.msk $0xffff, v54;
	v58 =	vld [tilespmem:$0x1FDB0];
	_ =	sdelay $0x4  }
0x295: {  	v54 =	vld.idx.msk [tilespmem:v59+s12+$0x0], $0xffff;
	v58 =	vor.u32 s21, v58;
	_ =	sdelay $0x4  }
0x296: {  	v59 =	vor.u32 v3, v48;
	[tilespmem:v58+s14+$0x0] =	vst.idx.msk $0xffff, v54;
	v58 =	vld [tilespmem:$0x1FDC0];
	_ =	sdelay $0x4  }
0x297: {  	v54 =	vld.idx.msk [tilespmem:v59+s12+$0x0], $0xffff;
	v58 =	vor.u32 s21, v58  }
0x298: {  	v48 =	vor.u32 v14, v48;
	v59 =	vld [tilespmem:$0x1FFE0];
	_ =	sdelay $0x3  }
0x299: {  	[tilespmem:v58+s14+$0x0] =	vst.idx.msk $0xffff, v54;
	v54 =	vmov s22  }
0x29a: {  	v58 =	vld.idx.msk [tilespmem:v48+s12+$0x0], $0xffff;
	v48 =	vshll.u32 v54, $0x5;
	v54 =	vor.u32 s21, v59;
	_ =	sdelay $0x3  }
0x29b: {  	v48 =	vor.u32 v30, v48  }
0x29c: {  	v59 =	vor.u32 v7, v48;
	[tilespmem:v54+s14+$0x0] =	vst.idx.msk $0xffff, v58;
	v58 =	vld [tilespmem:$0x1FC60];
	_ =	sdelay $0x4  }
0x29d: {  	v54 =	vld.idx.msk [tilespmem:v59+s12+$0x0], $0xffff;
	v58 =	vor.u32 s21, v58;
	_ =	sdelay $0x4  }
0x29e: {  	v59 =	vor.u32 v31, v48;
	[tilespmem:v58+s14+$0x0] =	vst.idx.msk $0xffff, v54;
	v58 =	vld [tilespmem:$0x1FC70];
	_ =	sdelay $0x4  }
0x29f: {  	v54 =	vld.idx.msk [tilespmem:v59+s12+$0x0], $0xffff;
	v58 =	vor.u32 s21, v58;
	_ =	sdelay $0x4  }
0x2a0: {  	v59 =	vor.u32 v33, v48;
	[tilespmem:v58+s14+$0x0] =	vst.idx.msk $0xffff, v54;
	v58 =	vld [tilespmem:$0x1FC80];
	_ =	sdelay $0x4  }
0x2a1: {  	v54 =	vld.idx.msk [tilespmem:v59+s12+$0x0], $0xffff;
	v58 =	vor.u32 s21, v58;
	_ =	sdelay $0x4  }
0x2a2: {  	v59 =	vor.u32 v35, v48;
	[tilespmem:v58+s14+$0x0] =	vst.idx.msk $0xffff, v54;
	v58 =	vld [tilespmem:$0x1FC90];
	_ =	sdelay $0x4  }
0x2a3: {  	v54 =	vld.idx.msk [tilespmem:v59+s12+$0x0], $0xffff;
	v58 =	vor.u32 s21, v58;
	_ =	sdelay $0x4  }
0x2a4: {  	v59 =	vor.u32 v38, v48;
	[tilespmem:v58+s14+$0x0] =	vst.idx.msk $0xffff, v54;
	v58 =	vld [tilespmem:$0x1FCA0];
	_ =	sdelay $0x4  }
0x2a5: {  	v54 =	vld.idx.msk [tilespmem:v59+s12+$0x0], $0xffff;
	v58 =	vor.u32 s21, v58;
	_ =	sdelay $0x4  }
0x2a6: {  	v59 =	vor.u32 v45, v48;
	[tilespmem:v58+s14+$0x0] =	vst.idx.msk $0xffff, v54;
	v58 =	vld [tilespmem:$0x1FCB0];
	_ =	sdelay $0x4  }
0x2a7: {  	v54 =	vld.idx.msk [tilespmem:v59+s12+$0x0], $0xffff;
	v58 =	vor.u32 s21, v58;
	_ =	sdelay $0x4  }
0x2a8: {  	v59 =	vor.u32 v51, v48;
	[tilespmem:v58+s14+$0x0] =	vst.idx.msk $0xffff, v54;
	v58 =	vld [tilespmem:$0x1FCC0];
	_ =	sdelay $0x4  }
0x2a9: {  	v54 =	vld.idx.msk [tilespmem:v59+s12+$0x0], $0xffff;
	v58 =	vor.u32 s21, v58;
	_ =	sdelay $0x4  }
0x2aa: {  	v59 =	vor.u32 v57, v48;
	[tilespmem:v58+s14+$0x0] =	vst.idx.msk $0xffff, v54;
	v58 =	vld [tilespmem:$0x1FCD0];
	_ =	sdelay $0x4  }
0x2ab: {  	v54 =	vld.idx.msk [tilespmem:v59+s12+$0x0], $0xffff;
	v58 =	vor.u32 s21, v58;
	_ =	sdelay $0x4  }
0x2ac: {  	v59 =	vor.u32 v61, v48;
	[tilespmem:v58+s14+$0x0] =	vst.idx.msk $0xffff, v54;
	v58 =	vld [tilespmem:$0x1FCE0];
	_ =	sdelay $0x4  }
0x2ad: {  	v54 =	vld.idx.msk [tilespmem:v59+s12+$0x0], $0xffff;
	v58 =	vor.u32 s21, v58;
	_ =	sdelay $0x4  }
0x2ae: {  	v59 =	vor.u32 v4, v48;
	[tilespmem:v58+s14+$0x0] =	vst.idx.msk $0xffff, v54;
	v58 =	vld [tilespmem:$0x1FCF0];
	_ =	sdelay $0x4  }
0x2af: {  	v54 =	vld.idx.msk [tilespmem:v59+s12+$0x0], $0xffff;
	v58 =	vor.u32 s21, v58;
	_ =	sdelay $0x4  }
0x2b0: {  	v59 =	vor.u32 v6, v48;
	[tilespmem:v58+s14+$0x0] =	vst.idx.msk $0xffff, v54;
	v58 =	vld [tilespmem:$0x1FD00];
	_ =	sdelay $0x4  }
0x2b1: {  	v54 =	vld.idx.msk [tilespmem:v59+s12+$0x0], $0xffff;
	v58 =	vor.u32 s21, v58;
	_ =	sdelay $0x4  }
0x2b2: {  	v59 =	vor.u32 v8, v48;
	[tilespmem:v58+s14+$0x0] =	vst.idx.msk $0xffff, v54;
	v58 =	vld [tilespmem:$0x1FD10];
	_ =	sdelay $0x4  }
0x2b3: {  	v54 =	vld.idx.msk [tilespmem:v59+s12+$0x0], $0xffff;
	v58 =	vor.u32 s21, v58;
	_ =	sdelay $0x4  }
0x2b4: {  	v59 =	vor.u32 v11, v48;
	[tilespmem:v58+s14+$0x0] =	vst.idx.msk $0xffff, v54;
	v58 =	vld [tilespmem:$0x1FD20];
	_ =	sdelay $0x4  }
0x2b5: {  	v54 =	vld.idx.msk [tilespmem:v59+s12+$0x0], $0xffff;
	v58 =	vor.u32 s21, v58;
	_ =	sdelay $0x4  }
0x2b6: {  	v59 =	vor.u32 v13, v48;
	[tilespmem:v58+s14+$0x0] =	vst.idx.msk $0xffff, v54;
	v58 =	vld [tilespmem:$0x1FD30];
	_ =	sdelay $0x4  }
0x2b7: {  	v54 =	vld.idx.msk [tilespmem:v59+s12+$0x0], $0xffff;
	v58 =	vor.u32 s21, v58;
	_ =	sdelay $0x4  }
0x2b8: {  	v59 =	vor.u32 v15, v48;
	[tilespmem:v58+s14+$0x0] =	vst.idx.msk $0xffff, v54;
	v58 =	vld [tilespmem:$0x1FD40];
	_ =	sdelay $0x4  }
0x2b9: {  	v54 =	vld.idx.msk [tilespmem:v59+s12+$0x0], $0xffff;
	v58 =	vor.u32 s21, v58;
	_ =	sdelay $0x4  }
0x2ba: {  	v59 =	vor.u32 v17, v48;
	[tilespmem:v58+s14+$0x0] =	vst.idx.msk $0xffff, v54;
	v58 =	vld [tilespmem:$0x1FD50];
	_ =	sdelay $0x4  }
0x2bb: {  	v54 =	vld.idx.msk [tilespmem:v59+s12+$0x0], $0xffff;
	v58 =	vor.u32 s21, v58;
	_ =	sdelay $0x4  }
0x2bc: {  	v59 =	vor.u32 v19, v48;
	[tilespmem:v58+s14+$0x0] =	vst.idx.msk $0xffff, v54;
	v58 =	vld [tilespmem:$0x1FD60];
	_ =	sdelay $0x4  }
0x2bd: {  	v54 =	vld.idx.msk [tilespmem:v59+s12+$0x0], $0xffff;
	v58 =	vor.u32 s21, v58;
	_ =	sdelay $0x4  }
0x2be: {  	v59 =	vor.u32 v49, v48;
	[tilespmem:v58+s14+$0x0] =	vst.idx.msk $0xffff, v54;
	v58 =	vld [tilespmem:$0x1FDD0];
	_ =	sdelay $0x4  }
0x2bf: {  	v54 =	vld.idx.msk [tilespmem:v59+s12+$0x0], $0xffff;
	v58 =	vor.u32 s21, v58;
	_ =	sdelay $0x4  }
0x2c0: {  	v59 =	vor.u32 v52, v48;
	[tilespmem:v58+s14+$0x0] =	vst.idx.msk $0xffff, v54;
	v58 =	vld [tilespmem:$0x1FDE0];
	_ =	sdelay $0x4  }
0x2c1: {  	v54 =	vld.idx.msk [tilespmem:v59+s12+$0x0], $0xffff;
	v58 =	vor.u32 s21, v58;
	_ =	sdelay $0x4  }
0x2c2: {  	v59 =	vor.u32 v55, v48;
	[tilespmem:v58+s14+$0x0] =	vst.idx.msk $0xffff, v54;
	v58 =	vld [tilespmem:$0x1FE60];
	_ =	sdelay $0x4  }
0x2c3: {  	v54 =	vld.idx.msk [tilespmem:v59+s12+$0x0], $0xffff;
	v58 =	vor.u32 s21, v58;
	_ =	sdelay $0x4  }
0x2c4: {  	v59 =	vor.u32 v39, v48;
	[tilespmem:v58+s14+$0x0] =	vst.idx.msk $0xffff, v54;
	v58 =	vld [tilespmem:$0x1FE70];
	_ =	sdelay $0x4  }
0x2c5: {  	v54 =	vld.idx.msk [tilespmem:v59+s12+$0x0], $0xffff;
	v58 =	vor.u32 s21, v58  }
0x2c6: {  	v59 =	vor.u32 v42, v48;
	_ =	sdelay $0x3  }
0x2c7: {  	[tilespmem:v58+s14+$0x0] =	vst.idx.msk $0xffff, v54  }
0x2c8: {  	v58 =	vor.u32 s21, v47;
	v54 =	vld.idx.msk [tilespmem:v59+s12+$0x0], $0xffff;
	_ =	sdelay $0x4  }
0x2c9: {  	v59 =	vor.u32 v43, v48;
	[tilespmem:v58+s14+$0x0] =	vst.idx.msk $0xffff, v54;
	v58 =	vld [tilespmem:$0x1FDF0];
	_ =	sdelay $0x4  }
0x2ca: {  	v54 =	vld.idx.msk [tilespmem:v59+s12+$0x0], $0xffff;
	v58 =	vor.u32 s21, v58;
	_ =	sdelay $0x4  }
0x2cb: {  	v59 =	vor.u32 v44, v48;
	[tilespmem:v58+s14+$0x0] =	vst.idx.msk $0xffff, v54;
	v58 =	vld [tilespmem:$0x1FE00];
	_ =	sdelay $0x4  }
0x2cc: {  	v54 =	vld.idx.msk [tilespmem:v59+s12+$0x0], $0xffff;
	v58 =	vor.u32 s21, v58;
	_ =	sdelay $0x4  }
0x2cd: {  	v59 =	vor.u32 v46, v48;
	[tilespmem:v58+s14+$0x0] =	vst.idx.msk $0xffff, v54;
	v58 =	vld [tilespmem:$0x1FE80];
	_ =	sdelay $0x4  }
0x2ce: {  	v54 =	vld.idx.msk [tilespmem:v59+s12+$0x0], $0xffff;
	v58 =	vor.u32 s21, v58  }
0x2cf: {  	v59 =	vor.u32 v50, v48;
	_ =	sdelay $0x3  }
0x2d0: {  	[tilespmem:v58+s14+$0x0] =	vst.idx.msk $0xffff, v54  }
0x2d1: {  	v58 =	vor.u32 s21, v5;
	v54 =	vld.idx.msk [tilespmem:v59+s12+$0x0], $0xffff;
	_ =	sdelay $0x4  }
0x2d2: {  	v59 =	vor.u32 v53, v48;
	[tilespmem:v58+s14+$0x0] =	vst.idx.msk $0xffff, v54;
	v58 =	vld [tilespmem:$0x1FE10];
	_ =	sdelay $0x4  }
0x2d3: {  	v54 =	vld.idx.msk [tilespmem:v59+s12+$0x0], $0xffff;
	v58 =	vor.u32 s21, v58;
	_ =	sdelay $0x4  }
0x2d4: {  	v59 =	vor.u32 v56, v48;
	[tilespmem:v58+s14+$0x0] =	vst.idx.msk $0xffff, v54;
	v58 =	vld [tilespmem:$0x1FE20];
	_ =	sdelay $0x4  }
0x2d5: {  	v54 =	vld.idx.msk [tilespmem:v59+s12+$0x0], $0xffff;
	v58 =	vor.u32 s21, v58;
	_ =	sdelay $0x4  }
0x2d6: {  	v59 =	vor.u32 v1, v48;
	[tilespmem:v58+s14+$0x0] =	vst.idx.msk $0xffff, v54;
	v58 =	vld [tilespmem:$0x1FE30];
	_ =	sdelay $0x4  }
0x2d7: {  	v54 =	vld.idx.msk [tilespmem:v59+s12+$0x0], $0xffff;
	v58 =	vor.u32 s21, v58;
	_ =	sdelay $0x4  }
0x2d8: {  	v59 =	vor.u32 v2, v48;
	[tilespmem:v58+s14+$0x0] =	vst.idx.msk $0xffff, v54;
	v58 =	vld [tilespmem:$0x1FE40];
	_ =	sdelay $0x4  }
0x2d9: {  	v54 =	vld.idx.msk [tilespmem:v59+s12+$0x0], $0xffff;
	v58 =	vor.u32 s21, v58  }
0x2da: {  	p1 =	sne.s32 s26, $0x19;
	v59 =	vor.u32 v3, v48  }
.Ltmp4:
0x2db: {  	_ = 	snop;
	(pc) =	sbr.rel @p1 .LBB2_3-.Ltmp4, $3  }
0x2dc: {  	_ =	sdelay $0x1  }
0x2dd: {  	s22 =	sadd.s32 $0x20, s22;
	[tilespmem:v58+s14+$0x0] =	vst.idx.msk $0xffff, v54  }
0x2de: {  	s25 =	smov.u32 s26;
	s26 =	sadd.s32 $0x1, s26;
	s28 =	sadd.s32 $0xFFFFFFF0, s22;
	v48 =	vor.u32 v14, v48;
	v58 =	vor.u32 s21, v0;
	v54 =	vld.idx.msk [tilespmem:v59+s12+$0x0], $0xffff  }
0x2df: {  	_ =	sdelay $0x3  }
0x2e0: {  	[tilespmem:v58+s14+$0x0] =	vst.idx.msk $0xffff, v54;
	v58 =	vld [tilespmem:$0x1FFD0];
	_ =	sdelay $0x2  }
0x2e1: {  	v59 =	vmov s28  }
0x2e2: {  	v59 =	vshll.u32 v59, $0x5  }
0x2e3: {  	v54 =	vor.u32 v30, v59;
	v48 =	vld.idx.msk [tilespmem:v48+s12+$0x0], $0xffff;
	v58 =	vor.u32 s21, v58  }
0x2e4: {  	v59 =	vor.u32 v7, v54;
	_ =	sdelay $0x2  }
0x2e5: {  	s20 =	sadd.s32 s25, s20  }
0x2e6: {  	s20 =	sshll.u32 s20, $0xA;
	[tilespmem:v58+s14+$0x0] =	vst.idx.msk $0xffff, v48  }
0x2e7: {  	v58 =	vor.u32 s20, v10;
	v48 =	vld.idx.msk [tilespmem:v59+s12+$0x0], $0xffff  }
0x2e8: {  	v59 =	vor.u32 v31, v54;
	_ =	sdelay $0x3  }
0x2e9: {  	[tilespmem:v58+s14+$0x0] =	vst.idx.msk $0xffff, v48  }
0x2ea: {  	v58 =	vor.u32 s20, v9;
	v48 =	vld.idx.msk [tilespmem:v59+s12+$0x0], $0xffff  }
0x2eb: {  	v59 =	vor.u32 v33, v54;
	_ =	sdelay $0x3  }
0x2ec: {  	[tilespmem:v58+s14+$0x0] =	vst.idx.msk $0xffff, v48  }
0x2ed: {  	v58 =	vor.u32 s20, v16;
	v48 =	vld.idx.msk [tilespmem:v59+s12+$0x0], $0xffff  }
0x2ee: {  	v59 =	vor.u32 v35, v54;
	_ =	sdelay $0x3  }
0x2ef: {  	[tilespmem:v58+s14+$0x0] =	vst.idx.msk $0xffff, v48  }
0x2f0: {  	v58 =	vor.u32 s20, v18;
	v48 =	vld.idx.msk [tilespmem:v59+s12+$0x0], $0xffff  }
0x2f1: {  	v59 =	vor.u32 v38, v54;
	_ =	sdelay $0x3  }
0x2f2: {  	[tilespmem:v58+s14+$0x0] =	vst.idx.msk $0xffff, v48  }
0x2f3: {  	v58 =	vor.u32 s20, v34;
	v48 =	vld.idx.msk [tilespmem:v59+s12+$0x0], $0xffff  }
0x2f4: {  	v34 =	vor.u32 v45, v54;
	_ =	sdelay $0x3  }
0x2f5: {  	[tilespmem:v58+s14+$0x0] =	vst.idx.msk $0xffff, v48  }
0x2f6: {  	v58 =	vor.u32 s20, v22;
	v48 =	vld.idx.msk [tilespmem:v34+s12+$0x0], $0xffff  }
0x2f7: {  	v34 =	vor.u32 v51, v54;
	_ =	sdelay $0x3  }
0x2f8: {  	[tilespmem:v58+s14+$0x0] =	vst.idx.msk $0xffff, v48  }
0x2f9: {  	v36 =	vor.u32 s20, v36;
	v48 =	vld.idx.msk [tilespmem:v34+s12+$0x0], $0xffff  }
0x2fa: {  	v34 =	vor.u32 v57, v54;
	_ =	sdelay $0x3  }
0x2fb: {  	[tilespmem:v36+s14+$0x0] =	vst.idx.msk $0xffff, v48  }
0x2fc: {  	v36 =	vor.u32 s20, v40;
	v48 =	vld.idx.msk [tilespmem:v34+s12+$0x0], $0xffff  }
0x2fd: {  	v40 =	vor.u32 v61, v54;
	_ =	sdelay $0x3  }
0x2fe: {  	[tilespmem:v36+s14+$0x0] =	vst.idx.msk $0xffff, v48  }
0x2ff: {  	v63 =	vor.u32 s20, v63;
	v48 =	vld.idx.msk [tilespmem:v40+s12+$0x0], $0xffff  }
0x300: {  	v34 =	vor.u32 v4, v54;
	_ =	sdelay $0x3  }
0x301: {  	[tilespmem:v63+s14+$0x0] =	vst.idx.msk $0xffff, v48  }
0x302: {  	v36 =	vor.u32 s20, v23;
	v48 =	vld.idx.msk [tilespmem:v34+s12+$0x0], $0xffff  }
0x303: {  	v40 =	vor.u32 v6, v54;
	_ =	sdelay $0x3  }
0x304: {  	[tilespmem:v36+s14+$0x0] =	vst.idx.msk $0xffff, v48  }
0x305: {  	v63 =	vor.u32 s20, v24;
	v48 =	vld.idx.msk [tilespmem:v40+s12+$0x0], $0xffff  }
0x306: {  	v24 =	vor.u32 v8, v54;
	_ =	sdelay $0x3  }
0x307: {  	[tilespmem:v63+s14+$0x0] =	vst.idx.msk $0xffff, v48  }
0x308: {  	v34 =	vor.u32 s20, v25;
	v48 =	vld.idx.msk [tilespmem:v24+s12+$0x0], $0xffff  }
0x309: {  	v36 =	vor.u32 v11, v54;
	_ =	sdelay $0x3  }
0x30a: {  	[tilespmem:v34+s14+$0x0] =	vst.idx.msk $0xffff, v48  }
0x30b: {  	v40 =	vor.u32 s20, v26;
	v48 =	vld.idx.msk [tilespmem:v36+s12+$0x0], $0xffff  }
0x30c: {  	v63 =	vor.u32 v13, v54;
	_ =	sdelay $0x3  }
0x30d: {  	[tilespmem:v40+s14+$0x0] =	vst.idx.msk $0xffff, v48  }
0x30e: {  	v24 =	vor.u32 s20, v27;
	v48 =	vld.idx.msk [tilespmem:v63+s12+$0x0], $0xffff  }
0x30f: {  	v25 =	vor.u32 v15, v54;
	_ =	sdelay $0x3  }
0x310: {  	[tilespmem:v24+s14+$0x0] =	vst.idx.msk $0xffff, v48  }
0x311: {  	v26 =	vor.u32 s20, v28;
	v48 =	vld.idx.msk [tilespmem:v25+s12+$0x0], $0xffff  }
0x312: {  	v9 =	vld [tilespmem:$0x1FE90];
	v34 =	vor.u32 v17, v54;
	_ =	sdelay $0x3  }
0x313: {  	[tilespmem:v26+s14+$0x0] =	vst.idx.msk $0xffff, v48  }
0x314: {  	v36 =	vor.u32 s20, v9;
	v48 =	vld.idx.msk [tilespmem:v34+s12+$0x0], $0xffff  }
0x315: {  	v9 =	vld [tilespmem:$0x1FEA0];
	v40 =	vor.u32 v19, v54;
	_ =	sdelay $0x3  }
0x316: {  	[tilespmem:v36+s14+$0x0] =	vst.idx.msk $0xffff, v48  }
0x317: {  	v63 =	vor.u32 s20, v9;
	v48 =	vld.idx.msk [tilespmem:v40+s12+$0x0], $0xffff  }
0x318: {  	v24 =	vor.u32 v49, v54;
	_ =	sdelay $0x3  }
0x319: {  	[tilespmem:v63+s14+$0x0] =	vst.idx.msk $0xffff, v48  }
0x31a: {  	v25 =	vor.u32 s20, v12;
	v48 =	vld.idx.msk [tilespmem:v24+s12+$0x0], $0xffff  }
0x31b: {  	v26 =	vor.u32 v52, v54;
	_ =	sdelay $0x3  }
0x31c: {  	[tilespmem:v25+s14+$0x0] =	vst.idx.msk $0xffff, v48  }
0x31d: {  	v34 =	vor.u32 s20, v62;
	v48 =	vld.idx.msk [tilespmem:v26+s12+$0x0], $0xffff  }
0x31e: {  	v36 =	vor.u32 v55, v54;
	_ =	sdelay $0x3  }
0x31f: {  	[tilespmem:v34+s14+$0x0] =	vst.idx.msk $0xffff, v48  }
0x320: {  	v40 =	vor.u32 s20, v21;
	v48 =	vld.idx.msk [tilespmem:v36+s12+$0x0], $0xffff  }
0x321: {  	v63 =	vor.u32 v39, v54;
	_ =	sdelay $0x3  }
0x322: {  	[tilespmem:v40+s14+$0x0] =	vst.idx.msk $0xffff, v48  }
0x323: {  	v24 =	vor.u32 s20, v41;
	v48 =	vld.idx.msk [tilespmem:v63+s12+$0x0], $0xffff  }
0x324: {  	v25 =	vor.u32 v42, v54;
	_ =	sdelay $0x3  }
0x325: {  	[tilespmem:v24+s14+$0x0] =	vst.idx.msk $0xffff, v48  }
0x326: {  	v26 =	vor.u32 s20, v60;
	v48 =	vld.idx.msk [tilespmem:v25+s12+$0x0], $0xffff  }
0x327: {  	v9 =	vld [tilespmem:$0x1FD80];
	v34 =	vor.u32 v43, v54;
	_ =	sdelay $0x3  }
0x328: {  	[tilespmem:v26+s14+$0x0] =	vst.idx.msk $0xffff, v48  }
0x329: {  	v36 =	vor.u32 s20, v9;
	v48 =	vld.idx.msk [tilespmem:v34+s12+$0x0], $0xffff  }
0x32a: {  	v9 =	vld [tilespmem:$0x1FD90];
	v40 =	vor.u32 v44, v54;
	_ =	sdelay $0x3  }
0x32b: {  	[tilespmem:v36+s14+$0x0] =	vst.idx.msk $0xffff, v48  }
0x32c: {  	v12 =	vmov v41;
	v41 =	vor.u32 s20, v9;
	v48 =	vld.idx.msk [tilespmem:v40+s12+$0x0], $0xffff  }
0x32d: {  	v60 =	vor.u32 v46, v54;
	_ =	sdelay $0x3  }
0x32e: {  	[tilespmem:v41+s14+$0x0] =	vst.idx.msk $0xffff, v48  }
0x32f: {  	v63 =	vor.u32 s20, v32;
	v48 =	vld.idx.msk [tilespmem:v60+s12+$0x0], $0xffff  }
0x330: {  	v24 =	vor.u32 v50, v54;
	_ =	sdelay $0x3  }
0x331: {  	[tilespmem:v63+s14+$0x0] =	vst.idx.msk $0xffff, v48  }
0x332: {  	v25 =	vor.u32 s20, v37;
	v48 =	vld.idx.msk [tilespmem:v24+s12+$0x0], $0xffff  }
0x333: {  	v26 =	vor.u32 v53, v54;
	_ =	sdelay $0x3  }
0x334: {  	[tilespmem:v25+s14+$0x0] =	vst.idx.msk $0xffff, v48  }
0x335: {  	v34 =	vor.u32 s20, v20;
	v48 =	vld.idx.msk [tilespmem:v26+s12+$0x0], $0xffff  }
0x336: {  	v36 =	vor.u32 v56, v54;
	_ =	sdelay $0x3  }
0x337: {  	[tilespmem:v34+s14+$0x0] =	vst.idx.msk $0xffff, v48  }
0x338: {  	v40 =	vor.u32 s20, v29;
	v48 =	vld.idx.msk [tilespmem:v36+s12+$0x0], $0xffff  }
0x339: {  	v9 =	vld [tilespmem:$0x1FDA0];
	v41 =	vor.u32 v1, v54;
	_ =	sdelay $0x3  }
0x33a: {  	[tilespmem:v40+s14+$0x0] =	vst.idx.msk $0xffff, v48  }
0x33b: {  	v60 =	vor.u32 s20, v9;
	v48 =	vld.idx.msk [tilespmem:v41+s12+$0x0], $0xffff  }
0x33c: {  	v9 =	vld [tilespmem:$0x1FDB0];
	v63 =	vor.u32 v2, v54;
	_ =	sdelay $0x3  }
0x33d: {  	[tilespmem:v60+s14+$0x0] =	vst.idx.msk $0xffff, v48  }
0x33e: {  	v24 =	vor.u32 s20, v9;
	v48 =	vld.idx.msk [tilespmem:v63+s12+$0x0], $0xffff  }
0x33f: {  	v9 =	vld [tilespmem:$0x1FDC0];
	v25 =	vor.u32 v3, v54;
	_ =	sdelay $0x3  }
0x340: {  	[tilespmem:v24+s14+$0x0] =	vst.idx.msk $0xffff, v48  }
0x341: {  	v26 =	vor.u32 s20, v9;
	v48 =	vld.idx.msk [tilespmem:v25+s12+$0x0], $0xffff  }
0x342: {  	v54 =	vor.u32 v14, v54;
	v9 =	vld [tilespmem:$0x1FFE0];
	_ =	sdelay $0x2  }
0x343: {  	v34 =	vmov s22  }
0x344: {  	v36 =	vshll.u32 v34, $0x5;
	[tilespmem:v26+s14+$0x0] =	vst.idx.msk $0xffff, v48  }
0x345: {  	v40 =	vor.u32 s20, v9;
	v48 =	vor.u32 v30, v36;
	v54 =	vld.idx.msk [tilespmem:v54+s12+$0x0], $0xffff  }
0x346: {  	v41 =	vor.u32 v7, v48;
	v7 =	vld [tilespmem:$0x1FC60];
	_ =	sdelay $0x3  }
0x347: {  	[tilespmem:v40+s14+$0x0] =	vst.idx.msk $0xffff, v54  }
0x348: {  	v21 =	vor.u32 s20, v7;
	v54 =	vld.idx.msk [tilespmem:v41+s12+$0x0], $0xffff  }
0x349: {  	v60 =	vor.u32 v31, v48;
	v7 =	vld [tilespmem:$0x1FC70];
	_ =	sdelay $0x3  }
0x34a: {  	[tilespmem:v21+s14+$0x0] =	vst.idx.msk $0xffff, v54  }
0x34b: {  	v22 =	vor.u32 s20, v7;
	v21 =	vld.idx.msk [tilespmem:v60+s12+$0x0], $0xffff  }
0x34c: {  	v63 =	vor.u32 v33, v48;
	v7 =	vld [tilespmem:$0x1FC80];
	_ =	sdelay $0x3  }
0x34d: {  	[tilespmem:v22+s14+$0x0] =	vst.idx.msk $0xffff, v21  }
0x34e: {  	v7 =	vor.u32 s20, v7;
	v21 =	vld.idx.msk [tilespmem:v63+s12+$0x0], $0xffff  }
0x34f: {  	v18 =	vmov v9;
	v9 =	vld [tilespmem:$0x1FC90];
	v22 =	vor.u32 v35, v48;
	_ =	sdelay $0x3  }
0x350: {  	[tilespmem:v7+s14+$0x0] =	vst.idx.msk $0xffff, v21  }
0x351: {  	v21 =	vor.u32 s20, v9;
	v7 =	vld.idx.msk [tilespmem:v22+s12+$0x0], $0xffff  }
0x352: {  	v9 =	vld [tilespmem:$0x1FCA0];
	v22 =	vor.u32 v38, v48;
	_ =	sdelay $0x3  }
0x353: {  	[tilespmem:v21+s14+$0x0] =	vst.idx.msk $0xffff, v7  }
0x354: {  	v21 =	vor.u32 s20, v9;
	v7 =	vld.idx.msk [tilespmem:v22+s12+$0x0], $0xffff  }
0x355: {  	v9 =	vld [tilespmem:$0x1FCB0];
	v22 =	vor.u32 v45, v48;
	_ =	sdelay $0x3  }
0x356: {  	[tilespmem:v21+s14+$0x0] =	vst.idx.msk $0xffff, v7  }
0x357: {  	v21 =	vor.u32 s20, v9;
	v7 =	vld.idx.msk [tilespmem:v22+s12+$0x0], $0xffff  }
0x358: {  	v9 =	vld [tilespmem:$0x1FCC0];
	v22 =	vor.u32 v51, v48;
	_ =	sdelay $0x3  }
0x359: {  	[tilespmem:v21+s14+$0x0] =	vst.idx.msk $0xffff, v7  }
0x35a: {  	v21 =	vor.u32 s20, v9;
	v7 =	vld.idx.msk [tilespmem:v22+s12+$0x0], $0xffff  }
0x35b: {  	v9 =	vld [tilespmem:$0x1FCD0];
	v22 =	vor.u32 v57, v48;
	_ =	sdelay $0x3  }
0x35c: {  	[tilespmem:v21+s14+$0x0] =	vst.idx.msk $0xffff, v7  }
0x35d: {  	v21 =	vor.u32 s20, v9;
	v7 =	vld.idx.msk [tilespmem:v22+s12+$0x0], $0xffff  }
0x35e: {  	v9 =	vld [tilespmem:$0x1FCE0];
	v22 =	vor.u32 v61, v48;
	_ =	sdelay $0x3  }
0x35f: {  	[tilespmem:v21+s14+$0x0] =	vst.idx.msk $0xffff, v7  }
0x360: {  	v21 =	vor.u32 s20, v9;
	v7 =	vld.idx.msk [tilespmem:v22+s12+$0x0], $0xffff  }
0x361: {  	v9 =	vld [tilespmem:$0x1FCF0];
	v22 =	vor.u32 v4, v48;
	_ =	sdelay $0x3  }
0x362: {  	[tilespmem:v21+s14+$0x0] =	vst.idx.msk $0xffff, v7  }
0x363: {  	v21 =	vor.u32 s20, v9;
	v7 =	vld.idx.msk [tilespmem:v22+s12+$0x0], $0xffff  }
0x364: {  	v9 =	vld [tilespmem:$0x1FD00];
	v22 =	vor.u32 v6, v48;
	_ =	sdelay $0x3  }
0x365: {  	[tilespmem:v21+s14+$0x0] =	vst.idx.msk $0xffff, v7  }
0x366: {  	v21 =	vor.u32 s20, v9;
	v7 =	vld.idx.msk [tilespmem:v22+s12+$0x0], $0xffff;
	_ =	sdelay $0x4  }
0x367: {  	v22 =	vor.u32 v8, v48;
	[tilespmem:v21+s14+$0x0] =	vst.idx.msk $0xffff, v7;
	v7 =	vld [tilespmem:$0x1FD10];
	_ =	sdelay $0x4  }
0x368: {  	v9 =	vld.idx.msk [tilespmem:v22+s12+$0x0], $0xffff;
	v21 =	vor.u32 s20, v7  }
0x369: {  	v22 =	vor.u32 v11, v48;
	v7 =	vld [tilespmem:$0x1FD20];
	_ =	sdelay $0x3  }
0x36a: {  	[tilespmem:v21+s14+$0x0] =	vst.idx.msk $0xffff, v9  }
0x36b: {  	v21 =	vor.u32 s20, v7;
	v9 =	vld.idx.msk [tilespmem:v22+s12+$0x0], $0xffff  }
0x36c: {  	v7 =	vld [tilespmem:$0x1FD30];
	v22 =	vor.u32 v13, v48;
	_ =	sdelay $0x3  }
0x36d: {  	[tilespmem:v21+s14+$0x0] =	vst.idx.msk $0xffff, v9  }
0x36e: {  	v21 =	vor.u32 s20, v7;
	v9 =	vld.idx.msk [tilespmem:v22+s12+$0x0], $0xffff  }
0x36f: {  	v7 =	vld [tilespmem:$0x1FD40];
	v22 =	vor.u32 v15, v48;
	_ =	sdelay $0x3  }
0x370: {  	[tilespmem:v21+s14+$0x0] =	vst.idx.msk $0xffff, v9  }
0x371: {  	v21 =	vor.u32 s20, v7;
	v9 =	vld.idx.msk [tilespmem:v22+s12+$0x0], $0xffff  }
0x372: {  	v7 =	vld [tilespmem:$0x1FD50];
	v22 =	vor.u32 v17, v48;
	_ =	sdelay $0x3  }
0x373: {  	[tilespmem:v21+s14+$0x0] =	vst.idx.msk $0xffff, v9  }
0x374: {  	v21 =	vor.u32 s20, v7;
	v9 =	vld.idx.msk [tilespmem:v22+s12+$0x0], $0xffff  }
0x375: {  	v7 =	vld [tilespmem:$0x1FD60];
	v22 =	vor.u32 v19, v48;
	_ =	sdelay $0x3  }
0x376: {  	[tilespmem:v21+s14+$0x0] =	vst.idx.msk $0xffff, v9  }
0x377: {  	v21 =	vor.u32 s20, v7;
	v9 =	vld.idx.msk [tilespmem:v22+s12+$0x0], $0xffff  }
0x378: {  	v7 =	vld [tilespmem:$0x1FDD0];
	v22 =	vor.u32 v49, v48;
	_ =	sdelay $0x3  }
0x379: {  	[tilespmem:v21+s14+$0x0] =	vst.idx.msk $0xffff, v9  }
0x37a: {  	v21 =	vor.u32 s20, v7;
	v9 =	vld.idx.msk [tilespmem:v22+s12+$0x0], $0xffff  }
0x37b: {  	v7 =	vld [tilespmem:$0x1FDE0];
	v22 =	vor.u32 v52, v48;
	_ =	sdelay $0x3  }
0x37c: {  	[tilespmem:v21+s14+$0x0] =	vst.idx.msk $0xffff, v9  }
0x37d: {  	v21 =	vor.u32 s20, v7;
	v9 =	vld.idx.msk [tilespmem:v22+s12+$0x0], $0xffff  }
0x37e: {  	v7 =	vld [tilespmem:$0x1FE60];
	v22 =	vor.u32 v55, v48;
	_ =	sdelay $0x3  }
0x37f: {  	[tilespmem:v21+s14+$0x0] =	vst.idx.msk $0xffff, v9  }
0x380: {  	v21 =	vor.u32 s20, v7;
	v9 =	vld.idx.msk [tilespmem:v22+s12+$0x0], $0xffff  }
0x381: {  	v7 =	vld [tilespmem:$0x1FE70];
	v22 =	vor.u32 v39, v48;
	_ =	sdelay $0x3  }
0x382: {  	[tilespmem:v21+s14+$0x0] =	vst.idx.msk $0xffff, v9  }
0x383: {  	v21 =	vor.u32 s20, v7;
	v9 =	vld.idx.msk [tilespmem:v22+s12+$0x0], $0xffff  }
0x384: {  	v22 =	vor.u32 v42, v48;
	_ =	sdelay $0x3  }
0x385: {  	[tilespmem:v21+s14+$0x0] =	vst.idx.msk $0xffff, v9  }
0x386: {  	v21 =	vor.u32 s20, v47;
	v9 =	vld.idx.msk [tilespmem:v22+s12+$0x0], $0xffff  }
0x387: {  	v7 =	vld [tilespmem:$0x1FDF0];
	v22 =	vor.u32 v43, v48;
	_ =	sdelay $0x3  }
0x388: {  	[tilespmem:v21+s14+$0x0] =	vst.idx.msk $0xffff, v9  }
0x389: {  	v21 =	vor.u32 s20, v7;
	v9 =	vld.idx.msk [tilespmem:v22+s12+$0x0], $0xffff  }
0x38a: {  	v7 =	vld [tilespmem:$0x1FE00];
	v22 =	vor.u32 v44, v48;
	_ =	sdelay $0x3  }
0x38b: {  	[tilespmem:v21+s14+$0x0] =	vst.idx.msk $0xffff, v9  }
0x38c: {  	v21 =	vor.u32 s20, v7;
	v9 =	vld.idx.msk [tilespmem:v22+s12+$0x0], $0xffff  }
0x38d: {  	v7 =	vld [tilespmem:$0x1FE80];
	v22 =	vor.u32 v46, v48;
	_ =	sdelay $0x3  }
0x38e: {  	[tilespmem:v21+s14+$0x0] =	vst.idx.msk $0xffff, v9  }
0x38f: {  	v21 =	vor.u32 s20, v7;
	v9 =	vld.idx.msk [tilespmem:v22+s12+$0x0], $0xffff  }
0x390: {  	v22 =	vor.u32 v50, v48;
	_ =	sdelay $0x3  }
0x391: {  	[tilespmem:v21+s14+$0x0] =	vst.idx.msk $0xffff, v9  }
0x392: {  	v21 =	vor.u32 s20, v5;
	v9 =	vld.idx.msk [tilespmem:v22+s12+$0x0], $0xffff  }
0x393: {  	v5 =	vld [tilespmem:$0x1FE10];
	v22 =	vor.u32 v53, v48;
	_ =	sdelay $0x3  }
0x394: {  	[tilespmem:v21+s14+$0x0] =	vst.idx.msk $0xffff, v9  }
0x395: {  	v21 =	vor.u32 s20, v5;
	v9 =	vld.idx.msk [tilespmem:v22+s12+$0x0], $0xffff  }
0x396: {  	v5 =	vld [tilespmem:$0x1FE20];
	v22 =	vor.u32 v56, v48;
	_ =	sdelay $0x3  }
0x397: {  	[tilespmem:v21+s14+$0x0] =	vst.idx.msk $0xffff, v9  }
0x398: {  	v21 =	vor.u32 s20, v5;
	v9 =	vld.idx.msk [tilespmem:v22+s12+$0x0], $0xffff  }
0x399: {  	v5 =	vld [tilespmem:$0x1FE30];
	v22 =	vor.u32 v1, v48;
	_ =	sdelay $0x3  }
0x39a: {  	[tilespmem:v21+s14+$0x0] =	vst.idx.msk $0xffff, v9  }
0x39b: {  	v21 =	vor.u32 s20, v5;
	v9 =	vld.idx.msk [tilespmem:v22+s12+$0x0], $0xffff  }
0x39c: {  	v5 =	vld [tilespmem:$0x1FE40];
	v22 =	vor.u32 v2, v48;
	_ =	sdelay $0x3  }
0x39d: {  	[tilespmem:v21+s14+$0x0] =	vst.idx.msk $0xffff, v9  }
0x39e: {  	v21 =	vor.u32 s20, v5;
	v9 =	vld.idx.msk [tilespmem:v22+s12+$0x0], $0xffff  }
0x39f: {  	v22 =	vor.u32 v3, v48;
	_ =	sdelay $0x3  }
0x3a0: {  	[tilespmem:v21+s14+$0x0] =	vst.idx.msk $0xffff, v9  }
0x3a1: {  	v21 =	vor.u32 s20, v0;
	v9 =	vld.idx.msk [tilespmem:v22+s12+$0x0], $0xffff  }
0x3a2: {  	v0 =	vld [tilespmem:$0x1FFD0];
	v22 =	vor.u32 v14, v48;
	_ =	sdelay $0x3  }
0x3a3: {  	[tilespmem:v21+s14+$0x0] =	vst.idx.msk $0xffff, v9  }
0x3a4: {  	v21 =	vor.u32 s20, v0;
	v9 =	vld.idx.msk [tilespmem:v22+s12+$0x0], $0xffff;
	_ =	sdelay $0x1  }
0x3a5: {  	s25 =	sshll.u32 s17, $0x2;
	s20 =	sshll.u32 s17, $0x5  }
0x3a6: {  	s21 =	sand.u32 $0xC, s25;
	s26 =	sand.u32 $0x180, s20  }
0x3a7: {  	s21 =	sor.u32 s21, s26  }
0x3a8: {  	s28 =	sadd.s32 $0x0, s19;
	v16 =	vmov v20;
	s22 =	simm.s32 $0x400;
	s21 =	sadd.s32 s21, s23;
	[tilespmem:v21+s14+$0x0] =	vst.idx.msk $0xffff, v9  }
0x3a9: {  	v59 =	vmovc v37;
	v20 =	vmovc v29;
	v29 =	vmov v14;
	v54 =	vlaneseq.u32;
	v5 =	vmov v1;
	[hbm4b:s21+s8] =	stream.strided.scatter [tilespmem:s28], [sflag:$0x3], $0x100, s9, s8, $0x38;
	[tilespmem:$0x1D680] =	vst v63  }
.LBB2_5:
0x3aa: {  	p1 =	sne.s32 s22, $0x19C00  }
.Ltmp5:
0x3ab: {  	_ = 	snop;
	(pc) =	sbr.rel @p1 .LBB2_5-.Ltmp5, $4  }
0x3ac: {  	_ = 	snop  }
0x3ad: {  	s25 =	sshra.s32 s22, $0x2;
	s22 =	sadd.s32 $0x400, s22  }
0x3ae: {  	s21 =	sadd.s32 $0x4000, s21;
	s25 =	sadd.s32 s25, s19  }
0x3af: {  	[hbm4b:s21+s8] =	stream.strided.scatter [tilespmem:s25], [sflag:$0x3], $0x100, s9, s8, $0x38;
	[tilespmem:$0x1D680] =	vst v63  }
0x3b0: {  	p1 =	sgt.u32 s17, $0xD  }
.Ltmp6:
0x3b1: {  	_ = 	snop;
	(pc) =	sbr.rel @p1 .LBB2_8-.Ltmp6, $1  }
0x3b2: {  	_ =	sdelay $0x3  }
0x3b3: {  	s17 =	sand.u32 $0x1, s17;
	s19 =	sadd.s32 s20, s24  }
0x3b4: {  	p1 =	seq.s32 s17, $0x1;
	s17 =	simm.s32 $0x340;
	s20 =	sshrl.u32 s19, $0x3  }
0x3b5: {  	s17 =	simm.s32 @!p1 $0x0;
	s19 =	sadd.s32 s3, s20  }
0x3b6: {  	[tilespmem:s17], [sflag:$0x1] =	stream.linear.gather [hbm4b:s19+s1], $0x20, $0x38;
	[tilespmem:$0x1D680] =	vst v63  }
0x3b7: {  	s26 =	sor.u32 $0x1000, s20;
	s21 =	sor.u32 $0x20, s17;
	s22 =	sadd.s32 $0x800, s19  }
0x3b8: {  	[tilespmem:s21], [sflag:$0x1] =	stream.linear.gather [hbm4b:s22+s1], $0x20, $0x38;
	[tilespmem:$0x1D680] =	vst v63  }
0x3b9: {  	s28 =	sadd.s32 $0x40, s17;
	s21 =	sadd.s32 s3, s26  }
0x3ba: {  	[tilespmem:s28], [sflag:$0x1] =	stream.linear.gather [hbm4b:s21+s1], $0x20, $0x38;
	[tilespmem:$0x1D680] =	vst v63  }
0x3bb: {  	s25 =	sadd.s32 $0x1800, s19;
	s22 =	sadd.s32 $0x60, s17;
	s26 =	sor.u32 $0x2000, s20  }
0x3bc: {  	[tilespmem:s22], [sflag:$0x1] =	stream.linear.gather [hbm4b:s25+s1], $0x20, $0x38;
	[tilespmem:$0x1D680] =	vst v63  }
0x3bd: {  	s28 =	sor.u32 $0x80, s17;
	s21 =	sadd.s32 s3, s26  }
0x3be: {  	[tilespmem:s28], [sflag:$0x1] =	stream.linear.gather [hbm4b:s21+s1], $0x20, $0x38;
	[tilespmem:$0x1D680] =	vst v63  }
0x3bf: {  	s26 =	sor.u32 $0x3000, s20;
	s22 =	sor.u32 $0xA0, s17;
	s25 =	sadd.s32 $0x2800, s19  }
0x3c0: {  	[tilespmem:s22], [sflag:$0x1] =	stream.linear.gather [hbm4b:s25+s1], $0x20, $0x38;
	[tilespmem:$0x1D680] =	vst v63  }
0x3c1: {  	s28 =	sadd.s32 $0xC0, s17;
	s21 =	sadd.s32 s3, s26  }
0x3c2: {  	[tilespmem:s28], [sflag:$0x1] =	stream.linear.gather [hbm4b:s21+s1], $0x20, $0x38;
	[tilespmem:$0x1D680] =	vst v63  }
0x3c3: {  	s26 =	sor.u32 $0x4000, s20;
	s22 =	sadd.s32 $0xE0, s17;
	s25 =	sadd.s32 $0x3800, s19  }
0x3c4: {  	[tilespmem:s22], [sflag:$0x1] =	stream.linear.gather [hbm4b:s25+s1], $0x20, $0x38;
	[tilespmem:$0x1D680] =	vst v63  }
0x3c5: {  	s28 =	sadd.s32 $0x100, s17;
	s21 =	sadd.s32 s3, s26  }
0x3c6: {  	[tilespmem:s28], [sflag:$0x1] =	stream.linear.gather [hbm4b:s21+s1], $0x20, $0x38;
	[tilespmem:$0x1D680] =	vst v63  }
0x3c7: {  	s26 =	sor.u32 $0x5000, s20;
	s22 =	sadd.s32 $0x120, s17;
	s25 =	sadd.s32 $0x4800, s19  }
0x3c8: {  	[tilespmem:s22], [sflag:$0x1] =	stream.linear.gather [hbm4b:s25+s1], $0x20, $0x38;
	[tilespmem:$0x1D680] =	vst v63  }
0x3c9: {  	s28 =	sadd.s32 $0x140, s17;
	s21 =	sadd.s32 s3, s26  }
0x3ca: {  	[tilespmem:s28], [sflag:$0x1] =	stream.linear.gather [hbm4b:s21+s1], $0x20, $0x38;
	[tilespmem:$0x1D680] =	vst v63  }
0x3cb: {  	s26 =	sor.u32 $0x6000, s20;
	s22 =	sadd.s32 $0x160, s17;
	s25 =	sadd.s32 $0x5800, s19  }
0x3cc: {  	[tilespmem:s22], [sflag:$0x1] =	stream.linear.gather [hbm4b:s25+s1], $0x20, $0x38;
	[tilespmem:$0x1D680] =	vst v63  }
0x3cd: {  	s28 =	sadd.s32 $0x180, s17;
	s21 =	sadd.s32 s3, s26  }
0x3ce: {  	[tilespmem:s28], [sflag:$0x1] =	stream.linear.gather [hbm4b:s21+s1], $0x20, $0x38;
	[tilespmem:$0x1D680] =	vst v63  }
0x3cf: {  	s26 =	sor.u32 $0x7000, s20;
	s22 =	sadd.s32 $0x1A0, s17;
	s25 =	sadd.s32 $0x6800, s19  }
0x3d0: {  	[tilespmem:s22], [sflag:$0x1] =	stream.linear.gather [hbm4b:s25+s1], $0x20, $0x38;
	[tilespmem:$0x1D680] =	vst v63  }
0x3d1: {  	s28 =	sadd.s32 $0x1C0, s17;
	s21 =	sadd.s32 s3, s26  }
0x3d2: {  	[tilespmem:s28], [sflag:$0x1] =	stream.linear.gather [hbm4b:s21+s1], $0x20, $0x38;
	[tilespmem:$0x1D680] =	vst v63  }
0x3d3: {  	s26 =	sor.u32 $0x8000, s20;
	s22 =	sadd.s32 $0x1E0, s17;
	s25 =	sadd.s32 $0x7800, s19  }
0x3d4: {  	[tilespmem:s22], [sflag:$0x1] =	stream.linear.gather [hbm4b:s25+s1], $0x20, $0x38;
	[tilespmem:$0x1D680] =	vst v63  }
0x3d5: {  	s28 =	sadd.s32 $0x200, s17;
	s21 =	sadd.s32 s3, s26  }
0x3d6: {  	[tilespmem:s28], [sflag:$0x1] =	stream.linear.gather [hbm4b:s21+s1], $0x20, $0x38;
	[tilespmem:$0x1D680] =	vst v63  }
0x3d7: {  	s26 =	sor.u32 $0x9000, s20;
	s22 =	sadd.s32 $0x220, s17;
	s25 =	sadd.s32 $0x8800, s19  }
0x3d8: {  	[tilespmem:s22], [sflag:$0x1] =	stream.linear.gather [hbm4b:s25+s1], $0x20, $0x38;
	[tilespmem:$0x1D680] =	vst v63  }
0x3d9: {  	s28 =	sadd.s32 $0x240, s17;
	s21 =	sadd.s32 s3, s26  }
0x3da: {  	[tilespmem:s28], [sflag:$0x1] =	stream.linear.gather [hbm4b:s21+s1], $0x20, $0x38;
	[tilespmem:$0x1D680] =	vst v63  }
0x3db: {  	s26 =	sor.u32 $0xA000, s20;
	s22 =	sadd.s32 $0x260, s17;
	s25 =	sadd.s32 $0x9800, s19  }
0x3dc: {  	[tilespmem:s22], [sflag:$0x1] =	stream.linear.gather [hbm4b:s25+s1], $0x20, $0x38;
	[tilespmem:$0x1D680] =	vst v63  }
0x3dd: {  	s28 =	sadd.s32 $0x280, s17;
	s21 =	sadd.s32 s3, s26  }
0x3de: {  	[tilespmem:s28], [sflag:$0x1] =	stream.linear.gather [hbm4b:s21+s1], $0x20, $0x38;
	[tilespmem:$0x1D680] =	vst v63  }
0x3df: {  	s26 =	sor.u32 $0xB000, s20;
	s22 =	sadd.s32 $0x2A0, s17;
	s25 =	sadd.s32 $0xA800, s19  }
0x3e0: {  	[tilespmem:s22], [sflag:$0x1] =	stream.linear.gather [hbm4b:s25+s1], $0x20, $0x38;
	[tilespmem:$0x1D680] =	vst v63  }
0x3e1: {  	s28 =	sadd.s32 $0x2C0, s17;
	s21 =	sadd.s32 s3, s26  }
0x3e2: {  	[tilespmem:s28], [sflag:$0x1] =	stream.linear.gather [hbm4b:s21+s1], $0x20, $0x38;
	[tilespmem:$0x1D680] =	vst v63  }
0x3e3: {  	s26 =	sadd.s32 $0xB800, s19;
	s25 =	sadd.s32 $0x2E0, s17  }
0x3e4: {  	[tilespmem:s25], [sflag:$0x1] =	stream.linear.gather [hbm4b:s26+s1], $0x20, $0x38;
	[tilespmem:$0x1D680] =	vst v63  }
.Ltmp7:
0x3e5: {  	s20 =	sor.u32 $0xC000, s20;
	(pc) =	sbr.rel .LBB2_8-.Ltmp7, $4  }
0x3e6: {  	s20 =	sadd.s32 s3, s20;
	s28 =	sadd.s32 $0x300, s17  }
0x3e7: {  	[tilespmem:s28], [sflag:$0x1] =	stream.linear.gather [hbm4b:s20+s1], $0x20, $0x38;
	[tilespmem:$0x1D680] =	vst v63  }
0x3e8: {  	s19 =	sadd.s32 $0xC800, s19;
	s17 =	sadd.s32 $0x320, s17  }
0x3e9: {  	[tilespmem:s17], [sflag:$0x1] =	stream.linear.gather [hbm4b:s19+s1], $0x20, $0x38;
	[tilespmem:$0x1D680] =	vst v63  }
.LBB2_10:
0x3ea: {  	_ =	sfence.sel $0x180000  }
0x3eb: {  	[bflag:$0x0] =	sbarrier.arrive $0xFFFF  }
0x3ec: {  	_ =	strace $0x90000047  }
0x3ed: {  	s0 =	stileid.u32;
	[bflag:$0x2] =	sbarrier.arrive $0xFFFF  }
0x3ee: {  	p0 =	sne.s32 s0, $0x0;
	s0 =	rddreg [dreg:$0x2]  }
0x3ef: {  	s0 =	sadd.s32 @!p0 $0x100000, s0  }
0x3f0: {  	[sflag:s0] =	ssyncadd.tile.s32 @!p0 $0x1;
	_ =	shalt  }
.Lfunc_end2:
_tile_overlayer_lowered:
.L_overlay_start_2:
0x3f1: {  	(tag) =	ssettag $0x2  }
0x3f2: {  	s0 =	rddreg [dreg:$0x0];
	s2 =	stileid.u32  }
0x3f3: {  	s1 =	rddreg [dreg:$0x1];
	p0 =	sne.s32 s2, $0x0  }
0x3f4: {  	s3 =	rddreg [dreg:$0x2];
	[bflag:$0x3] =	sbarrier.arrive $0xFFFF;
	s2 =	simm.s32 @!p0 $0x1C04  }
0x3f5: {  	[timem:s3], [sflag:s2] =	dma.local @!p0 [hbm:s0], s1  }
0x3f6: {  	s0 =	simm.s32 @!p0 $0x4  }
0x3f7: {  	_ =	swait.ge @!p0 [sflag:s0], s1  }
0x3f8: {  	s1 =	ssub.s32 @!p0 $0x0, s1;
	[sflag:s0] =	ssyncset.done @!p0 $0x0  }
0x3f9: {  	[sflag:s0] =	ssyncadd.s32 @!p0 s1  }
0x3fa: {  	[bflag:$0x3] =	sbarrier.arrive $0xFFFF  }
0x3fb: {  	_ =	shalt  }

</sc_bundles>
